<compile_context>
chip_gen: v7x
topology: tpu7x:2x2x1
jax: 0.10.2.dev20260603
libtpu: 0.0.44.dev20260713+nightly
codegen_flags: <defaults>
</compile_context>

<pallas_src>
import functools

import jax
import jax.numpy as jnp
from jax import lax
from jax.experimental import pallas as pl
from jax.experimental.pallas import tpu as pltpu
from jax.experimental.pallas import tpu_sc as plsc

B, N, D, R, K, ORDER, H = 2, 96, 64, 32, 8, 3, 64
BI = 16
NW = 32
KP = 16
NEG = -1e30


def _silu(x):
    return x * jax.nn.sigmoid(x)



OB = 896


def _sc_topk(sstack, rbf, node_s):
    apw = (B * N) // NW
    nc = N // 16
    mesh = plsc.VectorSubcoreMesh(core_axis_name="c", subcore_axis_name="s")
    f32 = jnp.float32
    i32 = jnp.int32

    @functools.partial(
        pl.kernel, mesh=mesh,
        out_type=jax.ShapeDtypeStruct((B * N * OB,), f32),
        scratch_types=[pltpu.VMEM((5 * N,), f32),
                       pltpu.VMEM((N * R,), f32), pltpu.VMEM((N * D,), f32),
                       pltpu.VMEM((OB,), f32)],
        compiler_params=pltpu.CompilerParams(needs_layout_passes=False),
    )
    def k(ss_h, rbf_h, nd_h, ob_h, ss_v, rba_v, nda_v, ob_v):
        wid = lax.axis_index("s") * 2 + lax.axis_index("c")
        iota = lax.iota(i32, 16)
        bw = (wid * apw) // N
        pltpu.sync_copy(nd_h.at[pl.ds(bw * N * D, N * D)], nda_v)

        def body(t, carry):
            a = wid * apw + t
            pltpu.sync_copy(ss_h.at[pl.ds(a * 5 * N, 5 * N)], ss_v)
            pltpu.sync_copy(rbf_h.at[pl.ds(a * N * R, N * R)], rba_v)
            v = [ss_v[pl.ds(c * 16, 16)] for c in range(nc)]
            oidx = jnp.zeros((16,), i32)
            for r in range(K):
                m = v[0]
                for c in range(1, nc):
                    m = jnp.minimum(m, v[c])
                s = jnp.min(m)
                best = jnp.full((16,), 32767, i32)
                for c in range(nc):
                    eq = v[c] == s
                    pop = plsc.all_reduce_population_count(eq)
                    ffs = plsc.all_reduce_ffs(eq)
                    cand = jnp.where(pop > 0, c * 16 + ffs, 32767)
                    best = jnp.minimum(best, cand)
                oidx = jnp.where(iota == r, best, oidx)
                for c in range(nc):
                    v[c] = jnp.where(c * 16 + iota == best, 1e9, v[c])
            ob_v[pl.ds(0, 16)] = oidx.astype(f32)
            for q in range(4):
                ob_v[pl.ds(16 * (q + 1), 16)] = plsc.load_gather(
                    ss_v, [oidx + (q + 1) * N])
            o32 = oidx * R
            o64 = oidx * D
            for g in range(K * R // 16):
                base = o32.at[jnp.full((16,), g // (R // 16), i32)].get(
                    mode='promise_in_bounds')
                fi = base + (g % (R // 16)) * 16 + iota
                ob_v[pl.ds(128 + g * 16, 16)] = plsc.load_gather(rba_v, [fi])
            for g in range(K * D // 16):
                base = o64.at[jnp.full((16,), g // (D // 16), i32)].get(
                    mode='promise_in_bounds')
                fi = base + (g % (D // 16)) * 16 + iota
                ob_v[pl.ds(384 + g * 16, 16)] = plsc.load_gather(nda_v, [fi])
            pltpu.sync_copy(ob_v, ob_h.at[pl.ds(a * OB, OB)])
            return carry

        lax.fori_loop(0, apw, body, 0)

    ob = k(sstack.reshape(-1), rbf.reshape(-1), node_s.reshape(-1))
    return ob.reshape(B, N, OB)



def _fused_kernel(node_ref, mask_ref, rbf_ref, rx_ref, ry_ref, rz_ref,
                  ob_ref,
                  ep_w1, ep_b1, ep_w2, ep_b2,
                  ktp, c6, cb0, tw2_2, tpb2t,
                  ts1_2, tsb1t, kts, w2p, ts_b2, bc,
                  tm_g, tm_b, tm_w1, tm_b1, tm_w2, tm_b2,
                  eg_w, eg_b, no_g, no_b, no_w, no_b2, en_g, en_b,
                  nd_out, es_out):
    f32 = jnp.float32
    i_blk = pl.program_id(1)
    node_b = node_ref[0]
    maskf = mask_ref[0]
    rbf = rbf_ref[0]
    rx = rx_ref[0]
    ry = ry_ref[0]
    rz = rz_ref[0]

    obuf = ob_ref[0]
    idx = obuf[:, 0:K].astype(jnp.int32)
    tmask = obuf[:, 16:16 + K]
    crx = obuf[:, 32:32 + K]
    cry = obuf[:, 48:48 + K]
    crz = obuf[:, 64:64 + K]

    maskC = maskf[:, :, None]
    cos_t = (crx[:, :, None] * rx[:, None, :] +
             cry[:, :, None] * ry[:, None, :] +
             crz[:, :, None] * rz[:, None, :])
    cos_t = jnp.clip(cos_t, -1.0 + 1e-6, 1.0 - 1e-6)
    cosT = jnp.transpose(cos_t, (0, 2, 1))

    logit_parts = []
    twcf_parts = []
    for p in range(K // 2):
        s0 = 2 * p
        cosp = cosT[:, :, s0:s0 + 2]
        c2p = cosp * cosp
        c3p = c2p * cosp
        xp = jnp.concatenate([cosp, c2p, c3p], axis=2)
        radp = obuf[:, 128 + 2 * R * p:128 + 2 * R * (p + 1)] @ ktp[...]
        bslice = radp + cb0[:, 128 * p:128 * (p + 1)]
        thp = (xp.reshape(BI * N, 6) @ c6[...]).reshape(BI, N, 2 * H) \
            + bslice[:, None, :]
        thp = _silu(thp)
        twp = thp.reshape(BI * N, 2 * H) @ tw2_2[...] + tpb2t[...]
        cfp = obuf[:, 384 + 128 * p:384 + 128 * (p + 1)]
        cfs = cfp @ kts[...]
        shp = _silu((twp @ ts1_2[...] + tsb1t[...]).reshape(BI, N, 2 * H)
                    + cfs[:, None, :])
        logit_parts.append(shp.reshape(BI * N, 2 * H) @ w2p[...])
        twcf_parts.append(twp.reshape(BI, N, 2 * H) * cfp[:, None, :])

    logits = jnp.concatenate(logit_parts, axis=1).reshape(BI, N, K) \
        + ts_b2[...].reshape(1, 1, 1)

    iota_jn = jax.lax.broadcasted_iota(jnp.int32, (BI, N, K), 1)
    pm = maskC * tmask[:, None, :]
    pm = jnp.where(idx[:, None, :] == iota_jn, 0.0, pm)

    logits = jnp.where(pm <= 0.0, NEG, logits)
    lmax = jnp.max(logits, axis=2, keepdims=True)
    e = jnp.exp(logits - lmax)
    attn = e / jnp.sum(e, axis=2, keepdims=True)
    attn = jnp.where(pm > 0.0, attn, 0.0)

    attnb = attn.reshape(BI * N, K) @ bc[...]
    pmb = pm.reshape(BI * N, K) @ bc[...]
    attnb = attnb.reshape(BI, N, K * D)
    pmb = pmb.reshape(BI, N, K * D)

    t_attn = jnp.zeros((BI, N, D), f32)
    t_max = jnp.full((BI, N, D), NEG, f32)
    for p in range(K // 2):
        twcf = twcf_parts[p]
        wp = twcf * attnb[:, :, 128 * p:128 * (p + 1)]
        t_attn = t_attn + wp[:, :, :D] + wp[:, :, D:]
        mp = jnp.where(pmb[:, :, 128 * p:128 * (p + 1)] <= 0.0, NEG, twcf)
        t_max = jnp.maximum(t_max, jnp.maximum(mp[:, :, :D], mp[:, :, D:]))
    t_max = jnp.where(t_max <= NEG * 0.5, 0.0, t_max)

    mi = jnp.concatenate([t_attn, t_max], axis=2)
    mu = jnp.mean(mi, axis=2, keepdims=True)
    mv = jnp.mean((mi - mu) ** 2, axis=2, keepdims=True)
    mi = (mi - mu) * (1.0 / jnp.sqrt(mv + 1e-5)) * tm_g[...].reshape(1, 1, 2 * D) \
        + tm_b[...].reshape(1, 1, 2 * D)
    mh = _silu(mi.reshape(BI * N, 2 * D) @ tm_w1[...] + tm_b1[...])
    ctx = mh @ tm_w2[...] + tm_b2[...]

    node_i = node_ref[0, pl.ds(i_blk * BI, BI), :]
    hi = node_i @ ep_w1[:D, :]
    dstW = node_b @ ep_w1[D:2 * D, :]
    rbfW1 = (rbf.reshape(BI * N, R) @ ep_w1[2 * D:, :]).reshape(BI, N, H)
    eh = _silu(hi[:, None, :] + dstW[None, :, :] + rbfW1
               + ep_b1[...].reshape(1, 1, H))
    eb = (eh.reshape(BI * N, H) @ ep_w2[...] + ep_b2[...]).reshape(BI, N, D)
    mask3 = maskC
    eb = eb * mask3

    ef = eb + ctx.reshape(BI, N, D)
    emu = jnp.mean(ef, axis=2, keepdims=True)
    ev = jnp.mean((ef - emu) ** 2, axis=2, keepdims=True)
    ef = (ef - emu) * (1.0 / jnp.sqrt(ev + 1e-5)) * en_g[...].reshape(1, 1, D) \
        + en_b[...].reshape(1, 1, D)
    gate = jax.nn.sigmoid(ef.reshape(BI * N, D) @ eg_w[...]
                          + eg_b[...]).reshape(BI, N, D)
    ef = gate * ef

    ns = jnp.sum(ef * mask3, axis=1)
    es = jnp.sum(ef, axis=1)

    nmu = jnp.mean(ns, axis=1, keepdims=True)
    nv = jnp.mean((ns - nmu) ** 2, axis=1, keepdims=True)
    nd = (ns - nmu) * (1.0 / jnp.sqrt(nv + 1e-5)) * no_g[...] + no_b[...]
    nd = nd @ no_w[...] + no_b2[...]

    nd_out[0] = nd
    es_out[0] = es


def kernel(node_s, dist, rbf, r_hat, access_mask, params):
    p = params
    f32 = jnp.float32
    maskf = access_mask.astype(f32)
    maxd = jnp.maximum(dist.max(axis=(1, 2), keepdims=True), 1.0) + 1.0
    md = jnp.where(access_mask, dist, maxd)
    rx = r_hat[..., 0]
    ry = r_hat[..., 1]
    rz = r_hat[..., 2]

    sstack = jnp.stack([md, maskf, rx, ry, rz], axis=2)
    obuf = _sc_topk(sstack, rbf, node_s)

    def row2(v):
        return v.reshape(1, -1)

    w = p['tp_w1']
    tp_c = jnp.stack([w[0] - 0.5 * w[2], w[1] - 1.5 * w[3],
                      1.5 * w[2], 2.5 * w[3]], axis=0)
    eye2 = jnp.eye(2, dtype=f32)
    eyeK = jnp.eye(K, dtype=f32)
    c6 = jnp.einsum('qr,th->tqrh', eye2, tp_c[1:]).reshape(6, 2 * H)
    cb0 = jnp.tile(tp_c[0] + p['tp_b1'], 2 * K // 2).reshape(1, K * H)
    tw2_2 = jnp.einsum('qr,hd->qhrd', eye2, p['tp_w2']).reshape(2 * H, 2 * H)
    tpb2t = jnp.tile(p['tp_b2'], 2).reshape(1, 2 * H)
    ts1_2 = jnp.einsum('qr,dh->qdrh', eye2, p['ts_w1'][:D]).reshape(2 * D, 2 * H)
    tsb1t = jnp.tile(p['ts_b1'], 2).reshape(1, 2 * H)
    w2p = jnp.einsum('qr,ho->qhro', eye2, p['ts_w2']).reshape(2 * H, 2)
    bc = jnp.einsum('kl,d->kld', eyeK, jnp.ones((D,), f32)).reshape(K, K * D)
    ktp = jnp.einsum('qr,ah->qarh', eye2,
                     p['tp_w1'][ORDER + 1:]).reshape(2 * R, 2 * H)
    kts = jnp.einsum('qr,dh->qdrh', eye2, p['ts_w1'][D:]).reshape(2 * D, 2 * H)

    args = (node_s, maskf, rbf, rx, ry, rz, obuf,
            p['ep_w1'], row2(p['ep_b1']), p['ep_w2'], row2(p['ep_b2']),
            ktp, c6, cb0, tw2_2, tpb2t,
            ts1_2, tsb1t, kts, w2p, row2(p['ts_b2']), bc,
            row2(p['tm_g']), row2(p['tm_b']),
            p['tm_w1'], row2(p['tm_b1']), p['tm_w2'], row2(p['tm_b2']),
            p['eg_w'], row2(p['eg_b']), row2(p['no_g']), row2(p['no_b']),
            p['no_w'], row2(p['no_b2']), row2(p['en_g']), row2(p['en_b']))

    def full(a):
        return pl.BlockSpec(a.shape, lambda b, i: (0,) * a.ndim)

    row_specs = [
        pl.BlockSpec((1, N, D), lambda b, i: (b, 0, 0)),
        pl.BlockSpec((1, BI, N), lambda b, i: (b, i, 0)),
        pl.BlockSpec((1, BI, N, R), lambda b, i: (b, i, 0, 0)),
        pl.BlockSpec((1, BI, N), lambda b, i: (b, i, 0)),
        pl.BlockSpec((1, BI, N), lambda b, i: (b, i, 0)),
        pl.BlockSpec((1, BI, N), lambda b, i: (b, i, 0)),
        pl.BlockSpec((1, BI, OB), lambda b, i: (b, i, 0)),
    ]
    in_specs = row_specs + [full(a) for a in args[7:]]

    nd, es = pl.pallas_call(
        _fused_kernel,
        grid=(B, N // BI),
        in_specs=in_specs,
        out_specs=[
            pl.BlockSpec((1, BI, D), lambda b, i: (b, i, 0)),
            pl.BlockSpec((1, BI, D), lambda b, i: (b, i, 0)),
        ],
        out_shape=[
            jax.ShapeDtypeStruct((B, N, D), f32),
            jax.ShapeDtypeStruct((B, N, D), f32),
        ],
    )(*args)

    denom = jnp.maximum(maskf.sum(axis=(1, 2)), 1.0)[:, None]
    bond_graph = es.sum(axis=1) / denom
    return nd, bond_graph

# --- scband reference (transcript-rebuilt; emitter-appended) ---
"""Pipeline reference for scband-triplet-edge-aggregation-85323820303038 (READ-ONLY COPY).

The authoritative reference and input builder live on the scoring server;
editing this copy changes nothing except your own understanding.
"""

import jax, jax.numpy as jnp
import numpy as np

B, N, D, R, K, ORDER, H = 2, 96, 64, 32, 8, 3, 64


def _ln(x, g, b, eps=1e-5):
    m = x.mean(-1, keepdims=True)
    v = ((x - m) ** 2).mean(-1, keepdims=True)
    return (x - m) / jnp.sqrt(v + eps) * g + b


def _silu(x):
    return x * jax.nn.sigmoid(x)


def legendre_basis(x, order):
    p = [jnp.ones_like(x), x]
    for n in range(1, order):
        p.append(((2 * n + 1) * x * p[n] - n * p[n - 1]) / (n + 1))
    return jnp.stack(p[: order + 1], axis=-1)


def setup_inputs(seed: int = 0):
    key = jax.random.key(seed)
    ks = jax.random.split(key, 20)

    def w(k, shape, fan_in):
        return jax.random.normal(k, shape, jnp.float32) * (1.0 / np.sqrt(fan_in))

    node_s = jax.random.normal(ks[0], (B, N, D), jnp.float32)
    dist = jax.random.uniform(ks[1], (B, N, N), jnp.float32)
    rbf = jax.random.normal(ks[2], (B, N, N, R), jnp.float32)
    r_hat = jax.random.normal(ks[3], (B, N, N, 3), jnp.float32)
    access_mask = jax.random.randint(ks[4], (B, N, N), 0, 2).astype(bool)
    params = {
        'ep_w1': w(ks[5], (2 * D + R, H), 2 * D + R), 'ep_b1': jnp.zeros((H,), jnp.float32),
        'ep_w2': w(ks[6], (H, D), H), 'ep_b2': jnp.zeros((D,), jnp.float32),
        'tp_w1': w(ks[7], (ORDER + 1 + R, H), ORDER + 1 + R), 'tp_b1': jnp.zeros((H,), jnp.float32),
        'tp_w2': w(ks[8], (H, D), H), 'tp_b2': jnp.zeros((D,), jnp.float32),
        'ts_w1': w(ks[9], (2 * D, H), 2 * D), 'ts_b1': jnp.zeros((H,), jnp.float32),
        'ts_w2': w(ks[10], (H, 1), H), 'ts_b2': jnp.zeros((1,), jnp.float32),
        'tm_g': jnp.ones((2 * D,), jnp.float32), 'tm_b': jnp.zeros((2 * D,), jnp.float32),
        'tm_w1': w(ks[11], (2 * D, H), 2 * D), 'tm_b1': jnp.zeros((H,), jnp.float32),
        'tm_w2': w(ks[12], (H, D), H), 'tm_b2': jnp.zeros((D,), jnp.float32),
        'eg_w': w(ks[13], (D, D), D), 'eg_b': jnp.zeros((D,), jnp.float32),
        'no_g': jnp.ones((D,), jnp.float32), 'no_b': jnp.zeros((D,), jnp.float32),
        'no_w': w(ks[14], (D, D), D), 'no_b2': jnp.zeros((D,), jnp.float32),
        'en_g': jnp.ones((D,), jnp.float32), 'en_b': jnp.zeros((D,), jnp.float32),
    }
    return {'node_s': node_s, 'dist': dist, 'rbf': rbf, 'r_hat': r_hat,
            'access_mask': access_mask, 'params': params}


def _forward(node_s, dist, rbf, r_hat, access_mask, p):
    access = access_mask.astype(jnp.float32)
    src = jnp.broadcast_to(node_s[:, :, None, :], (B, N, N, D))
    dst = jnp.broadcast_to(node_s[:, None, :, :], (B, N, N, D))
    eh = _silu(jnp.concatenate([src, dst, rbf], -1) @ p['ep_w1'] + p['ep_b1'])
    edge_base = (eh @ p['ep_w2'] + p['ep_b2']) * access[..., None]
    max_dist = jnp.maximum(jax.lax.stop_gradient(dist).max(axis=(1, 2), keepdims=True), 1.0) + 1.0
    masked_dist = jnp.where(access_mask, dist, jnp.broadcast_to(max_dist, dist.shape))
    k = min(K, N)
    _, topk_idx = jax.lax.top_k(-masked_dist, k)
    topk_mask = jnp.take_along_axis(access, topk_idx, axis=2)
    companion_r_hat = jnp.take_along_axis(r_hat, topk_idx[..., None], axis=2)
    companion_rbf = jnp.take_along_axis(rbf, topk_idx[..., None], axis=2)
    companion_feat = jnp.take_along_axis(
        jnp.broadcast_to(node_s[:, None, :, :], (B, N, N, D)), topk_idx[..., None], axis=2)
    cos_theta = jnp.clip(jnp.einsum('bijx,bikx->bijk', r_hat, companion_r_hat), -1.0 + 1e-06, 1.0 - 1e-06)
    angle_feat = legendre_basis(cos_theta, ORDER)
    radial_k = jnp.broadcast_to(companion_rbf[:, :, None, :, :], (B, N, N, k, R))
    th = _silu(jnp.concatenate([angle_feat, radial_k], -1) @ p['tp_w1'] + p['tp_b1'])
    triplet_weight = th @ p['tp_w2'] + p['tp_b2']
    neighbour_feat = jnp.broadcast_to(companion_feat[:, :, None, :, :], (B, N, N, k, D))
    pair_mask = access[..., None] * topk_mask[:, :, None, :]
    anchor_idx = jnp.arange(N).reshape(1, 1, N, 1)
    pair_mask = jnp.where(anchor_idx == topk_idx[:, :, None, :], 0.0, pair_mask)
    triplet_pair = triplet_weight * neighbour_feat
    sh = _silu(jnp.concatenate([triplet_weight, neighbour_feat], -1) @ p['ts_w1'] + p['ts_b1'])
    pair_logits = (sh @ p['ts_w2'] + p['ts_b2'])[..., 0]
    neg = jnp.float32(-1e30)
    pair_logits = jnp.where(pair_mask <= 0, neg, pair_logits)
    pair_attn = jax.nn.softmax(pair_logits, axis=3)
    pair_attn = jnp.where(pair_mask > 0, pair_attn, 0.0)
    triplet_attn = (triplet_pair * pair_attn[..., None]).sum(axis=3)
    masked_pair = jnp.where(pair_mask[..., None] <= 0, neg, triplet_pair)
    triplet_max = masked_pair.max(axis=3)
    triplet_max = jnp.where(triplet_max <= neg * 0.5, 0.0, triplet_max)
    mh = _ln(jnp.concatenate([triplet_attn, triplet_max], -1), p['tm_g'], p['tm_b'])
    mh = _silu(mh @ p['tm_w1'] + p['tm_b1'])
    triplet_ctx = mh @ p['tm_w2'] + p['tm_b2']
    edge_feat = _ln(edge_base + triplet_ctx, p['en_g'], p['en_b'])
    edge_feat = jax.nn.sigmoid(edge_feat @ p['eg_w'] + p['eg_b']) * edge_feat
    node_sum = (edge_feat * access[..., None]).sum(axis=2)
    node_delta = _ln(node_sum, p['no_g'], p['no_b']) @ p['no_w'] + p['no_b2']
    denom = jnp.maximum(access.sum(axis=(1, 2)), 1.0)[..., None]
    bond_graph = edge_feat.sum(axis=(1, 2)) / denom
    return node_delta, bond_graph


def reference(node_s, dist, rbf, r_hat, access_mask, params):
    return _forward(node_s, dist, rbf, r_hat, access_mask, params)

if __name__ == "__main__":
    import jax
    _d = setup_inputs()
    print(jax.jit(kernel)(*tuple(_d.values())))

</pallas_src>

<mosaic_0001>
#map = affine_map<(d0, d1) -> (0)>
module attributes {stable_mosaic.version = 14 : i64} {
  func.func @k(%arg0: i32, %arg1: i32, %arg2: memref<92160xf32, #tpu.memory_space<hbm>>, %arg3: memref<589824xf32, #tpu.memory_space<hbm>>, %arg4: memref<12288xf32, #tpu.memory_space<hbm>>, %arg5: memref<172032xf32, #tpu.memory_space<hbm>>, %arg6: memref<480xf32, #tpu.memory_space<vmem>>, %arg7: memref<3072xf32, #tpu.memory_space<vmem>>, %arg8: memref<6144xf32, #tpu.memory_space<vmem>>, %arg9: memref<896xf32, #tpu.memory_space<vmem>>) attributes {dimension_semantics = [#tpu.dimension_semantics<core_parallel>, #tpu.dimension_semantics<subcore_parallel>], iteration_bounds = array<i64: 2, 16>, scalar_prefetch = 0 : i64, scratch_operands = 4 : i64, tpu.core_type = #tpu.core_type<sc_vector_subcore>, window_params = [{transform_indices = #map}, {transform_indices = #map}, {transform_indices = #map}, {transform_indices = #map}]} {
    %mul3A = arith.constant 2 : i32
    %mul3A_0 = arith.muli %arg1, %mul3A : i32
    %add3A = arith.addi %mul3A_0, %arg0 : i32
    %iota3A = tpu.iota {dimensions = array<i32: 0>} : vector<16xi32>
    %mul3A_1 = arith.constant 6 : i32
    %mul3A_2 = arith.muli %add3A, %mul3A_1 : i32
    %jit3A = arith.constant 96 : i32
    %div3A = arith.divsi %mul3A_2, %jit3A : i32
    %sign3A = arith.constant 0 : i32
    %sign3A_3 = arith.cmpi sgt, %mul3A_2, %sign3A : i32
    %sign3A_4 = arith.extui %sign3A_3 : i1 to i32
    %sign3A_5 = arith.constant 0 : i32
    %sign3A_6 = arith.cmpi slt, %mul3A_2, %sign3A_5 : i32
    %sign3A_7 = arith.extui %sign3A_6 : i1 to i32
    %sign3A_8 = arith.subi %sign3A_4, %sign3A_7 : i32
    %sign3A_9 = arith.constant 0 : i32
    %sign3A_10 = arith.cmpi sgt, %jit3A, %sign3A_9 : i32
    %sign3A_11 = arith.extui %sign3A_10 : i1 to i32
    %sign3A_12 = arith.constant 0 : i32
    %sign3A_13 = arith.cmpi slt, %jit3A, %sign3A_12 : i32
    %sign3A_14 = arith.extui %sign3A_13 : i1 to i32
    %sign3A_15 = arith.subi %sign3A_11, %sign3A_14 : i32
    %ne3A = arith.cmpi ne, %sign3A_8, %sign3A_15 : i32
    %rem3A = arith.remsi %mul3A_2, %jit3A : i32
    %ne3A_16 = arith.constant 0 : i32
    %ne3A_17 = arith.cmpi ne, %rem3A, %ne3A_16 : i32
    %and3A = arith.andi %ne3A, %ne3A_17 : i1
    %sub3A = arith.constant 1 : i32
    %sub3A_18 = arith.subi %div3A, %sub3A : i32
    %select_n3A = arith.select %and3A, %sub3A_18, %div3A : i32
    %mul3A_19 = arith.constant 96 : i32
    %mul3A_20 = arith.muli %select_n3A, %mul3A_19 : i32
    %mul3A_21 = arith.constant 64 : i32
    %mul3A_22 = arith.muli %mul3A_20, %mul3A_21 : i32
    "tpu.region"() ({
      %run_scoped3A = tpu.sem_alloc : memref<!tpu.dma_semaphore, #tpu.memory_space<semaphore_mem>>
      %dma_start3A = tpu.memref_slice %arg4[%mul3A_22] : memref<12288xf32, #tpu.memory_space<hbm>> -> memref<6144xf32, #tpu.memory_space<hbm>>
      %dma_start3A_28 = tpu.memref_slice %arg4[%mul3A_22] : memref<12288xf32, #tpu.memory_space<hbm>> -> memref<6144xf32, #tpu.memory_space<hbm>>
      tpu.enqueue_dma source(%dma_start3A_28 : memref<6144xf32, #tpu.memory_space<hbm>>) target(%arg8 : memref<6144xf32, #tpu.memory_space<vmem>>) target_semaphore(%run_scoped3A : memref<!tpu.dma_semaphore, #tpu.memory_space<semaphore_mem>>)
      %dma_wait3A = tpu.memref_slice %arg4[%mul3A_22] : memref<12288xf32, #tpu.memory_space<hbm>> -> memref<6144xf32, #tpu.memory_space<hbm>>
      %dma_wait3A_29 = tpu.memref_slice %arg4[%mul3A_22] : memref<12288xf32, #tpu.memory_space<hbm>> -> memref<6144xf32, #tpu.memory_space<hbm>>
      tpu.wait_dma2 semaphore(%run_scoped3A : memref<!tpu.dma_semaphore, #tpu.memory_space<semaphore_mem>>) src(%dma_wait3A_29 : memref<6144xf32, #tpu.memory_space<hbm>>) dst(%arg8 : memref<6144xf32, #tpu.memory_space<vmem>>)
      tpu.yield
    }) : () -> ()
    %scan3A = arith.constant 0 : i32
    %scan3A_23 = arith.constant 0 : i32
    %scan3A_24 = arith.constant 6 : i32
    %scan3A_25 = arith.addi %scan3A_23, %scan3A_24 : i32
    %scan3A_26 = arith.constant 1 : i32
    scf.for %scan3A_28 = %scan3A_23 to %scan3A_25 step %scan3A_26  : i32 {
      %mul3A_29 = arith.constant 6 : i32
      %mul3A_30 = arith.muli %add3A, %mul3A_29 : i32
      %add3A_31 = arith.addi %mul3A_30, %scan3A_28 : i32
      %mul3A_32 = arith.constant 5 : i32
      %mul3A_33 = arith.muli %add3A_31, %mul3A_32 : i32
      %mul3A_34 = arith.constant 96 : i32
      %mul3A_35 = arith.muli %mul3A_33, %mul3A_34 : i32
      "tpu.region"() ({
        %run_scoped3A = tpu.sem_alloc : memref<!tpu.dma_semaphore, #tpu.memory_space<semaphore_mem>>
        %dma_start3A = tpu.memref_slice %arg2[%mul3A_35] : memref<92160xf32, #tpu.memory_space<hbm>> -> memref<480xf32, #tpu.memory_space<hbm>>
        %dma_start3A_2117 = tpu.memref_slice %arg2[%mul3A_35] : memref<92160xf32, #tpu.memory_space<hbm>> -> memref<480xf32, #tpu.memory_space<hbm>>
        tpu.enqueue_dma source(%dma_start3A_2117 : memref<480xf32, #tpu.memory_space<hbm>>) target(%arg6 : memref<480xf32, #tpu.memory_space<vmem>>) target_semaphore(%run_scoped3A : memref<!tpu.dma_semaphore, #tpu.memory_space<semaphore_mem>>)
        %dma_wait3A = tpu.memref_slice %arg2[%mul3A_35] : memref<92160xf32, #tpu.memory_space<hbm>> -> memref<480xf32, #tpu.memory_space<hbm>>
        %dma_wait3A_2118 = tpu.memref_slice %arg2[%mul3A_35] : memref<92160xf32, #tpu.memory_space<hbm>> -> memref<480xf32, #tpu.memory_space<hbm>>
        tpu.wait_dma2 semaphore(%run_scoped3A : memref<!tpu.dma_semaphore, #tpu.memory_space<semaphore_mem>>) src(%dma_wait3A_2118 : memref<480xf32, #tpu.memory_space<hbm>>) dst(%arg6 : memref<480xf32, #tpu.memory_space<vmem>>)
        tpu.yield
      }) : () -> ()
      %mul3A_36 = arith.constant 96 : i32
      %mul3A_37 = arith.muli %add3A_31, %mul3A_36 : i32
      %mul3A_38 = arith.constant 32 : i32
      %mul3A_39 = arith.muli %mul3A_37, %mul3A_38 : i32
      "tpu.region"() ({
        %run_scoped3A = tpu.sem_alloc : memref<!tpu.dma_semaphore, #tpu.memory_space<semaphore_mem>>
        %dma_start3A = tpu.memref_slice %arg3[%mul3A_39] : memref<589824xf32, #tpu.memory_space<hbm>> -> memref<3072xf32, #tpu.memory_space<hbm>>
        %dma_start3A_2117 = tpu.memref_slice %arg3[%mul3A_39] : memref<589824xf32, #tpu.memory_space<hbm>> -> memref<3072xf32, #tpu.memory_space<hbm>>
        tpu.enqueue_dma source(%dma_start3A_2117 : memref<3072xf32, #tpu.memory_space<hbm>>) target(%arg7 : memref<3072xf32, #tpu.memory_space<vmem>>) target_semaphore(%run_scoped3A : memref<!tpu.dma_semaphore, #tpu.memory_space<semaphore_mem>>)
        %dma_wait3A = tpu.memref_slice %arg3[%mul3A_39] : memref<589824xf32, #tpu.memory_space<hbm>> -> memref<3072xf32, #tpu.memory_space<hbm>>
        %dma_wait3A_2118 = tpu.memref_slice %arg3[%mul3A_39] : memref<589824xf32, #tpu.memory_space<hbm>> -> memref<3072xf32, #tpu.memory_space<hbm>>
        tpu.wait_dma2 semaphore(%run_scoped3A : memref<!tpu.dma_semaphore, #tpu.memory_space<semaphore_mem>>) src(%dma_wait3A_2118 : memref<3072xf32, #tpu.memory_space<hbm>>) dst(%arg7 : memref<3072xf32, #tpu.memory_space<vmem>>)
        tpu.yield
      }) : () -> ()
      %get3A = arith.constant 0 : index
      %get3A_40 = tpu.vector_load %arg6[%get3A] {strides = array<i32>} : memref<480xf32, #tpu.memory_space<vmem>>, vector<16xf32>,
      %get3A_41 = arith.constant 16 : index
      %get3A_42 = tpu.vector_load %arg6[%get3A_41] {strides = array<i32>} : memref<480xf32, #tpu.memory_space<vmem>>, vector<16xf32>,
      %get3A_43 = arith.constant 32 : index
      %get3A_44 = tpu.vector_load %arg6[%get3A_43] {strides = array<i32>} : memref<480xf32, #tpu.memory_space<vmem>>, vector<16xf32>,
      %get3A_45 = arith.constant 48 : index
      %get3A_46 = tpu.vector_load %arg6[%get3A_45] {strides = array<i32>} : memref<480xf32, #tpu.memory_space<vmem>>, vector<16xf32>,
      %get3A_47 = arith.constant 64 : index
      %get3A_48 = tpu.vector_load %arg6[%get3A_47] {strides = array<i32>} : memref<480xf32, #tpu.memory_space<vmem>>, vector<16xf32>,
      %get3A_49 = arith.constant 80 : index
      %get3A_50 = tpu.vector_load %arg6[%get3A_49] {strides = array<i32>} : memref<480xf32, #tpu.memory_space<vmem>>, vector<16xf32>,
      %broadcast_in_dim3A = arith.constant 0 : i32
      %broadcast_in_dim3A_51 = vector.broadcast %broadcast_in_dim3A : i32 to vector<16xi32>
      %min3A = arith.minimumf %get3A_40, %get3A_42 : vector<16xf32>
      %min3A_52 = arith.minimumf %min3A, %get3A_44 : vector<16xf32>
      %min3A_53 = arith.minimumf %min3A_52, %get3A_46 : vector<16xf32>
      %min3A_54 = arith.minimumf %min3A_53, %get3A_48 : vector<16xf32>
      %min3A_55 = arith.minimumf %min3A_54, %get3A_50 : vector<16xf32>
      %reduce_min3A = arith.constant true
      %reduce_min3A_56 = vector.broadcast %reduce_min3A : i1 to vector<16xi1>
      %reduce_min3A_57 = tpu.scan <min>, %min3A_55 masked %reduce_min3A_56 : vector<16xf32>, vector<16xi1> -> vector<16xf32>
      %reduce_min3A_58 = vector.extract %reduce_min3A_57[15] : f32 from vector<16xf32>
      %broadcast_in_dim3A_59 = arith.constant 32767 : i32
      %broadcast_in_dim3A_60 = vector.broadcast %broadcast_in_dim3A_59 : i32 to vector<16xi32>
      %eq3A = vector.broadcast %reduce_min3A_58 : f32 to vector<16xf32>
      %eq3A_61 = arith.cmpf oeq, %get3A_40, %eq3A : vector<16xf32>
      %all_reduce_population_count3A = tpu.all_reduce %eq3A_61 {dim = 0 : i64, kind = #tpu.reduction_kind<sum>} : vector<16xi1> -> vector<16xi32>
      %all_reduce_ffs3A = tpu.all_reduce %eq3A_61 {dim = 0 : i64, kind = #tpu.reduction_kind<find_first_set>} : vector<16xi1> -> vector<16xi32>
      %gt3A = arith.constant 0 : i32
      %gt3A_62 = vector.broadcast %gt3A : i32 to vector<16xi32>
      %gt3A_63 = arith.cmpi sgt, %all_reduce_population_count3A, %gt3A_62 : vector<16xi32>
      %add3A_64 = arith.constant 0 : i32
      %add3A_65 = vector.broadcast %add3A_64 : i32 to vector<16xi32>
      %add3A_66 = arith.addi %add3A_65, %all_reduce_ffs3A : vector<16xi32>
      %jit3A_67 = arith.constant 32767 : i32
      %broadcast_in_dim3A_68 = vector.broadcast %jit3A_67 : i32 to vector<16xi32>
      %select_n3A_69 = arith.select %gt3A_63, %add3A_66, %broadcast_in_dim3A_68 : vector<16xi1>, vector<16xi32>
      %min3A_70 = arith.minsi %broadcast_in_dim3A_60, %select_n3A_69 : vector<16xi32>
      %eq3A_71 = vector.broadcast %reduce_min3A_58 : f32 to vector<16xf32>
      %eq3A_72 = arith.cmpf oeq, %get3A_42, %eq3A_71 : vector<16xf32>
      %all_reduce_population_count3A_73 = tpu.all_reduce %eq3A_72 {dim = 0 : i64, kind = #tpu.reduction_kind<sum>} : vector<16xi1> -> vector<16xi32>
      %all_reduce_ffs3A_74 = tpu.all_reduce %eq3A_72 {dim = 0 : i64, kind = #tpu.reduction_kind<find_first_set>} : vector<16xi1> -> vector<16xi32>
      %gt3A_75 = arith.constant 0 : i32
      %gt3A_76 = vector.broadcast %gt3A_75 : i32 to vector<16xi32>
      %gt3A_77 = arith.cmpi sgt, %all_reduce_population_count3A_73, %gt3A_76 : vector<16xi32>
      %add3A_78 = arith.constant 16 : i32
      %add3A_79 = vector.broadcast %add3A_78 : i32 to vector<16xi32>
      %add3A_80 = arith.addi %add3A_79, %all_reduce_ffs3A_74 : vector<16xi32>
      %jit3A_81 = arith.constant 32767 : i32
      %broadcast_in_dim3A_82 = vector.broadcast %jit3A_81 : i32 to vector<16xi32>
      %select_n3A_83 = arith.select %gt3A_77, %add3A_80, %broadcast_in_dim3A_82 : vector<16xi1>, vector<16xi32>
      %min3A_84 = arith.minsi %min3A_70, %select_n3A_83 : vector<16xi32>
      %eq3A_85 = vector.broadcast %reduce_min3A_58 : f32 to vector<16xf32>
      %eq3A_86 = arith.cmpf oeq, %get3A_44, %eq3A_85 : vector<16xf32>
      %all_reduce_population_count3A_87 = tpu.all_reduce %eq3A_86 {dim = 0 : i64, kind = #tpu.reduction_kind<sum>} : vector<16xi1> -> vector<16xi32>
      %all_reduce_ffs3A_88 = tpu.all_reduce %eq3A_86 {dim = 0 : i64, kind = #tpu.reduction_kind<find_first_set>} : vector<16xi1> -> vector<16xi32>
      %gt3A_89 = arith.constant 0 : i32
      %gt3A_90 = vector.broadcast %gt3A_89 : i32 to vector<16xi32>
      %gt3A_91 = arith.cmpi sgt, %all_reduce_population_count3A_87, %gt3A_90 : vector<16xi32>
      %add3A_92 = arith.constant 32 : i32
      %add3A_93 = vector.broadcast %add3A_92 : i32 to vector<16xi32>
      %add3A_94 = arith.addi %add3A_93, %all_reduce_ffs3A_88 : vector<16xi32>
      %jit3A_95 = arith.constant 32767 : i32
      %broadcast_in_dim3A_96 = vector.broadcast %jit3A_95 : i32 to vector<16xi32>
      %select_n3A_97 = arith.select %gt3A_91, %add3A_94, %broadcast_in_dim3A_96 : vector<16xi1>, vector<16xi32>
      %min3A_98 = arith.minsi %min3A_84, %select_n3A_97 : vector<16xi32>
      %eq3A_99 = vector.broadcast %reduce_min3A_58 : f32 to vector<16xf32>
      %eq3A_100 = arith.cmpf oeq, %get3A_46, %eq3A_99 : vector<16xf32>
      %all_reduce_population_count3A_101 = tpu.all_reduce %eq3A_100 {dim = 0 : i64, kind = #tpu.reduction_kind<sum>} : vector<16xi1> -> vector<16xi32>
      %all_reduce_ffs3A_102 = tpu.all_reduce %eq3A_100 {dim = 0 : i64, kind = #tpu.reduction_kind<find_first_set>} : vector<16xi1> -> vector<16xi32>
      %gt3A_103 = arith.constant 0 : i32
      %gt3A_104 = vector.broadcast %gt3A_103 : i32 to vector<16xi32>
      %gt3A_105 = arith.cmpi sgt, %all_reduce_population_count3A_101, %gt3A_104 : vector<16xi32>
      %add3A_106 = arith.constant 48 : i32
      %add3A_107 = vector.broadcast %add3A_106 : i32 to vector<16xi32>
      %add3A_108 = arith.addi %add3A_107, %all_reduce_ffs3A_102 : vector<16xi32>
      %jit3A_109 = arith.constant 32767 : i32
      %broadcast_in_dim3A_110 = vector.broadcast %jit3A_109 : i32 to vector<16xi32>
      %select_n3A_111 = arith.select %gt3A_105, %add3A_108, %broadcast_in_dim3A_110 : vector<16xi1>, vector<16xi32>
      %min3A_112 = arith.minsi %min3A_98, %select_n3A_111 : vector<16xi32>
      %eq3A_113 = vector.broadcast %reduce_min3A_58 : f32 to vector<16xf32>
      %eq3A_114 = arith.cmpf oeq, %get3A_48, %eq3A_113 : vector<16xf32>
      %all_reduce_population_count3A_115 = tpu.all_reduce %eq3A_114 {dim = 0 : i64, kind = #tpu.reduction_kind<sum>} : vector<16xi1> -> vector<16xi32>
      %all_reduce_ffs3A_116 = tpu.all_reduce %eq3A_114 {dim = 0 : i64, kind = #tpu.reduction_kind<find_first_set>} : vector<16xi1> -> vector<16xi32>
      %gt3A_117 = arith.constant 0 : i32
      %gt3A_118 = vector.broadcast %gt3A_117 : i32 to vector<16xi32>
      %gt3A_119 = arith.cmpi sgt, %all_reduce_population_count3A_115, %gt3A_118 : vector<16xi32>
      %add3A_120 = arith.constant 64 : i32
      %add3A_121 = vector.broadcast %add3A_120 : i32 to vector<16xi32>
      %add3A_122 = arith.addi %add3A_121, %all_reduce_ffs3A_116 : vector<16xi32>
      %jit3A_123 = arith.constant 32767 : i32
      %broadcast_in_dim3A_124 = vector.broadcast %jit3A_123 : i32 to vector<16xi32>
      %select_n3A_125 = arith.select %gt3A_119, %add3A_122, %broadcast_in_dim3A_124 : vector<16xi1>, vector<16xi32>
      %min3A_126 = arith.minsi %min3A_112, %select_n3A_125 : vector<16xi32>
      %eq3A_127 = vector.broadcast %reduce_min3A_58 : f32 to vector<16xf32>
      %eq3A_128 = arith.cmpf oeq, %get3A_50, %eq3A_127 : vector<16xf32>
      %all_reduce_population_count3A_129 = tpu.all_reduce %eq3A_128 {dim = 0 : i64, kind = #tpu.reduction_kind<sum>} : vector<16xi1> -> vector<16xi32>
      %all_reduce_ffs3A_130 = tpu.all_reduce %eq3A_128 {dim = 0 : i64, kind = #tpu.reduction_kind<find_first_set>} : vector<16xi1> -> vector<16xi32>
      %gt3A_131 = arith.constant 0 : i32
      %gt3A_132 = vector.broadcast %gt3A_131 : i32 to vector<16xi32>
      %gt3A_133 = arith.cmpi sgt, %all_reduce_population_count3A_129, %gt3A_132 : vector<16xi32>
      %add3A_134 = arith.constant 80 : i32
      %add3A_135 = vector.broadcast %add3A_134 : i32 to vector<16xi32>
      %add3A_136 = arith.addi %add3A_135, %all_reduce_ffs3A_130 : vector<16xi32>
      %jit3A_137 = arith.constant 32767 : i32
      %broadcast_in_dim3A_138 = vector.broadcast %jit3A_137 : i32 to vector<16xi32>
      %select_n3A_139 = arith.select %gt3A_133, %add3A_136, %broadcast_in_dim3A_138 : vector<16xi1>, vector<16xi32>
      %min3A_140 = arith.minsi %min3A_126, %select_n3A_139 : vector<16xi32>
      %eq3A_141 = arith.constant 0 : i32
      %eq3A_142 = vector.broadcast %eq3A_141 : i32 to vector<16xi32>
      %eq3A_143 = arith.cmpi eq, %iota3A, %eq3A_142 : vector<16xi32>
      %select_n3A_144 = arith.select %eq3A_143, %min3A_140, %broadcast_in_dim3A_51 : vector<16xi1>, vector<16xi32>
      %add3A_145 = arith.constant 0 : i32
      %add3A_146 = vector.broadcast %add3A_145 : i32 to vector<16xi32>
      %add3A_147 = arith.addi %add3A_146, %iota3A : vector<16xi32>
      %eq3A_148 = arith.cmpi eq, %add3A_147, %min3A_140 : vector<16xi32>
      %jit3A_149 = arith.constant 1.000000e+09 : f32
      %broadcast_in_dim3A_150 = vector.broadcast %jit3A_149 : f32 to vector<16xf32>
      %select_n3A_151 = arith.select %eq3A_148, %broadcast_in_dim3A_150, %get3A_40 : vector<16xi1>, vector<16xf32>
      %add3A_152 = arith.constant 16 : i32
      %add3A_153 = vector.broadcast %add3A_152 : i32 to vector<16xi32>
      %add3A_154 = arith.addi %add3A_153, %iota3A : vector<16xi32>
      %eq3A_155 = arith.cmpi eq, %add3A_154, %min3A_140 : vector<16xi32>
      %jit3A_156 = arith.constant 1.000000e+09 : f32
      %broadcast_in_dim3A_157 = vector.broadcast %jit3A_156 : f32 to vector<16xf32>
      %select_n3A_158 = arith.select %eq3A_155, %broadcast_in_dim3A_157, %get3A_42 : vector<16xi1>, vector<16xf32>
      %add3A_159 = arith.constant 32 : i32
      %add3A_160 = vector.broadcast %add3A_159 : i32 to vector<16xi32>
      %add3A_161 = arith.addi %add3A_160, %iota3A : vector<16xi32>
      %eq3A_162 = arith.cmpi eq, %add3A_161, %min3A_140 : vector<16xi32>
      %jit3A_163 = arith.constant 1.000000e+09 : f32
      %broadcast_in_dim3A_164 = vector.broadcast %jit3A_163 : f32 to vector<16xf32>
      %select_n3A_165 = arith.select %eq3A_162, %broadcast_in_dim3A_164, %get3A_44 : vector<16xi1>, vector<16xf32>
      %add3A_166 = arith.constant 48 : i32
      %add3A_167 = vector.broadcast %add3A_166 : i32 to vector<16xi32>
      %add3A_168 = arith.addi %add3A_167, %iota3A : vector<16xi32>
      %eq3A_169 = arith.cmpi eq, %add3A_168, %min3A_140 : vector<16xi32>
      %jit3A_170 = arith.constant 1.000000e+09 : f32
      %broadcast_in_dim3A_171 = vector.broadcast %jit3A_170 : f32 to vector<16xf32>
      %select_n3A_172 = arith.select %eq3A_169, %broadcast_in_dim3A_171, %get3A_46 : vector<16xi1>, vector<16xf32>
      %add3A_173 = arith.constant 64 : i32
      %add3A_174 = vector.broadcast %add3A_173 : i32 to vector<16xi32>
      %add3A_175 = arith.addi %add3A_174, %iota3A : vector<16xi32>
      %eq3A_176 = arith.cmpi eq, %add3A_175, %min3A_140 : vector<16xi32>
      %jit3A_177 = arith.constant 1.000000e+09 : f32
      %broadcast_in_dim3A_178 = vector.broadcast %jit3A_177 : f32 to vector<16xf32>
      %select_n3A_179 = arith.select %eq3A_176, %broadcast_in_dim3A_178, %get3A_48 : vector<16xi1>, vector<16xf32>
      %add3A_180 = arith.constant 80 : i32
      %add3A_181 = vector.broadcast %add3A_180 : i32 to vector<16xi32>
      %add3A_182 = arith.addi %add3A_181, %iota3A : vector<16xi32>
      %eq3A_183 = arith.cmpi eq, %add3A_182, %min3A_140 : vector<16xi32>
      %jit3A_184 = arith.constant 1.000000e+09 : f32
      %broadcast_in_dim3A_185 = vector.broadcast %jit3A_184 : f32 to vector<16xf32>
      %select_n3A_186 = arith.select %eq3A_183, %broadcast_in_dim3A_185, %get3A_50 : vector<16xi1>, vector<16xf32>
      %min3A_187 = arith.minimumf %select_n3A_151, %select_n3A_158 : vector<16xf32>
      %min3A_188 = arith.minimumf %min3A_187, %select_n3A_165 : vector<16xf32>
      %min3A_189 = arith.minimumf %min3A_188, %select_n3A_172 : vector<16xf32>
      %min3A_190 = arith.minimumf %min3A_189, %select_n3A_179 : vector<16xf32>
      %min3A_191 = arith.minimumf %min3A_190, %select_n3A_186 : vector<16xf32>
      %reduce_min3A_192 = arith.constant true
      %reduce_min3A_193 = vector.broadcast %reduce_min3A_192 : i1 to vector<16xi1>
      %reduce_min3A_194 = tpu.scan <min>, %min3A_191 masked %reduce_min3A_193 : vector<16xf32>, vector<16xi1> -> vector<16xf32>
      %reduce_min3A_195 = vector.extract %reduce_min3A_194[15] : f32 from vector<16xf32>
      %broadcast_in_dim3A_196 = arith.constant 32767 : i32
      %broadcast_in_dim3A_197 = vector.broadcast %broadcast_in_dim3A_196 : i32 to vector<16xi32>
      %eq3A_198 = vector.broadcast %reduce_min3A_195 : f32 to vector<16xf32>
      %eq3A_199 = arith.cmpf oeq, %select_n3A_151, %eq3A_198 : vector<16xf32>
      %all_reduce_population_count3A_200 = tpu.all_reduce %eq3A_199 {dim = 0 : i64, kind = #tpu.reduction_kind<sum>} : vector<16xi1> -> vector<16xi32>
      %all_reduce_ffs3A_201 = tpu.all_reduce %eq3A_199 {dim = 0 : i64, kind = #tpu.reduction_kind<find_first_set>} : vector<16xi1> -> vector<16xi32>
      %gt3A_202 = arith.constant 0 : i32
      %gt3A_203 = vector.broadcast %gt3A_202 : i32 to vector<16xi32>
      %gt3A_204 = arith.cmpi sgt, %all_reduce_population_count3A_200, %gt3A_203 : vector<16xi32>
      %add3A_205 = arith.constant 0 : i32
      %add3A_206 = vector.broadcast %add3A_205 : i32 to vector<16xi32>
      %add3A_207 = arith.addi %add3A_206, %all_reduce_ffs3A_201 : vector<16xi32>
      %jit3A_208 = arith.constant 32767 : i32
      %broadcast_in_dim3A_209 = vector.broadcast %jit3A_208 : i32 to vector<16xi32>
      %select_n3A_210 = arith.select %gt3A_204, %add3A_207, %broadcast_in_dim3A_209 : vector<16xi1>, vector<16xi32>
      %min3A_211 = arith.minsi %broadcast_in_dim3A_197, %select_n3A_210 : vector<16xi32>
      %eq3A_212 = vector.broadcast %reduce_min3A_195 : f32 to vector<16xf32>
      %eq3A_213 = arith.cmpf oeq, %select_n3A_158, %eq3A_212 : vector<16xf32>
      %all_reduce_population_count3A_214 = tpu.all_reduce %eq3A_213 {dim = 0 : i64, kind = #tpu.reduction_kind<sum>} : vector<16xi1> -> vector<16xi32>
      %all_reduce_ffs3A_215 = tpu.all_reduce %eq3A_213 {dim = 0 : i64, kind = #tpu.reduction_kind<find_first_set>} : vector<16xi1> -> vector<16xi32>
      %gt3A_216 = arith.constant 0 : i32
      %gt3A_217 = vector.broadcast %gt3A_216 : i32 to vector<16xi32>
      %gt3A_218 = arith.cmpi sgt, %all_reduce_population_count3A_214, %gt3A_217 : vector<16xi32>
      %add3A_219 = arith.constant 16 : i32
      %add3A_220 = vector.broadcast %add3A_219 : i32 to vector<16xi32>
      %add3A_221 = arith.addi %add3A_220, %all_reduce_ffs3A_215 : vector<16xi32>
      %jit3A_222 = arith.constant 32767 : i32
      %broadcast_in_dim3A_223 = vector.broadcast %jit3A_222 : i32 to vector<16xi32>
      %select_n3A_224 = arith.select %gt3A_218, %add3A_221, %broadcast_in_dim3A_223 : vector<16xi1>, vector<16xi32>
      %min3A_225 = arith.minsi %min3A_211, %select_n3A_224 : vector<16xi32>
      %eq3A_226 = vector.broadcast %reduce_min3A_195 : f32 to vector<16xf32>
      %eq3A_227 = arith.cmpf oeq, %select_n3A_165, %eq3A_226 : vector<16xf32>
      %all_reduce_population_count3A_228 = tpu.all_reduce %eq3A_227 {dim = 0 : i64, kind = #tpu.reduction_kind<sum>} : vector<16xi1> -> vector<16xi32>
      %all_reduce_ffs3A_229 = tpu.all_reduce %eq3A_227 {dim = 0 : i64, kind = #tpu.reduction_kind<find_first_set>} : vector<16xi1> -> vector<16xi32>
      %gt3A_230 = arith.constant 0 : i32
      %gt3A_231 = vector.broadcast %gt3A_230 : i32 to vector<16xi32>
      %gt3A_232 = arith.cmpi sgt, %all_reduce_population_count3A_228, %gt3A_231 : vector<16xi32>
      %add3A_233 = arith.constant 32 : i32
      %add3A_234 = vector.broadcast %add3A_233 : i32 to vector<16xi32>
      %add3A_235 = arith.addi %add3A_234, %all_reduce_ffs3A_229 : vector<16xi32>
      %jit3A_236 = arith.constant 32767 : i32
      %broadcast_in_dim3A_237 = vector.broadcast %jit3A_236 : i32 to vector<16xi32>
      %select_n3A_238 = arith.select %gt3A_232, %add3A_235, %broadcast_in_dim3A_237 : vector<16xi1>, vector<16xi32>
      %min3A_239 = arith.minsi %min3A_225, %select_n3A_238 : vector<16xi32>
      %eq3A_240 = vector.broadcast %reduce_min3A_195 : f32 to vector<16xf32>
      %eq3A_241 = arith.cmpf oeq, %select_n3A_172, %eq3A_240 : vector<16xf32>
      %all_reduce_population_count3A_242 = tpu.all_reduce %eq3A_241 {dim = 0 : i64, kind = #tpu.reduction_kind<sum>} : vector<16xi1> -> vector<16xi32>
      %all_reduce_ffs3A_243 = tpu.all_reduce %eq3A_241 {dim = 0 : i64, kind = #tpu.reduction_kind<find_first_set>} : vector<16xi1> -> vector<16xi32>
      %gt3A_244 = arith.constant 0 : i32
      %gt3A_245 = vector.broadcast %gt3A_244 : i32 to vector<16xi32>
      %gt3A_246 = arith.cmpi sgt, %all_reduce_population_count3A_242, %gt3A_245 : vector<16xi32>
      %add3A_247 = arith.constant 48 : i32
      %add3A_248 = vector.broadcast %add3A_247 : i32 to vector<16xi32>
      %add3A_249 = arith.addi %add3A_248, %all_reduce_ffs3A_243 : vector<16xi32>
      %jit3A_250 = arith.constant 32767 : i32
      %broadcast_in_dim3A_251 = vector.broadcast %jit3A_250 : i32 to vector<16xi32>
      %select_n3A_252 = arith.select %gt3A_246, %add3A_249, %broadcast_in_dim3A_251 : vector<16xi1>, vector<16xi32>
      %min3A_253 = arith.minsi %min3A_239, %select_n3A_252 : vector<16xi32>
      %eq3A_254 = vector.broadcast %reduce_min3A_195 : f32 to vector<16xf32>
      %eq3A_255 = arith.cmpf oeq, %select_n3A_179, %eq3A_254 : vector<16xf32>
      %all_reduce_population_count3A_256 = tpu.all_reduce %eq3A_255 {dim = 0 : i64, kind = #tpu.reduction_kind<sum>} : vector<16xi1> -> vector<16xi32>
      %all_reduce_ffs3A_257 = tpu.all_reduce %eq3A_255 {dim = 0 : i64, kind = #tpu.reduction_kind<find_first_set>} : vector<16xi1> -> vector<16xi32>
      %gt3A_258 = arith.constant 0 : i32
      %gt3A_259 = vector.broadcast %gt3A_258 : i32 to vector<16xi32>
      %gt3A_260 = arith.cmpi sgt, %all_reduce_population_count3A_256, %gt3A_259 : vector<16xi32>
      %add3A_261 = arith.constant 64 : i32
      %add3A_262 = vector.broadcast %add3A_261 : i32 to vector<16xi32>
      %add3A_263 = arith.addi %add3A_262, %all_reduce_ffs3A_257 : vector<16xi32>
      %jit3A_264 = arith.constant 32767 : i32
      %broadcast_in_dim3A_265 = vector.broadcast %jit3A_264 : i32 to vector<16xi32>
      %select_n3A_266 = arith.select %gt3A_260, %add3A_263, %broadcast_in_dim3A_265 : vector<16xi1>, vector<16xi32>
      %min3A_267 = arith.minsi %min3A_253, %select_n3A_266 : vector<16xi32>
      %eq3A_268 = vector.broadcast %reduce_min3A_195 : f32 to vector<16xf32>
      %eq3A_269 = arith.cmpf oeq, %select_n3A_186, %eq3A_268 : vector<16xf32>
      %all_reduce_population_count3A_270 = tpu.all_reduce %eq3A_269 {dim = 0 : i64, kind = #tpu.reduction_kind<sum>} : vector<16xi1> -> vector<16xi32>
      %all_reduce_ffs3A_271 = tpu.all_reduce %eq3A_269 {dim = 0 : i64, kind = #tpu.reduction_kind<find_first_set>} : vector<16xi1> -> vector<16xi32>
      %gt3A_272 = arith.constant 0 : i32
      %gt3A_273 = vector.broadcast %gt3A_272 : i32 to vector<16xi32>
      %gt3A_274 = arith.cmpi sgt, %all_reduce_population_count3A_270, %gt3A_273 : vector<16xi32>
      %add3A_275 = arith.constant 80 : i32
      %add3A_276 = vector.broadcast %add3A_275 : i32 to vector<16xi32>
      %add3A_277 = arith.addi %add3A_276, %all_reduce_ffs3A_271 : vector<16xi32>
      %jit3A_278 = arith.constant 32767 : i32
      %broadcast_in_dim3A_279 = vector.broadcast %jit3A_278 : i32 to vector<16xi32>
      %select_n3A_280 = arith.select %gt3A_274, %add3A_277, %broadcast_in_dim3A_279 : vector<16xi1>, vector<16xi32>
      %min3A_281 = arith.minsi %min3A_267, %select_n3A_280 : vector<16xi32>
      %eq3A_282 = arith.constant 1 : i32
      %eq3A_283 = vector.broadcast %eq3A_282 : i32 to vector<16xi32>
      %eq3A_284 = arith.cmpi eq, %iota3A, %eq3A_283 : vector<16xi32>
      %select_n3A_285 = arith.select %eq3A_284, %min3A_281, %select_n3A_144 : vector<16xi1>, vector<16xi32>
      %add3A_286 = arith.constant 0 : i32
      %add3A_287 = vector.broadcast %add3A_286 : i32 to vector<16xi32>
      %add3A_288 = arith.addi %add3A_287, %iota3A : vector<16xi32>
      %eq3A_289 = arith.cmpi eq, %add3A_288, %min3A_281 : vector<16xi32>
      %jit3A_290 = arith.constant 1.000000e+09 : f32
      %broadcast_in_dim3A_291 = vector.broadcast %jit3A_290 : f32 to vector<16xf32>
      %select_n3A_292 = arith.select %eq3A_289, %broadcast_in_dim3A_291, %select_n3A_151 : vector<16xi1>, vector<16xf32>
      %add3A_293 = arith.constant 16 : i32
      %add3A_294 = vector.broadcast %add3A_293 : i32 to vector<16xi32>
      %add3A_295 = arith.addi %add3A_294, %iota3A : vector<16xi32>
      %eq3A_296 = arith.cmpi eq, %add3A_295, %min3A_281 : vector<16xi32>
      %jit3A_297 = arith.constant 1.000000e+09 : f32
      %broadcast_in_dim3A_298 = vector.broadcast %jit3A_297 : f32 to vector<16xf32>
      %select_n3A_299 = arith.select %eq3A_296, %broadcast_in_dim3A_298, %select_n3A_158 : vector<16xi1>, vector<16xf32>
      %add3A_300 = arith.constant 32 : i32
      %add3A_301 = vector.broadcast %add3A_300 : i32 to vector<16xi32>
      %add3A_302 = arith.addi %add3A_301, %iota3A : vector<16xi32>
      %eq3A_303 = arith.cmpi eq, %add3A_302, %min3A_281 : vector<16xi32>
      %jit3A_304 = arith.constant 1.000000e+09 : f32
      %broadcast_in_dim3A_305 = vector.broadcast %jit3A_304 : f32 to vector<16xf32>
      %select_n3A_306 = arith.select %eq3A_303, %broadcast_in_dim3A_305, %select_n3A_165 : vector<16xi1>, vector<16xf32>
      %add3A_307 = arith.constant 48 : i32
      %add3A_308 = vector.broadcast %add3A_307 : i32 to vector<16xi32>
      %add3A_309 = arith.addi %add3A_308, %iota3A : vector<16xi32>
      %eq3A_310 = arith.cmpi eq, %add3A_309, %min3A_281 : vector<16xi32>
      %jit3A_311 = arith.constant 1.000000e+09 : f32
      %broadcast_in_dim3A_312 = vector.broadcast %jit3A_311 : f32 to vector<16xf32>
      %select_n3A_313 = arith.select %eq3A_310, %broadcast_in_dim3A_312, %select_n3A_172 : vector<16xi1>, vector<16xf32>
      %add3A_314 = arith.constant 64 : i32
      %add3A_315 = vector.broadcast %add3A_314 : i32 to vector<16xi32>
      %add3A_316 = arith.addi %add3A_315, %iota3A : vector<16xi32>
      %eq3A_317 = arith.cmpi eq, %add3A_316, %min3A_281 : vector<16xi32>
      %jit3A_318 = arith.constant 1.000000e+09 : f32
      %broadcast_in_dim3A_319 = vector.broadcast %jit3A_318 : f32 to vector<16xf32>
      %select_n3A_320 = arith.select %eq3A_317, %broadcast_in_dim3A_319, %select_n3A_179 : vector<16xi1>, vector<16xf32>
      %add3A_321 = arith.constant 80 : i32
      %add3A_322 = vector.broadcast %add3A_321 : i32 to vector<16xi32>
      %add3A_323 = arith.addi %add3A_322, %iota3A : vector<16xi32>
      %eq3A_324 = arith.cmpi eq, %add3A_323, %min3A_281 : vector<16xi32>
      %jit3A_325 = arith.constant 1.000000e+09 : f32
      %broadcast_in_dim3A_326 = vector.broadcast %jit3A_325 : f32 to vector<16xf32>
      %select_n3A_327 = arith.select %eq3A_324, %broadcast_in_dim3A_326, %select_n3A_186 : vector<16xi1>, vector<16xf32>
      %min3A_328 = arith.minimumf %select_n3A_292, %select_n3A_299 : vector<16xf32>
      %min3A_329 = arith.minimumf %min3A_328, %select_n3A_306 : vector<16xf32>
      %min3A_330 = arith.minimumf %min3A_329, %select_n3A_313 : vector<16xf32>
      %min3A_331 = arith.minimumf %min3A_330, %select_n3A_320 : vector<16xf32>
      %min3A_332 = arith.minimumf %min3A_331, %select_n3A_327 : vector<16xf32>
      %reduce_min3A_333 = arith.constant true
      %reduce_min3A_334 = vector.broadcast %reduce_min3A_333 : i1 to vector<16xi1>
      %reduce_min3A_335 = tpu.scan <min>, %min3A_332 masked %reduce_min3A_334 : vector<16xf32>, vector<16xi1> -> vector<16xf32>
      %reduce_min3A_336 = vector.extract %reduce_min3A_335[15] : f32 from vector<16xf32>
      %broadcast_in_dim3A_337 = arith.constant 32767 : i32
      %broadcast_in_dim3A_338 = vector.broadcast %broadcast_in_dim3A_337 : i32 to vector<16xi32>
      %eq3A_339 = vector.broadcast %reduce_min3A_336 : f32 to vector<16xf32>
      %eq3A_340 = arith.cmpf oeq, %select_n3A_292, %eq3A_339 : vector<16xf32>
      %all_reduce_population_count3A_341 = tpu.all_reduce %eq3A_340 {dim = 0 : i64, kind = #tpu.reduction_kind<sum>} : vector<16xi1> -> vector<16xi32>
      %all_reduce_ffs3A_342 = tpu.all_reduce %eq3A_340 {dim = 0 : i64, kind = #tpu.reduction_kind<find_first_set>} : vector<16xi1> -> vector<16xi32>
      %gt3A_343 = arith.constant 0 : i32
      %gt3A_344 = vector.broadcast %gt3A_343 : i32 to vector<16xi32>
      %gt3A_345 = arith.cmpi sgt, %all_reduce_population_count3A_341, %gt3A_344 : vector<16xi32>
      %add3A_346 = arith.constant 0 : i32
      %add3A_347 = vector.broadcast %add3A_346 : i32 to vector<16xi32>
      %add3A_348 = arith.addi %add3A_347, %all_reduce_ffs3A_342 : vector<16xi32>
      %jit3A_349 = arith.constant 32767 : i32
      %broadcast_in_dim3A_350 = vector.broadcast %jit3A_349 : i32 to vector<16xi32>
      %select_n3A_351 = arith.select %gt3A_345, %add3A_348, %broadcast_in_dim3A_350 : vector<16xi1>, vector<16xi32>
      %min3A_352 = arith.minsi %broadcast_in_dim3A_338, %select_n3A_351 : vector<16xi32>
      %eq3A_353 = vector.broadcast %reduce_min3A_336 : f32 to vector<16xf32>
      %eq3A_354 = arith.cmpf oeq, %select_n3A_299, %eq3A_353 : vector<16xf32>
      %all_reduce_population_count3A_355 = tpu.all_reduce %eq3A_354 {dim = 0 : i64, kind = #tpu.reduction_kind<sum>} : vector<16xi1> -> vector<16xi32>
      %all_reduce_ffs3A_356 = tpu.all_reduce %eq3A_354 {dim = 0 : i64, kind = #tpu.reduction_kind<find_first_set>} : vector<16xi1> -> vector<16xi32>
      %gt3A_357 = arith.constant 0 : i32
      %gt3A_358 = vector.broadcast %gt3A_357 : i32 to vector<16xi32>
      %gt3A_359 = arith.cmpi sgt, %all_reduce_population_count3A_355, %gt3A_358 : vector<16xi32>
      %add3A_360 = arith.constant 16 : i32
      %add3A_361 = vector.broadcast %add3A_360 : i32 to vector<16xi32>
      %add3A_362 = arith.addi %add3A_361, %all_reduce_ffs3A_356 : vector<16xi32>
      %jit3A_363 = arith.constant 32767 : i32
      %broadcast_in_dim3A_364 = vector.broadcast %jit3A_363 : i32 to vector<16xi32>
      %select_n3A_365 = arith.select %gt3A_359, %add3A_362, %broadcast_in_dim3A_364 : vector<16xi1>, vector<16xi32>
      %min3A_366 = arith.minsi %min3A_352, %select_n3A_365 : vector<16xi32>
      %eq3A_367 = vector.broadcast %reduce_min3A_336 : f32 to vector<16xf32>
      %eq3A_368 = arith.cmpf oeq, %select_n3A_306, %eq3A_367 : vector<16xf32>
      %all_reduce_population_count3A_369 = tpu.all_reduce %eq3A_368 {dim = 0 : i64, kind = #tpu.reduction_kind<sum>} : vector<16xi1> -> vector<16xi32>
      %all_reduce_ffs3A_370 = tpu.all_reduce %eq3A_368 {dim = 0 : i64, kind = #tpu.reduction_kind<find_first_set>} : vector<16xi1> -> vector<16xi32>
      %gt3A_371 = arith.constant 0 : i32
      %gt3A_372 = vector.broadcast %gt3A_371 : i32 to vector<16xi32>
      %gt3A_373 = arith.cmpi sgt, %all_reduce_population_count3A_369, %gt3A_372 : vector<16xi32>
      %add3A_374 = arith.constant 32 : i32
      %add3A_375 = vector.broadcast %add3A_374 : i32 to vector<16xi32>
      %add3A_376 = arith.addi %add3A_375, %all_reduce_ffs3A_370 : vector<16xi32>
      %jit3A_377 = arith.constant 32767 : i32
      %broadcast_in_dim3A_378 = vector.broadcast %jit3A_377 : i32 to vector<16xi32>
      %select_n3A_379 = arith.select %gt3A_373, %add3A_376, %broadcast_in_dim3A_378 : vector<16xi1>, vector<16xi32>
      %min3A_380 = arith.minsi %min3A_366, %select_n3A_379 : vector<16xi32>
      %eq3A_381 = vector.broadcast %reduce_min3A_336 : f32 to vector<16xf32>
      %eq3A_382 = arith.cmpf oeq, %select_n3A_313, %eq3A_381 : vector<16xf32>
      %all_reduce_population_count3A_383 = tpu.all_reduce %eq3A_382 {dim = 0 : i64, kind = #tpu.reduction_kind<sum>} : vector<16xi1> -> vector<16xi32>
      %all_reduce_ffs3A_384 = tpu.all_reduce %eq3A_382 {dim = 0 : i64, kind = #tpu.reduction_kind<find_first_set>} : vector<16xi1> -> vector<16xi32>
      %gt3A_385 = arith.constant 0 : i32
      %gt3A_386 = vector.broadcast %gt3A_385 : i32 to vector<16xi32>
      %gt3A_387 = arith.cmpi sgt, %all_reduce_population_count3A_383, %gt3A_386 : vector<16xi32>
      %add3A_388 = arith.constant 48 : i32
      %add3A_389 = vector.broadcast %add3A_388 : i32 to vector<16xi32>
      %add3A_390 = arith.addi %add3A_389, %all_reduce_ffs3A_384 : vector<16xi32>
      %jit3A_391 = arith.constant 32767 : i32
      %broadcast_in_dim3A_392 = vector.broadcast %jit3A_391 : i32 to vector<16xi32>
      %select_n3A_393 = arith.select %gt3A_387, %add3A_390, %broadcast_in_dim3A_392 : vector<16xi1>, vector<16xi32>
      %min3A_394 = arith.minsi %min3A_380, %select_n3A_393 : vector<16xi32>
      %eq3A_395 = vector.broadcast %reduce_min3A_336 : f32 to vector<16xf32>
      %eq3A_396 = arith.cmpf oeq, %select_n3A_320, %eq3A_395 : vector<16xf32>
      %all_reduce_population_count3A_397 = tpu.all_reduce %eq3A_396 {dim = 0 : i64, kind = #tpu.reduction_kind<sum>} : vector<16xi1> -> vector<16xi32>
      %all_reduce_ffs3A_398 = tpu.all_reduce %eq3A_396 {dim = 0 : i64, kind = #tpu.reduction_kind<find_first_set>} : vector<16xi1> -> vector<16xi32>
      %gt3A_399 = arith.constant 0 : i32
      %gt3A_400 = vector.broadcast %gt3A_399 : i32 to vector<16xi32>
      %gt3A_401 = arith.cmpi sgt, %all_reduce_population_count3A_397, %gt3A_400 : vector<16xi32>
      %add3A_402 = arith.constant 64 : i32
      %add3A_403 = vector.broadcast %add3A_402 : i32 to vector<16xi32>
      %add3A_404 = arith.addi %add3A_403, %all_reduce_ffs3A_398 : vector<16xi32>
      %jit3A_405 = arith.constant 32767 : i32
      %broadcast_in_dim3A_406 = vector.broadcast %jit3A_405 : i32 to vector<16xi32>
      %select_n3A_407 = arith.select %gt3A_401, %add3A_404, %broadcast_in_dim3A_406 : vector<16xi1>, vector<16xi32>
      %min3A_408 = arith.minsi %min3A_394, %select_n3A_407 : vector<16xi32>
      %eq3A_409 = vector.broadcast %reduce_min3A_336 : f32 to vector<16xf32>
      %eq3A_410 = arith.cmpf oeq, %select_n3A_327, %eq3A_409 : vector<16xf32>
      %all_reduce_population_count3A_411 = tpu.all_reduce %eq3A_410 {dim = 0 : i64, kind = #tpu.reduction_kind<sum>} : vector<16xi1> -> vector<16xi32>
      %all_reduce_ffs3A_412 = tpu.all_reduce %eq3A_410 {dim = 0 : i64, kind = #tpu.reduction_kind<find_first_set>} : vector<16xi1> -> vector<16xi32>
      %gt3A_413 = arith.constant 0 : i32
      %gt3A_414 = vector.broadcast %gt3A_413 : i32 to vector<16xi32>
      %gt3A_415 = arith.cmpi sgt, %all_reduce_population_count3A_411, %gt3A_414 : vector<16xi32>
      %add3A_416 = arith.constant 80 : i32
      %add3A_417 = vector.broadcast %add3A_416 : i32 to vector<16xi32>
      %add3A_418 = arith.addi %add3A_417, %all_reduce_ffs3A_412 : vector<16xi32>
      %jit3A_419 = arith.constant 32767 : i32
      %broadcast_in_dim3A_420 = vector.broadcast %jit3A_419 : i32 to vector<16xi32>
      %select_n3A_421 = arith.select %gt3A_415, %add3A_418, %broadcast_in_dim3A_420 : vector<16xi1>, vector<16xi32>
      %min3A_422 = arith.minsi %min3A_408, %select_n3A_421 : vector<16xi32>
      %eq3A_423 = arith.constant 2 : i32
      %eq3A_424 = vector.broadcast %eq3A_423 : i32 to vector<16xi32>
      %eq3A_425 = arith.cmpi eq, %iota3A, %eq3A_424 : vector<16xi32>
      %select_n3A_426 = arith.select %eq3A_425, %min3A_422, %select_n3A_285 : vector<16xi1>, vector<16xi32>
      %add3A_427 = arith.constant 0 : i32
      %add3A_428 = vector.broadcast %add3A_427 : i32 to vector<16xi32>
      %add3A_429 = arith.addi %add3A_428, %iota3A : vector<16xi32>
      %eq3A_430 = arith.cmpi eq, %add3A_429, %min3A_422 : vector<16xi32>
      %jit3A_431 = arith.constant 1.000000e+09 : f32
      %broadcast_in_dim3A_432 = vector.broadcast %jit3A_431 : f32 to vector<16xf32>
      %select_n3A_433 = arith.select %eq3A_430, %broadcast_in_dim3A_432, %select_n3A_292 : vector<16xi1>, vector<16xf32>
      %add3A_434 = arith.constant 16 : i32
      %add3A_435 = vector.broadcast %add3A_434 : i32 to vector<16xi32>
      %add3A_436 = arith.addi %add3A_435, %iota3A : vector<16xi32>
      %eq3A_437 = arith.cmpi eq, %add3A_436, %min3A_422 : vector<16xi32>
      %jit3A_438 = arith.constant 1.000000e+09 : f32
      %broadcast_in_dim3A_439 = vector.broadcast %jit3A_438 : f32 to vector<16xf32>
      %select_n3A_440 = arith.select %eq3A_437, %broadcast_in_dim3A_439, %select_n3A_299 : vector<16xi1>, vector<16xf32>
      %add3A_441 = arith.constant 32 : i32
      %add3A_442 = vector.broadcast %add3A_441 : i32 to vector<16xi32>
      %add3A_443 = arith.addi %add3A_442, %iota3A : vector<16xi32>
      %eq3A_444 = arith.cmpi eq, %add3A_443, %min3A_422 : vector<16xi32>
      %jit3A_445 = arith.constant 1.000000e+09 : f32
      %broadcast_in_dim3A_446 = vector.broadcast %jit3A_445 : f32 to vector<16xf32>
      %select_n3A_447 = arith.select %eq3A_444, %broadcast_in_dim3A_446, %select_n3A_306 : vector<16xi1>, vector<16xf32>
      %add3A_448 = arith.constant 48 : i32
      %add3A_449 = vector.broadcast %add3A_448 : i32 to vector<16xi32>
      %add3A_450 = arith.addi %add3A_449, %iota3A : vector<16xi32>
      %eq3A_451 = arith.cmpi eq, %add3A_450, %min3A_422 : vector<16xi32>
      %jit3A_452 = arith.constant 1.000000e+09 : f32
      %broadcast_in_dim3A_453 = vector.broadcast %jit3A_452 : f32 to vector<16xf32>
      %select_n3A_454 = arith.select %eq3A_451, %broadcast_in_dim3A_453, %select_n3A_313 : vector<16xi1>, vector<16xf32>
      %add3A_455 = arith.constant 64 : i32
      %add3A_456 = vector.broadcast %add3A_455 : i32 to vector<16xi32>
      %add3A_457 = arith.addi %add3A_456, %iota3A : vector<16xi32>
      %eq3A_458 = arith.cmpi eq, %add3A_457, %min3A_422 : vector<16xi32>
      %jit3A_459 = arith.constant 1.000000e+09 : f32
      %broadcast_in_dim3A_460 = vector.broadcast %jit3A_459 : f32 to vector<16xf32>
      %select_n3A_461 = arith.select %eq3A_458, %broadcast_in_dim3A_460, %select_n3A_320 : vector<16xi1>, vector<16xf32>
      %add3A_462 = arith.constant 80 : i32
      %add3A_463 = vector.broadcast %add3A_462 : i32 to vector<16xi32>
      %add3A_464 = arith.addi %add3A_463, %iota3A : vector<16xi32>
      %eq3A_465 = arith.cmpi eq, %add3A_464, %min3A_422 : vector<16xi32>
      %jit3A_466 = arith.constant 1.000000e+09 : f32
      %broadcast_in_dim3A_467 = vector.broadcast %jit3A_466 : f32 to vector<16xf32>
      %select_n3A_468 = arith.select %eq3A_465, %broadcast_in_dim3A_467, %select_n3A_327 : vector<16xi1>, vector<16xf32>
      %min3A_469 = arith.minimumf %select_n3A_433, %select_n3A_440 : vector<16xf32>
      %min3A_470 = arith.minimumf %min3A_469, %select_n3A_447 : vector<16xf32>
      %min3A_471 = arith.minimumf %min3A_470, %select_n3A_454 : vector<16xf32>
      %min3A_472 = arith.minimumf %min3A_471, %select_n3A_461 : vector<16xf32>
      %min3A_473 = arith.minimumf %min3A_472, %select_n3A_468 : vector<16xf32>
      %reduce_min3A_474 = arith.constant true
      %reduce_min3A_475 = vector.broadcast %reduce_min3A_474 : i1 to vector<16xi1>
      %reduce_min3A_476 = tpu.scan <min>, %min3A_473 masked %reduce_min3A_475 : vector<16xf32>, vector<16xi1> -> vector<16xf32>
      %reduce_min3A_477 = vector.extract %reduce_min3A_476[15] : f32 from vector<16xf32>
      %broadcast_in_dim3A_478 = arith.constant 32767 : i32
      %broadcast_in_dim3A_479 = vector.broadcast %broadcast_in_dim3A_478 : i32 to vector<16xi32>
      %eq3A_480 = vector.broadcast %reduce_min3A_477 : f32 to vector<16xf32>
      %eq3A_481 = arith.cmpf oeq, %select_n3A_433, %eq3A_480 : vector<16xf32>
      %all_reduce_population_count3A_482 = tpu.all_reduce %eq3A_481 {dim = 0 : i64, kind = #tpu.reduction_kind<sum>} : vector<16xi1> -> vector<16xi32>
      %all_reduce_ffs3A_483 = tpu.all_reduce %eq3A_481 {dim = 0 : i64, kind = #tpu.reduction_kind<find_first_set>} : vector<16xi1> -> vector<16xi32>
      %gt3A_484 = arith.constant 0 : i32
      %gt3A_485 = vector.broadcast %gt3A_484 : i32 to vector<16xi32>
      %gt3A_486 = arith.cmpi sgt, %all_reduce_population_count3A_482, %gt3A_485 : vector<16xi32>
      %add3A_487 = arith.constant 0 : i32
      %add3A_488 = vector.broadcast %add3A_487 : i32 to vector<16xi32>
      %add3A_489 = arith.addi %add3A_488, %all_reduce_ffs3A_483 : vector<16xi32>
      %jit3A_490 = arith.constant 32767 : i32
      %broadcast_in_dim3A_491 = vector.broadcast %jit3A_490 : i32 to vector<16xi32>
      %select_n3A_492 = arith.select %gt3A_486, %add3A_489, %broadcast_in_dim3A_491 : vector<16xi1>, vector<16xi32>
      %min3A_493 = arith.minsi %broadcast_in_dim3A_479, %select_n3A_492 : vector<16xi32>
      %eq3A_494 = vector.broadcast %reduce_min3A_477 : f32 to vector<16xf32>
      %eq3A_495 = arith.cmpf oeq, %select_n3A_440, %eq3A_494 : vector<16xf32>
      %all_reduce_population_count3A_496 = tpu.all_reduce %eq3A_495 {dim = 0 : i64, kind = #tpu.reduction_kind<sum>} : vector<16xi1> -> vector<16xi32>
      %all_reduce_ffs3A_497 = tpu.all_reduce %eq3A_495 {dim = 0 : i64, kind = #tpu.reduction_kind<find_first_set>} : vector<16xi1> -> vector<16xi32>
      %gt3A_498 = arith.constant 0 : i32
      %gt3A_499 = vector.broadcast %gt3A_498 : i32 to vector<16xi32>
      %gt3A_500 = arith.cmpi sgt, %all_reduce_population_count3A_496, %gt3A_499 : vector<16xi32>
      %add3A_501 = arith.constant 16 : i32
      %add3A_502 = vector.broadcast %add3A_501 : i32 to vector<16xi32>
      %add3A_503 = arith.addi %add3A_502, %all_reduce_ffs3A_497 : vector<16xi32>
      %jit3A_504 = arith.constant 32767 : i32
      %broadcast_in_dim3A_505 = vector.broadcast %jit3A_504 : i32 to vector<16xi32>
      %select_n3A_506 = arith.select %gt3A_500, %add3A_503, %broadcast_in_dim3A_505 : vector<16xi1>, vector<16xi32>
      %min3A_507 = arith.minsi %min3A_493, %select_n3A_506 : vector<16xi32>
      %eq3A_508 = vector.broadcast %reduce_min3A_477 : f32 to vector<16xf32>
      %eq3A_509 = arith.cmpf oeq, %select_n3A_447, %eq3A_508 : vector<16xf32>
      %all_reduce_population_count3A_510 = tpu.all_reduce %eq3A_509 {dim = 0 : i64, kind = #tpu.reduction_kind<sum>} : vector<16xi1> -> vector<16xi32>
      %all_reduce_ffs3A_511 = tpu.all_reduce %eq3A_509 {dim = 0 : i64, kind = #tpu.reduction_kind<find_first_set>} : vector<16xi1> -> vector<16xi32>
      %gt3A_512 = arith.constant 0 : i32
      %gt3A_513 = vector.broadcast %gt3A_512 : i32 to vector<16xi32>
      %gt3A_514 = arith.cmpi sgt, %all_reduce_population_count3A_510, %gt3A_513 : vector<16xi32>
      %add3A_515 = arith.constant 32 : i32
      %add3A_516 = vector.broadcast %add3A_515 : i32 to vector<16xi32>
      %add3A_517 = arith.addi %add3A_516, %all_reduce_ffs3A_511 : vector<16xi32>
      %jit3A_518 = arith.constant 32767 : i32
      %broadcast_in_dim3A_519 = vector.broadcast %jit3A_518 : i32 to vector<16xi32>
      %select_n3A_520 = arith.select %gt3A_514, %add3A_517, %broadcast_in_dim3A_519 : vector<16xi1>, vector<16xi32>
      %min3A_521 = arith.minsi %min3A_507, %select_n3A_520 : vector<16xi32>
      %eq3A_522 = vector.broadcast %reduce_min3A_477 : f32 to vector<16xf32>
      %eq3A_523 = arith.cmpf oeq, %select_n3A_454, %eq3A_522 : vector<16xf32>
      %all_reduce_population_count3A_524 = tpu.all_reduce %eq3A_523 {dim = 0 : i64, kind = #tpu.reduction_kind<sum>} : vector<16xi1> -> vector<16xi32>
      %all_reduce_ffs3A_525 = tpu.all_reduce %eq3A_523 {dim = 0 : i64, kind = #tpu.reduction_kind<find_first_set>} : vector<16xi1> -> vector<16xi32>
      %gt3A_526 = arith.constant 0 : i32
      %gt3A_527 = vector.broadcast %gt3A_526 : i32 to vector<16xi32>
      %gt3A_528 = arith.cmpi sgt, %all_reduce_population_count3A_524, %gt3A_527 : vector<16xi32>
      %add3A_529 = arith.constant 48 : i32
      %add3A_530 = vector.broadcast %add3A_529 : i32 to vector<16xi32>
      %add3A_531 = arith.addi %add3A_530, %all_reduce_ffs3A_525 : vector<16xi32>
      %jit3A_532 = arith.constant 32767 : i32
      %broadcast_in_dim3A_533 = vector.broadcast %jit3A_532 : i32 to vector<16xi32>
      %select_n3A_534 = arith.select %gt3A_528, %add3A_531, %broadcast_in_dim3A_533 : vector<16xi1>, vector<16xi32>
      %min3A_535 = arith.minsi %min3A_521, %select_n3A_534 : vector<16xi32>
      %eq3A_536 = vector.broadcast %reduce_min3A_477 : f32 to vector<16xf32>
      %eq3A_537 = arith.cmpf oeq, %select_n3A_461, %eq3A_536 : vector<16xf32>
      %all_reduce_population_count3A_538 = tpu.all_reduce %eq3A_537 {dim = 0 : i64, kind = #tpu.reduction_kind<sum>} : vector<16xi1> -> vector<16xi32>
      %all_reduce_ffs3A_539 = tpu.all_reduce %eq3A_537 {dim = 0 : i64, kind = #tpu.reduction_kind<find_first_set>} : vector<16xi1> -> vector<16xi32>
      %gt3A_540 = arith.constant 0 : i32
      %gt3A_541 = vector.broadcast %gt3A_540 : i32 to vector<16xi32>
      %gt3A_542 = arith.cmpi sgt, %all_reduce_population_count3A_538, %gt3A_541 : vector<16xi32>
      %add3A_543 = arith.constant 64 : i32
      %add3A_544 = vector.broadcast %add3A_543 : i32 to vector<16xi32>
      %add3A_545 = arith.addi %add3A_544, %all_reduce_ffs3A_539 : vector<16xi32>
      %jit3A_546 = arith.constant 32767 : i32
      %broadcast_in_dim3A_547 = vector.broadcast %jit3A_546 : i32 to vector<16xi32>
      %select_n3A_548 = arith.select %gt3A_542, %add3A_545, %broadcast_in_dim3A_547 : vector<16xi1>, vector<16xi32>
      %min3A_549 = arith.minsi %min3A_535, %select_n3A_548 : vector<16xi32>
      %eq3A_550 = vector.broadcast %reduce_min3A_477 : f32 to vector<16xf32>
      %eq3A_551 = arith.cmpf oeq, %select_n3A_468, %eq3A_550 : vector<16xf32>
      %all_reduce_population_count3A_552 = tpu.all_reduce %eq3A_551 {dim = 0 : i64, kind = #tpu.reduction_kind<sum>} : vector<16xi1> -> vector<16xi32>
      %all_reduce_ffs3A_553 = tpu.all_reduce %eq3A_551 {dim = 0 : i64, kind = #tpu.reduction_kind<find_first_set>} : vector<16xi1> -> vector<16xi32>
      %gt3A_554 = arith.constant 0 : i32
      %gt3A_555 = vector.broadcast %gt3A_554 : i32 to vector<16xi32>
      %gt3A_556 = arith.cmpi sgt, %all_reduce_population_count3A_552, %gt3A_555 : vector<16xi32>
      %add3A_557 = arith.constant 80 : i32
      %add3A_558 = vector.broadcast %add3A_557 : i32 to vector<16xi32>
      %add3A_559 = arith.addi %add3A_558, %all_reduce_ffs3A_553 : vector<16xi32>
      %jit3A_560 = arith.constant 32767 : i32
      %broadcast_in_dim3A_561 = vector.broadcast %jit3A_560 : i32 to vector<16xi32>
      %select_n3A_562 = arith.select %gt3A_556, %add3A_559, %broadcast_in_dim3A_561 : vector<16xi1>, vector<16xi32>
      %min3A_563 = arith.minsi %min3A_549, %select_n3A_562 : vector<16xi32>
      %eq3A_564 = arith.constant 3 : i32
      %eq3A_565 = vector.broadcast %eq3A_564 : i32 to vector<16xi32>
      %eq3A_566 = arith.cmpi eq, %iota3A, %eq3A_565 : vector<16xi32>
      %select_n3A_567 = arith.select %eq3A_566, %min3A_563, %select_n3A_426 : vector<16xi1>, vector<16xi32>
      %add3A_568 = arith.constant 0 : i32
      %add3A_569 = vector.broadcast %add3A_568 : i32 to vector<16xi32>
      %add3A_570 = arith.addi %add3A_569, %iota3A : vector<16xi32>
      %eq3A_571 = arith.cmpi eq, %add3A_570, %min3A_563 : vector<16xi32>
      %jit3A_572 = arith.constant 1.000000e+09 : f32
      %broadcast_in_dim3A_573 = vector.broadcast %jit3A_572 : f32 to vector<16xf32>
      %select_n3A_574 = arith.select %eq3A_571, %broadcast_in_dim3A_573, %select_n3A_433 : vector<16xi1>, vector<16xf32>
      %add3A_575 = arith.constant 16 : i32
      %add3A_576 = vector.broadcast %add3A_575 : i32 to vector<16xi32>
      %add3A_577 = arith.addi %add3A_576, %iota3A : vector<16xi32>
      %eq3A_578 = arith.cmpi eq, %add3A_577, %min3A_563 : vector<16xi32>
      %jit3A_579 = arith.constant 1.000000e+09 : f32
      %broadcast_in_dim3A_580 = vector.broadcast %jit3A_579 : f32 to vector<16xf32>
      %select_n3A_581 = arith.select %eq3A_578, %broadcast_in_dim3A_580, %select_n3A_440 : vector<16xi1>, vector<16xf32>
      %add3A_582 = arith.constant 32 : i32
      %add3A_583 = vector.broadcast %add3A_582 : i32 to vector<16xi32>
      %add3A_584 = arith.addi %add3A_583, %iota3A : vector<16xi32>
      %eq3A_585 = arith.cmpi eq, %add3A_584, %min3A_563 : vector<16xi32>
      %jit3A_586 = arith.constant 1.000000e+09 : f32
      %broadcast_in_dim3A_587 = vector.broadcast %jit3A_586 : f32 to vector<16xf32>
      %select_n3A_588 = arith.select %eq3A_585, %broadcast_in_dim3A_587, %select_n3A_447 : vector<16xi1>, vector<16xf32>
      %add3A_589 = arith.constant 48 : i32
      %add3A_590 = vector.broadcast %add3A_589 : i32 to vector<16xi32>
      %add3A_591 = arith.addi %add3A_590, %iota3A : vector<16xi32>
      %eq3A_592 = arith.cmpi eq, %add3A_591, %min3A_563 : vector<16xi32>
      %jit3A_593 = arith.constant 1.000000e+09 : f32
      %broadcast_in_dim3A_594 = vector.broadcast %jit3A_593 : f32 to vector<16xf32>
      %select_n3A_595 = arith.select %eq3A_592, %broadcast_in_dim3A_594, %select_n3A_454 : vector<16xi1>, vector<16xf32>
      %add3A_596 = arith.constant 64 : i32
      %add3A_597 = vector.broadcast %add3A_596 : i32 to vector<16xi32>
      %add3A_598 = arith.addi %add3A_597, %iota3A : vector<16xi32>
      %eq3A_599 = arith.cmpi eq, %add3A_598, %min3A_563 : vector<16xi32>
      %jit3A_600 = arith.constant 1.000000e+09 : f32
      %broadcast_in_dim3A_601 = vector.broadcast %jit3A_600 : f32 to vector<16xf32>
      %select_n3A_602 = arith.select %eq3A_599, %broadcast_in_dim3A_601, %select_n3A_461 : vector<16xi1>, vector<16xf32>
      %add3A_603 = arith.constant 80 : i32
      %add3A_604 = vector.broadcast %add3A_603 : i32 to vector<16xi32>
      %add3A_605 = arith.addi %add3A_604, %iota3A : vector<16xi32>
      %eq3A_606 = arith.cmpi eq, %add3A_605, %min3A_563 : vector<16xi32>
      %jit3A_607 = arith.constant 1.000000e+09 : f32
      %broadcast_in_dim3A_608 = vector.broadcast %jit3A_607 : f32 to vector<16xf32>
      %select_n3A_609 = arith.select %eq3A_606, %broadcast_in_dim3A_608, %select_n3A_468 : vector<16xi1>, vector<16xf32>
      %min3A_610 = arith.minimumf %select_n3A_574, %select_n3A_581 : vector<16xf32>
      %min3A_611 = arith.minimumf %min3A_610, %select_n3A_588 : vector<16xf32>
      %min3A_612 = arith.minimumf %min3A_611, %select_n3A_595 : vector<16xf32>
      %min3A_613 = arith.minimumf %min3A_612, %select_n3A_602 : vector<16xf32>
      %min3A_614 = arith.minimumf %min3A_613, %select_n3A_609 : vector<16xf32>
      %reduce_min3A_615 = arith.constant true
      %reduce_min3A_616 = vector.broadcast %reduce_min3A_615 : i1 to vector<16xi1>
      %reduce_min3A_617 = tpu.scan <min>, %min3A_614 masked %reduce_min3A_616 : vector<16xf32>, vector<16xi1> -> vector<16xf32>
      %reduce_min3A_618 = vector.extract %reduce_min3A_617[15] : f32 from vector<16xf32>
      %broadcast_in_dim3A_619 = arith.constant 32767 : i32
      %broadcast_in_dim3A_620 = vector.broadcast %broadcast_in_dim3A_619 : i32 to vector<16xi32>
      %eq3A_621 = vector.broadcast %reduce_min3A_618 : f32 to vector<16xf32>
      %eq3A_622 = arith.cmpf oeq, %select_n3A_574, %eq3A_621 : vector<16xf32>
      %all_reduce_population_count3A_623 = tpu.all_reduce %eq3A_622 {dim = 0 : i64, kind = #tpu.reduction_kind<sum>} : vector<16xi1> -> vector<16xi32>
      %all_reduce_ffs3A_624 = tpu.all_reduce %eq3A_622 {dim = 0 : i64, kind = #tpu.reduction_kind<find_first_set>} : vector<16xi1> -> vector<16xi32>
      %gt3A_625 = arith.constant 0 : i32
      %gt3A_626 = vector.broadcast %gt3A_625 : i32 to vector<16xi32>
      %gt3A_627 = arith.cmpi sgt, %all_reduce_population_count3A_623, %gt3A_626 : vector<16xi32>
      %add3A_628 = arith.constant 0 : i32
      %add3A_629 = vector.broadcast %add3A_628 : i32 to vector<16xi32>
      %add3A_630 = arith.addi %add3A_629, %all_reduce_ffs3A_624 : vector<16xi32>
      %jit3A_631 = arith.constant 32767 : i32
      %broadcast_in_dim3A_632 = vector.broadcast %jit3A_631 : i32 to vector<16xi32>
      %select_n3A_633 = arith.select %gt3A_627, %add3A_630, %broadcast_in_dim3A_632 : vector<16xi1>, vector<16xi32>
      %min3A_634 = arith.minsi %broadcast_in_dim3A_620, %select_n3A_633 : vector<16xi32>
      %eq3A_635 = vector.broadcast %reduce_min3A_618 : f32 to vector<16xf32>
      %eq3A_636 = arith.cmpf oeq, %select_n3A_581, %eq3A_635 : vector<16xf32>
      %all_reduce_population_count3A_637 = tpu.all_reduce %eq3A_636 {dim = 0 : i64, kind = #tpu.reduction_kind<sum>} : vector<16xi1> -> vector<16xi32>
      %all_reduce_ffs3A_638 = tpu.all_reduce %eq3A_636 {dim = 0 : i64, kind = #tpu.reduction_kind<find_first_set>} : vector<16xi1> -> vector<16xi32>
      %gt3A_639 = arith.constant 0 : i32
      %gt3A_640 = vector.broadcast %gt3A_639 : i32 to vector<16xi32>
      %gt3A_641 = arith.cmpi sgt, %all_reduce_population_count3A_637, %gt3A_640 : vector<16xi32>
      %add3A_642 = arith.constant 16 : i32
      %add3A_643 = vector.broadcast %add3A_642 : i32 to vector<16xi32>
      %add3A_644 = arith.addi %add3A_643, %all_reduce_ffs3A_638 : vector<16xi32>
      %jit3A_645 = arith.constant 32767 : i32
      %broadcast_in_dim3A_646 = vector.broadcast %jit3A_645 : i32 to vector<16xi32>
      %select_n3A_647 = arith.select %gt3A_641, %add3A_644, %broadcast_in_dim3A_646 : vector<16xi1>, vector<16xi32>
      %min3A_648 = arith.minsi %min3A_634, %select_n3A_647 : vector<16xi32>
      %eq3A_649 = vector.broadcast %reduce_min3A_618 : f32 to vector<16xf32>
      %eq3A_650 = arith.cmpf oeq, %select_n3A_588, %eq3A_649 : vector<16xf32>
      %all_reduce_population_count3A_651 = tpu.all_reduce %eq3A_650 {dim = 0 : i64, kind = #tpu.reduction_kind<sum>} : vector<16xi1> -> vector<16xi32>
      %all_reduce_ffs3A_652 = tpu.all_reduce %eq3A_650 {dim = 0 : i64, kind = #tpu.reduction_kind<find_first_set>} : vector<16xi1> -> vector<16xi32>
      %gt3A_653 = arith.constant 0 : i32
      %gt3A_654 = vector.broadcast %gt3A_653 : i32 to vector<16xi32>
      %gt3A_655 = arith.cmpi sgt, %all_reduce_population_count3A_651, %gt3A_654 : vector<16xi32>
      %add3A_656 = arith.constant 32 : i32
      %add3A_657 = vector.broadcast %add3A_656 : i32 to vector<16xi32>
      %add3A_658 = arith.addi %add3A_657, %all_reduce_ffs3A_652 : vector<16xi32>
      %jit3A_659 = arith.constant 32767 : i32
      %broadcast_in_dim3A_660 = vector.broadcast %jit3A_659 : i32 to vector<16xi32>
      %select_n3A_661 = arith.select %gt3A_655, %add3A_658, %broadcast_in_dim3A_660 : vector<16xi1>, vector<16xi32>
      %min3A_662 = arith.minsi %min3A_648, %select_n3A_661 : vector<16xi32>
      %eq3A_663 = vector.broadcast %reduce_min3A_618 : f32 to vector<16xf32>
      %eq3A_664 = arith.cmpf oeq, %select_n3A_595, %eq3A_663 : vector<16xf32>
      %all_reduce_population_count3A_665 = tpu.all_reduce %eq3A_664 {dim = 0 : i64, kind = #tpu.reduction_kind<sum>} : vector<16xi1> -> vector<16xi32>
      %all_reduce_ffs3A_666 = tpu.all_reduce %eq3A_664 {dim = 0 : i64, kind = #tpu.reduction_kind<find_first_set>} : vector<16xi1> -> vector<16xi32>
      %gt3A_667 = arith.constant 0 : i32
      %gt3A_668 = vector.broadcast %gt3A_667 : i32 to vector<16xi32>
      %gt3A_669 = arith.cmpi sgt, %all_reduce_population_count3A_665, %gt3A_668 : vector<16xi32>
      %add3A_670 = arith.constant 48 : i32
      %add3A_671 = vector.broadcast %add3A_670 : i32 to vector<16xi32>
      %add3A_672 = arith.addi %add3A_671, %all_reduce_ffs3A_666 : vector<16xi32>
      %jit3A_673 = arith.constant 32767 : i32
      %broadcast_in_dim3A_674 = vector.broadcast %jit3A_673 : i32 to vector<16xi32>
      %select_n3A_675 = arith.select %gt3A_669, %add3A_672, %broadcast_in_dim3A_674 : vector<16xi1>, vector<16xi32>
      %min3A_676 = arith.minsi %min3A_662, %select_n3A_675 : vector<16xi32>
      %eq3A_677 = vector.broadcast %reduce_min3A_618 : f32 to vector<16xf32>
      %eq3A_678 = arith.cmpf oeq, %select_n3A_602, %eq3A_677 : vector<16xf32>
      %all_reduce_population_count3A_679 = tpu.all_reduce %eq3A_678 {dim = 0 : i64, kind = #tpu.reduction_kind<sum>} : vector<16xi1> -> vector<16xi32>
      %all_reduce_ffs3A_680 = tpu.all_reduce %eq3A_678 {dim = 0 : i64, kind = #tpu.reduction_kind<find_first_set>} : vector<16xi1> -> vector<16xi32>
      %gt3A_681 = arith.constant 0 : i32
      %gt3A_682 = vector.broadcast %gt3A_681 : i32 to vector<16xi32>
      %gt3A_683 = arith.cmpi sgt, %all_reduce_population_count3A_679, %gt3A_682 : vector<16xi32>
      %add3A_684 = arith.constant 64 : i32
      %add3A_685 = vector.broadcast %add3A_684 : i32 to vector<16xi32>
      %add3A_686 = arith.addi %add3A_685, %all_reduce_ffs3A_680 : vector<16xi32>
      %jit3A_687 = arith.constant 32767 : i32
      %broadcast_in_dim3A_688 = vector.broadcast %jit3A_687 : i32 to vector<16xi32>
      %select_n3A_689 = arith.select %gt3A_683, %add3A_686, %broadcast_in_dim3A_688 : vector<16xi1>, vector<16xi32>
      %min3A_690 = arith.minsi %min3A_676, %select_n3A_689 : vector<16xi32>
      %eq3A_691 = vector.broadcast %reduce_min3A_618 : f32 to vector<16xf32>
      %eq3A_692 = arith.cmpf oeq, %select_n3A_609, %eq3A_691 : vector<16xf32>
      %all_reduce_population_count3A_693 = tpu.all_reduce %eq3A_692 {dim = 0 : i64, kind = #tpu.reduction_kind<sum>} : vector<16xi1> -> vector<16xi32>
      %all_reduce_ffs3A_694 = tpu.all_reduce %eq3A_692 {dim = 0 : i64, kind = #tpu.reduction_kind<find_first_set>} : vector<16xi1> -> vector<16xi32>
      %gt3A_695 = arith.constant 0 : i32
      %gt3A_696 = vector.broadcast %gt3A_695 : i32 to vector<16xi32>
      %gt3A_697 = arith.cmpi sgt, %all_reduce_population_count3A_693, %gt3A_696 : vector<16xi32>
      %add3A_698 = arith.constant 80 : i32
      %add3A_699 = vector.broadcast %add3A_698 : i32 to vector<16xi32>
      %add3A_700 = arith.addi %add3A_699, %all_reduce_ffs3A_694 : vector<16xi32>
      %jit3A_701 = arith.constant 32767 : i32
      %broadcast_in_dim3A_702 = vector.broadcast %jit3A_701 : i32 to vector<16xi32>
      %select_n3A_703 = arith.select %gt3A_697, %add3A_700, %broadcast_in_dim3A_702 : vector<16xi1>, vector<16xi32>
      %min3A_704 = arith.minsi %min3A_690, %select_n3A_703 : vector<16xi32>
      %eq3A_705 = arith.constant 4 : i32
      %eq3A_706 = vector.broadcast %eq3A_705 : i32 to vector<16xi32>
      %eq3A_707 = arith.cmpi eq, %iota3A, %eq3A_706 : vector<16xi32>
      %select_n3A_708 = arith.select %eq3A_707, %min3A_704, %select_n3A_567 : vector<16xi1>, vector<16xi32>
      %add3A_709 = arith.constant 0 : i32
      %add3A_710 = vector.broadcast %add3A_709 : i32 to vector<16xi32>
      %add3A_711 = arith.addi %add3A_710, %iota3A : vector<16xi32>
      %eq3A_712 = arith.cmpi eq, %add3A_711, %min3A_704 : vector<16xi32>
      %jit3A_713 = arith.constant 1.000000e+09 : f32
      %broadcast_in_dim3A_714 = vector.broadcast %jit3A_713 : f32 to vector<16xf32>
      %select_n3A_715 = arith.select %eq3A_712, %broadcast_in_dim3A_714, %select_n3A_574 : vector<16xi1>, vector<16xf32>
      %add3A_716 = arith.constant 16 : i32
      %add3A_717 = vector.broadcast %add3A_716 : i32 to vector<16xi32>
      %add3A_718 = arith.addi %add3A_717, %iota3A : vector<16xi32>
      %eq3A_719 = arith.cmpi eq, %add3A_718, %min3A_704 : vector<16xi32>
      %jit3A_720 = arith.constant 1.000000e+09 : f32
      %broadcast_in_dim3A_721 = vector.broadcast %jit3A_720 : f32 to vector<16xf32>
      %select_n3A_722 = arith.select %eq3A_719, %broadcast_in_dim3A_721, %select_n3A_581 : vector<16xi1>, vector<16xf32>
      %add3A_723 = arith.constant 32 : i32
      %add3A_724 = vector.broadcast %add3A_723 : i32 to vector<16xi32>
      %add3A_725 = arith.addi %add3A_724, %iota3A : vector<16xi32>
      %eq3A_726 = arith.cmpi eq, %add3A_725, %min3A_704 : vector<16xi32>
      %jit3A_727 = arith.constant 1.000000e+09 : f32
      %broadcast_in_dim3A_728 = vector.broadcast %jit3A_727 : f32 to vector<16xf32>
      %select_n3A_729 = arith.select %eq3A_726, %broadcast_in_dim3A_728, %select_n3A_588 : vector<16xi1>, vector<16xf32>
      %add3A_730 = arith.constant 48 : i32
      %add3A_731 = vector.broadcast %add3A_730 : i32 to vector<16xi32>
      %add3A_732 = arith.addi %add3A_731, %iota3A : vector<16xi32>
      %eq3A_733 = arith.cmpi eq, %add3A_732, %min3A_704 : vector<16xi32>
      %jit3A_734 = arith.constant 1.000000e+09 : f32
      %broadcast_in_dim3A_735 = vector.broadcast %jit3A_734 : f32 to vector<16xf32>
      %select_n3A_736 = arith.select %eq3A_733, %broadcast_in_dim3A_735, %select_n3A_595 : vector<16xi1>, vector<16xf32>
      %add3A_737 = arith.constant 64 : i32
      %add3A_738 = vector.broadcast %add3A_737 : i32 to vector<16xi32>
      %add3A_739 = arith.addi %add3A_738, %iota3A : vector<16xi32>
      %eq3A_740 = arith.cmpi eq, %add3A_739, %min3A_704 : vector<16xi32>
      %jit3A_741 = arith.constant 1.000000e+09 : f32
      %broadcast_in_dim3A_742 = vector.broadcast %jit3A_741 : f32 to vector<16xf32>
      %select_n3A_743 = arith.select %eq3A_740, %broadcast_in_dim3A_742, %select_n3A_602 : vector<16xi1>, vector<16xf32>
      %add3A_744 = arith.constant 80 : i32
      %add3A_745 = vector.broadcast %add3A_744 : i32 to vector<16xi32>
      %add3A_746 = arith.addi %add3A_745, %iota3A : vector<16xi32>
      %eq3A_747 = arith.cmpi eq, %add3A_746, %min3A_704 : vector<16xi32>
      %jit3A_748 = arith.constant 1.000000e+09 : f32
      %broadcast_in_dim3A_749 = vector.broadcast %jit3A_748 : f32 to vector<16xf32>
      %select_n3A_750 = arith.select %eq3A_747, %broadcast_in_dim3A_749, %select_n3A_609 : vector<16xi1>, vector<16xf32>
      %min3A_751 = arith.minimumf %select_n3A_715, %select_n3A_722 : vector<16xf32>
      %min3A_752 = arith.minimumf %min3A_751, %select_n3A_729 : vector<16xf32>
      %min3A_753 = arith.minimumf %min3A_752, %select_n3A_736 : vector<16xf32>
      %min3A_754 = arith.minimumf %min3A_753, %select_n3A_743 : vector<16xf32>
      %min3A_755 = arith.minimumf %min3A_754, %select_n3A_750 : vector<16xf32>
      %reduce_min3A_756 = arith.constant true
      %reduce_min3A_757 = vector.broadcast %reduce_min3A_756 : i1 to vector<16xi1>
      %reduce_min3A_758 = tpu.scan <min>, %min3A_755 masked %reduce_min3A_757 : vector<16xf32>, vector<16xi1> -> vector<16xf32>
      %reduce_min3A_759 = vector.extract %reduce_min3A_758[15] : f32 from vector<16xf32>
      %broadcast_in_dim3A_760 = arith.constant 32767 : i32
      %broadcast_in_dim3A_761 = vector.broadcast %broadcast_in_dim3A_760 : i32 to vector<16xi32>
      %eq3A_762 = vector.broadcast %reduce_min3A_759 : f32 to vector<16xf32>
      %eq3A_763 = arith.cmpf oeq, %select_n3A_715, %eq3A_762 : vector<16xf32>
      %all_reduce_population_count3A_764 = tpu.all_reduce %eq3A_763 {dim = 0 : i64, kind = #tpu.reduction_kind<sum>} : vector<16xi1> -> vector<16xi32>
      %all_reduce_ffs3A_765 = tpu.all_reduce %eq3A_763 {dim = 0 : i64, kind = #tpu.reduction_kind<find_first_set>} : vector<16xi1> -> vector<16xi32>
      %gt3A_766 = arith.constant 0 : i32
      %gt3A_767 = vector.broadcast %gt3A_766 : i32 to vector<16xi32>
      %gt3A_768 = arith.cmpi sgt, %all_reduce_population_count3A_764, %gt3A_767 : vector<16xi32>
      %add3A_769 = arith.constant 0 : i32
      %add3A_770 = vector.broadcast %add3A_769 : i32 to vector<16xi32>
      %add3A_771 = arith.addi %add3A_770, %all_reduce_ffs3A_765 : vector<16xi32>
      %jit3A_772 = arith.constant 32767 : i32
      %broadcast_in_dim3A_773 = vector.broadcast %jit3A_772 : i32 to vector<16xi32>
      %select_n3A_774 = arith.select %gt3A_768, %add3A_771, %broadcast_in_dim3A_773 : vector<16xi1>, vector<16xi32>
      %min3A_775 = arith.minsi %broadcast_in_dim3A_761, %select_n3A_774 : vector<16xi32>
      %eq3A_776 = vector.broadcast %reduce_min3A_759 : f32 to vector<16xf32>
      %eq3A_777 = arith.cmpf oeq, %select_n3A_722, %eq3A_776 : vector<16xf32>
      %all_reduce_population_count3A_778 = tpu.all_reduce %eq3A_777 {dim = 0 : i64, kind = #tpu.reduction_kind<sum>} : vector<16xi1> -> vector<16xi32>
      %all_reduce_ffs3A_779 = tpu.all_reduce %eq3A_777 {dim = 0 : i64, kind = #tpu.reduction_kind<find_first_set>} : vector<16xi1> -> vector<16xi32>
      %gt3A_780 = arith.constant 0 : i32
      %gt3A_781 = vector.broadcast %gt3A_780 : i32 to vector<16xi32>
      %gt3A_782 = arith.cmpi sgt, %all_reduce_population_count3A_778, %gt3A_781 : vector<16xi32>
      %add3A_783 = arith.constant 16 : i32
      %add3A_784 = vector.broadcast %add3A_783 : i32 to vector<16xi32>
      %add3A_785 = arith.addi %add3A_784, %all_reduce_ffs3A_779 : vector<16xi32>
      %jit3A_786 = arith.constant 32767 : i32
      %broadcast_in_dim3A_787 = vector.broadcast %jit3A_786 : i32 to vector<16xi32>
      %select_n3A_788 = arith.select %gt3A_782, %add3A_785, %broadcast_in_dim3A_787 : vector<16xi1>, vector<16xi32>
      %min3A_789 = arith.minsi %min3A_775, %select_n3A_788 : vector<16xi32>
      %eq3A_790 = vector.broadcast %reduce_min3A_759 : f32 to vector<16xf32>
      %eq3A_791 = arith.cmpf oeq, %select_n3A_729, %eq3A_790 : vector<16xf32>
      %all_reduce_population_count3A_792 = tpu.all_reduce %eq3A_791 {dim = 0 : i64, kind = #tpu.reduction_kind<sum>} : vector<16xi1> -> vector<16xi32>
      %all_reduce_ffs3A_793 = tpu.all_reduce %eq3A_791 {dim = 0 : i64, kind = #tpu.reduction_kind<find_first_set>} : vector<16xi1> -> vector<16xi32>
      %gt3A_794 = arith.constant 0 : i32
      %gt3A_795 = vector.broadcast %gt3A_794 : i32 to vector<16xi32>
      %gt3A_796 = arith.cmpi sgt, %all_reduce_population_count3A_792, %gt3A_795 : vector<16xi32>
      %add3A_797 = arith.constant 32 : i32
      %add3A_798 = vector.broadcast %add3A_797 : i32 to vector<16xi32>
      %add3A_799 = arith.addi %add3A_798, %all_reduce_ffs3A_793 : vector<16xi32>
      %jit3A_800 = arith.constant 32767 : i32
      %broadcast_in_dim3A_801 = vector.broadcast %jit3A_800 : i32 to vector<16xi32>
      %select_n3A_802 = arith.select %gt3A_796, %add3A_799, %broadcast_in_dim3A_801 : vector<16xi1>, vector<16xi32>
      %min3A_803 = arith.minsi %min3A_789, %select_n3A_802 : vector<16xi32>
      %eq3A_804 = vector.broadcast %reduce_min3A_759 : f32 to vector<16xf32>
      %eq3A_805 = arith.cmpf oeq, %select_n3A_736, %eq3A_804 : vector<16xf32>
      %all_reduce_population_count3A_806 = tpu.all_reduce %eq3A_805 {dim = 0 : i64, kind = #tpu.reduction_kind<sum>} : vector<16xi1> -> vector<16xi32>
      %all_reduce_ffs3A_807 = tpu.all_reduce %eq3A_805 {dim = 0 : i64, kind = #tpu.reduction_kind<find_first_set>} : vector<16xi1> -> vector<16xi32>
      %gt3A_808 = arith.constant 0 : i32
      %gt3A_809 = vector.broadcast %gt3A_808 : i32 to vector<16xi32>
      %gt3A_810 = arith.cmpi sgt, %all_reduce_population_count3A_806, %gt3A_809 : vector<16xi32>
      %add3A_811 = arith.constant 48 : i32
      %add3A_812 = vector.broadcast %add3A_811 : i32 to vector<16xi32>
      %add3A_813 = arith.addi %add3A_812, %all_reduce_ffs3A_807 : vector<16xi32>
      %jit3A_814 = arith.constant 32767 : i32
      %broadcast_in_dim3A_815 = vector.broadcast %jit3A_814 : i32 to vector<16xi32>
      %select_n3A_816 = arith.select %gt3A_810, %add3A_813, %broadcast_in_dim3A_815 : vector<16xi1>, vector<16xi32>
      %min3A_817 = arith.minsi %min3A_803, %select_n3A_816 : vector<16xi32>
      %eq3A_818 = vector.broadcast %reduce_min3A_759 : f32 to vector<16xf32>
      %eq3A_819 = arith.cmpf oeq, %select_n3A_743, %eq3A_818 : vector<16xf32>
      %all_reduce_population_count3A_820 = tpu.all_reduce %eq3A_819 {dim = 0 : i64, kind = #tpu.reduction_kind<sum>} : vector<16xi1> -> vector<16xi32>
      %all_reduce_ffs3A_821 = tpu.all_reduce %eq3A_819 {dim = 0 : i64, kind = #tpu.reduction_kind<find_first_set>} : vector<16xi1> -> vector<16xi32>
      %gt3A_822 = arith.constant 0 : i32
      %gt3A_823 = vector.broadcast %gt3A_822 : i32 to vector<16xi32>
      %gt3A_824 = arith.cmpi sgt, %all_reduce_population_count3A_820, %gt3A_823 : vector<16xi32>
      %add3A_825 = arith.constant 64 : i32
      %add3A_826 = vector.broadcast %add3A_825 : i32 to vector<16xi32>
      %add3A_827 = arith.addi %add3A_826, %all_reduce_ffs3A_821 : vector<16xi32>
      %jit3A_828 = arith.constant 32767 : i32
      %broadcast_in_dim3A_829 = vector.broadcast %jit3A_828 : i32 to vector<16xi32>
      %select_n3A_830 = arith.select %gt3A_824, %add3A_827, %broadcast_in_dim3A_829 : vector<16xi1>, vector<16xi32>
      %min3A_831 = arith.minsi %min3A_817, %select_n3A_830 : vector<16xi32>
      %eq3A_832 = vector.broadcast %reduce_min3A_759 : f32 to vector<16xf32>
      %eq3A_833 = arith.cmpf oeq, %select_n3A_750, %eq3A_832 : vector<16xf32>
      %all_reduce_population_count3A_834 = tpu.all_reduce %eq3A_833 {dim = 0 : i64, kind = #tpu.reduction_kind<sum>} : vector<16xi1> -> vector<16xi32>
      %all_reduce_ffs3A_835 = tpu.all_reduce %eq3A_833 {dim = 0 : i64, kind = #tpu.reduction_kind<find_first_set>} : vector<16xi1> -> vector<16xi32>
      %gt3A_836 = arith.constant 0 : i32
      %gt3A_837 = vector.broadcast %gt3A_836 : i32 to vector<16xi32>
      %gt3A_838 = arith.cmpi sgt, %all_reduce_population_count3A_834, %gt3A_837 : vector<16xi32>
      %add3A_839 = arith.constant 80 : i32
      %add3A_840 = vector.broadcast %add3A_839 : i32 to vector<16xi32>
      %add3A_841 = arith.addi %add3A_840, %all_reduce_ffs3A_835 : vector<16xi32>
      %jit3A_842 = arith.constant 32767 : i32
      %broadcast_in_dim3A_843 = vector.broadcast %jit3A_842 : i32 to vector<16xi32>
      %select_n3A_844 = arith.select %gt3A_838, %add3A_841, %broadcast_in_dim3A_843 : vector<16xi1>, vector<16xi32>
      %min3A_845 = arith.minsi %min3A_831, %select_n3A_844 : vector<16xi32>
      %eq3A_846 = arith.constant 5 : i32
      %eq3A_847 = vector.broadcast %eq3A_846 : i32 to vector<16xi32>
      %eq3A_848 = arith.cmpi eq, %iota3A, %eq3A_847 : vector<16xi32>
      %select_n3A_849 = arith.select %eq3A_848, %min3A_845, %select_n3A_708 : vector<16xi1>, vector<16xi32>
      %add3A_850 = arith.constant 0 : i32
      %add3A_851 = vector.broadcast %add3A_850 : i32 to vector<16xi32>
      %add3A_852 = arith.addi %add3A_851, %iota3A : vector<16xi32>
      %eq3A_853 = arith.cmpi eq, %add3A_852, %min3A_845 : vector<16xi32>
      %jit3A_854 = arith.constant 1.000000e+09 : f32
      %broadcast_in_dim3A_855 = vector.broadcast %jit3A_854 : f32 to vector<16xf32>
      %select_n3A_856 = arith.select %eq3A_853, %broadcast_in_dim3A_855, %select_n3A_715 : vector<16xi1>, vector<16xf32>
      %add3A_857 = arith.constant 16 : i32
      %add3A_858 = vector.broadcast %add3A_857 : i32 to vector<16xi32>
      %add3A_859 = arith.addi %add3A_858, %iota3A : vector<16xi32>
      %eq3A_860 = arith.cmpi eq, %add3A_859, %min3A_845 : vector<16xi32>
      %jit3A_861 = arith.constant 1.000000e+09 : f32
      %broadcast_in_dim3A_862 = vector.broadcast %jit3A_861 : f32 to vector<16xf32>
      %select_n3A_863 = arith.select %eq3A_860, %broadcast_in_dim3A_862, %select_n3A_722 : vector<16xi1>, vector<16xf32>
      %add3A_864 = arith.constant 32 : i32
      %add3A_865 = vector.broadcast %add3A_864 : i32 to vector<16xi32>
      %add3A_866 = arith.addi %add3A_865, %iota3A : vector<16xi32>
      %eq3A_867 = arith.cmpi eq, %add3A_866, %min3A_845 : vector<16xi32>
      %jit3A_868 = arith.constant 1.000000e+09 : f32
      %broadcast_in_dim3A_869 = vector.broadcast %jit3A_868 : f32 to vector<16xf32>
      %select_n3A_870 = arith.select %eq3A_867, %broadcast_in_dim3A_869, %select_n3A_729 : vector<16xi1>, vector<16xf32>
      %add3A_871 = arith.constant 48 : i32
      %add3A_872 = vector.broadcast %add3A_871 : i32 to vector<16xi32>
      %add3A_873 = arith.addi %add3A_872, %iota3A : vector<16xi32>
      %eq3A_874 = arith.cmpi eq, %add3A_873, %min3A_845 : vector<16xi32>
      %jit3A_875 = arith.constant 1.000000e+09 : f32
      %broadcast_in_dim3A_876 = vector.broadcast %jit3A_875 : f32 to vector<16xf32>
      %select_n3A_877 = arith.select %eq3A_874, %broadcast_in_dim3A_876, %select_n3A_736 : vector<16xi1>, vector<16xf32>
      %add3A_878 = arith.constant 64 : i32
      %add3A_879 = vector.broadcast %add3A_878 : i32 to vector<16xi32>
      %add3A_880 = arith.addi %add3A_879, %iota3A : vector<16xi32>
      %eq3A_881 = arith.cmpi eq, %add3A_880, %min3A_845 : vector<16xi32>
      %jit3A_882 = arith.constant 1.000000e+09 : f32
      %broadcast_in_dim3A_883 = vector.broadcast %jit3A_882 : f32 to vector<16xf32>
      %select_n3A_884 = arith.select %eq3A_881, %broadcast_in_dim3A_883, %select_n3A_743 : vector<16xi1>, vector<16xf32>
      %add3A_885 = arith.constant 80 : i32
      %add3A_886 = vector.broadcast %add3A_885 : i32 to vector<16xi32>
      %add3A_887 = arith.addi %add3A_886, %iota3A : vector<16xi32>
      %eq3A_888 = arith.cmpi eq, %add3A_887, %min3A_845 : vector<16xi32>
      %jit3A_889 = arith.constant 1.000000e+09 : f32
      %broadcast_in_dim3A_890 = vector.broadcast %jit3A_889 : f32 to vector<16xf32>
      %select_n3A_891 = arith.select %eq3A_888, %broadcast_in_dim3A_890, %select_n3A_750 : vector<16xi1>, vector<16xf32>
      %min3A_892 = arith.minimumf %select_n3A_856, %select_n3A_863 : vector<16xf32>
      %min3A_893 = arith.minimumf %min3A_892, %select_n3A_870 : vector<16xf32>
      %min3A_894 = arith.minimumf %min3A_893, %select_n3A_877 : vector<16xf32>
      %min3A_895 = arith.minimumf %min3A_894, %select_n3A_884 : vector<16xf32>
      %min3A_896 = arith.minimumf %min3A_895, %select_n3A_891 : vector<16xf32>
      %reduce_min3A_897 = arith.constant true
      %reduce_min3A_898 = vector.broadcast %reduce_min3A_897 : i1 to vector<16xi1>
      %reduce_min3A_899 = tpu.scan <min>, %min3A_896 masked %reduce_min3A_898 : vector<16xf32>, vector<16xi1> -> vector<16xf32>
      %reduce_min3A_900 = vector.extract %reduce_min3A_899[15] : f32 from vector<16xf32>
      %broadcast_in_dim3A_901 = arith.constant 32767 : i32
      %broadcast_in_dim3A_902 = vector.broadcast %broadcast_in_dim3A_901 : i32 to vector<16xi32>
      %eq3A_903 = vector.broadcast %reduce_min3A_900 : f32 to vector<16xf32>
      %eq3A_904 = arith.cmpf oeq, %select_n3A_856, %eq3A_903 : vector<16xf32>
      %all_reduce_population_count3A_905 = tpu.all_reduce %eq3A_904 {dim = 0 : i64, kind = #tpu.reduction_kind<sum>} : vector<16xi1> -> vector<16xi32>
      %all_reduce_ffs3A_906 = tpu.all_reduce %eq3A_904 {dim = 0 : i64, kind = #tpu.reduction_kind<find_first_set>} : vector<16xi1> -> vector<16xi32>
      %gt3A_907 = arith.constant 0 : i32
      %gt3A_908 = vector.broadcast %gt3A_907 : i32 to vector<16xi32>
      %gt3A_909 = arith.cmpi sgt, %all_reduce_population_count3A_905, %gt3A_908 : vector<16xi32>
      %add3A_910 = arith.constant 0 : i32
      %add3A_911 = vector.broadcast %add3A_910 : i32 to vector<16xi32>
      %add3A_912 = arith.addi %add3A_911, %all_reduce_ffs3A_906 : vector<16xi32>
      %jit3A_913 = arith.constant 32767 : i32
      %broadcast_in_dim3A_914 = vector.broadcast %jit3A_913 : i32 to vector<16xi32>
      %select_n3A_915 = arith.select %gt3A_909, %add3A_912, %broadcast_in_dim3A_914 : vector<16xi1>, vector<16xi32>
      %min3A_916 = arith.minsi %broadcast_in_dim3A_902, %select_n3A_915 : vector<16xi32>
      %eq3A_917 = vector.broadcast %reduce_min3A_900 : f32 to vector<16xf32>
      %eq3A_918 = arith.cmpf oeq, %select_n3A_863, %eq3A_917 : vector<16xf32>
      %all_reduce_population_count3A_919 = tpu.all_reduce %eq3A_918 {dim = 0 : i64, kind = #tpu.reduction_kind<sum>} : vector<16xi1> -> vector<16xi32>
      %all_reduce_ffs3A_920 = tpu.all_reduce %eq3A_918 {dim = 0 : i64, kind = #tpu.reduction_kind<find_first_set>} : vector<16xi1> -> vector<16xi32>
      %gt3A_921 = arith.constant 0 : i32
      %gt3A_922 = vector.broadcast %gt3A_921 : i32 to vector<16xi32>
      %gt3A_923 = arith.cmpi sgt, %all_reduce_population_count3A_919, %gt3A_922 : vector<16xi32>
      %add3A_924 = arith.constant 16 : i32
      %add3A_925 = vector.broadcast %add3A_924 : i32 to vector<16xi32>
      %add3A_926 = arith.addi %add3A_925, %all_reduce_ffs3A_920 : vector<16xi32>
      %jit3A_927 = arith.constant 32767 : i32
      %broadcast_in_dim3A_928 = vector.broadcast %jit3A_927 : i32 to vector<16xi32>
      %select_n3A_929 = arith.select %gt3A_923, %add3A_926, %broadcast_in_dim3A_928 : vector<16xi1>, vector<16xi32>
      %min3A_930 = arith.minsi %min3A_916, %select_n3A_929 : vector<16xi32>
      %eq3A_931 = vector.broadcast %reduce_min3A_900 : f32 to vector<16xf32>
      %eq3A_932 = arith.cmpf oeq, %select_n3A_870, %eq3A_931 : vector<16xf32>
      %all_reduce_population_count3A_933 = tpu.all_reduce %eq3A_932 {dim = 0 : i64, kind = #tpu.reduction_kind<sum>} : vector<16xi1> -> vector<16xi32>
      %all_reduce_ffs3A_934 = tpu.all_reduce %eq3A_932 {dim = 0 : i64, kind = #tpu.reduction_kind<find_first_set>} : vector<16xi1> -> vector<16xi32>
      %gt3A_935 = arith.constant 0 : i32
      %gt3A_936 = vector.broadcast %gt3A_935 : i32 to vector<16xi32>
      %gt3A_937 = arith.cmpi sgt, %all_reduce_population_count3A_933, %gt3A_936 : vector<16xi32>
      %add3A_938 = arith.constant 32 : i32
      %add3A_939 = vector.broadcast %add3A_938 : i32 to vector<16xi32>
      %add3A_940 = arith.addi %add3A_939, %all_reduce_ffs3A_934 : vector<16xi32>
      %jit3A_941 = arith.constant 32767 : i32
      %broadcast_in_dim3A_942 = vector.broadcast %jit3A_941 : i32 to vector<16xi32>
      %select_n3A_943 = arith.select %gt3A_937, %add3A_940, %broadcast_in_dim3A_942 : vector<16xi1>, vector<16xi32>
      %min3A_944 = arith.minsi %min3A_930, %select_n3A_943 : vector<16xi32>
      %eq3A_945 = vector.broadcast %reduce_min3A_900 : f32 to vector<16xf32>
      %eq3A_946 = arith.cmpf oeq, %select_n3A_877, %eq3A_945 : vector<16xf32>
      %all_reduce_population_count3A_947 = tpu.all_reduce %eq3A_946 {dim = 0 : i64, kind = #tpu.reduction_kind<sum>} : vector<16xi1> -> vector<16xi32>
      %all_reduce_ffs3A_948 = tpu.all_reduce %eq3A_946 {dim = 0 : i64, kind = #tpu.reduction_kind<find_first_set>} : vector<16xi1> -> vector<16xi32>
      %gt3A_949 = arith.constant 0 : i32
      %gt3A_950 = vector.broadcast %gt3A_949 : i32 to vector<16xi32>
      %gt3A_951 = arith.cmpi sgt, %all_reduce_population_count3A_947, %gt3A_950 : vector<16xi32>
      %add3A_952 = arith.constant 48 : i32
      %add3A_953 = vector.broadcast %add3A_952 : i32 to vector<16xi32>
      %add3A_954 = arith.addi %add3A_953, %all_reduce_ffs3A_948 : vector<16xi32>
      %jit3A_955 = arith.constant 32767 : i32
      %broadcast_in_dim3A_956 = vector.broadcast %jit3A_955 : i32 to vector<16xi32>
      %select_n3A_957 = arith.select %gt3A_951, %add3A_954, %broadcast_in_dim3A_956 : vector<16xi1>, vector<16xi32>
      %min3A_958 = arith.minsi %min3A_944, %select_n3A_957 : vector<16xi32>
      %eq3A_959 = vector.broadcast %reduce_min3A_900 : f32 to vector<16xf32>
      %eq3A_960 = arith.cmpf oeq, %select_n3A_884, %eq3A_959 : vector<16xf32>
      %all_reduce_population_count3A_961 = tpu.all_reduce %eq3A_960 {dim = 0 : i64, kind = #tpu.reduction_kind<sum>} : vector<16xi1> -> vector<16xi32>
      %all_reduce_ffs3A_962 = tpu.all_reduce %eq3A_960 {dim = 0 : i64, kind = #tpu.reduction_kind<find_first_set>} : vector<16xi1> -> vector<16xi32>
      %gt3A_963 = arith.constant 0 : i32
      %gt3A_964 = vector.broadcast %gt3A_963 : i32 to vector<16xi32>
      %gt3A_965 = arith.cmpi sgt, %all_reduce_population_count3A_961, %gt3A_964 : vector<16xi32>
      %add3A_966 = arith.constant 64 : i32
      %add3A_967 = vector.broadcast %add3A_966 : i32 to vector<16xi32>
      %add3A_968 = arith.addi %add3A_967, %all_reduce_ffs3A_962 : vector<16xi32>
      %jit3A_969 = arith.constant 32767 : i32
      %broadcast_in_dim3A_970 = vector.broadcast %jit3A_969 : i32 to vector<16xi32>
      %select_n3A_971 = arith.select %gt3A_965, %add3A_968, %broadcast_in_dim3A_970 : vector<16xi1>, vector<16xi32>
      %min3A_972 = arith.minsi %min3A_958, %select_n3A_971 : vector<16xi32>
      %eq3A_973 = vector.broadcast %reduce_min3A_900 : f32 to vector<16xf32>
      %eq3A_974 = arith.cmpf oeq, %select_n3A_891, %eq3A_973 : vector<16xf32>
      %all_reduce_population_count3A_975 = tpu.all_reduce %eq3A_974 {dim = 0 : i64, kind = #tpu.reduction_kind<sum>} : vector<16xi1> -> vector<16xi32>
      %all_reduce_ffs3A_976 = tpu.all_reduce %eq3A_974 {dim = 0 : i64, kind = #tpu.reduction_kind<find_first_set>} : vector<16xi1> -> vector<16xi32>
      %gt3A_977 = arith.constant 0 : i32
      %gt3A_978 = vector.broadcast %gt3A_977 : i32 to vector<16xi32>
      %gt3A_979 = arith.cmpi sgt, %all_reduce_population_count3A_975, %gt3A_978 : vector<16xi32>
      %add3A_980 = arith.constant 80 : i32
      %add3A_981 = vector.broadcast %add3A_980 : i32 to vector<16xi32>
      %add3A_982 = arith.addi %add3A_981, %all_reduce_ffs3A_976 : vector<16xi32>
      %jit3A_983 = arith.constant 32767 : i32
      %broadcast_in_dim3A_984 = vector.broadcast %jit3A_983 : i32 to vector<16xi32>
      %select_n3A_985 = arith.select %gt3A_979, %add3A_982, %broadcast_in_dim3A_984 : vector<16xi1>, vector<16xi32>
      %min3A_986 = arith.minsi %min3A_972, %select_n3A_985 : vector<16xi32>
      %eq3A_987 = arith.constant 6 : i32
      %eq3A_988 = vector.broadcast %eq3A_987 : i32 to vector<16xi32>
      %eq3A_989 = arith.cmpi eq, %iota3A, %eq3A_988 : vector<16xi32>
      %select_n3A_990 = arith.select %eq3A_989, %min3A_986, %select_n3A_849 : vector<16xi1>, vector<16xi32>
      %add3A_991 = arith.constant 0 : i32
      %add3A_992 = vector.broadcast %add3A_991 : i32 to vector<16xi32>
      %add3A_993 = arith.addi %add3A_992, %iota3A : vector<16xi32>
      %eq3A_994 = arith.cmpi eq, %add3A_993, %min3A_986 : vector<16xi32>
      %jit3A_995 = arith.constant 1.000000e+09 : f32
      %broadcast_in_dim3A_996 = vector.broadcast %jit3A_995 : f32 to vector<16xf32>
      %select_n3A_997 = arith.select %eq3A_994, %broadcast_in_dim3A_996, %select_n3A_856 : vector<16xi1>, vector<16xf32>
      %add3A_998 = arith.constant 16 : i32
      %add3A_999 = vector.broadcast %add3A_998 : i32 to vector<16xi32>
      %add3A_1000 = arith.addi %add3A_999, %iota3A : vector<16xi32>
      %eq3A_1001 = arith.cmpi eq, %add3A_1000, %min3A_986 : vector<16xi32>
      %jit3A_1002 = arith.constant 1.000000e+09 : f32
      %broadcast_in_dim3A_1003 = vector.broadcast %jit3A_1002 : f32 to vector<16xf32>
      %select_n3A_1004 = arith.select %eq3A_1001, %broadcast_in_dim3A_1003, %select_n3A_863 : vector<16xi1>, vector<16xf32>
      %add3A_1005 = arith.constant 32 : i32
      %add3A_1006 = vector.broadcast %add3A_1005 : i32 to vector<16xi32>
      %add3A_1007 = arith.addi %add3A_1006, %iota3A : vector<16xi32>
      %eq3A_1008 = arith.cmpi eq, %add3A_1007, %min3A_986 : vector<16xi32>
      %jit3A_1009 = arith.constant 1.000000e+09 : f32
      %broadcast_in_dim3A_1010 = vector.broadcast %jit3A_1009 : f32 to vector<16xf32>
      %select_n3A_1011 = arith.select %eq3A_1008, %broadcast_in_dim3A_1010, %select_n3A_870 : vector<16xi1>, vector<16xf32>
      %add3A_1012 = arith.constant 48 : i32
      %add3A_1013 = vector.broadcast %add3A_1012 : i32 to vector<16xi32>
      %add3A_1014 = arith.addi %add3A_1013, %iota3A : vector<16xi32>
      %eq3A_1015 = arith.cmpi eq, %add3A_1014, %min3A_986 : vector<16xi32>
      %jit3A_1016 = arith.constant 1.000000e+09 : f32
      %broadcast_in_dim3A_1017 = vector.broadcast %jit3A_1016 : f32 to vector<16xf32>
      %select_n3A_1018 = arith.select %eq3A_1015, %broadcast_in_dim3A_1017, %select_n3A_877 : vector<16xi1>, vector<16xf32>
      %add3A_1019 = arith.constant 64 : i32
      %add3A_1020 = vector.broadcast %add3A_1019 : i32 to vector<16xi32>
      %add3A_1021 = arith.addi %add3A_1020, %iota3A : vector<16xi32>
      %eq3A_1022 = arith.cmpi eq, %add3A_1021, %min3A_986 : vector<16xi32>
      %jit3A_1023 = arith.constant 1.000000e+09 : f32
      %broadcast_in_dim3A_1024 = vector.broadcast %jit3A_1023 : f32 to vector<16xf32>
      %select_n3A_1025 = arith.select %eq3A_1022, %broadcast_in_dim3A_1024, %select_n3A_884 : vector<16xi1>, vector<16xf32>
      %add3A_1026 = arith.constant 80 : i32
      %add3A_1027 = vector.broadcast %add3A_1026 : i32 to vector<16xi32>
      %add3A_1028 = arith.addi %add3A_1027, %iota3A : vector<16xi32>
      %eq3A_1029 = arith.cmpi eq, %add3A_1028, %min3A_986 : vector<16xi32>
      %jit3A_1030 = arith.constant 1.000000e+09 : f32
      %broadcast_in_dim3A_1031 = vector.broadcast %jit3A_1030 : f32 to vector<16xf32>
      %select_n3A_1032 = arith.select %eq3A_1029, %broadcast_in_dim3A_1031, %select_n3A_891 : vector<16xi1>, vector<16xf32>
      %min3A_1033 = arith.minimumf %select_n3A_997, %select_n3A_1004 : vector<16xf32>
      %min3A_1034 = arith.minimumf %min3A_1033, %select_n3A_1011 : vector<16xf32>
      %min3A_1035 = arith.minimumf %min3A_1034, %select_n3A_1018 : vector<16xf32>
      %min3A_1036 = arith.minimumf %min3A_1035, %select_n3A_1025 : vector<16xf32>
      %min3A_1037 = arith.minimumf %min3A_1036, %select_n3A_1032 : vector<16xf32>
      %reduce_min3A_1038 = arith.constant true
      %reduce_min3A_1039 = vector.broadcast %reduce_min3A_1038 : i1 to vector<16xi1>
      %reduce_min3A_1040 = tpu.scan <min>, %min3A_1037 masked %reduce_min3A_1039 : vector<16xf32>, vector<16xi1> -> vector<16xf32>
      %reduce_min3A_1041 = vector.extract %reduce_min3A_1040[15] : f32 from vector<16xf32>
      %broadcast_in_dim3A_1042 = arith.constant 32767 : i32
      %broadcast_in_dim3A_1043 = vector.broadcast %broadcast_in_dim3A_1042 : i32 to vector<16xi32>
      %eq3A_1044 = vector.broadcast %reduce_min3A_1041 : f32 to vector<16xf32>
      %eq3A_1045 = arith.cmpf oeq, %select_n3A_997, %eq3A_1044 : vector<16xf32>
      %all_reduce_population_count3A_1046 = tpu.all_reduce %eq3A_1045 {dim = 0 : i64, kind = #tpu.reduction_kind<sum>} : vector<16xi1> -> vector<16xi32>
      %all_reduce_ffs3A_1047 = tpu.all_reduce %eq3A_1045 {dim = 0 : i64, kind = #tpu.reduction_kind<find_first_set>} : vector<16xi1> -> vector<16xi32>
      %gt3A_1048 = arith.constant 0 : i32
      %gt3A_1049 = vector.broadcast %gt3A_1048 : i32 to vector<16xi32>
      %gt3A_1050 = arith.cmpi sgt, %all_reduce_population_count3A_1046, %gt3A_1049 : vector<16xi32>
      %add3A_1051 = arith.constant 0 : i32
      %add3A_1052 = vector.broadcast %add3A_1051 : i32 to vector<16xi32>
      %add3A_1053 = arith.addi %add3A_1052, %all_reduce_ffs3A_1047 : vector<16xi32>
      %jit3A_1054 = arith.constant 32767 : i32
      %broadcast_in_dim3A_1055 = vector.broadcast %jit3A_1054 : i32 to vector<16xi32>
      %select_n3A_1056 = arith.select %gt3A_1050, %add3A_1053, %broadcast_in_dim3A_1055 : vector<16xi1>, vector<16xi32>
      %min3A_1057 = arith.minsi %broadcast_in_dim3A_1043, %select_n3A_1056 : vector<16xi32>
      %eq3A_1058 = vector.broadcast %reduce_min3A_1041 : f32 to vector<16xf32>
      %eq3A_1059 = arith.cmpf oeq, %select_n3A_1004, %eq3A_1058 : vector<16xf32>
      %all_reduce_population_count3A_1060 = tpu.all_reduce %eq3A_1059 {dim = 0 : i64, kind = #tpu.reduction_kind<sum>} : vector<16xi1> -> vector<16xi32>
      %all_reduce_ffs3A_1061 = tpu.all_reduce %eq3A_1059 {dim = 0 : i64, kind = #tpu.reduction_kind<find_first_set>} : vector<16xi1> -> vector<16xi32>
      %gt3A_1062 = arith.constant 0 : i32
      %gt3A_1063 = vector.broadcast %gt3A_1062 : i32 to vector<16xi32>
      %gt3A_1064 = arith.cmpi sgt, %all_reduce_population_count3A_1060, %gt3A_1063 : vector<16xi32>
      %add3A_1065 = arith.constant 16 : i32
      %add3A_1066 = vector.broadcast %add3A_1065 : i32 to vector<16xi32>
      %add3A_1067 = arith.addi %add3A_1066, %all_reduce_ffs3A_1061 : vector<16xi32>
      %jit3A_1068 = arith.constant 32767 : i32
      %broadcast_in_dim3A_1069 = vector.broadcast %jit3A_1068 : i32 to vector<16xi32>
      %select_n3A_1070 = arith.select %gt3A_1064, %add3A_1067, %broadcast_in_dim3A_1069 : vector<16xi1>, vector<16xi32>
      %min3A_1071 = arith.minsi %min3A_1057, %select_n3A_1070 : vector<16xi32>
      %eq3A_1072 = vector.broadcast %reduce_min3A_1041 : f32 to vector<16xf32>
      %eq3A_1073 = arith.cmpf oeq, %select_n3A_1011, %eq3A_1072 : vector<16xf32>
      %all_reduce_population_count3A_1074 = tpu.all_reduce %eq3A_1073 {dim = 0 : i64, kind = #tpu.reduction_kind<sum>} : vector<16xi1> -> vector<16xi32>
      %all_reduce_ffs3A_1075 = tpu.all_reduce %eq3A_1073 {dim = 0 : i64, kind = #tpu.reduction_kind<find_first_set>} : vector<16xi1> -> vector<16xi32>
      %gt3A_1076 = arith.constant 0 : i32
      %gt3A_1077 = vector.broadcast %gt3A_1076 : i32 to vector<16xi32>
      %gt3A_1078 = arith.cmpi sgt, %all_reduce_population_count3A_1074, %gt3A_1077 : vector<16xi32>
      %add3A_1079 = arith.constant 32 : i32
      %add3A_1080 = vector.broadcast %add3A_1079 : i32 to vector<16xi32>
      %add3A_1081 = arith.addi %add3A_1080, %all_reduce_ffs3A_1075 : vector<16xi32>
      %jit3A_1082 = arith.constant 32767 : i32
      %broadcast_in_dim3A_1083 = vector.broadcast %jit3A_1082 : i32 to vector<16xi32>
      %select_n3A_1084 = arith.select %gt3A_1078, %add3A_1081, %broadcast_in_dim3A_1083 : vector<16xi1>, vector<16xi32>
      %min3A_1085 = arith.minsi %min3A_1071, %select_n3A_1084 : vector<16xi32>
      %eq3A_1086 = vector.broadcast %reduce_min3A_1041 : f32 to vector<16xf32>
      %eq3A_1087 = arith.cmpf oeq, %select_n3A_1018, %eq3A_1086 : vector<16xf32>
      %all_reduce_population_count3A_1088 = tpu.all_reduce %eq3A_1087 {dim = 0 : i64, kind = #tpu.reduction_kind<sum>} : vector<16xi1> -> vector<16xi32>
      %all_reduce_ffs3A_1089 = tpu.all_reduce %eq3A_1087 {dim = 0 : i64, kind = #tpu.reduction_kind<find_first_set>} : vector<16xi1> -> vector<16xi32>
      %gt3A_1090 = arith.constant 0 : i32
      %gt3A_1091 = vector.broadcast %gt3A_1090 : i32 to vector<16xi32>
      %gt3A_1092 = arith.cmpi sgt, %all_reduce_population_count3A_1088, %gt3A_1091 : vector<16xi32>
      %add3A_1093 = arith.constant 48 : i32
      %add3A_1094 = vector.broadcast %add3A_1093 : i32 to vector<16xi32>
      %add3A_1095 = arith.addi %add3A_1094, %all_reduce_ffs3A_1089 : vector<16xi32>
      %jit3A_1096 = arith.constant 32767 : i32
      %broadcast_in_dim3A_1097 = vector.broadcast %jit3A_1096 : i32 to vector<16xi32>
      %select_n3A_1098 = arith.select %gt3A_1092, %add3A_1095, %broadcast_in_dim3A_1097 : vector<16xi1>, vector<16xi32>
      %min3A_1099 = arith.minsi %min3A_1085, %select_n3A_1098 : vector<16xi32>
      %eq3A_1100 = vector.broadcast %reduce_min3A_1041 : f32 to vector<16xf32>
      %eq3A_1101 = arith.cmpf oeq, %select_n3A_1025, %eq3A_1100 : vector<16xf32>
      %all_reduce_population_count3A_1102 = tpu.all_reduce %eq3A_1101 {dim = 0 : i64, kind = #tpu.reduction_kind<sum>} : vector<16xi1> -> vector<16xi32>
      %all_reduce_ffs3A_1103 = tpu.all_reduce %eq3A_1101 {dim = 0 : i64, kind = #tpu.reduction_kind<find_first_set>} : vector<16xi1> -> vector<16xi32>
      %gt3A_1104 = arith.constant 0 : i32
      %gt3A_1105 = vector.broadcast %gt3A_1104 : i32 to vector<16xi32>
      %gt3A_1106 = arith.cmpi sgt, %all_reduce_population_count3A_1102, %gt3A_1105 : vector<16xi32>
      %add3A_1107 = arith.constant 64 : i32
      %add3A_1108 = vector.broadcast %add3A_1107 : i32 to vector<16xi32>
      %add3A_1109 = arith.addi %add3A_1108, %all_reduce_ffs3A_1103 : vector<16xi32>
      %jit3A_1110 = arith.constant 32767 : i32
      %broadcast_in_dim3A_1111 = vector.broadcast %jit3A_1110 : i32 to vector<16xi32>
      %select_n3A_1112 = arith.select %gt3A_1106, %add3A_1109, %broadcast_in_dim3A_1111 : vector<16xi1>, vector<16xi32>
      %min3A_1113 = arith.minsi %min3A_1099, %select_n3A_1112 : vector<16xi32>
      %eq3A_1114 = vector.broadcast %reduce_min3A_1041 : f32 to vector<16xf32>
      %eq3A_1115 = arith.cmpf oeq, %select_n3A_1032, %eq3A_1114 : vector<16xf32>
      %all_reduce_population_count3A_1116 = tpu.all_reduce %eq3A_1115 {dim = 0 : i64, kind = #tpu.reduction_kind<sum>} : vector<16xi1> -> vector<16xi32>
      %all_reduce_ffs3A_1117 = tpu.all_reduce %eq3A_1115 {dim = 0 : i64, kind = #tpu.reduction_kind<find_first_set>} : vector<16xi1> -> vector<16xi32>
      %gt3A_1118 = arith.constant 0 : i32
      %gt3A_1119 = vector.broadcast %gt3A_1118 : i32 to vector<16xi32>
      %gt3A_1120 = arith.cmpi sgt, %all_reduce_population_count3A_1116, %gt3A_1119 : vector<16xi32>
      %add3A_1121 = arith.constant 80 : i32
      %add3A_1122 = vector.broadcast %add3A_1121 : i32 to vector<16xi32>
      %add3A_1123 = arith.addi %add3A_1122, %all_reduce_ffs3A_1117 : vector<16xi32>
      %jit3A_1124 = arith.constant 32767 : i32
      %broadcast_in_dim3A_1125 = vector.broadcast %jit3A_1124 : i32 to vector<16xi32>
      %select_n3A_1126 = arith.select %gt3A_1120, %add3A_1123, %broadcast_in_dim3A_1125 : vector<16xi1>, vector<16xi32>
      %min3A_1127 = arith.minsi %min3A_1113, %select_n3A_1126 : vector<16xi32>
      %eq3A_1128 = arith.constant 7 : i32
      %eq3A_1129 = vector.broadcast %eq3A_1128 : i32 to vector<16xi32>
      %eq3A_1130 = arith.cmpi eq, %iota3A, %eq3A_1129 : vector<16xi32>
      %select_n3A_1131 = arith.select %eq3A_1130, %min3A_1127, %select_n3A_990 : vector<16xi1>, vector<16xi32>
      %add3A_1132 = arith.constant 0 : i32
      %add3A_1133 = vector.broadcast %add3A_1132 : i32 to vector<16xi32>
      %add3A_1134 = arith.addi %add3A_1133, %iota3A : vector<16xi32>
      %eq3A_1135 = arith.cmpi eq, %add3A_1134, %min3A_1127 : vector<16xi32>
      %jit3A_1136 = arith.constant 1.000000e+09 : f32
      %broadcast_in_dim3A_1137 = vector.broadcast %jit3A_1136 : f32 to vector<16xf32>
      %select_n3A_1138 = arith.select %eq3A_1135, %broadcast_in_dim3A_1137, %select_n3A_997 : vector<16xi1>, vector<16xf32>
      %add3A_1139 = arith.constant 16 : i32
      %add3A_1140 = vector.broadcast %add3A_1139 : i32 to vector<16xi32>
      %add3A_1141 = arith.addi %add3A_1140, %iota3A : vector<16xi32>
      %eq3A_1142 = arith.cmpi eq, %add3A_1141, %min3A_1127 : vector<16xi32>
      %jit3A_1143 = arith.constant 1.000000e+09 : f32
      %broadcast_in_dim3A_1144 = vector.broadcast %jit3A_1143 : f32 to vector<16xf32>
      %select_n3A_1145 = arith.select %eq3A_1142, %broadcast_in_dim3A_1144, %select_n3A_1004 : vector<16xi1>, vector<16xf32>
      %add3A_1146 = arith.constant 32 : i32
      %add3A_1147 = vector.broadcast %add3A_1146 : i32 to vector<16xi32>
      %add3A_1148 = arith.addi %add3A_1147, %iota3A : vector<16xi32>
      %eq3A_1149 = arith.cmpi eq, %add3A_1148, %min3A_1127 : vector<16xi32>
      %jit3A_1150 = arith.constant 1.000000e+09 : f32
      %broadcast_in_dim3A_1151 = vector.broadcast %jit3A_1150 : f32 to vector<16xf32>
      %select_n3A_1152 = arith.select %eq3A_1149, %broadcast_in_dim3A_1151, %select_n3A_1011 : vector<16xi1>, vector<16xf32>
      %add3A_1153 = arith.constant 48 : i32
      %add3A_1154 = vector.broadcast %add3A_1153 : i32 to vector<16xi32>
      %add3A_1155 = arith.addi %add3A_1154, %iota3A : vector<16xi32>
      %eq3A_1156 = arith.cmpi eq, %add3A_1155, %min3A_1127 : vector<16xi32>
      %jit3A_1157 = arith.constant 1.000000e+09 : f32
      %broadcast_in_dim3A_1158 = vector.broadcast %jit3A_1157 : f32 to vector<16xf32>
      %select_n3A_1159 = arith.select %eq3A_1156, %broadcast_in_dim3A_1158, %select_n3A_1018 : vector<16xi1>, vector<16xf32>
      %add3A_1160 = arith.constant 64 : i32
      %add3A_1161 = vector.broadcast %add3A_1160 : i32 to vector<16xi32>
      %add3A_1162 = arith.addi %add3A_1161, %iota3A : vector<16xi32>
      %eq3A_1163 = arith.cmpi eq, %add3A_1162, %min3A_1127 : vector<16xi32>
      %jit3A_1164 = arith.constant 1.000000e+09 : f32
      %broadcast_in_dim3A_1165 = vector.broadcast %jit3A_1164 : f32 to vector<16xf32>
      %select_n3A_1166 = arith.select %eq3A_1163, %broadcast_in_dim3A_1165, %select_n3A_1025 : vector<16xi1>, vector<16xf32>
      %add3A_1167 = arith.constant 80 : i32
      %add3A_1168 = vector.broadcast %add3A_1167 : i32 to vector<16xi32>
      %add3A_1169 = arith.addi %add3A_1168, %iota3A : vector<16xi32>
      %eq3A_1170 = arith.cmpi eq, %add3A_1169, %min3A_1127 : vector<16xi32>
      %jit3A_1171 = arith.constant 1.000000e+09 : f32
      %broadcast_in_dim3A_1172 = vector.broadcast %jit3A_1171 : f32 to vector<16xf32>
      %select_n3A_1173 = arith.select %eq3A_1170, %broadcast_in_dim3A_1172, %select_n3A_1032 : vector<16xi1>, vector<16xf32>
      %convert_element_type3A = arith.sitofp %select_n3A_1131 : vector<16xi32> to vector<16xf32>
      %swap3A = arith.constant 0 : index
      %swap3A_1174 = tpu.vector_load %arg9[%swap3A] {strides = array<i32>} : memref<896xf32, #tpu.memory_space<vmem>>, vector<16xf32>,
      tpu.vector_store %arg9[%swap3A], %convert_element_type3A {strides = array<i32>} : memref<896xf32, #tpu.memory_space<vmem>>, vector<16xf32>,
      %add3A_1175 = arith.constant 96 : i32
      %add3A_1176 = vector.broadcast %add3A_1175 : i32 to vector<16xi32>
      %add3A_1177 = arith.addi %select_n3A_1131, %add3A_1176 : vector<16xi32>
      %gather3A = tpu.vector_load_idx %arg6[%add3A_1177] : memref<480xf32, #tpu.memory_space<vmem>>[vector<16xi32>], vector<16xf32>,
      %swap3A_1178 = arith.constant 16 : index
      %swap3A_1179 = tpu.vector_load %arg9[%swap3A_1178] {strides = array<i32>} : memref<896xf32, #tpu.memory_space<vmem>>, vector<16xf32>,
      tpu.vector_store %arg9[%swap3A_1178], %gather3A {strides = array<i32>} : memref<896xf32, #tpu.memory_space<vmem>>, vector<16xf32>,
      %add3A_1180 = arith.constant 192 : i32
      %add3A_1181 = vector.broadcast %add3A_1180 : i32 to vector<16xi32>
      %add3A_1182 = arith.addi %select_n3A_1131, %add3A_1181 : vector<16xi32>
      %gather3A_1183 = tpu.vector_load_idx %arg6[%add3A_1182] : memref<480xf32, #tpu.memory_space<vmem>>[vector<16xi32>], vector<16xf32>,
      %swap3A_1184 = arith.constant 32 : index
      %swap3A_1185 = tpu.vector_load %arg9[%swap3A_1184] {strides = array<i32>} : memref<896xf32, #tpu.memory_space<vmem>>, vector<16xf32>,
      tpu.vector_store %arg9[%swap3A_1184], %gather3A_1183 {strides = array<i32>} : memref<896xf32, #tpu.memory_space<vmem>>, vector<16xf32>,
      %add3A_1186 = arith.constant 288 : i32
      %add3A_1187 = vector.broadcast %add3A_1186 : i32 to vector<16xi32>
      %add3A_1188 = arith.addi %select_n3A_1131, %add3A_1187 : vector<16xi32>
      %gather3A_1189 = tpu.vector_load_idx %arg6[%add3A_1188] : memref<480xf32, #tpu.memory_space<vmem>>[vector<16xi32>], vector<16xf32>,
      %swap3A_1190 = arith.constant 48 : index
      %swap3A_1191 = tpu.vector_load %arg9[%swap3A_1190] {strides = array<i32>} : memref<896xf32, #tpu.memory_space<vmem>>, vector<16xf32>,
      tpu.vector_store %arg9[%swap3A_1190], %gather3A_1189 {strides = array<i32>} : memref<896xf32, #tpu.memory_space<vmem>>, vector<16xf32>,
      %add3A_1192 = arith.constant 384 : i32
      %add3A_1193 = vector.broadcast %add3A_1192 : i32 to vector<16xi32>
      %add3A_1194 = arith.addi %select_n3A_1131, %add3A_1193 : vector<16xi32>
      %gather3A_1195 = tpu.vector_load_idx %arg6[%add3A_1194] : memref<480xf32, #tpu.memory_space<vmem>>[vector<16xi32>], vector<16xf32>,
      %swap3A_1196 = arith.constant 64 : index
      %swap3A_1197 = tpu.vector_load %arg9[%swap3A_1196] {strides = array<i32>} : memref<896xf32, #tpu.memory_space<vmem>>, vector<16xf32>,
      tpu.vector_store %arg9[%swap3A_1196], %gather3A_1195 {strides = array<i32>} : memref<896xf32, #tpu.memory_space<vmem>>, vector<16xf32>,
      %mul3A_1198 = arith.constant 32 : i32
      %mul3A_1199 = vector.broadcast %mul3A_1198 : i32 to vector<16xi32>
      %mul3A_1200 = arith.muli %select_n3A_1131, %mul3A_1199 : vector<16xi32>
      %mul3A_1201 = arith.constant 64 : i32
      %mul3A_1202 = vector.broadcast %mul3A_1201 : i32 to vector<16xi32>
      %mul3A_1203 = arith.muli %select_n3A_1131, %mul3A_1202 : vector<16xi32>
      %broadcast_in_dim3A_1204 = arith.constant 0 : i32
      %broadcast_in_dim3A_1205 = vector.broadcast %broadcast_in_dim3A_1204 : i32 to vector<16xi32>
      %lt3A = arith.constant 0 : i32
      %lt3A_1206 = vector.broadcast %lt3A : i32 to vector<16xi32>
      %lt3A_1207 = arith.cmpi slt, %broadcast_in_dim3A_1205, %lt3A_1206 : vector<16xi32>
      %add3A_1208 = arith.constant 16 : i32
      %add3A_1209 = vector.broadcast %add3A_1208 : i32 to vector<16xi32>
      %add3A_1210 = arith.addi %broadcast_in_dim3A_1205, %add3A_1209 : vector<16xi32>
      %select_n3A_1211 = arith.select %lt3A_1207, %add3A_1210, %broadcast_in_dim3A_1205 : vector<16xi1>, vector<16xi32>
      %broadcast_in_dim3A_1212 = vector.shape_cast %select_n3A_1211 : vector<16xi32> to vector<16x1xi32>
      %gather3A_1213 = vector.shape_cast %broadcast_in_dim3A_1212 : vector<16x1xi32> to vector<16xi32>
      %gather3A_1214 = tpu.dynamic_gather %mul3A_1200[%gather3A_1213] in [0] : vector<16xi32>, vector<16xi32> -> vector<16xi32>
      %add3A_1215 = arith.constant 0 : i32
      %add3A_1216 = vector.broadcast %add3A_1215 : i32 to vector<16xi32>
      %add3A_1217 = arith.addi %gather3A_1214, %add3A_1216 : vector<16xi32>
      %add3A_1218 = arith.addi %add3A_1217, %iota3A : vector<16xi32>
      %gather3A_1219 = tpu.vector_load_idx %arg7[%add3A_1218] : memref<3072xf32, #tpu.memory_space<vmem>>[vector<16xi32>], vector<16xf32>,
      %swap3A_1220 = arith.constant 128 : index
      %swap3A_1221 = tpu.vector_load %arg9[%swap3A_1220] {strides = array<i32>} : memref<896xf32, #tpu.memory_space<vmem>>, vector<16xf32>,
      tpu.vector_store %arg9[%swap3A_1220], %gather3A_1219 {strides = array<i32>} : memref<896xf32, #tpu.memory_space<vmem>>, vector<16xf32>,
      %broadcast_in_dim3A_1222 = arith.constant 0 : i32
      %broadcast_in_dim3A_1223 = vector.broadcast %broadcast_in_dim3A_1222 : i32 to vector<16xi32>
      %lt3A_1224 = arith.constant 0 : i32
      %lt3A_1225 = vector.broadcast %lt3A_1224 : i32 to vector<16xi32>
      %lt3A_1226 = arith.cmpi slt, %broadcast_in_dim3A_1223, %lt3A_1225 : vector<16xi32>
      %add3A_1227 = arith.constant 16 : i32
      %add3A_1228 = vector.broadcast %add3A_1227 : i32 to vector<16xi32>
      %add3A_1229 = arith.addi %broadcast_in_dim3A_1223, %add3A_1228 : vector<16xi32>
      %select_n3A_1230 = arith.select %lt3A_1226, %add3A_1229, %broadcast_in_dim3A_1223 : vector<16xi1>, vector<16xi32>
      %broadcast_in_dim3A_1231 = vector.shape_cast %select_n3A_1230 : vector<16xi32> to vector<16x1xi32>
      %gather3A_1232 = vector.shape_cast %broadcast_in_dim3A_1231 : vector<16x1xi32> to vector<16xi32>
      %gather3A_1233 = tpu.dynamic_gather %mul3A_1200[%gather3A_1232] in [0] : vector<16xi32>, vector<16xi32> -> vector<16xi32>
      %add3A_1234 = arith.constant 16 : i32
      %add3A_1235 = vector.broadcast %add3A_1234 : i32 to vector<16xi32>
      %add3A_1236 = arith.addi %gather3A_1233, %add3A_1235 : vector<16xi32>
      %add3A_1237 = arith.addi %add3A_1236, %iota3A : vector<16xi32>
      %gather3A_1238 = tpu.vector_load_idx %arg7[%add3A_1237] : memref<3072xf32, #tpu.memory_space<vmem>>[vector<16xi32>], vector<16xf32>,
      %swap3A_1239 = arith.constant 144 : index
      %swap3A_1240 = tpu.vector_load %arg9[%swap3A_1239] {strides = array<i32>} : memref<896xf32, #tpu.memory_space<vmem>>, vector<16xf32>,
      tpu.vector_store %arg9[%swap3A_1239], %gather3A_1238 {strides = array<i32>} : memref<896xf32, #tpu.memory_space<vmem>>, vector<16xf32>,
      %broadcast_in_dim3A_1241 = arith.constant 1 : i32
      %broadcast_in_dim3A_1242 = vector.broadcast %broadcast_in_dim3A_1241 : i32 to vector<16xi32>
      %lt3A_1243 = arith.constant 0 : i32
      %lt3A_1244 = vector.broadcast %lt3A_1243 : i32 to vector<16xi32>
      %lt3A_1245 = arith.cmpi slt, %broadcast_in_dim3A_1242, %lt3A_1244 : vector<16xi32>
      %add3A_1246 = arith.constant 16 : i32
      %add3A_1247 = vector.broadcast %add3A_1246 : i32 to vector<16xi32>
      %add3A_1248 = arith.addi %broadcast_in_dim3A_1242, %add3A_1247 : vector<16xi32>
      %select_n3A_1249 = arith.select %lt3A_1245, %add3A_1248, %broadcast_in_dim3A_1242 : vector<16xi1>, vector<16xi32>
      %broadcast_in_dim3A_1250 = vector.shape_cast %select_n3A_1249 : vector<16xi32> to vector<16x1xi32>
      %gather3A_1251 = vector.shape_cast %broadcast_in_dim3A_1250 : vector<16x1xi32> to vector<16xi32>
      %gather3A_1252 = tpu.dynamic_gather %mul3A_1200[%gather3A_1251] in [0] : vector<16xi32>, vector<16xi32> -> vector<16xi32>
      %add3A_1253 = arith.constant 0 : i32
      %add3A_1254 = vector.broadcast %add3A_1253 : i32 to vector<16xi32>
      %add3A_1255 = arith.addi %gather3A_1252, %add3A_1254 : vector<16xi32>
      %add3A_1256 = arith.addi %add3A_1255, %iota3A : vector<16xi32>
      %gather3A_1257 = tpu.vector_load_idx %arg7[%add3A_1256] : memref<3072xf32, #tpu.memory_space<vmem>>[vector<16xi32>], vector<16xf32>,
      %swap3A_1258 = arith.constant 160 : index
      %swap3A_1259 = tpu.vector_load %arg9[%swap3A_1258] {strides = array<i32>} : memref<896xf32, #tpu.memory_space<vmem>>, vector<16xf32>,
      tpu.vector_store %arg9[%swap3A_1258], %gather3A_1257 {strides = array<i32>} : memref<896xf32, #tpu.memory_space<vmem>>, vector<16xf32>,
      %broadcast_in_dim3A_1260 = arith.constant 1 : i32
      %broadcast_in_dim3A_1261 = vector.broadcast %broadcast_in_dim3A_1260 : i32 to vector<16xi32>
      %lt3A_1262 = arith.constant 0 : i32
      %lt3A_1263 = vector.broadcast %lt3A_1262 : i32 to vector<16xi32>
      %lt3A_1264 = arith.cmpi slt, %broadcast_in_dim3A_1261, %lt3A_1263 : vector<16xi32>
      %add3A_1265 = arith.constant 16 : i32
      %add3A_1266 = vector.broadcast %add3A_1265 : i32 to vector<16xi32>
      %add3A_1267 = arith.addi %broadcast_in_dim3A_1261, %add3A_1266 : vector<16xi32>
      %select_n3A_1268 = arith.select %lt3A_1264, %add3A_1267, %broadcast_in_dim3A_1261 : vector<16xi1>, vector<16xi32>
      %broadcast_in_dim3A_1269 = vector.shape_cast %select_n3A_1268 : vector<16xi32> to vector<16x1xi32>
      %gather3A_1270 = vector.shape_cast %broadcast_in_dim3A_1269 : vector<16x1xi32> to vector<16xi32>
      %gather3A_1271 = tpu.dynamic_gather %mul3A_1200[%gather3A_1270] in [0] : vector<16xi32>, vector<16xi32> -> vector<16xi32>
      %add3A_1272 = arith.constant 16 : i32
      %add3A_1273 = vector.broadcast %add3A_1272 : i32 to vector<16xi32>
      %add3A_1274 = arith.addi %gather3A_1271, %add3A_1273 : vector<16xi32>
      %add3A_1275 = arith.addi %add3A_1274, %iota3A : vector<16xi32>
      %gather3A_1276 = tpu.vector_load_idx %arg7[%add3A_1275] : memref<3072xf32, #tpu.memory_space<vmem>>[vector<16xi32>], vector<16xf32>,
      %swap3A_1277 = arith.constant 176 : index
      %swap3A_1278 = tpu.vector_load %arg9[%swap3A_1277] {strides = array<i32>} : memref<896xf32, #tpu.memory_space<vmem>>, vector<16xf32>,
      tpu.vector_store %arg9[%swap3A_1277], %gather3A_1276 {strides = array<i32>} : memref<896xf32, #tpu.memory_space<vmem>>, vector<16xf32>,
      %broadcast_in_dim3A_1279 = arith.constant 2 : i32
      %broadcast_in_dim3A_1280 = vector.broadcast %broadcast_in_dim3A_1279 : i32 to vector<16xi32>
      %lt3A_1281 = arith.constant 0 : i32
      %lt3A_1282 = vector.broadcast %lt3A_1281 : i32 to vector<16xi32>
      %lt3A_1283 = arith.cmpi slt, %broadcast_in_dim3A_1280, %lt3A_1282 : vector<16xi32>
      %add3A_1284 = arith.constant 16 : i32
      %add3A_1285 = vector.broadcast %add3A_1284 : i32 to vector<16xi32>
      %add3A_1286 = arith.addi %broadcast_in_dim3A_1280, %add3A_1285 : vector<16xi32>
      %select_n3A_1287 = arith.select %lt3A_1283, %add3A_1286, %broadcast_in_dim3A_1280 : vector<16xi1>, vector<16xi32>
      %broadcast_in_dim3A_1288 = vector.shape_cast %select_n3A_1287 : vector<16xi32> to vector<16x1xi32>
      %gather3A_1289 = vector.shape_cast %broadcast_in_dim3A_1288 : vector<16x1xi32> to vector<16xi32>
      %gather3A_1290 = tpu.dynamic_gather %mul3A_1200[%gather3A_1289] in [0] : vector<16xi32>, vector<16xi32> -> vector<16xi32>
      %add3A_1291 = arith.constant 0 : i32
      %add3A_1292 = vector.broadcast %add3A_1291 : i32 to vector<16xi32>
      %add3A_1293 = arith.addi %gather3A_1290, %add3A_1292 : vector<16xi32>
      %add3A_1294 = arith.addi %add3A_1293, %iota3A : vector<16xi32>
      %gather3A_1295 = tpu.vector_load_idx %arg7[%add3A_1294] : memref<3072xf32, #tpu.memory_space<vmem>>[vector<16xi32>], vector<16xf32>,
      %swap3A_1296 = arith.constant 192 : index
      %swap3A_1297 = tpu.vector_load %arg9[%swap3A_1296] {strides = array<i32>} : memref<896xf32, #tpu.memory_space<vmem>>, vector<16xf32>,
      tpu.vector_store %arg9[%swap3A_1296], %gather3A_1295 {strides = array<i32>} : memref<896xf32, #tpu.memory_space<vmem>>, vector<16xf32>,
      %broadcast_in_dim3A_1298 = arith.constant 2 : i32
      %broadcast_in_dim3A_1299 = vector.broadcast %broadcast_in_dim3A_1298 : i32 to vector<16xi32>
      %lt3A_1300 = arith.constant 0 : i32
      %lt3A_1301 = vector.broadcast %lt3A_1300 : i32 to vector<16xi32>
      %lt3A_1302 = arith.cmpi slt, %broadcast_in_dim3A_1299, %lt3A_1301 : vector<16xi32>
      %add3A_1303 = arith.constant 16 : i32
      %add3A_1304 = vector.broadcast %add3A_1303 : i32 to vector<16xi32>
      %add3A_1305 = arith.addi %broadcast_in_dim3A_1299, %add3A_1304 : vector<16xi32>
      %select_n3A_1306 = arith.select %lt3A_1302, %add3A_1305, %broadcast_in_dim3A_1299 : vector<16xi1>, vector<16xi32>
      %broadcast_in_dim3A_1307 = vector.shape_cast %select_n3A_1306 : vector<16xi32> to vector<16x1xi32>
      %gather3A_1308 = vector.shape_cast %broadcast_in_dim3A_1307 : vector<16x1xi32> to vector<16xi32>
      %gather3A_1309 = tpu.dynamic_gather %mul3A_1200[%gather3A_1308] in [0] : vector<16xi32>, vector<16xi32> -> vector<16xi32>
      %add3A_1310 = arith.constant 16 : i32
      %add3A_1311 = vector.broadcast %add3A_1310 : i32 to vector<16xi32>
      %add3A_1312 = arith.addi %gather3A_1309, %add3A_1311 : vector<16xi32>
      %add3A_1313 = arith.addi %add3A_1312, %iota3A : vector<16xi32>
      %gather3A_1314 = tpu.vector_load_idx %arg7[%add3A_1313] : memref<3072xf32, #tpu.memory_space<vmem>>[vector<16xi32>], vector<16xf32>,
      %swap3A_1315 = arith.constant 208 : index
      %swap3A_1316 = tpu.vector_load %arg9[%swap3A_1315] {strides = array<i32>} : memref<896xf32, #tpu.memory_space<vmem>>, vector<16xf32>,
      tpu.vector_store %arg9[%swap3A_1315], %gather3A_1314 {strides = array<i32>} : memref<896xf32, #tpu.memory_space<vmem>>, vector<16xf32>,
      %broadcast_in_dim3A_1317 = arith.constant 3 : i32
      %broadcast_in_dim3A_1318 = vector.broadcast %broadcast_in_dim3A_1317 : i32 to vector<16xi32>
      %lt3A_1319 = arith.constant 0 : i32
      %lt3A_1320 = vector.broadcast %lt3A_1319 : i32 to vector<16xi32>
      %lt3A_1321 = arith.cmpi slt, %broadcast_in_dim3A_1318, %lt3A_1320 : vector<16xi32>
      %add3A_1322 = arith.constant 16 : i32
      %add3A_1323 = vector.broadcast %add3A_1322 : i32 to vector<16xi32>
      %add3A_1324 = arith.addi %broadcast_in_dim3A_1318, %add3A_1323 : vector<16xi32>
      %select_n3A_1325 = arith.select %lt3A_1321, %add3A_1324, %broadcast_in_dim3A_1318 : vector<16xi1>, vector<16xi32>
      %broadcast_in_dim3A_1326 = vector.shape_cast %select_n3A_1325 : vector<16xi32> to vector<16x1xi32>
      %gather3A_1327 = vector.shape_cast %broadcast_in_dim3A_1326 : vector<16x1xi32> to vector<16xi32>
      %gather3A_1328 = tpu.dynamic_gather %mul3A_1200[%gather3A_1327] in [0] : vector<16xi32>, vector<16xi32> -> vector<16xi32>
      %add3A_1329 = arith.constant 0 : i32
      %add3A_1330 = vector.broadcast %add3A_1329 : i32 to vector<16xi32>
      %add3A_1331 = arith.addi %gather3A_1328, %add3A_1330 : vector<16xi32>
      %add3A_1332 = arith.addi %add3A_1331, %iota3A : vector<16xi32>
      %gather3A_1333 = tpu.vector_load_idx %arg7[%add3A_1332] : memref<3072xf32, #tpu.memory_space<vmem>>[vector<16xi32>], vector<16xf32>,
      %swap3A_1334 = arith.constant 224 : index
      %swap3A_1335 = tpu.vector_load %arg9[%swap3A_1334] {strides = array<i32>} : memref<896xf32, #tpu.memory_space<vmem>>, vector<16xf32>,
      tpu.vector_store %arg9[%swap3A_1334], %gather3A_1333 {strides = array<i32>} : memref<896xf32, #tpu.memory_space<vmem>>, vector<16xf32>,
      %broadcast_in_dim3A_1336 = arith.constant 3 : i32
      %broadcast_in_dim3A_1337 = vector.broadcast %broadcast_in_dim3A_1336 : i32 to vector<16xi32>
      %lt3A_1338 = arith.constant 0 : i32
      %lt3A_1339 = vector.broadcast %lt3A_1338 : i32 to vector<16xi32>
      %lt3A_1340 = arith.cmpi slt, %broadcast_in_dim3A_1337, %lt3A_1339 : vector<16xi32>
      %add3A_1341 = arith.constant 16 : i32
      %add3A_1342 = vector.broadcast %add3A_1341 : i32 to vector<16xi32>
      %add3A_1343 = arith.addi %broadcast_in_dim3A_1337, %add3A_1342 : vector<16xi32>
      %select_n3A_1344 = arith.select %lt3A_1340, %add3A_1343, %broadcast_in_dim3A_1337 : vector<16xi1>, vector<16xi32>
      %broadcast_in_dim3A_1345 = vector.shape_cast %select_n3A_1344 : vector<16xi32> to vector<16x1xi32>
      %gather3A_1346 = vector.shape_cast %broadcast_in_dim3A_1345 : vector<16x1xi32> to vector<16xi32>
      %gather3A_1347 = tpu.dynamic_gather %mul3A_1200[%gather3A_1346] in [0] : vector<16xi32>, vector<16xi32> -> vector<16xi32>
      %add3A_1348 = arith.constant 16 : i32
      %add3A_1349 = vector.broadcast %add3A_1348 : i32 to vector<16xi32>
      %add3A_1350 = arith.addi %gather3A_1347, %add3A_1349 : vector<16xi32>
      %add3A_1351 = arith.addi %add3A_1350, %iota3A : vector<16xi32>
      %gather3A_1352 = tpu.vector_load_idx %arg7[%add3A_1351] : memref<3072xf32, #tpu.memory_space<vmem>>[vector<16xi32>], vector<16xf32>,
      %swap3A_1353 = arith.constant 240 : index
      %swap3A_1354 = tpu.vector_load %arg9[%swap3A_1353] {strides = array<i32>} : memref<896xf32, #tpu.memory_space<vmem>>, vector<16xf32>,
      tpu.vector_store %arg9[%swap3A_1353], %gather3A_1352 {strides = array<i32>} : memref<896xf32, #tpu.memory_space<vmem>>, vector<16xf32>,
      %broadcast_in_dim3A_1355 = arith.constant 4 : i32
      %broadcast_in_dim3A_1356 = vector.broadcast %broadcast_in_dim3A_1355 : i32 to vector<16xi32>
      %lt3A_1357 = arith.constant 0 : i32
      %lt3A_1358 = vector.broadcast %lt3A_1357 : i32 to vector<16xi32>
      %lt3A_1359 = arith.cmpi slt, %broadcast_in_dim3A_1356, %lt3A_1358 : vector<16xi32>
      %add3A_1360 = arith.constant 16 : i32
      %add3A_1361 = vector.broadcast %add3A_1360 : i32 to vector<16xi32>
      %add3A_1362 = arith.addi %broadcast_in_dim3A_1356, %add3A_1361 : vector<16xi32>
      %select_n3A_1363 = arith.select %lt3A_1359, %add3A_1362, %broadcast_in_dim3A_1356 : vector<16xi1>, vector<16xi32>
      %broadcast_in_dim3A_1364 = vector.shape_cast %select_n3A_1363 : vector<16xi32> to vector<16x1xi32>
      %gather3A_1365 = vector.shape_cast %broadcast_in_dim3A_1364 : vector<16x1xi32> to vector<16xi32>
      %gather3A_1366 = tpu.dynamic_gather %mul3A_1200[%gather3A_1365] in [0] : vector<16xi32>, vector<16xi32> -> vector<16xi32>
      %add3A_1367 = arith.constant 0 : i32
      %add3A_1368 = vector.broadcast %add3A_1367 : i32 to vector<16xi32>
      %add3A_1369 = arith.addi %gather3A_1366, %add3A_1368 : vector<16xi32>
      %add3A_1370 = arith.addi %add3A_1369, %iota3A : vector<16xi32>
      %gather3A_1371 = tpu.vector_load_idx %arg7[%add3A_1370] : memref<3072xf32, #tpu.memory_space<vmem>>[vector<16xi32>], vector<16xf32>,
      %swap3A_1372 = arith.constant 256 : index
      %swap3A_1373 = tpu.vector_load %arg9[%swap3A_1372] {strides = array<i32>} : memref<896xf32, #tpu.memory_space<vmem>>, vector<16xf32>,
      tpu.vector_store %arg9[%swap3A_1372], %gather3A_1371 {strides = array<i32>} : memref<896xf32, #tpu.memory_space<vmem>>, vector<16xf32>,
      %broadcast_in_dim3A_1374 = arith.constant 4 : i32
      %broadcast_in_dim3A_1375 = vector.broadcast %broadcast_in_dim3A_1374 : i32 to vector<16xi32>
      %lt3A_1376 = arith.constant 0 : i32
      %lt3A_1377 = vector.broadcast %lt3A_1376 : i32 to vector<16xi32>
      %lt3A_1378 = arith.cmpi slt, %broadcast_in_dim3A_1375, %lt3A_1377 : vector<16xi32>
      %add3A_1379 = arith.constant 16 : i32
      %add3A_1380 = vector.broadcast %add3A_1379 : i32 to vector<16xi32>
      %add3A_1381 = arith.addi %broadcast_in_dim3A_1375, %add3A_1380 : vector<16xi32>
      %select_n3A_1382 = arith.select %lt3A_1378, %add3A_1381, %broadcast_in_dim3A_1375 : vector<16xi1>, vector<16xi32>
      %broadcast_in_dim3A_1383 = vector.shape_cast %select_n3A_1382 : vector<16xi32> to vector<16x1xi32>
      %gather3A_1384 = vector.shape_cast %broadcast_in_dim3A_1383 : vector<16x1xi32> to vector<16xi32>
      %gather3A_1385 = tpu.dynamic_gather %mul3A_1200[%gather3A_1384] in [0] : vector<16xi32>, vector<16xi32> -> vector<16xi32>
      %add3A_1386 = arith.constant 16 : i32
      %add3A_1387 = vector.broadcast %add3A_1386 : i32 to vector<16xi32>
      %add3A_1388 = arith.addi %gather3A_1385, %add3A_1387 : vector<16xi32>
      %add3A_1389 = arith.addi %add3A_1388, %iota3A : vector<16xi32>
      %gather3A_1390 = tpu.vector_load_idx %arg7[%add3A_1389] : memref<3072xf32, #tpu.memory_space<vmem>>[vector<16xi32>], vector<16xf32>,
      %swap3A_1391 = arith.constant 272 : index
      %swap3A_1392 = tpu.vector_load %arg9[%swap3A_1391] {strides = array<i32>} : memref<896xf32, #tpu.memory_space<vmem>>, vector<16xf32>,
      tpu.vector_store %arg9[%swap3A_1391], %gather3A_1390 {strides = array<i32>} : memref<896xf32, #tpu.memory_space<vmem>>, vector<16xf32>,
      %broadcast_in_dim3A_1393 = arith.constant 5 : i32
      %broadcast_in_dim3A_1394 = vector.broadcast %broadcast_in_dim3A_1393 : i32 to vector<16xi32>
      %lt3A_1395 = arith.constant 0 : i32
      %lt3A_1396 = vector.broadcast %lt3A_1395 : i32 to vector<16xi32>
      %lt3A_1397 = arith.cmpi slt, %broadcast_in_dim3A_1394, %lt3A_1396 : vector<16xi32>
      %add3A_1398 = arith.constant 16 : i32
      %add3A_1399 = vector.broadcast %add3A_1398 : i32 to vector<16xi32>
      %add3A_1400 = arith.addi %broadcast_in_dim3A_1394, %add3A_1399 : vector<16xi32>
      %select_n3A_1401 = arith.select %lt3A_1397, %add3A_1400, %broadcast_in_dim3A_1394 : vector<16xi1>, vector<16xi32>
      %broadcast_in_dim3A_1402 = vector.shape_cast %select_n3A_1401 : vector<16xi32> to vector<16x1xi32>
      %gather3A_1403 = vector.shape_cast %broadcast_in_dim3A_1402 : vector<16x1xi32> to vector<16xi32>
      %gather3A_1404 = tpu.dynamic_gather %mul3A_1200[%gather3A_1403] in [0] : vector<16xi32>, vector<16xi32> -> vector<16xi32>
      %add3A_1405 = arith.constant 0 : i32
      %add3A_1406 = vector.broadcast %add3A_1405 : i32 to vector<16xi32>
      %add3A_1407 = arith.addi %gather3A_1404, %add3A_1406 : vector<16xi32>
      %add3A_1408 = arith.addi %add3A_1407, %iota3A : vector<16xi32>
      %gather3A_1409 = tpu.vector_load_idx %arg7[%add3A_1408] : memref<3072xf32, #tpu.memory_space<vmem>>[vector<16xi32>], vector<16xf32>,
      %swap3A_1410 = arith.constant 288 : index
      %swap3A_1411 = tpu.vector_load %arg9[%swap3A_1410] {strides = array<i32>} : memref<896xf32, #tpu.memory_space<vmem>>, vector<16xf32>,
      tpu.vector_store %arg9[%swap3A_1410], %gather3A_1409 {strides = array<i32>} : memref<896xf32, #tpu.memory_space<vmem>>, vector<16xf32>,
      %broadcast_in_dim3A_1412 = arith.constant 5 : i32
      %broadcast_in_dim3A_1413 = vector.broadcast %broadcast_in_dim3A_1412 : i32 to vector<16xi32>
      %lt3A_1414 = arith.constant 0 : i32
      %lt3A_1415 = vector.broadcast %lt3A_1414 : i32 to vector<16xi32>
      %lt3A_1416 = arith.cmpi slt, %broadcast_in_dim3A_1413, %lt3A_1415 : vector<16xi32>
      %add3A_1417 = arith.constant 16 : i32
      %add3A_1418 = vector.broadcast %add3A_1417 : i32 to vector<16xi32>
      %add3A_1419 = arith.addi %broadcast_in_dim3A_1413, %add3A_1418 : vector<16xi32>
      %select_n3A_1420 = arith.select %lt3A_1416, %add3A_1419, %broadcast_in_dim3A_1413 : vector<16xi1>, vector<16xi32>
      %broadcast_in_dim3A_1421 = vector.shape_cast %select_n3A_1420 : vector<16xi32> to vector<16x1xi32>
      %gather3A_1422 = vector.shape_cast %broadcast_in_dim3A_1421 : vector<16x1xi32> to vector<16xi32>
      %gather3A_1423 = tpu.dynamic_gather %mul3A_1200[%gather3A_1422] in [0] : vector<16xi32>, vector<16xi32> -> vector<16xi32>
      %add3A_1424 = arith.constant 16 : i32
      %add3A_1425 = vector.broadcast %add3A_1424 : i32 to vector<16xi32>
      %add3A_1426 = arith.addi %gather3A_1423, %add3A_1425 : vector<16xi32>
      %add3A_1427 = arith.addi %add3A_1426, %iota3A : vector<16xi32>
      %gather3A_1428 = tpu.vector_load_idx %arg7[%add3A_1427] : memref<3072xf32, #tpu.memory_space<vmem>>[vector<16xi32>], vector<16xf32>,
      %swap3A_1429 = arith.constant 304 : index
      %swap3A_1430 = tpu.vector_load %arg9[%swap3A_1429] {strides = array<i32>} : memref<896xf32, #tpu.memory_space<vmem>>, vector<16xf32>,
      tpu.vector_store %arg9[%swap3A_1429], %gather3A_1428 {strides = array<i32>} : memref<896xf32, #tpu.memory_space<vmem>>, vector<16xf32>,
      %broadcast_in_dim3A_1431 = arith.constant 6 : i32
      %broadcast_in_dim3A_1432 = vector.broadcast %broadcast_in_dim3A_1431 : i32 to vector<16xi32>
      %lt3A_1433 = arith.constant 0 : i32
      %lt3A_1434 = vector.broadcast %lt3A_1433 : i32 to vector<16xi32>
      %lt3A_1435 = arith.cmpi slt, %broadcast_in_dim3A_1432, %lt3A_1434 : vector<16xi32>
      %add3A_1436 = arith.constant 16 : i32
      %add3A_1437 = vector.broadcast %add3A_1436 : i32 to vector<16xi32>
      %add3A_1438 = arith.addi %broadcast_in_dim3A_1432, %add3A_1437 : vector<16xi32>
      %select_n3A_1439 = arith.select %lt3A_1435, %add3A_1438, %broadcast_in_dim3A_1432 : vector<16xi1>, vector<16xi32>
      %broadcast_in_dim3A_1440 = vector.shape_cast %select_n3A_1439 : vector<16xi32> to vector<16x1xi32>
      %gather3A_1441 = vector.shape_cast %broadcast_in_dim3A_1440 : vector<16x1xi32> to vector<16xi32>
      %gather3A_1442 = tpu.dynamic_gather %mul3A_1200[%gather3A_1441] in [0] : vector<16xi32>, vector<16xi32> -> vector<16xi32>
      %add3A_1443 = arith.constant 0 : i32
      %add3A_1444 = vector.broadcast %add3A_1443 : i32 to vector<16xi32>
      %add3A_1445 = arith.addi %gather3A_1442, %add3A_1444 : vector<16xi32>
      %add3A_1446 = arith.addi %add3A_1445, %iota3A : vector<16xi32>
      %gather3A_1447 = tpu.vector_load_idx %arg7[%add3A_1446] : memref<3072xf32, #tpu.memory_space<vmem>>[vector<16xi32>], vector<16xf32>,
      %swap3A_1448 = arith.constant 320 : index
      %swap3A_1449 = tpu.vector_load %arg9[%swap3A_1448] {strides = array<i32>} : memref<896xf32, #tpu.memory_space<vmem>>, vector<16xf32>,
      tpu.vector_store %arg9[%swap3A_1448], %gather3A_1447 {strides = array<i32>} : memref<896xf32, #tpu.memory_space<vmem>>, vector<16xf32>,
      %broadcast_in_dim3A_1450 = arith.constant 6 : i32
      %broadcast_in_dim3A_1451 = vector.broadcast %broadcast_in_dim3A_1450 : i32 to vector<16xi32>
      %lt3A_1452 = arith.constant 0 : i32
      %lt3A_1453 = vector.broadcast %lt3A_1452 : i32 to vector<16xi32>
      %lt3A_1454 = arith.cmpi slt, %broadcast_in_dim3A_1451, %lt3A_1453 : vector<16xi32>
      %add3A_1455 = arith.constant 16 : i32
      %add3A_1456 = vector.broadcast %add3A_1455 : i32 to vector<16xi32>
      %add3A_1457 = arith.addi %broadcast_in_dim3A_1451, %add3A_1456 : vector<16xi32>
      %select_n3A_1458 = arith.select %lt3A_1454, %add3A_1457, %broadcast_in_dim3A_1451 : vector<16xi1>, vector<16xi32>
      %broadcast_in_dim3A_1459 = vector.shape_cast %select_n3A_1458 : vector<16xi32> to vector<16x1xi32>
      %gather3A_1460 = vector.shape_cast %broadcast_in_dim3A_1459 : vector<16x1xi32> to vector<16xi32>
      %gather3A_1461 = tpu.dynamic_gather %mul3A_1200[%gather3A_1460] in [0] : vector<16xi32>, vector<16xi32> -> vector<16xi32>
      %add3A_1462 = arith.constant 16 : i32
      %add3A_1463 = vector.broadcast %add3A_1462 : i32 to vector<16xi32>
      %add3A_1464 = arith.addi %gather3A_1461, %add3A_1463 : vector<16xi32>
      %add3A_1465 = arith.addi %add3A_1464, %iota3A : vector<16xi32>
      %gather3A_1466 = tpu.vector_load_idx %arg7[%add3A_1465] : memref<3072xf32, #tpu.memory_space<vmem>>[vector<16xi32>], vector<16xf32>,
      %swap3A_1467 = arith.constant 336 : index
      %swap3A_1468 = tpu.vector_load %arg9[%swap3A_1467] {strides = array<i32>} : memref<896xf32, #tpu.memory_space<vmem>>, vector<16xf32>,
      tpu.vector_store %arg9[%swap3A_1467], %gather3A_1466 {strides = array<i32>} : memref<896xf32, #tpu.memory_space<vmem>>, vector<16xf32>,
      %broadcast_in_dim3A_1469 = arith.constant 7 : i32
      %broadcast_in_dim3A_1470 = vector.broadcast %broadcast_in_dim3A_1469 : i32 to vector<16xi32>
      %lt3A_1471 = arith.constant 0 : i32
      %lt3A_1472 = vector.broadcast %lt3A_1471 : i32 to vector<16xi32>
      %lt3A_1473 = arith.cmpi slt, %broadcast_in_dim3A_1470, %lt3A_1472 : vector<16xi32>
      %add3A_1474 = arith.constant 16 : i32
      %add3A_1475 = vector.broadcast %add3A_1474 : i32 to vector<16xi32>
      %add3A_1476 = arith.addi %broadcast_in_dim3A_1470, %add3A_1475 : vector<16xi32>
      %select_n3A_1477 = arith.select %lt3A_1473, %add3A_1476, %broadcast_in_dim3A_1470 : vector<16xi1>, vector<16xi32>
      %broadcast_in_dim3A_1478 = vector.shape_cast %select_n3A_1477 : vector<16xi32> to vector<16x1xi32>
      %gather3A_1479 = vector.shape_cast %broadcast_in_dim3A_1478 : vector<16x1xi32> to vector<16xi32>
      %gather3A_1480 = tpu.dynamic_gather %mul3A_1200[%gather3A_1479] in [0] : vector<16xi32>, vector<16xi32> -> vector<16xi32>
      %add3A_1481 = arith.constant 0 : i32
      %add3A_1482 = vector.broadcast %add3A_1481 : i32 to vector<16xi32>
      %add3A_1483 = arith.addi %gather3A_1480, %add3A_1482 : vector<16xi32>
      %add3A_1484 = arith.addi %add3A_1483, %iota3A : vector<16xi32>
      %gather3A_1485 = tpu.vector_load_idx %arg7[%add3A_1484] : memref<3072xf32, #tpu.memory_space<vmem>>[vector<16xi32>], vector<16xf32>,
      %swap3A_1486 = arith.constant 352 : index
      %swap3A_1487 = tpu.vector_load %arg9[%swap3A_1486] {strides = array<i32>} : memref<896xf32, #tpu.memory_space<vmem>>, vector<16xf32>,
      tpu.vector_store %arg9[%swap3A_1486], %gather3A_1485 {strides = array<i32>} : memref<896xf32, #tpu.memory_space<vmem>>, vector<16xf32>,
      %broadcast_in_dim3A_1488 = arith.constant 7 : i32
      %broadcast_in_dim3A_1489 = vector.broadcast %broadcast_in_dim3A_1488 : i32 to vector<16xi32>
      %lt3A_1490 = arith.constant 0 : i32
      %lt3A_1491 = vector.broadcast %lt3A_1490 : i32 to vector<16xi32>
      %lt3A_1492 = arith.cmpi slt, %broadcast_in_dim3A_1489, %lt3A_1491 : vector<16xi32>
      %add3A_1493 = arith.constant 16 : i32
      %add3A_1494 = vector.broadcast %add3A_1493 : i32 to vector<16xi32>
      %add3A_1495 = arith.addi %broadcast_in_dim3A_1489, %add3A_1494 : vector<16xi32>
      %select_n3A_1496 = arith.select %lt3A_1492, %add3A_1495, %broadcast_in_dim3A_1489 : vector<16xi1>, vector<16xi32>
      %broadcast_in_dim3A_1497 = vector.shape_cast %select_n3A_1496 : vector<16xi32> to vector<16x1xi32>
      %gather3A_1498 = vector.shape_cast %broadcast_in_dim3A_1497 : vector<16x1xi32> to vector<16xi32>
      %gather3A_1499 = tpu.dynamic_gather %mul3A_1200[%gather3A_1498] in [0] : vector<16xi32>, vector<16xi32> -> vector<16xi32>
      %add3A_1500 = arith.constant 16 : i32
      %add3A_1501 = vector.broadcast %add3A_1500 : i32 to vector<16xi32>
      %add3A_1502 = arith.addi %gather3A_1499, %add3A_1501 : vector<16xi32>
      %add3A_1503 = arith.addi %add3A_1502, %iota3A : vector<16xi32>
      %gather3A_1504 = tpu.vector_load_idx %arg7[%add3A_1503] : memref<3072xf32, #tpu.memory_space<vmem>>[vector<16xi32>], vector<16xf32>,
      %swap3A_1505 = arith.constant 368 : index
      %swap3A_1506 = tpu.vector_load %arg9[%swap3A_1505] {strides = array<i32>} : memref<896xf32, #tpu.memory_space<vmem>>, vector<16xf32>,
      tpu.vector_store %arg9[%swap3A_1505], %gather3A_1504 {strides = array<i32>} : memref<896xf32, #tpu.memory_space<vmem>>, vector<16xf32>,
      %broadcast_in_dim3A_1507 = arith.constant 0 : i32
      %broadcast_in_dim3A_1508 = vector.broadcast %broadcast_in_dim3A_1507 : i32 to vector<16xi32>
      %lt3A_1509 = arith.constant 0 : i32
      %lt3A_1510 = vector.broadcast %lt3A_1509 : i32 to vector<16xi32>
      %lt3A_1511 = arith.cmpi slt, %broadcast_in_dim3A_1508, %lt3A_1510 : vector<16xi32>
      %add3A_1512 = arith.constant 16 : i32
      %add3A_1513 = vector.broadcast %add3A_1512 : i32 to vector<16xi32>
      %add3A_1514 = arith.addi %broadcast_in_dim3A_1508, %add3A_1513 : vector<16xi32>
      %select_n3A_1515 = arith.select %lt3A_1511, %add3A_1514, %broadcast_in_dim3A_1508 : vector<16xi1>, vector<16xi32>
      %broadcast_in_dim3A_1516 = vector.shape_cast %select_n3A_1515 : vector<16xi32> to vector<16x1xi32>
      %gather3A_1517 = vector.shape_cast %broadcast_in_dim3A_1516 : vector<16x1xi32> to vector<16xi32>
      %gather3A_1518 = tpu.dynamic_gather %mul3A_1203[%gather3A_1517] in [0] : vector<16xi32>, vector<16xi32> -> vector<16xi32>
      %add3A_1519 = arith.constant 0 : i32
      %add3A_1520 = vector.broadcast %add3A_1519 : i32 to vector<16xi32>
      %add3A_1521 = arith.addi %gather3A_1518, %add3A_1520 : vector<16xi32>
      %add3A_1522 = arith.addi %add3A_1521, %iota3A : vector<16xi32>
      %gather3A_1523 = tpu.vector_load_idx %arg8[%add3A_1522] : memref<6144xf32, #tpu.memory_space<vmem>>[vector<16xi32>], vector<16xf32>,
      %swap3A_1524 = arith.constant 384 : index
      %swap3A_1525 = tpu.vector_load %arg9[%swap3A_1524] {strides = array<i32>} : memref<896xf32, #tpu.memory_space<vmem>>, vector<16xf32>,
      tpu.vector_store %arg9[%swap3A_1524], %gather3A_1523 {strides = array<i32>} : memref<896xf32, #tpu.memory_space<vmem>>, vector<16xf32>,
      %broadcast_in_dim3A_1526 = arith.constant 0 : i32
      %broadcast_in_dim3A_1527 = vector.broadcast %broadcast_in_dim3A_1526 : i32 to vector<16xi32>
      %lt3A_1528 = arith.constant 0 : i32
      %lt3A_1529 = vector.broadcast %lt3A_1528 : i32 to vector<16xi32>
      %lt3A_1530 = arith.cmpi slt, %broadcast_in_dim3A_1527, %lt3A_1529 : vector<16xi32>
      %add3A_1531 = arith.constant 16 : i32
      %add3A_1532 = vector.broadcast %add3A_1531 : i32 to vector<16xi32>
      %add3A_1533 = arith.addi %broadcast_in_dim3A_1527, %add3A_1532 : vector<16xi32>
      %select_n3A_1534 = arith.select %lt3A_1530, %add3A_1533, %broadcast_in_dim3A_1527 : vector<16xi1>, vector<16xi32>
      %broadcast_in_dim3A_1535 = vector.shape_cast %select_n3A_1534 : vector<16xi32> to vector<16x1xi32>
      %gather3A_1536 = vector.shape_cast %broadcast_in_dim3A_1535 : vector<16x1xi32> to vector<16xi32>
      %gather3A_1537 = tpu.dynamic_gather %mul3A_1203[%gather3A_1536] in [0] : vector<16xi32>, vector<16xi32> -> vector<16xi32>
      %add3A_1538 = arith.constant 16 : i32
      %add3A_1539 = vector.broadcast %add3A_1538 : i32 to vector<16xi32>
      %add3A_1540 = arith.addi %gather3A_1537, %add3A_1539 : vector<16xi32>
      %add3A_1541 = arith.addi %add3A_1540, %iota3A : vector<16xi32>
      %gather3A_1542 = tpu.vector_load_idx %arg8[%add3A_1541] : memref<6144xf32, #tpu.memory_space<vmem>>[vector<16xi32>], vector<16xf32>,
      %swap3A_1543 = arith.constant 400 : index
      %swap3A_1544 = tpu.vector_load %arg9[%swap3A_1543] {strides = array<i32>} : memref<896xf32, #tpu.memory_space<vmem>>, vector<16xf32>,
      tpu.vector_store %arg9[%swap3A_1543], %gather3A_1542 {strides = array<i32>} : memref<896xf32, #tpu.memory_space<vmem>>, vector<16xf32>,
      %broadcast_in_dim3A_1545 = arith.constant 0 : i32
      %broadcast_in_dim3A_1546 = vector.broadcast %broadcast_in_dim3A_1545 : i32 to vector<16xi32>
      %lt3A_1547 = arith.constant 0 : i32
      %lt3A_1548 = vector.broadcast %lt3A_1547 : i32 to vector<16xi32>
      %lt3A_1549 = arith.cmpi slt, %broadcast_in_dim3A_1546, %lt3A_1548 : vector<16xi32>
      %add3A_1550 = arith.constant 16 : i32
      %add3A_1551 = vector.broadcast %add3A_1550 : i32 to vector<16xi32>
      %add3A_1552 = arith.addi %broadcast_in_dim3A_1546, %add3A_1551 : vector<16xi32>
      %select_n3A_1553 = arith.select %lt3A_1549, %add3A_1552, %broadcast_in_dim3A_1546 : vector<16xi1>, vector<16xi32>
      %broadcast_in_dim3A_1554 = vector.shape_cast %select_n3A_1553 : vector<16xi32> to vector<16x1xi32>
      %gather3A_1555 = vector.shape_cast %broadcast_in_dim3A_1554 : vector<16x1xi32> to vector<16xi32>
      %gather3A_1556 = tpu.dynamic_gather %mul3A_1203[%gather3A_1555] in [0] : vector<16xi32>, vector<16xi32> -> vector<16xi32>
      %add3A_1557 = arith.constant 32 : i32
      %add3A_1558 = vector.broadcast %add3A_1557 : i32 to vector<16xi32>
      %add3A_1559 = arith.addi %gather3A_1556, %add3A_1558 : vector<16xi32>
      %add3A_1560 = arith.addi %add3A_1559, %iota3A : vector<16xi32>
      %gather3A_1561 = tpu.vector_load_idx %arg8[%add3A_1560] : memref<6144xf32, #tpu.memory_space<vmem>>[vector<16xi32>], vector<16xf32>,
      %swap3A_1562 = arith.constant 416 : index
      %swap3A_1563 = tpu.vector_load %arg9[%swap3A_1562] {strides = array<i32>} : memref<896xf32, #tpu.memory_space<vmem>>, vector<16xf32>,
      tpu.vector_store %arg9[%swap3A_1562], %gather3A_1561 {strides = array<i32>} : memref<896xf32, #tpu.memory_space<vmem>>, vector<16xf32>,
      %broadcast_in_dim3A_1564 = arith.constant 0 : i32
      %broadcast_in_dim3A_1565 = vector.broadcast %broadcast_in_dim3A_1564 : i32 to vector<16xi32>
      %lt3A_1566 = arith.constant 0 : i32
      %lt3A_1567 = vector.broadcast %lt3A_1566 : i32 to vector<16xi32>
      %lt3A_1568 = arith.cmpi slt, %broadcast_in_dim3A_1565, %lt3A_1567 : vector<16xi32>
      %add3A_1569 = arith.constant 16 : i32
      %add3A_1570 = vector.broadcast %add3A_1569 : i32 to vector<16xi32>
      %add3A_1571 = arith.addi %broadcast_in_dim3A_1565, %add3A_1570 : vector<16xi32>
      %select_n3A_1572 = arith.select %lt3A_1568, %add3A_1571, %broadcast_in_dim3A_1565 : vector<16xi1>, vector<16xi32>
      %broadcast_in_dim3A_1573 = vector.shape_cast %select_n3A_1572 : vector<16xi32> to vector<16x1xi32>
      %gather3A_1574 = vector.shape_cast %broadcast_in_dim3A_1573 : vector<16x1xi32> to vector<16xi32>
      %gather3A_1575 = tpu.dynamic_gather %mul3A_1203[%gather3A_1574] in [0] : vector<16xi32>, vector<16xi32> -> vector<16xi32>
      %add3A_1576 = arith.constant 48 : i32
      %add3A_1577 = vector.broadcast %add3A_1576 : i32 to vector<16xi32>
      %add3A_1578 = arith.addi %gather3A_1575, %add3A_1577 : vector<16xi32>
      %add3A_1579 = arith.addi %add3A_1578, %iota3A : vector<16xi32>
      %gather3A_1580 = tpu.vector_load_idx %arg8[%add3A_1579] : memref<6144xf32, #tpu.memory_space<vmem>>[vector<16xi32>], vector<16xf32>,
      %swap3A_1581 = arith.constant 432 : index
      %swap3A_1582 = tpu.vector_load %arg9[%swap3A_1581] {strides = array<i32>} : memref<896xf32, #tpu.memory_space<vmem>>, vector<16xf32>,
      tpu.vector_store %arg9[%swap3A_1581], %gather3A_1580 {strides = array<i32>} : memref<896xf32, #tpu.memory_space<vmem>>, vector<16xf32>,
      %broadcast_in_dim3A_1583 = arith.constant 1 : i32
      %broadcast_in_dim3A_1584 = vector.broadcast %broadcast_in_dim3A_1583 : i32 to vector<16xi32>
      %lt3A_1585 = arith.constant 0 : i32
      %lt3A_1586 = vector.broadcast %lt3A_1585 : i32 to vector<16xi32>
      %lt3A_1587 = arith.cmpi slt, %broadcast_in_dim3A_1584, %lt3A_1586 : vector<16xi32>
      %add3A_1588 = arith.constant 16 : i32
      %add3A_1589 = vector.broadcast %add3A_1588 : i32 to vector<16xi32>
      %add3A_1590 = arith.addi %broadcast_in_dim3A_1584, %add3A_1589 : vector<16xi32>
      %select_n3A_1591 = arith.select %lt3A_1587, %add3A_1590, %broadcast_in_dim3A_1584 : vector<16xi1>, vector<16xi32>
      %broadcast_in_dim3A_1592 = vector.shape_cast %select_n3A_1591 : vector<16xi32> to vector<16x1xi32>
      %gather3A_1593 = vector.shape_cast %broadcast_in_dim3A_1592 : vector<16x1xi32> to vector<16xi32>
      %gather3A_1594 = tpu.dynamic_gather %mul3A_1203[%gather3A_1593] in [0] : vector<16xi32>, vector<16xi32> -> vector<16xi32>
      %add3A_1595 = arith.constant 0 : i32
      %add3A_1596 = vector.broadcast %add3A_1595 : i32 to vector<16xi32>
      %add3A_1597 = arith.addi %gather3A_1594, %add3A_1596 : vector<16xi32>
      %add3A_1598 = arith.addi %add3A_1597, %iota3A : vector<16xi32>
      %gather3A_1599 = tpu.vector_load_idx %arg8[%add3A_1598] : memref<6144xf32, #tpu.memory_space<vmem>>[vector<16xi32>], vector<16xf32>,
      %swap3A_1600 = arith.constant 448 : index
      %swap3A_1601 = tpu.vector_load %arg9[%swap3A_1600] {strides = array<i32>} : memref<896xf32, #tpu.memory_space<vmem>>, vector<16xf32>,
      tpu.vector_store %arg9[%swap3A_1600], %gather3A_1599 {strides = array<i32>} : memref<896xf32, #tpu.memory_space<vmem>>, vector<16xf32>,
      %broadcast_in_dim3A_1602 = arith.constant 1 : i32
      %broadcast_in_dim3A_1603 = vector.broadcast %broadcast_in_dim3A_1602 : i32 to vector<16xi32>
      %lt3A_1604 = arith.constant 0 : i32
      %lt3A_1605 = vector.broadcast %lt3A_1604 : i32 to vector<16xi32>
      %lt3A_1606 = arith.cmpi slt, %broadcast_in_dim3A_1603, %lt3A_1605 : vector<16xi32>
      %add3A_1607 = arith.constant 16 : i32
      %add3A_1608 = vector.broadcast %add3A_1607 : i32 to vector<16xi32>
      %add3A_1609 = arith.addi %broadcast_in_dim3A_1603, %add3A_1608 : vector<16xi32>
      %select_n3A_1610 = arith.select %lt3A_1606, %add3A_1609, %broadcast_in_dim3A_1603 : vector<16xi1>, vector<16xi32>
      %broadcast_in_dim3A_1611 = vector.shape_cast %select_n3A_1610 : vector<16xi32> to vector<16x1xi32>
      %gather3A_1612 = vector.shape_cast %broadcast_in_dim3A_1611 : vector<16x1xi32> to vector<16xi32>
      %gather3A_1613 = tpu.dynamic_gather %mul3A_1203[%gather3A_1612] in [0] : vector<16xi32>, vector<16xi32> -> vector<16xi32>
      %add3A_1614 = arith.constant 16 : i32
      %add3A_1615 = vector.broadcast %add3A_1614 : i32 to vector<16xi32>
      %add3A_1616 = arith.addi %gather3A_1613, %add3A_1615 : vector<16xi32>
      %add3A_1617 = arith.addi %add3A_1616, %iota3A : vector<16xi32>
      %gather3A_1618 = tpu.vector_load_idx %arg8[%add3A_1617] : memref<6144xf32, #tpu.memory_space<vmem>>[vector<16xi32>], vector<16xf32>,
      %swap3A_1619 = arith.constant 464 : index
      %swap3A_1620 = tpu.vector_load %arg9[%swap3A_1619] {strides = array<i32>} : memref<896xf32, #tpu.memory_space<vmem>>, vector<16xf32>,
      tpu.vector_store %arg9[%swap3A_1619], %gather3A_1618 {strides = array<i32>} : memref<896xf32, #tpu.memory_space<vmem>>, vector<16xf32>,
      %broadcast_in_dim3A_1621 = arith.constant 1 : i32
      %broadcast_in_dim3A_1622 = vector.broadcast %broadcast_in_dim3A_1621 : i32 to vector<16xi32>
      %lt3A_1623 = arith.constant 0 : i32
      %lt3A_1624 = vector.broadcast %lt3A_1623 : i32 to vector<16xi32>
      %lt3A_1625 = arith.cmpi slt, %broadcast_in_dim3A_1622, %lt3A_1624 : vector<16xi32>
      %add3A_1626 = arith.constant 16 : i32
      %add3A_1627 = vector.broadcast %add3A_1626 : i32 to vector<16xi32>
      %add3A_1628 = arith.addi %broadcast_in_dim3A_1622, %add3A_1627 : vector<16xi32>
      %select_n3A_1629 = arith.select %lt3A_1625, %add3A_1628, %broadcast_in_dim3A_1622 : vector<16xi1>, vector<16xi32>
      %broadcast_in_dim3A_1630 = vector.shape_cast %select_n3A_1629 : vector<16xi32> to vector<16x1xi32>
      %gather3A_1631 = vector.shape_cast %broadcast_in_dim3A_1630 : vector<16x1xi32> to vector<16xi32>
      %gather3A_1632 = tpu.dynamic_gather %mul3A_1203[%gather3A_1631] in [0] : vector<16xi32>, vector<16xi32> -> vector<16xi32>
      %add3A_1633 = arith.constant 32 : i32
      %add3A_1634 = vector.broadcast %add3A_1633 : i32 to vector<16xi32>
      %add3A_1635 = arith.addi %gather3A_1632, %add3A_1634 : vector<16xi32>
      %add3A_1636 = arith.addi %add3A_1635, %iota3A : vector<16xi32>
      %gather3A_1637 = tpu.vector_load_idx %arg8[%add3A_1636] : memref<6144xf32, #tpu.memory_space<vmem>>[vector<16xi32>], vector<16xf32>,
      %swap3A_1638 = arith.constant 480 : index
      %swap3A_1639 = tpu.vector_load %arg9[%swap3A_1638] {strides = array<i32>} : memref<896xf32, #tpu.memory_space<vmem>>, vector<16xf32>,
      tpu.vector_store %arg9[%swap3A_1638], %gather3A_1637 {strides = array<i32>} : memref<896xf32, #tpu.memory_space<vmem>>, vector<16xf32>,
      %broadcast_in_dim3A_1640 = arith.constant 1 : i32
      %broadcast_in_dim3A_1641 = vector.broadcast %broadcast_in_dim3A_1640 : i32 to vector<16xi32>
      %lt3A_1642 = arith.constant 0 : i32
      %lt3A_1643 = vector.broadcast %lt3A_1642 : i32 to vector<16xi32>
      %lt3A_1644 = arith.cmpi slt, %broadcast_in_dim3A_1641, %lt3A_1643 : vector<16xi32>
      %add3A_1645 = arith.constant 16 : i32
      %add3A_1646 = vector.broadcast %add3A_1645 : i32 to vector<16xi32>
      %add3A_1647 = arith.addi %broadcast_in_dim3A_1641, %add3A_1646 : vector<16xi32>
      %select_n3A_1648 = arith.select %lt3A_1644, %add3A_1647, %broadcast_in_dim3A_1641 : vector<16xi1>, vector<16xi32>
      %broadcast_in_dim3A_1649 = vector.shape_cast %select_n3A_1648 : vector<16xi32> to vector<16x1xi32>
      %gather3A_1650 = vector.shape_cast %broadcast_in_dim3A_1649 : vector<16x1xi32> to vector<16xi32>
      %gather3A_1651 = tpu.dynamic_gather %mul3A_1203[%gather3A_1650] in [0] : vector<16xi32>, vector<16xi32> -> vector<16xi32>
      %add3A_1652 = arith.constant 48 : i32
      %add3A_1653 = vector.broadcast %add3A_1652 : i32 to vector<16xi32>
      %add3A_1654 = arith.addi %gather3A_1651, %add3A_1653 : vector<16xi32>
      %add3A_1655 = arith.addi %add3A_1654, %iota3A : vector<16xi32>
      %gather3A_1656 = tpu.vector_load_idx %arg8[%add3A_1655] : memref<6144xf32, #tpu.memory_space<vmem>>[vector<16xi32>], vector<16xf32>,
      %swap3A_1657 = arith.constant 496 : index
      %swap3A_1658 = tpu.vector_load %arg9[%swap3A_1657] {strides = array<i32>} : memref<896xf32, #tpu.memory_space<vmem>>, vector<16xf32>,
      tpu.vector_store %arg9[%swap3A_1657], %gather3A_1656 {strides = array<i32>} : memref<896xf32, #tpu.memory_space<vmem>>, vector<16xf32>,
      %broadcast_in_dim3A_1659 = arith.constant 2 : i32
      %broadcast_in_dim3A_1660 = vector.broadcast %broadcast_in_dim3A_1659 : i32 to vector<16xi32>
      %lt3A_1661 = arith.constant 0 : i32
      %lt3A_1662 = vector.broadcast %lt3A_1661 : i32 to vector<16xi32>
      %lt3A_1663 = arith.cmpi slt, %broadcast_in_dim3A_1660, %lt3A_1662 : vector<16xi32>
      %add3A_1664 = arith.constant 16 : i32
      %add3A_1665 = vector.broadcast %add3A_1664 : i32 to vector<16xi32>
      %add3A_1666 = arith.addi %broadcast_in_dim3A_1660, %add3A_1665 : vector<16xi32>
      %select_n3A_1667 = arith.select %lt3A_1663, %add3A_1666, %broadcast_in_dim3A_1660 : vector<16xi1>, vector<16xi32>
      %broadcast_in_dim3A_1668 = vector.shape_cast %select_n3A_1667 : vector<16xi32> to vector<16x1xi32>
      %gather3A_1669 = vector.shape_cast %broadcast_in_dim3A_1668 : vector<16x1xi32> to vector<16xi32>
      %gather3A_1670 = tpu.dynamic_gather %mul3A_1203[%gather3A_1669] in [0] : vector<16xi32>, vector<16xi32> -> vector<16xi32>
      %add3A_1671 = arith.constant 0 : i32
      %add3A_1672 = vector.broadcast %add3A_1671 : i32 to vector<16xi32>
      %add3A_1673 = arith.addi %gather3A_1670, %add3A_1672 : vector<16xi32>
      %add3A_1674 = arith.addi %add3A_1673, %iota3A : vector<16xi32>
      %gather3A_1675 = tpu.vector_load_idx %arg8[%add3A_1674] : memref<6144xf32, #tpu.memory_space<vmem>>[vector<16xi32>], vector<16xf32>,
      %swap3A_1676 = arith.constant 512 : index
      %swap3A_1677 = tpu.vector_load %arg9[%swap3A_1676] {strides = array<i32>} : memref<896xf32, #tpu.memory_space<vmem>>, vector<16xf32>,
      tpu.vector_store %arg9[%swap3A_1676], %gather3A_1675 {strides = array<i32>} : memref<896xf32, #tpu.memory_space<vmem>>, vector<16xf32>,
      %broadcast_in_dim3A_1678 = arith.constant 2 : i32
      %broadcast_in_dim3A_1679 = vector.broadcast %broadcast_in_dim3A_1678 : i32 to vector<16xi32>
      %lt3A_1680 = arith.constant 0 : i32
      %lt3A_1681 = vector.broadcast %lt3A_1680 : i32 to vector<16xi32>
      %lt3A_1682 = arith.cmpi slt, %broadcast_in_dim3A_1679, %lt3A_1681 : vector<16xi32>
      %add3A_1683 = arith.constant 16 : i32
      %add3A_1684 = vector.broadcast %add3A_1683 : i32 to vector<16xi32>
      %add3A_1685 = arith.addi %broadcast_in_dim3A_1679, %add3A_1684 : vector<16xi32>
      %select_n3A_1686 = arith.select %lt3A_1682, %add3A_1685, %broadcast_in_dim3A_1679 : vector<16xi1>, vector<16xi32>
      %broadcast_in_dim3A_1687 = vector.shape_cast %select_n3A_1686 : vector<16xi32> to vector<16x1xi32>
      %gather3A_1688 = vector.shape_cast %broadcast_in_dim3A_1687 : vector<16x1xi32> to vector<16xi32>
      %gather3A_1689 = tpu.dynamic_gather %mul3A_1203[%gather3A_1688] in [0] : vector<16xi32>, vector<16xi32> -> vector<16xi32>
      %add3A_1690 = arith.constant 16 : i32
      %add3A_1691 = vector.broadcast %add3A_1690 : i32 to vector<16xi32>
      %add3A_1692 = arith.addi %gather3A_1689, %add3A_1691 : vector<16xi32>
      %add3A_1693 = arith.addi %add3A_1692, %iota3A : vector<16xi32>
      %gather3A_1694 = tpu.vector_load_idx %arg8[%add3A_1693] : memref<6144xf32, #tpu.memory_space<vmem>>[vector<16xi32>], vector<16xf32>,
      %swap3A_1695 = arith.constant 528 : index
      %swap3A_1696 = tpu.vector_load %arg9[%swap3A_1695] {strides = array<i32>} : memref<896xf32, #tpu.memory_space<vmem>>, vector<16xf32>,
      tpu.vector_store %arg9[%swap3A_1695], %gather3A_1694 {strides = array<i32>} : memref<896xf32, #tpu.memory_space<vmem>>, vector<16xf32>,
      %broadcast_in_dim3A_1697 = arith.constant 2 : i32
      %broadcast_in_dim3A_1698 = vector.broadcast %broadcast_in_dim3A_1697 : i32 to vector<16xi32>
      %lt3A_1699 = arith.constant 0 : i32
      %lt3A_1700 = vector.broadcast %lt3A_1699 : i32 to vector<16xi32>
      %lt3A_1701 = arith.cmpi slt, %broadcast_in_dim3A_1698, %lt3A_1700 : vector<16xi32>
      %add3A_1702 = arith.constant 16 : i32
      %add3A_1703 = vector.broadcast %add3A_1702 : i32 to vector<16xi32>
      %add3A_1704 = arith.addi %broadcast_in_dim3A_1698, %add3A_1703 : vector<16xi32>
      %select_n3A_1705 = arith.select %lt3A_1701, %add3A_1704, %broadcast_in_dim3A_1698 : vector<16xi1>, vector<16xi32>
      %broadcast_in_dim3A_1706 = vector.shape_cast %select_n3A_1705 : vector<16xi32> to vector<16x1xi32>
      %gather3A_1707 = vector.shape_cast %broadcast_in_dim3A_1706 : vector<16x1xi32> to vector<16xi32>
      %gather3A_1708 = tpu.dynamic_gather %mul3A_1203[%gather3A_1707] in [0] : vector<16xi32>, vector<16xi32> -> vector<16xi32>
      %add3A_1709 = arith.constant 32 : i32
      %add3A_1710 = vector.broadcast %add3A_1709 : i32 to vector<16xi32>
      %add3A_1711 = arith.addi %gather3A_1708, %add3A_1710 : vector<16xi32>
      %add3A_1712 = arith.addi %add3A_1711, %iota3A : vector<16xi32>
      %gather3A_1713 = tpu.vector_load_idx %arg8[%add3A_1712] : memref<6144xf32, #tpu.memory_space<vmem>>[vector<16xi32>], vector<16xf32>,
      %swap3A_1714 = arith.constant 544 : index
      %swap3A_1715 = tpu.vector_load %arg9[%swap3A_1714] {strides = array<i32>} : memref<896xf32, #tpu.memory_space<vmem>>, vector<16xf32>,
      tpu.vector_store %arg9[%swap3A_1714], %gather3A_1713 {strides = array<i32>} : memref<896xf32, #tpu.memory_space<vmem>>, vector<16xf32>,
      %broadcast_in_dim3A_1716 = arith.constant 2 : i32
      %broadcast_in_dim3A_1717 = vector.broadcast %broadcast_in_dim3A_1716 : i32 to vector<16xi32>
      %lt3A_1718 = arith.constant 0 : i32
      %lt3A_1719 = vector.broadcast %lt3A_1718 : i32 to vector<16xi32>
      %lt3A_1720 = arith.cmpi slt, %broadcast_in_dim3A_1717, %lt3A_1719 : vector<16xi32>
      %add3A_1721 = arith.constant 16 : i32
      %add3A_1722 = vector.broadcast %add3A_1721 : i32 to vector<16xi32>
      %add3A_1723 = arith.addi %broadcast_in_dim3A_1717, %add3A_1722 : vector<16xi32>
      %select_n3A_1724 = arith.select %lt3A_1720, %add3A_1723, %broadcast_in_dim3A_1717 : vector<16xi1>, vector<16xi32>
      %broadcast_in_dim3A_1725 = vector.shape_cast %select_n3A_1724 : vector<16xi32> to vector<16x1xi32>
      %gather3A_1726 = vector.shape_cast %broadcast_in_dim3A_1725 : vector<16x1xi32> to vector<16xi32>
      %gather3A_1727 = tpu.dynamic_gather %mul3A_1203[%gather3A_1726] in [0] : vector<16xi32>, vector<16xi32> -> vector<16xi32>
      %add3A_1728 = arith.constant 48 : i32
      %add3A_1729 = vector.broadcast %add3A_1728 : i32 to vector<16xi32>
      %add3A_1730 = arith.addi %gather3A_1727, %add3A_1729 : vector<16xi32>
      %add3A_1731 = arith.addi %add3A_1730, %iota3A : vector<16xi32>
      %gather3A_1732 = tpu.vector_load_idx %arg8[%add3A_1731] : memref<6144xf32, #tpu.memory_space<vmem>>[vector<16xi32>], vector<16xf32>,
      %swap3A_1733 = arith.constant 560 : index
      %swap3A_1734 = tpu.vector_load %arg9[%swap3A_1733] {strides = array<i32>} : memref<896xf32, #tpu.memory_space<vmem>>, vector<16xf32>,
      tpu.vector_store %arg9[%swap3A_1733], %gather3A_1732 {strides = array<i32>} : memref<896xf32, #tpu.memory_space<vmem>>, vector<16xf32>,
      %broadcast_in_dim3A_1735 = arith.constant 3 : i32
      %broadcast_in_dim3A_1736 = vector.broadcast %broadcast_in_dim3A_1735 : i32 to vector<16xi32>
      %lt3A_1737 = arith.constant 0 : i32
      %lt3A_1738 = vector.broadcast %lt3A_1737 : i32 to vector<16xi32>
      %lt3A_1739 = arith.cmpi slt, %broadcast_in_dim3A_1736, %lt3A_1738 : vector<16xi32>
      %add3A_1740 = arith.constant 16 : i32
      %add3A_1741 = vector.broadcast %add3A_1740 : i32 to vector<16xi32>
      %add3A_1742 = arith.addi %broadcast_in_dim3A_1736, %add3A_1741 : vector<16xi32>
      %select_n3A_1743 = arith.select %lt3A_1739, %add3A_1742, %broadcast_in_dim3A_1736 : vector<16xi1>, vector<16xi32>
      %broadcast_in_dim3A_1744 = vector.shape_cast %select_n3A_1743 : vector<16xi32> to vector<16x1xi32>
      %gather3A_1745 = vector.shape_cast %broadcast_in_dim3A_1744 : vector<16x1xi32> to vector<16xi32>
      %gather3A_1746 = tpu.dynamic_gather %mul3A_1203[%gather3A_1745] in [0] : vector<16xi32>, vector<16xi32> -> vector<16xi32>
      %add3A_1747 = arith.constant 0 : i32
      %add3A_1748 = vector.broadcast %add3A_1747 : i32 to vector<16xi32>
      %add3A_1749 = arith.addi %gather3A_1746, %add3A_1748 : vector<16xi32>
      %add3A_1750 = arith.addi %add3A_1749, %iota3A : vector<16xi32>
      %gather3A_1751 = tpu.vector_load_idx %arg8[%add3A_1750] : memref<6144xf32, #tpu.memory_space<vmem>>[vector<16xi32>], vector<16xf32>,
      %swap3A_1752 = arith.constant 576 : index
      %swap3A_1753 = tpu.vector_load %arg9[%swap3A_1752] {strides = array<i32>} : memref<896xf32, #tpu.memory_space<vmem>>, vector<16xf32>,
      tpu.vector_store %arg9[%swap3A_1752], %gather3A_1751 {strides = array<i32>} : memref<896xf32, #tpu.memory_space<vmem>>, vector<16xf32>,
      %broadcast_in_dim3A_1754 = arith.constant 3 : i32
      %broadcast_in_dim3A_1755 = vector.broadcast %broadcast_in_dim3A_1754 : i32 to vector<16xi32>
      %lt3A_1756 = arith.constant 0 : i32
      %lt3A_1757 = vector.broadcast %lt3A_1756 : i32 to vector<16xi32>
      %lt3A_1758 = arith.cmpi slt, %broadcast_in_dim3A_1755, %lt3A_1757 : vector<16xi32>
      %add3A_1759 = arith.constant 16 : i32
      %add3A_1760 = vector.broadcast %add3A_1759 : i32 to vector<16xi32>
      %add3A_1761 = arith.addi %broadcast_in_dim3A_1755, %add3A_1760 : vector<16xi32>
      %select_n3A_1762 = arith.select %lt3A_1758, %add3A_1761, %broadcast_in_dim3A_1755 : vector<16xi1>, vector<16xi32>
      %broadcast_in_dim3A_1763 = vector.shape_cast %select_n3A_1762 : vector<16xi32> to vector<16x1xi32>
      %gather3A_1764 = vector.shape_cast %broadcast_in_dim3A_1763 : vector<16x1xi32> to vector<16xi32>
      %gather3A_1765 = tpu.dynamic_gather %mul3A_1203[%gather3A_1764] in [0] : vector<16xi32>, vector<16xi32> -> vector<16xi32>
      %add3A_1766 = arith.constant 16 : i32
      %add3A_1767 = vector.broadcast %add3A_1766 : i32 to vector<16xi32>
      %add3A_1768 = arith.addi %gather3A_1765, %add3A_1767 : vector<16xi32>
      %add3A_1769 = arith.addi %add3A_1768, %iota3A : vector<16xi32>
      %gather3A_1770 = tpu.vector_load_idx %arg8[%add3A_1769] : memref<6144xf32, #tpu.memory_space<vmem>>[vector<16xi32>], vector<16xf32>,
      %swap3A_1771 = arith.constant 592 : index
      %swap3A_1772 = tpu.vector_load %arg9[%swap3A_1771] {strides = array<i32>} : memref<896xf32, #tpu.memory_space<vmem>>, vector<16xf32>,
      tpu.vector_store %arg9[%swap3A_1771], %gather3A_1770 {strides = array<i32>} : memref<896xf32, #tpu.memory_space<vmem>>, vector<16xf32>,
      %broadcast_in_dim3A_1773 = arith.constant 3 : i32
      %broadcast_in_dim3A_1774 = vector.broadcast %broadcast_in_dim3A_1773 : i32 to vector<16xi32>
      %lt3A_1775 = arith.constant 0 : i32
      %lt3A_1776 = vector.broadcast %lt3A_1775 : i32 to vector<16xi32>
      %lt3A_1777 = arith.cmpi slt, %broadcast_in_dim3A_1774, %lt3A_1776 : vector<16xi32>
      %add3A_1778 = arith.constant 16 : i32
      %add3A_1779 = vector.broadcast %add3A_1778 : i32 to vector<16xi32>
      %add3A_1780 = arith.addi %broadcast_in_dim3A_1774, %add3A_1779 : vector<16xi32>
      %select_n3A_1781 = arith.select %lt3A_1777, %add3A_1780, %broadcast_in_dim3A_1774 : vector<16xi1>, vector<16xi32>
      %broadcast_in_dim3A_1782 = vector.shape_cast %select_n3A_1781 : vector<16xi32> to vector<16x1xi32>
      %gather3A_1783 = vector.shape_cast %broadcast_in_dim3A_1782 : vector<16x1xi32> to vector<16xi32>
      %gather3A_1784 = tpu.dynamic_gather %mul3A_1203[%gather3A_1783] in [0] : vector<16xi32>, vector<16xi32> -> vector<16xi32>
      %add3A_1785 = arith.constant 32 : i32
      %add3A_1786 = vector.broadcast %add3A_1785 : i32 to vector<16xi32>
      %add3A_1787 = arith.addi %gather3A_1784, %add3A_1786 : vector<16xi32>
      %add3A_1788 = arith.addi %add3A_1787, %iota3A : vector<16xi32>
      %gather3A_1789 = tpu.vector_load_idx %arg8[%add3A_1788] : memref<6144xf32, #tpu.memory_space<vmem>>[vector<16xi32>], vector<16xf32>,
      %swap3A_1790 = arith.constant 608 : index
      %swap3A_1791 = tpu.vector_load %arg9[%swap3A_1790] {strides = array<i32>} : memref<896xf32, #tpu.memory_space<vmem>>, vector<16xf32>,
      tpu.vector_store %arg9[%swap3A_1790], %gather3A_1789 {strides = array<i32>} : memref<896xf32, #tpu.memory_space<vmem>>, vector<16xf32>,
      %broadcast_in_dim3A_1792 = arith.constant 3 : i32
      %broadcast_in_dim3A_1793 = vector.broadcast %broadcast_in_dim3A_1792 : i32 to vector<16xi32>
      %lt3A_1794 = arith.constant 0 : i32
      %lt3A_1795 = vector.broadcast %lt3A_1794 : i32 to vector<16xi32>
      %lt3A_1796 = arith.cmpi slt, %broadcast_in_dim3A_1793, %lt3A_1795 : vector<16xi32>
      %add3A_1797 = arith.constant 16 : i32
      %add3A_1798 = vector.broadcast %add3A_1797 : i32 to vector<16xi32>
      %add3A_1799 = arith.addi %broadcast_in_dim3A_1793, %add3A_1798 : vector<16xi32>
      %select_n3A_1800 = arith.select %lt3A_1796, %add3A_1799, %broadcast_in_dim3A_1793 : vector<16xi1>, vector<16xi32>
      %broadcast_in_dim3A_1801 = vector.shape_cast %select_n3A_1800 : vector<16xi32> to vector<16x1xi32>
      %gather3A_1802 = vector.shape_cast %broadcast_in_dim3A_1801 : vector<16x1xi32> to vector<16xi32>
      %gather3A_1803 = tpu.dynamic_gather %mul3A_1203[%gather3A_1802] in [0] : vector<16xi32>, vector<16xi32> -> vector<16xi32>
      %add3A_1804 = arith.constant 48 : i32
      %add3A_1805 = vector.broadcast %add3A_1804 : i32 to vector<16xi32>
      %add3A_1806 = arith.addi %gather3A_1803, %add3A_1805 : vector<16xi32>
      %add3A_1807 = arith.addi %add3A_1806, %iota3A : vector<16xi32>
      %gather3A_1808 = tpu.vector_load_idx %arg8[%add3A_1807] : memref<6144xf32, #tpu.memory_space<vmem>>[vector<16xi32>], vector<16xf32>,
      %swap3A_1809 = arith.constant 624 : index
      %swap3A_1810 = tpu.vector_load %arg9[%swap3A_1809] {strides = array<i32>} : memref<896xf32, #tpu.memory_space<vmem>>, vector<16xf32>,
      tpu.vector_store %arg9[%swap3A_1809], %gather3A_1808 {strides = array<i32>} : memref<896xf32, #tpu.memory_space<vmem>>, vector<16xf32>,
      %broadcast_in_dim3A_1811 = arith.constant 4 : i32
      %broadcast_in_dim3A_1812 = vector.broadcast %broadcast_in_dim3A_1811 : i32 to vector<16xi32>
      %lt3A_1813 = arith.constant 0 : i32
      %lt3A_1814 = vector.broadcast %lt3A_1813 : i32 to vector<16xi32>
      %lt3A_1815 = arith.cmpi slt, %broadcast_in_dim3A_1812, %lt3A_1814 : vector<16xi32>
      %add3A_1816 = arith.constant 16 : i32
      %add3A_1817 = vector.broadcast %add3A_1816 : i32 to vector<16xi32>
      %add3A_1818 = arith.addi %broadcast_in_dim3A_1812, %add3A_1817 : vector<16xi32>
      %select_n3A_1819 = arith.select %lt3A_1815, %add3A_1818, %broadcast_in_dim3A_1812 : vector<16xi1>, vector<16xi32>
      %broadcast_in_dim3A_1820 = vector.shape_cast %select_n3A_1819 : vector<16xi32> to vector<16x1xi32>
      %gather3A_1821 = vector.shape_cast %broadcast_in_dim3A_1820 : vector<16x1xi32> to vector<16xi32>
      %gather3A_1822 = tpu.dynamic_gather %mul3A_1203[%gather3A_1821] in [0] : vector<16xi32>, vector<16xi32> -> vector<16xi32>
      %add3A_1823 = arith.constant 0 : i32
      %add3A_1824 = vector.broadcast %add3A_1823 : i32 to vector<16xi32>
      %add3A_1825 = arith.addi %gather3A_1822, %add3A_1824 : vector<16xi32>
      %add3A_1826 = arith.addi %add3A_1825, %iota3A : vector<16xi32>
      %gather3A_1827 = tpu.vector_load_idx %arg8[%add3A_1826] : memref<6144xf32, #tpu.memory_space<vmem>>[vector<16xi32>], vector<16xf32>,
      %swap3A_1828 = arith.constant 640 : index
      %swap3A_1829 = tpu.vector_load %arg9[%swap3A_1828] {strides = array<i32>} : memref<896xf32, #tpu.memory_space<vmem>>, vector<16xf32>,
      tpu.vector_store %arg9[%swap3A_1828], %gather3A_1827 {strides = array<i32>} : memref<896xf32, #tpu.memory_space<vmem>>, vector<16xf32>,
      %broadcast_in_dim3A_1830 = arith.constant 4 : i32
      %broadcast_in_dim3A_1831 = vector.broadcast %broadcast_in_dim3A_1830 : i32 to vector<16xi32>
      %lt3A_1832 = arith.constant 0 : i32
      %lt3A_1833 = vector.broadcast %lt3A_1832 : i32 to vector<16xi32>
      %lt3A_1834 = arith.cmpi slt, %broadcast_in_dim3A_1831, %lt3A_1833 : vector<16xi32>
      %add3A_1835 = arith.constant 16 : i32
      %add3A_1836 = vector.broadcast %add3A_1835 : i32 to vector<16xi32>
      %add3A_1837 = arith.addi %broadcast_in_dim3A_1831, %add3A_1836 : vector<16xi32>
      %select_n3A_1838 = arith.select %lt3A_1834, %add3A_1837, %broadcast_in_dim3A_1831 : vector<16xi1>, vector<16xi32>
      %broadcast_in_dim3A_1839 = vector.shape_cast %select_n3A_1838 : vector<16xi32> to vector<16x1xi32>
      %gather3A_1840 = vector.shape_cast %broadcast_in_dim3A_1839 : vector<16x1xi32> to vector<16xi32>
      %gather3A_1841 = tpu.dynamic_gather %mul3A_1203[%gather3A_1840] in [0] : vector<16xi32>, vector<16xi32> -> vector<16xi32>
      %add3A_1842 = arith.constant 16 : i32
      %add3A_1843 = vector.broadcast %add3A_1842 : i32 to vector<16xi32>
      %add3A_1844 = arith.addi %gather3A_1841, %add3A_1843 : vector<16xi32>
      %add3A_1845 = arith.addi %add3A_1844, %iota3A : vector<16xi32>
      %gather3A_1846 = tpu.vector_load_idx %arg8[%add3A_1845] : memref<6144xf32, #tpu.memory_space<vmem>>[vector<16xi32>], vector<16xf32>,
      %swap3A_1847 = arith.constant 656 : index
      %swap3A_1848 = tpu.vector_load %arg9[%swap3A_1847] {strides = array<i32>} : memref<896xf32, #tpu.memory_space<vmem>>, vector<16xf32>,
      tpu.vector_store %arg9[%swap3A_1847], %gather3A_1846 {strides = array<i32>} : memref<896xf32, #tpu.memory_space<vmem>>, vector<16xf32>,
      %broadcast_in_dim3A_1849 = arith.constant 4 : i32
      %broadcast_in_dim3A_1850 = vector.broadcast %broadcast_in_dim3A_1849 : i32 to vector<16xi32>
      %lt3A_1851 = arith.constant 0 : i32
      %lt3A_1852 = vector.broadcast %lt3A_1851 : i32 to vector<16xi32>
      %lt3A_1853 = arith.cmpi slt, %broadcast_in_dim3A_1850, %lt3A_1852 : vector<16xi32>
      %add3A_1854 = arith.constant 16 : i32
      %add3A_1855 = vector.broadcast %add3A_1854 : i32 to vector<16xi32>
      %add3A_1856 = arith.addi %broadcast_in_dim3A_1850, %add3A_1855 : vector<16xi32>
      %select_n3A_1857 = arith.select %lt3A_1853, %add3A_1856, %broadcast_in_dim3A_1850 : vector<16xi1>, vector<16xi32>
      %broadcast_in_dim3A_1858 = vector.shape_cast %select_n3A_1857 : vector<16xi32> to vector<16x1xi32>
      %gather3A_1859 = vector.shape_cast %broadcast_in_dim3A_1858 : vector<16x1xi32> to vector<16xi32>
      %gather3A_1860 = tpu.dynamic_gather %mul3A_1203[%gather3A_1859] in [0] : vector<16xi32>, vector<16xi32> -> vector<16xi32>
      %add3A_1861 = arith.constant 32 : i32
      %add3A_1862 = vector.broadcast %add3A_1861 : i32 to vector<16xi32>
      %add3A_1863 = arith.addi %gather3A_1860, %add3A_1862 : vector<16xi32>
      %add3A_1864 = arith.addi %add3A_1863, %iota3A : vector<16xi32>
      %gather3A_1865 = tpu.vector_load_idx %arg8[%add3A_1864] : memref<6144xf32, #tpu.memory_space<vmem>>[vector<16xi32>], vector<16xf32>,
      %swap3A_1866 = arith.constant 672 : index
      %swap3A_1867 = tpu.vector_load %arg9[%swap3A_1866] {strides = array<i32>} : memref<896xf32, #tpu.memory_space<vmem>>, vector<16xf32>,
      tpu.vector_store %arg9[%swap3A_1866], %gather3A_1865 {strides = array<i32>} : memref<896xf32, #tpu.memory_space<vmem>>, vector<16xf32>,
      %broadcast_in_dim3A_1868 = arith.constant 4 : i32
      %broadcast_in_dim3A_1869 = vector.broadcast %broadcast_in_dim3A_1868 : i32 to vector<16xi32>
      %lt3A_1870 = arith.constant 0 : i32
      %lt3A_1871 = vector.broadcast %lt3A_1870 : i32 to vector<16xi32>
      %lt3A_1872 = arith.cmpi slt, %broadcast_in_dim3A_1869, %lt3A_1871 : vector<16xi32>
      %add3A_1873 = arith.constant 16 : i32
      %add3A_1874 = vector.broadcast %add3A_1873 : i32 to vector<16xi32>
      %add3A_1875 = arith.addi %broadcast_in_dim3A_1869, %add3A_1874 : vector<16xi32>
      %select_n3A_1876 = arith.select %lt3A_1872, %add3A_1875, %broadcast_in_dim3A_1869 : vector<16xi1>, vector<16xi32>
      %broadcast_in_dim3A_1877 = vector.shape_cast %select_n3A_1876 : vector<16xi32> to vector<16x1xi32>
      %gather3A_1878 = vector.shape_cast %broadcast_in_dim3A_1877 : vector<16x1xi32> to vector<16xi32>
      %gather3A_1879 = tpu.dynamic_gather %mul3A_1203[%gather3A_1878] in [0] : vector<16xi32>, vector<16xi32> -> vector<16xi32>
      %add3A_1880 = arith.constant 48 : i32
      %add3A_1881 = vector.broadcast %add3A_1880 : i32 to vector<16xi32>
      %add3A_1882 = arith.addi %gather3A_1879, %add3A_1881 : vector<16xi32>
      %add3A_1883 = arith.addi %add3A_1882, %iota3A : vector<16xi32>
      %gather3A_1884 = tpu.vector_load_idx %arg8[%add3A_1883] : memref<6144xf32, #tpu.memory_space<vmem>>[vector<16xi32>], vector<16xf32>,
      %swap3A_1885 = arith.constant 688 : index
      %swap3A_1886 = tpu.vector_load %arg9[%swap3A_1885] {strides = array<i32>} : memref<896xf32, #tpu.memory_space<vmem>>, vector<16xf32>,
      tpu.vector_store %arg9[%swap3A_1885], %gather3A_1884 {strides = array<i32>} : memref<896xf32, #tpu.memory_space<vmem>>, vector<16xf32>,
      %broadcast_in_dim3A_1887 = arith.constant 5 : i32
      %broadcast_in_dim3A_1888 = vector.broadcast %broadcast_in_dim3A_1887 : i32 to vector<16xi32>
      %lt3A_1889 = arith.constant 0 : i32
      %lt3A_1890 = vector.broadcast %lt3A_1889 : i32 to vector<16xi32>
      %lt3A_1891 = arith.cmpi slt, %broadcast_in_dim3A_1888, %lt3A_1890 : vector<16xi32>
      %add3A_1892 = arith.constant 16 : i32
      %add3A_1893 = vector.broadcast %add3A_1892 : i32 to vector<16xi32>
      %add3A_1894 = arith.addi %broadcast_in_dim3A_1888, %add3A_1893 : vector<16xi32>
      %select_n3A_1895 = arith.select %lt3A_1891, %add3A_1894, %broadcast_in_dim3A_1888 : vector<16xi1>, vector<16xi32>
      %broadcast_in_dim3A_1896 = vector.shape_cast %select_n3A_1895 : vector<16xi32> to vector<16x1xi32>
      %gather3A_1897 = vector.shape_cast %broadcast_in_dim3A_1896 : vector<16x1xi32> to vector<16xi32>
      %gather3A_1898 = tpu.dynamic_gather %mul3A_1203[%gather3A_1897] in [0] : vector<16xi32>, vector<16xi32> -> vector<16xi32>
      %add3A_1899 = arith.constant 0 : i32
      %add3A_1900 = vector.broadcast %add3A_1899 : i32 to vector<16xi32>
      %add3A_1901 = arith.addi %gather3A_1898, %add3A_1900 : vector<16xi32>
      %add3A_1902 = arith.addi %add3A_1901, %iota3A : vector<16xi32>
      %gather3A_1903 = tpu.vector_load_idx %arg8[%add3A_1902] : memref<6144xf32, #tpu.memory_space<vmem>>[vector<16xi32>], vector<16xf32>,
      %swap3A_1904 = arith.constant 704 : index
      %swap3A_1905 = tpu.vector_load %arg9[%swap3A_1904] {strides = array<i32>} : memref<896xf32, #tpu.memory_space<vmem>>, vector<16xf32>,
      tpu.vector_store %arg9[%swap3A_1904], %gather3A_1903 {strides = array<i32>} : memref<896xf32, #tpu.memory_space<vmem>>, vector<16xf32>,
      %broadcast_in_dim3A_1906 = arith.constant 5 : i32
      %broadcast_in_dim3A_1907 = vector.broadcast %broadcast_in_dim3A_1906 : i32 to vector<16xi32>
      %lt3A_1908 = arith.constant 0 : i32
      %lt3A_1909 = vector.broadcast %lt3A_1908 : i32 to vector<16xi32>
      %lt3A_1910 = arith.cmpi slt, %broadcast_in_dim3A_1907, %lt3A_1909 : vector<16xi32>
      %add3A_1911 = arith.constant 16 : i32
      %add3A_1912 = vector.broadcast %add3A_1911 : i32 to vector<16xi32>
      %add3A_1913 = arith.addi %broadcast_in_dim3A_1907, %add3A_1912 : vector<16xi32>
      %select_n3A_1914 = arith.select %lt3A_1910, %add3A_1913, %broadcast_in_dim3A_1907 : vector<16xi1>, vector<16xi32>
      %broadcast_in_dim3A_1915 = vector.shape_cast %select_n3A_1914 : vector<16xi32> to vector<16x1xi32>
      %gather3A_1916 = vector.shape_cast %broadcast_in_dim3A_1915 : vector<16x1xi32> to vector<16xi32>
      %gather3A_1917 = tpu.dynamic_gather %mul3A_1203[%gather3A_1916] in [0] : vector<16xi32>, vector<16xi32> -> vector<16xi32>
      %add3A_1918 = arith.constant 16 : i32
      %add3A_1919 = vector.broadcast %add3A_1918 : i32 to vector<16xi32>
      %add3A_1920 = arith.addi %gather3A_1917, %add3A_1919 : vector<16xi32>
      %add3A_1921 = arith.addi %add3A_1920, %iota3A : vector<16xi32>
      %gather3A_1922 = tpu.vector_load_idx %arg8[%add3A_1921] : memref<6144xf32, #tpu.memory_space<vmem>>[vector<16xi32>], vector<16xf32>,
      %swap3A_1923 = arith.constant 720 : index
      %swap3A_1924 = tpu.vector_load %arg9[%swap3A_1923] {strides = array<i32>} : memref<896xf32, #tpu.memory_space<vmem>>, vector<16xf32>,
      tpu.vector_store %arg9[%swap3A_1923], %gather3A_1922 {strides = array<i32>} : memref<896xf32, #tpu.memory_space<vmem>>, vector<16xf32>,
      %broadcast_in_dim3A_1925 = arith.constant 5 : i32
      %broadcast_in_dim3A_1926 = vector.broadcast %broadcast_in_dim3A_1925 : i32 to vector<16xi32>
      %lt3A_1927 = arith.constant 0 : i32
      %lt3A_1928 = vector.broadcast %lt3A_1927 : i32 to vector<16xi32>
      %lt3A_1929 = arith.cmpi slt, %broadcast_in_dim3A_1926, %lt3A_1928 : vector<16xi32>
      %add3A_1930 = arith.constant 16 : i32
      %add3A_1931 = vector.broadcast %add3A_1930 : i32 to vector<16xi32>
      %add3A_1932 = arith.addi %broadcast_in_dim3A_1926, %add3A_1931 : vector<16xi32>
      %select_n3A_1933 = arith.select %lt3A_1929, %add3A_1932, %broadcast_in_dim3A_1926 : vector<16xi1>, vector<16xi32>
      %broadcast_in_dim3A_1934 = vector.shape_cast %select_n3A_1933 : vector<16xi32> to vector<16x1xi32>
      %gather3A_1935 = vector.shape_cast %broadcast_in_dim3A_1934 : vector<16x1xi32> to vector<16xi32>
      %gather3A_1936 = tpu.dynamic_gather %mul3A_1203[%gather3A_1935] in [0] : vector<16xi32>, vector<16xi32> -> vector<16xi32>
      %add3A_1937 = arith.constant 32 : i32
      %add3A_1938 = vector.broadcast %add3A_1937 : i32 to vector<16xi32>
      %add3A_1939 = arith.addi %gather3A_1936, %add3A_1938 : vector<16xi32>
      %add3A_1940 = arith.addi %add3A_1939, %iota3A : vector<16xi32>
      %gather3A_1941 = tpu.vector_load_idx %arg8[%add3A_1940] : memref<6144xf32, #tpu.memory_space<vmem>>[vector<16xi32>], vector<16xf32>,
      %swap3A_1942 = arith.constant 736 : index
      %swap3A_1943 = tpu.vector_load %arg9[%swap3A_1942] {strides = array<i32>} : memref<896xf32, #tpu.memory_space<vmem>>, vector<16xf32>,
      tpu.vector_store %arg9[%swap3A_1942], %gather3A_1941 {strides = array<i32>} : memref<896xf32, #tpu.memory_space<vmem>>, vector<16xf32>,
      %broadcast_in_dim3A_1944 = arith.constant 5 : i32
      %broadcast_in_dim3A_1945 = vector.broadcast %broadcast_in_dim3A_1944 : i32 to vector<16xi32>
      %lt3A_1946 = arith.constant 0 : i32
      %lt3A_1947 = vector.broadcast %lt3A_1946 : i32 to vector<16xi32>
      %lt3A_1948 = arith.cmpi slt, %broadcast_in_dim3A_1945, %lt3A_1947 : vector<16xi32>
      %add3A_1949 = arith.constant 16 : i32
      %add3A_1950 = vector.broadcast %add3A_1949 : i32 to vector<16xi32>
      %add3A_1951 = arith.addi %broadcast_in_dim3A_1945, %add3A_1950 : vector<16xi32>
      %select_n3A_1952 = arith.select %lt3A_1948, %add3A_1951, %broadcast_in_dim3A_1945 : vector<16xi1>, vector<16xi32>
      %broadcast_in_dim3A_1953 = vector.shape_cast %select_n3A_1952 : vector<16xi32> to vector<16x1xi32>
      %gather3A_1954 = vector.shape_cast %broadcast_in_dim3A_1953 : vector<16x1xi32> to vector<16xi32>
      %gather3A_1955 = tpu.dynamic_gather %mul3A_1203[%gather3A_1954] in [0] : vector<16xi32>, vector<16xi32> -> vector<16xi32>
      %add3A_1956 = arith.constant 48 : i32
      %add3A_1957 = vector.broadcast %add3A_1956 : i32 to vector<16xi32>
      %add3A_1958 = arith.addi %gather3A_1955, %add3A_1957 : vector<16xi32>
      %add3A_1959 = arith.addi %add3A_1958, %iota3A : vector<16xi32>
      %gather3A_1960 = tpu.vector_load_idx %arg8[%add3A_1959] : memref<6144xf32, #tpu.memory_space<vmem>>[vector<16xi32>], vector<16xf32>,
      %swap3A_1961 = arith.constant 752 : index
      %swap3A_1962 = tpu.vector_load %arg9[%swap3A_1961] {strides = array<i32>} : memref<896xf32, #tpu.memory_space<vmem>>, vector<16xf32>,
      tpu.vector_store %arg9[%swap3A_1961], %gather3A_1960 {strides = array<i32>} : memref<896xf32, #tpu.memory_space<vmem>>, vector<16xf32>,
      %broadcast_in_dim3A_1963 = arith.constant 6 : i32
      %broadcast_in_dim3A_1964 = vector.broadcast %broadcast_in_dim3A_1963 : i32 to vector<16xi32>
      %lt3A_1965 = arith.constant 0 : i32
      %lt3A_1966 = vector.broadcast %lt3A_1965 : i32 to vector<16xi32>
      %lt3A_1967 = arith.cmpi slt, %broadcast_in_dim3A_1964, %lt3A_1966 : vector<16xi32>
      %add3A_1968 = arith.constant 16 : i32
      %add3A_1969 = vector.broadcast %add3A_1968 : i32 to vector<16xi32>
      %add3A_1970 = arith.addi %broadcast_in_dim3A_1964, %add3A_1969 : vector<16xi32>
      %select_n3A_1971 = arith.select %lt3A_1967, %add3A_1970, %broadcast_in_dim3A_1964 : vector<16xi1>, vector<16xi32>
      %broadcast_in_dim3A_1972 = vector.shape_cast %select_n3A_1971 : vector<16xi32> to vector<16x1xi32>
      %gather3A_1973 = vector.shape_cast %broadcast_in_dim3A_1972 : vector<16x1xi32> to vector<16xi32>
      %gather3A_1974 = tpu.dynamic_gather %mul3A_1203[%gather3A_1973] in [0] : vector<16xi32>, vector<16xi32> -> vector<16xi32>
      %add3A_1975 = arith.constant 0 : i32
      %add3A_1976 = vector.broadcast %add3A_1975 : i32 to vector<16xi32>
      %add3A_1977 = arith.addi %gather3A_1974, %add3A_1976 : vector<16xi32>
      %add3A_1978 = arith.addi %add3A_1977, %iota3A : vector<16xi32>
      %gather3A_1979 = tpu.vector_load_idx %arg8[%add3A_1978] : memref<6144xf32, #tpu.memory_space<vmem>>[vector<16xi32>], vector<16xf32>,
      %swap3A_1980 = arith.constant 768 : index
      %swap3A_1981 = tpu.vector_load %arg9[%swap3A_1980] {strides = array<i32>} : memref<896xf32, #tpu.memory_space<vmem>>, vector<16xf32>,
      tpu.vector_store %arg9[%swap3A_1980], %gather3A_1979 {strides = array<i32>} : memref<896xf32, #tpu.memory_space<vmem>>, vector<16xf32>,
      %broadcast_in_dim3A_1982 = arith.constant 6 : i32
      %broadcast_in_dim3A_1983 = vector.broadcast %broadcast_in_dim3A_1982 : i32 to vector<16xi32>
      %lt3A_1984 = arith.constant 0 : i32
      %lt3A_1985 = vector.broadcast %lt3A_1984 : i32 to vector<16xi32>
      %lt3A_1986 = arith.cmpi slt, %broadcast_in_dim3A_1983, %lt3A_1985 : vector<16xi32>
      %add3A_1987 = arith.constant 16 : i32
      %add3A_1988 = vector.broadcast %add3A_1987 : i32 to vector<16xi32>
      %add3A_1989 = arith.addi %broadcast_in_dim3A_1983, %add3A_1988 : vector<16xi32>
      %select_n3A_1990 = arith.select %lt3A_1986, %add3A_1989, %broadcast_in_dim3A_1983 : vector<16xi1>, vector<16xi32>
      %broadcast_in_dim3A_1991 = vector.shape_cast %select_n3A_1990 : vector<16xi32> to vector<16x1xi32>
      %gather3A_1992 = vector.shape_cast %broadcast_in_dim3A_1991 : vector<16x1xi32> to vector<16xi32>
      %gather3A_1993 = tpu.dynamic_gather %mul3A_1203[%gather3A_1992] in [0] : vector<16xi32>, vector<16xi32> -> vector<16xi32>
      %add3A_1994 = arith.constant 16 : i32
      %add3A_1995 = vector.broadcast %add3A_1994 : i32 to vector<16xi32>
      %add3A_1996 = arith.addi %gather3A_1993, %add3A_1995 : vector<16xi32>
      %add3A_1997 = arith.addi %add3A_1996, %iota3A : vector<16xi32>
      %gather3A_1998 = tpu.vector_load_idx %arg8[%add3A_1997] : memref<6144xf32, #tpu.memory_space<vmem>>[vector<16xi32>], vector<16xf32>,
      %swap3A_1999 = arith.constant 784 : index
      %swap3A_2000 = tpu.vector_load %arg9[%swap3A_1999] {strides = array<i32>} : memref<896xf32, #tpu.memory_space<vmem>>, vector<16xf32>,
      tpu.vector_store %arg9[%swap3A_1999], %gather3A_1998 {strides = array<i32>} : memref<896xf32, #tpu.memory_space<vmem>>, vector<16xf32>,
      %broadcast_in_dim3A_2001 = arith.constant 6 : i32
      %broadcast_in_dim3A_2002 = vector.broadcast %broadcast_in_dim3A_2001 : i32 to vector<16xi32>
      %lt3A_2003 = arith.constant 0 : i32
      %lt3A_2004 = vector.broadcast %lt3A_2003 : i32 to vector<16xi32>
      %lt3A_2005 = arith.cmpi slt, %broadcast_in_dim3A_2002, %lt3A_2004 : vector<16xi32>
      %add3A_2006 = arith.constant 16 : i32
      %add3A_2007 = vector.broadcast %add3A_2006 : i32 to vector<16xi32>
      %add3A_2008 = arith.addi %broadcast_in_dim3A_2002, %add3A_2007 : vector<16xi32>
      %select_n3A_2009 = arith.select %lt3A_2005, %add3A_2008, %broadcast_in_dim3A_2002 : vector<16xi1>, vector<16xi32>
      %broadcast_in_dim3A_2010 = vector.shape_cast %select_n3A_2009 : vector<16xi32> to vector<16x1xi32>
      %gather3A_2011 = vector.shape_cast %broadcast_in_dim3A_2010 : vector<16x1xi32> to vector<16xi32>
      %gather3A_2012 = tpu.dynamic_gather %mul3A_1203[%gather3A_2011] in [0] : vector<16xi32>, vector<16xi32> -> vector<16xi32>
      %add3A_2013 = arith.constant 32 : i32
      %add3A_2014 = vector.broadcast %add3A_2013 : i32 to vector<16xi32>
      %add3A_2015 = arith.addi %gather3A_2012, %add3A_2014 : vector<16xi32>
      %add3A_2016 = arith.addi %add3A_2015, %iota3A : vector<16xi32>
      %gather3A_2017 = tpu.vector_load_idx %arg8[%add3A_2016] : memref<6144xf32, #tpu.memory_space<vmem>>[vector<16xi32>], vector<16xf32>,
      %swap3A_2018 = arith.constant 800 : index
      %swap3A_2019 = tpu.vector_load %arg9[%swap3A_2018] {strides = array<i32>} : memref<896xf32, #tpu.memory_space<vmem>>, vector<16xf32>,
      tpu.vector_store %arg9[%swap3A_2018], %gather3A_2017 {strides = array<i32>} : memref<896xf32, #tpu.memory_space<vmem>>, vector<16xf32>,
      %broadcast_in_dim3A_2020 = arith.constant 6 : i32
      %broadcast_in_dim3A_2021 = vector.broadcast %broadcast_in_dim3A_2020 : i32 to vector<16xi32>
      %lt3A_2022 = arith.constant 0 : i32
      %lt3A_2023 = vector.broadcast %lt3A_2022 : i32 to vector<16xi32>
      %lt3A_2024 = arith.cmpi slt, %broadcast_in_dim3A_2021, %lt3A_2023 : vector<16xi32>
      %add3A_2025 = arith.constant 16 : i32
      %add3A_2026 = vector.broadcast %add3A_2025 : i32 to vector<16xi32>
      %add3A_2027 = arith.addi %broadcast_in_dim3A_2021, %add3A_2026 : vector<16xi32>
      %select_n3A_2028 = arith.select %lt3A_2024, %add3A_2027, %broadcast_in_dim3A_2021 : vector<16xi1>, vector<16xi32>
      %broadcast_in_dim3A_2029 = vector.shape_cast %select_n3A_2028 : vector<16xi32> to vector<16x1xi32>
      %gather3A_2030 = vector.shape_cast %broadcast_in_dim3A_2029 : vector<16x1xi32> to vector<16xi32>
      %gather3A_2031 = tpu.dynamic_gather %mul3A_1203[%gather3A_2030] in [0] : vector<16xi32>, vector<16xi32> -> vector<16xi32>
      %add3A_2032 = arith.constant 48 : i32
      %add3A_2033 = vector.broadcast %add3A_2032 : i32 to vector<16xi32>
      %add3A_2034 = arith.addi %gather3A_2031, %add3A_2033 : vector<16xi32>
      %add3A_2035 = arith.addi %add3A_2034, %iota3A : vector<16xi32>
      %gather3A_2036 = tpu.vector_load_idx %arg8[%add3A_2035] : memref<6144xf32, #tpu.memory_space<vmem>>[vector<16xi32>], vector<16xf32>,
      %swap3A_2037 = arith.constant 816 : index
      %swap3A_2038 = tpu.vector_load %arg9[%swap3A_2037] {strides = array<i32>} : memref<896xf32, #tpu.memory_space<vmem>>, vector<16xf32>,
      tpu.vector_store %arg9[%swap3A_2037], %gather3A_2036 {strides = array<i32>} : memref<896xf32, #tpu.memory_space<vmem>>, vector<16xf32>,
      %broadcast_in_dim3A_2039 = arith.constant 7 : i32
      %broadcast_in_dim3A_2040 = vector.broadcast %broadcast_in_dim3A_2039 : i32 to vector<16xi32>
      %lt3A_2041 = arith.constant 0 : i32
      %lt3A_2042 = vector.broadcast %lt3A_2041 : i32 to vector<16xi32>
      %lt3A_2043 = arith.cmpi slt, %broadcast_in_dim3A_2040, %lt3A_2042 : vector<16xi32>
      %add3A_2044 = arith.constant 16 : i32
      %add3A_2045 = vector.broadcast %add3A_2044 : i32 to vector<16xi32>
      %add3A_2046 = arith.addi %broadcast_in_dim3A_2040, %add3A_2045 : vector<16xi32>
      %select_n3A_2047 = arith.select %lt3A_2043, %add3A_2046, %broadcast_in_dim3A_2040 : vector<16xi1>, vector<16xi32>
      %broadcast_in_dim3A_2048 = vector.shape_cast %select_n3A_2047 : vector<16xi32> to vector<16x1xi32>
      %gather3A_2049 = vector.shape_cast %broadcast_in_dim3A_2048 : vector<16x1xi32> to vector<16xi32>
      %gather3A_2050 = tpu.dynamic_gather %mul3A_1203[%gather3A_2049] in [0] : vector<16xi32>, vector<16xi32> -> vector<16xi32>
      %add3A_2051 = arith.constant 0 : i32
      %add3A_2052 = vector.broadcast %add3A_2051 : i32 to vector<16xi32>
      %add3A_2053 = arith.addi %gather3A_2050, %add3A_2052 : vector<16xi32>
      %add3A_2054 = arith.addi %add3A_2053, %iota3A : vector<16xi32>
      %gather3A_2055 = tpu.vector_load_idx %arg8[%add3A_2054] : memref<6144xf32, #tpu.memory_space<vmem>>[vector<16xi32>], vector<16xf32>,
      %swap3A_2056 = arith.constant 832 : index
      %swap3A_2057 = tpu.vector_load %arg9[%swap3A_2056] {strides = array<i32>} : memref<896xf32, #tpu.memory_space<vmem>>, vector<16xf32>,
      tpu.vector_store %arg9[%swap3A_2056], %gather3A_2055 {strides = array<i32>} : memref<896xf32, #tpu.memory_space<vmem>>, vector<16xf32>,
      %broadcast_in_dim3A_2058 = arith.constant 7 : i32
      %broadcast_in_dim3A_2059 = vector.broadcast %broadcast_in_dim3A_2058 : i32 to vector<16xi32>
      %lt3A_2060 = arith.constant 0 : i32
      %lt3A_2061 = vector.broadcast %lt3A_2060 : i32 to vector<16xi32>
      %lt3A_2062 = arith.cmpi slt, %broadcast_in_dim3A_2059, %lt3A_2061 : vector<16xi32>
      %add3A_2063 = arith.constant 16 : i32
      %add3A_2064 = vector.broadcast %add3A_2063 : i32 to vector<16xi32>
      %add3A_2065 = arith.addi %broadcast_in_dim3A_2059, %add3A_2064 : vector<16xi32>
      %select_n3A_2066 = arith.select %lt3A_2062, %add3A_2065, %broadcast_in_dim3A_2059 : vector<16xi1>, vector<16xi32>
      %broadcast_in_dim3A_2067 = vector.shape_cast %select_n3A_2066 : vector<16xi32> to vector<16x1xi32>
      %gather3A_2068 = vector.shape_cast %broadcast_in_dim3A_2067 : vector<16x1xi32> to vector<16xi32>
      %gather3A_2069 = tpu.dynamic_gather %mul3A_1203[%gather3A_2068] in [0] : vector<16xi32>, vector<16xi32> -> vector<16xi32>
      %add3A_2070 = arith.constant 16 : i32
      %add3A_2071 = vector.broadcast %add3A_2070 : i32 to vector<16xi32>
      %add3A_2072 = arith.addi %gather3A_2069, %add3A_2071 : vector<16xi32>
      %add3A_2073 = arith.addi %add3A_2072, %iota3A : vector<16xi32>
      %gather3A_2074 = tpu.vector_load_idx %arg8[%add3A_2073] : memref<6144xf32, #tpu.memory_space<vmem>>[vector<16xi32>], vector<16xf32>,
      %swap3A_2075 = arith.constant 848 : index
      %swap3A_2076 = tpu.vector_load %arg9[%swap3A_2075] {strides = array<i32>} : memref<896xf32, #tpu.memory_space<vmem>>, vector<16xf32>,
      tpu.vector_store %arg9[%swap3A_2075], %gather3A_2074 {strides = array<i32>} : memref<896xf32, #tpu.memory_space<vmem>>, vector<16xf32>,
      %broadcast_in_dim3A_2077 = arith.constant 7 : i32
      %broadcast_in_dim3A_2078 = vector.broadcast %broadcast_in_dim3A_2077 : i32 to vector<16xi32>
      %lt3A_2079 = arith.constant 0 : i32
      %lt3A_2080 = vector.broadcast %lt3A_2079 : i32 to vector<16xi32>
      %lt3A_2081 = arith.cmpi slt, %broadcast_in_dim3A_2078, %lt3A_2080 : vector<16xi32>
      %add3A_2082 = arith.constant 16 : i32
      %add3A_2083 = vector.broadcast %add3A_2082 : i32 to vector<16xi32>
      %add3A_2084 = arith.addi %broadcast_in_dim3A_2078, %add3A_2083 : vector<16xi32>
      %select_n3A_2085 = arith.select %lt3A_2081, %add3A_2084, %broadcast_in_dim3A_2078 : vector<16xi1>, vector<16xi32>
      %broadcast_in_dim3A_2086 = vector.shape_cast %select_n3A_2085 : vector<16xi32> to vector<16x1xi32>
      %gather3A_2087 = vector.shape_cast %broadcast_in_dim3A_2086 : vector<16x1xi32> to vector<16xi32>
      %gather3A_2088 = tpu.dynamic_gather %mul3A_1203[%gather3A_2087] in [0] : vector<16xi32>, vector<16xi32> -> vector<16xi32>
      %add3A_2089 = arith.constant 32 : i32
      %add3A_2090 = vector.broadcast %add3A_2089 : i32 to vector<16xi32>
      %add3A_2091 = arith.addi %gather3A_2088, %add3A_2090 : vector<16xi32>
      %add3A_2092 = arith.addi %add3A_2091, %iota3A : vector<16xi32>
      %gather3A_2093 = tpu.vector_load_idx %arg8[%add3A_2092] : memref<6144xf32, #tpu.memory_space<vmem>>[vector<16xi32>], vector<16xf32>,
      %swap3A_2094 = arith.constant 864 : index
      %swap3A_2095 = tpu.vector_load %arg9[%swap3A_2094] {strides = array<i32>} : memref<896xf32, #tpu.memory_space<vmem>>, vector<16xf32>,
      tpu.vector_store %arg9[%swap3A_2094], %gather3A_2093 {strides = array<i32>} : memref<896xf32, #tpu.memory_space<vmem>>, vector<16xf32>,
      %broadcast_in_dim3A_2096 = arith.constant 7 : i32
      %broadcast_in_dim3A_2097 = vector.broadcast %broadcast_in_dim3A_2096 : i32 to vector<16xi32>
      %lt3A_2098 = arith.constant 0 : i32
      %lt3A_2099 = vector.broadcast %lt3A_2098 : i32 to vector<16xi32>
      %lt3A_2100 = arith.cmpi slt, %broadcast_in_dim3A_2097, %lt3A_2099 : vector<16xi32>
      %add3A_2101 = arith.constant 16 : i32
      %add3A_2102 = vector.broadcast %add3A_2101 : i32 to vector<16xi32>
      %add3A_2103 = arith.addi %broadcast_in_dim3A_2097, %add3A_2102 : vector<16xi32>
      %select_n3A_2104 = arith.select %lt3A_2100, %add3A_2103, %broadcast_in_dim3A_2097 : vector<16xi1>, vector<16xi32>
      %broadcast_in_dim3A_2105 = vector.shape_cast %select_n3A_2104 : vector<16xi32> to vector<16x1xi32>
      %gather3A_2106 = vector.shape_cast %broadcast_in_dim3A_2105 : vector<16x1xi32> to vector<16xi32>
      %gather3A_2107 = tpu.dynamic_gather %mul3A_1203[%gather3A_2106] in [0] : vector<16xi32>, vector<16xi32> -> vector<16xi32>
      %add3A_2108 = arith.constant 48 : i32
      %add3A_2109 = vector.broadcast %add3A_2108 : i32 to vector<16xi32>
      %add3A_2110 = arith.addi %gather3A_2107, %add3A_2109 : vector<16xi32>
      %add3A_2111 = arith.addi %add3A_2110, %iota3A : vector<16xi32>
      %gather3A_2112 = tpu.vector_load_idx %arg8[%add3A_2111] : memref<6144xf32, #tpu.memory_space<vmem>>[vector<16xi32>], vector<16xf32>,
      %swap3A_2113 = arith.constant 880 : index
      %swap3A_2114 = tpu.vector_load %arg9[%swap3A_2113] {strides = array<i32>} : memref<896xf32, #tpu.memory_space<vmem>>, vector<16xf32>,
      tpu.vector_store %arg9[%swap3A_2113], %gather3A_2112 {strides = array<i32>} : memref<896xf32, #tpu.memory_space<vmem>>, vector<16xf32>,
      %mul3A_2115 = arith.constant 896 : i32
      %mul3A_2116 = arith.muli %add3A_31, %mul3A_2115 : i32
      "tpu.region"() ({
        %run_scoped3A = tpu.sem_alloc : memref<!tpu.dma_semaphore, #tpu.memory_space<semaphore_mem>>
        %dma_start3A = tpu.memref_slice %arg5[%mul3A_2116] : memref<172032xf32, #tpu.memory_space<hbm>> -> memref<896xf32, #tpu.memory_space<hbm>>
        %dma_start3A_2117 = tpu.memref_slice %arg5[%mul3A_2116] : memref<172032xf32, #tpu.memory_space<hbm>> -> memref<896xf32, #tpu.memory_space<hbm>>
        tpu.enqueue_dma source(%arg9 : memref<896xf32, #tpu.memory_space<vmem>>) target(%dma_start3A_2117 : memref<896xf32, #tpu.memory_space<hbm>>) target_semaphore(%run_scoped3A : memref<!tpu.dma_semaphore, #tpu.memory_space<semaphore_mem>>)
        %dma_wait3A = tpu.memref_slice %arg5[%mul3A_2116] : memref<172032xf32, #tpu.memory_space<hbm>> -> memref<896xf32, #tpu.memory_space<hbm>>
        %dma_wait3A_2118 = tpu.memref_slice %arg5[%mul3A_2116] : memref<172032xf32, #tpu.memory_space<hbm>> -> memref<896xf32, #tpu.memory_space<hbm>>
        tpu.wait_dma2 semaphore(%run_scoped3A : memref<!tpu.dma_semaphore, #tpu.memory_space<semaphore_mem>>) src(%arg9 : memref<896xf32, #tpu.memory_space<vmem>>) dst(%dma_wait3A_2118 : memref<896xf32, #tpu.memory_space<hbm>>)
        tpu.yield
      }) : () -> ()
    }
    %scan3A_27 = arith.constant 6 : i32
    return
  }
}

module attributes {stable_mosaic.version = 14 : i64} {
  func.func @_fused_kernel(%arg0: i32, %arg1: i32, %arg2: memref<1x96x64xf32, #tpu.memory_space<vmem>>, %arg3: memref<1x16x96xf32, #tpu.memory_space<vmem>>, %arg4: memref<1x16x96x32xf32, #tpu.memory_space<vmem>>, %arg5: memref<1x16x96xf32, #tpu.memory_space<vmem>>, %arg6: memref<1x16x96xf32, #tpu.memory_space<vmem>>, %arg7: memref<1x16x96xf32, #tpu.memory_space<vmem>>, %arg8: memref<1x16x896xf32, #tpu.memory_space<vmem>>, %arg9: memref<160x64xf32, #tpu.memory_space<vmem>>, %arg10: memref<1x64xf32, #tpu.memory_space<vmem>>, %arg11: memref<64x64xf32, #tpu.memory_space<vmem>>, %arg12: memref<1x64xf32, #tpu.memory_space<vmem>>, %arg13: memref<64x128xf32, #tpu.memory_space<vmem>>, %arg14: memref<6x128xf32, #tpu.memory_space<vmem>>, %arg15: memref<1x512xf32, #tpu.memory_space<vmem>>, %arg16: memref<128x128xf32, #tpu.memory_space<vmem>>, %arg17: memref<1x128xf32, #tpu.memory_space<vmem>>, %arg18: memref<128x128xf32, #tpu.memory_space<vmem>>, %arg19: memref<1x128xf32, #tpu.memory_space<vmem>>, %arg20: memref<128x128xf32, #tpu.memory_space<vmem>>, %arg21: memref<128x2xf32, #tpu.memory_space<vmem>>, %arg22: memref<1x1xf32, #tpu.memory_space<vmem>>, %arg23: memref<8x512xf32, #tpu.memory_space<vmem>>, %arg24: memref<1x128xf32, #tpu.memory_space<vmem>>, %arg25: memref<1x128xf32, #tpu.memory_space<vmem>>, %arg26: memref<128x64xf32, #tpu.memory_space<vmem>>, %arg27: memref<1x64xf32, #tpu.memory_space<vmem>>, %arg28: memref<64x64xf32, #tpu.memory_space<vmem>>, %arg29: memref<1x64xf32, #tpu.memory_space<vmem>>, %arg30: memref<64x64xf32, #tpu.memory_space<vmem>>, %arg31: memref<1x64xf32, #tpu.memory_space<vmem>>, %arg32: memref<1x64xf32, #tpu.memory_space<vmem>>, %arg33: memref<1x64xf32, #tpu.memory_space<vmem>>, %arg34: memref<64x64xf32, #tpu.memory_space<vmem>>, %arg35: memref<1x64xf32, #tpu.memory_space<vmem>>, %arg36: memref<1x64xf32, #tpu.memory_space<vmem>>, %arg37: memref<1x64xf32, #tpu.memory_space<vmem>>, %arg38: memref<1x16x64xf32, #tpu.memory_space<vmem>>, %arg39: memref<1x16x64xf32, #tpu.memory_space<vmem>>) attributes {dimension_semantics = [#tpu.dimension_semantics<arbitrary>, #tpu.dimension_semantics<arbitrary>], iteration_bounds = array<i64: 2, 6>, scalar_prefetch = 0 : i64, scratch_operands = 0 : i64, tpu.core_type = #tpu.core_type<tc>, window_params = [{transform_indices = @transform_0, window_bounds = array<i64: 1, 96, 64>}, {transform_indices = @transform_1, window_bounds = array<i64: 1, 16, 96>}, {transform_indices = @transform_2, window_bounds = array<i64: 1, 16, 96, 32>}, {transform_indices = @transform_3, window_bounds = array<i64: 1, 16, 96>}, {transform_indices = @transform_4, window_bounds = array<i64: 1, 16, 96>}, {transform_indices = @transform_5, window_bounds = array<i64: 1, 16, 96>}, {transform_indices = @transform_6, window_bounds = array<i64: 1, 16, 896>}, {pipeline_mode = #tpu.pipeline_mode<synchronous>, transform_indices = @transform_7, window_bounds = array<i64: 160, 64>}, {pipeline_mode = #tpu.pipeline_mode<synchronous>, transform_indices = @transform_8, window_bounds = array<i64: 1, 64>}, {pipeline_mode = #tpu.pipeline_mode<synchronous>, transform_indices = @transform_9, window_bounds = array<i64: 64, 64>}, {pipeline_mode = #tpu.pipeline_mode<synchronous>, transform_indices = @transform_10, window_bounds = array<i64: 1, 64>}, {pipeline_mode = #tpu.pipeline_mode<synchronous>, transform_indices = @transform_11, window_bounds = array<i64: 64, 128>}, {pipeline_mode = #tpu.pipeline_mode<synchronous>, transform_indices = @transform_12, window_bounds = array<i64: 6, 128>}, {pipeline_mode = #tpu.pipeline_mode<synchronous>, transform_indices = @transform_13, window_bounds = array<i64: 1, 512>}, {pipeline_mode = #tpu.pipeline_mode<synchronous>, transform_indices = @transform_14, window_bounds = array<i64: 128, 128>}, {pipeline_mode = #tpu.pipeline_mode<synchronous>, transform_indices = @transform_15, window_bounds = array<i64: 1, 128>}, {pipeline_mode = #tpu.pipeline_mode<synchronous>, transform_indices = @transform_16, window_bounds = array<i64: 128, 128>}, {pipeline_mode = #tpu.pipeline_mode<synchronous>, transform_indices = @transform_17, window_bounds = array<i64: 1, 128>}, {pipeline_mode = #tpu.pipeline_mode<synchronous>, transform_indices = @transform_18, window_bounds = array<i64: 128, 128>}, {pipeline_mode = #tpu.pipeline_mode<synchronous>, transform_indices = @transform_19, window_bounds = array<i64: 128, 2>}, {pipeline_mode = #tpu.pipeline_mode<synchronous>, transform_indices = @transform_20, window_bounds = array<i64: 1, 1>}, {pipeline_mode = #tpu.pipeline_mode<synchronous>, transform_indices = @transform_21, window_bounds = array<i64: 8, 512>}, {pipeline_mode = #tpu.pipeline_mode<synchronous>, transform_indices = @transform_22, window_bounds = array<i64: 1, 128>}, {pipeline_mode = #tpu.pipeline_mode<synchronous>, transform_indices = @transform_23, window_bounds = array<i64: 1, 128>}, {pipeline_mode = #tpu.pipeline_mode<synchronous>, transform_indices = @transform_24, window_bounds = array<i64: 128, 64>}, {pipeline_mode = #tpu.pipeline_mode<synchronous>, transform_indices = @transform_25, window_bounds = array<i64: 1, 64>}, {pipeline_mode = #tpu.pipeline_mode<synchronous>, transform_indices = @transform_26, window_bounds = array<i64: 64, 64>}, {pipeline_mode = #tpu.pipeline_mode<synchronous>, transform_indices = @transform_27, window_bounds = array<i64: 1, 64>}, {pipeline_mode = #tpu.pipeline_mode<synchronous>, transform_indices = @transform_28, window_bounds = array<i64: 64, 64>}, {pipeline_mode = #tpu.pipeline_mode<synchronous>, transform_indices = @transform_29, window_bounds = array<i64: 1, 64>}, {pipeline_mode = #tpu.pipeline_mode<synchronous>, transform_indices = @transform_30, window_bounds = array<i64: 1, 64>}, {pipeline_mode = #tpu.pipeline_mode<synchronous>, transform_indices = @transform_31, window_bounds = array<i64: 1, 64>}, {pipeline_mode = #tpu.pipeline_mode<synchronous>, transform_indices = @transform_32, window_bounds = array<i64: 64, 64>}, {pipeline_mode = #tpu.pipeline_mode<synchronous>, transform_indices = @transform_33, window_bounds = array<i64: 1, 64>}, {pipeline_mode = #tpu.pipeline_mode<synchronous>, transform_indices = @transform_34, window_bounds = array<i64: 1, 64>}, {pipeline_mode = #tpu.pipeline_mode<synchronous>, transform_indices = @transform_35, window_bounds = array<i64: 1, 64>}, {transform_indices = @transform_36, window_bounds = array<i64: 1, 16, 64>}, {transform_indices = @transform_37, window_bounds = array<i64: 1, 16, 64>}]} {
    %get3A = arith.constant 0 : index
    %get3A_0 = arith.constant 0 : index
    %get3A_1 = arith.constant 0 : index
    %get3A_2 = vector.load %arg2[%get3A, %get3A_0, %get3A_1] : memref<1x96x64xf32, #tpu.memory_space<vmem>>, vector<1x96x64xf32>
    %get3A_3 = vector.shape_cast %get3A_2 : vector<1x96x64xf32> to vector<96x64xf32>
    %get3A_4 = arith.constant 0 : index
    %get3A_5 = arith.constant 0 : index
    %get3A_6 = arith.constant 0 : index
    %get3A_7 = vector.load %arg3[%get3A_4, %get3A_5, %get3A_6] : memref<1x16x96xf32, #tpu.memory_space<vmem>>, vector<1x16x96xf32>
    %get3A_8 = vector.shape_cast %get3A_7 : vector<1x16x96xf32> to vector<16x96xf32>
    %get3A_9 = arith.constant 0 : index
    %get3A_10 = arith.constant 0 : index
    %get3A_11 = arith.constant 0 : index
    %get3A_12 = arith.constant 0 : index
    %get3A_13 = vector.load %arg4[%get3A_9, %get3A_10, %get3A_11, %get3A_12] : memref<1x16x96x32xf32, #tpu.memory_space<vmem>>, vector<1x16x96x32xf32>
    %get3A_14 = vector.shape_cast %get3A_13 : vector<1x16x96x32xf32> to vector<16x96x32xf32>
    %get3A_15 = arith.constant 0 : index
    %get3A_16 = arith.constant 0 : index
    %get3A_17 = arith.constant 0 : index
    %get3A_18 = vector.load %arg5[%get3A_15, %get3A_16, %get3A_17] : memref<1x16x96xf32, #tpu.memory_space<vmem>>, vector<1x16x96xf32>
    %get3A_19 = vector.shape_cast %get3A_18 : vector<1x16x96xf32> to vector<16x96xf32>
    %get3A_20 = arith.constant 0 : index
    %get3A_21 = arith.constant 0 : index
    %get3A_22 = arith.constant 0 : index
    %get3A_23 = vector.load %arg6[%get3A_20, %get3A_21, %get3A_22] : memref<1x16x96xf32, #tpu.memory_space<vmem>>, vector<1x16x96xf32>
    %get3A_24 = vector.shape_cast %get3A_23 : vector<1x16x96xf32> to vector<16x96xf32>
    %get3A_25 = arith.constant 0 : index
    %get3A_26 = arith.constant 0 : index
    %get3A_27 = arith.constant 0 : index
    %get3A_28 = vector.load %arg7[%get3A_25, %get3A_26, %get3A_27] : memref<1x16x96xf32, #tpu.memory_space<vmem>>, vector<1x16x96xf32>
    %get3A_29 = vector.shape_cast %get3A_28 : vector<1x16x96xf32> to vector<16x96xf32>
    %get3A_30 = arith.constant 0 : index
    %get3A_31 = arith.constant 0 : index
    %get3A_32 = arith.constant 0 : index
    %get3A_33 = vector.load %arg8[%get3A_30, %get3A_31, %get3A_32] : memref<1x16x896xf32, #tpu.memory_space<vmem>>, vector<1x16x896xf32>
    %get3A_34 = vector.shape_cast %get3A_33 : vector<1x16x896xf32> to vector<16x896xf32>
    %slice3A = vector.extract_strided_slice %get3A_34 {offsets = [0, 0], sizes = [16, 8], strides = [1, 1]} : vector<16x896xf32> to vector<16x8xf32>
    %convert_element_type3A = arith.fptosi %slice3A : vector<16x8xf32> to vector<16x8xi32>
    %slice3A_35 = vector.extract_strided_slice %get3A_34 {offsets = [0, 16], sizes = [16, 8], strides = [1, 1]} : vector<16x896xf32> to vector<16x8xf32>
    %slice3A_36 = vector.extract_strided_slice %get3A_34 {offsets = [0, 32], sizes = [16, 8], strides = [1, 1]} : vector<16x896xf32> to vector<16x8xf32>
    %slice3A_37 = vector.extract_strided_slice %get3A_34 {offsets = [0, 48], sizes = [16, 8], strides = [1, 1]} : vector<16x896xf32> to vector<16x8xf32>
    %slice3A_38 = vector.extract_strided_slice %get3A_34 {offsets = [0, 64], sizes = [16, 8], strides = [1, 1]} : vector<16x896xf32> to vector<16x8xf32>
    %broadcast_in_dim3A = vector.shape_cast %get3A_8 : vector<16x96xf32> to vector<16x96x1xf32>
    %broadcast_in_dim3A_39 = vector.shape_cast %slice3A_36 : vector<16x8xf32> to vector<16x8x1xf32>
    %broadcast_in_dim3A_40 = vector.shape_cast %get3A_19 : vector<16x96xf32> to vector<16x1x96xf32>
    %mul3A = vector.broadcast %broadcast_in_dim3A_39 : vector<16x8x1xf32> to vector<16x8x96xf32>
    %mul3A_41 = vector.broadcast %broadcast_in_dim3A_40 : vector<16x1x96xf32> to vector<16x8x96xf32>
    %mul3A_42 = arith.mulf %mul3A, %mul3A_41 : vector<16x8x96xf32>
    %broadcast_in_dim3A_43 = vector.shape_cast %slice3A_37 : vector<16x8xf32> to vector<16x8x1xf32>
    %broadcast_in_dim3A_44 = vector.shape_cast %get3A_24 : vector<16x96xf32> to vector<16x1x96xf32>
    %mul3A_45 = vector.broadcast %broadcast_in_dim3A_43 : vector<16x8x1xf32> to vector<16x8x96xf32>
    %mul3A_46 = vector.broadcast %broadcast_in_dim3A_44 : vector<16x1x96xf32> to vector<16x8x96xf32>
    %mul3A_47 = arith.mulf %mul3A_45, %mul3A_46 : vector<16x8x96xf32>
    %add3A = arith.addf %mul3A_42, %mul3A_47 : vector<16x8x96xf32>
    %broadcast_in_dim3A_48 = vector.shape_cast %slice3A_38 : vector<16x8xf32> to vector<16x8x1xf32>
    %broadcast_in_dim3A_49 = vector.shape_cast %get3A_29 : vector<16x96xf32> to vector<16x1x96xf32>
    %mul3A_50 = vector.broadcast %broadcast_in_dim3A_48 : vector<16x8x1xf32> to vector<16x8x96xf32>
    %mul3A_51 = vector.broadcast %broadcast_in_dim3A_49 : vector<16x1x96xf32> to vector<16x8x96xf32>
    %mul3A_52 = arith.mulf %mul3A_50, %mul3A_51 : vector<16x8x96xf32>
    %add3A_53 = arith.addf %add3A, %mul3A_52 : vector<16x8x96xf32>
    %jit3A = arith.constant -0.999998986 : f32
    %jit3A_54 = arith.constant 0.999998986 : f32
    %max3A = vector.broadcast %jit3A : f32 to vector<16x8x96xf32>
    %max3A_55 = arith.maximumf %max3A, %add3A_53 : vector<16x8x96xf32>
    %min3A = vector.broadcast %jit3A_54 : f32 to vector<16x8x96xf32>
    %min3A_56 = arith.minimumf %min3A, %max3A_55 : vector<16x8x96xf32>
    %transpose3A = tpu.transpose %min3A_56, [0, 2, 1] : vector<16x8x96xf32> -> vector<16x96x8xf32>
    %slice3A_57 = vector.extract_strided_slice %transpose3A {offsets = [0, 0, 0], sizes = [16, 96, 2], strides = [1, 1, 1]} : vector<16x96x8xf32> to vector<16x96x2xf32>
    %mul3A_58 = arith.mulf %slice3A_57, %slice3A_57 : vector<16x96x2xf32>
    %mul3A_59 = arith.mulf %mul3A_58, %slice3A_57 : vector<16x96x2xf32>
    %concatenate3A = tpu.concatenate %slice3A_57, %mul3A_58, %mul3A_59 in 2 : vector<16x96x2xf32>, vector<16x96x2xf32>, vector<16x96x2xf32> -> vector<16x96x6xf32>
    %slice3A_60 = vector.extract_strided_slice %get3A_34 {offsets = [0, 128], sizes = [16, 64], strides = [1, 1]} : vector<16x896xf32> to vector<16x64xf32>
    %get3A_61 = arith.constant 0 : index
    %get3A_62 = arith.constant 0 : index
    %get3A_63 = vector.load %arg13[%get3A_61, %get3A_62] : memref<64x128xf32, #tpu.memory_space<vmem>>, vector<64x128xf32>
    %dot_general3A = arith.constant dense<0.000000e+00> : vector<16x128xf32>
    %dot_general3A_64 = tpu.matmul %slice3A_60, %get3A_63, %dot_general3A {dimension_numbers = #tpu.dot_dimension_numbers<[1], [0], [0], [1], [0, 0, 1, 1], [], []>, transpose_lhs_hint = false} : vector<16x64xf32>, vector<64x128xf32>, vector<16x128xf32> -> vector<16x128xf32>
    %get3A_65 = arith.constant 0 : index
    %get3A_66 = arith.constant 0 : index
    %get3A_67 = vector.load %arg15[%get3A_65, %get3A_66] : memref<1x512xf32, #tpu.memory_space<vmem>>, vector<1x128xf32>
    %add3A_68 = vector.broadcast %get3A_67 : vector<1x128xf32> to vector<16x128xf32>
    %add3A_69 = arith.addf %dot_general3A_64, %add3A_68 : vector<16x128xf32>
    %reshape3A = vector.shape_cast %concatenate3A : vector<16x96x6xf32> to vector<1536x6xf32>
    %get3A_70 = arith.constant 0 : index
    %get3A_71 = arith.constant 0 : index
    %get3A_72 = vector.load %arg14[%get3A_70, %get3A_71] : memref<6x128xf32, #tpu.memory_space<vmem>>, vector<6x128xf32>
    %dot_general3A_73 = arith.constant dense<0.000000e+00> : vector<1536x128xf32>
    %dot_general3A_74 = tpu.matmul %reshape3A, %get3A_72, %dot_general3A_73 {dimension_numbers = #tpu.dot_dimension_numbers<[1], [0], [0], [1], [0, 0, 1, 1], [], []>, transpose_lhs_hint = false} : vector<1536x6xf32>, vector<6x128xf32>, vector<1536x128xf32> -> vector<1536x128xf32>
    %reshape3A_75 = vector.shape_cast %dot_general3A_74 : vector<1536x128xf32> to vector<16x96x128xf32>
    %broadcast_in_dim3A_76 = vector.shape_cast %add3A_69 : vector<16x128xf32> to vector<16x1x128xf32>
    %add3A_77 = vector.broadcast %broadcast_in_dim3A_76 : vector<16x1x128xf32> to vector<16x96x128xf32>
    %add3A_78 = arith.addf %reshape3A_75, %add3A_77 : vector<16x96x128xf32>
    %logistic3A = arith.negf %add3A_78 : vector<16x96x128xf32>
    %logistic3A_79 = math.exp %logistic3A : vector<16x96x128xf32>
    %logistic3A_80 = arith.constant 1.000000e+00 : f32
    %logistic3A_81 = vector.broadcast %logistic3A_80 : f32 to vector<16x96x128xf32>
    %logistic3A_82 = arith.addf %logistic3A_81, %logistic3A_79 : vector<16x96x128xf32>
    %logistic3A_83 = arith.divf %logistic3A_81, %logistic3A_82 : vector<16x96x128xf32>
    %mul3A_84 = arith.mulf %add3A_78, %logistic3A_83 : vector<16x96x128xf32>
    %reshape3A_85 = vector.shape_cast %mul3A_84 : vector<16x96x128xf32> to vector<1536x128xf32>
    %get3A_86 = arith.constant 0 : index
    %get3A_87 = arith.constant 0 : index
    %get3A_88 = vector.load %arg16[%get3A_86, %get3A_87] : memref<128x128xf32, #tpu.memory_space<vmem>>, vector<128x128xf32>
    %dot_general3A_89 = arith.constant dense<0.000000e+00> : vector<1536x128xf32>
    %dot_general3A_90 = tpu.matmul %reshape3A_85, %get3A_88, %dot_general3A_89 {dimension_numbers = #tpu.dot_dimension_numbers<[1], [0], [0], [1], [0, 0, 1, 1], [], []>, transpose_lhs_hint = false} : vector<1536x128xf32>, vector<128x128xf32>, vector<1536x128xf32> -> vector<1536x128xf32>
    %get3A_91 = arith.constant 0 : index
    %get3A_92 = arith.constant 0 : index
    %get3A_93 = vector.load %arg17[%get3A_91, %get3A_92] : memref<1x128xf32, #tpu.memory_space<vmem>>, vector<1x128xf32>
    %add3A_94 = vector.broadcast %get3A_93 : vector<1x128xf32> to vector<1536x128xf32>
    %add3A_95 = arith.addf %dot_general3A_90, %add3A_94 : vector<1536x128xf32>
    %slice3A_96 = vector.extract_strided_slice %get3A_34 {offsets = [0, 384], sizes = [16, 128], strides = [1, 1]} : vector<16x896xf32> to vector<16x128xf32>
    %get3A_97 = arith.constant 0 : index
    %get3A_98 = arith.constant 0 : index
    %get3A_99 = vector.load %arg20[%get3A_97, %get3A_98] : memref<128x128xf32, #tpu.memory_space<vmem>>, vector<128x128xf32>
    %dot_general3A_100 = arith.constant dense<0.000000e+00> : vector<16x128xf32>
    %dot_general3A_101 = tpu.matmul %slice3A_96, %get3A_99, %dot_general3A_100 {dimension_numbers = #tpu.dot_dimension_numbers<[1], [0], [0], [1], [0, 0, 1, 1], [], []>, transpose_lhs_hint = false} : vector<16x128xf32>, vector<128x128xf32>, vector<16x128xf32> -> vector<16x128xf32>
    %get3A_102 = arith.constant 0 : index
    %get3A_103 = arith.constant 0 : index
    %get3A_104 = vector.load %arg18[%get3A_102, %get3A_103] : memref<128x128xf32, #tpu.memory_space<vmem>>, vector<128x128xf32>
    %dot_general3A_105 = arith.constant dense<0.000000e+00> : vector<1536x128xf32>
    %dot_general3A_106 = tpu.matmul %add3A_95, %get3A_104, %dot_general3A_105 {dimension_numbers = #tpu.dot_dimension_numbers<[1], [0], [0], [1], [0, 0, 1, 1], [], []>, transpose_lhs_hint = false} : vector<1536x128xf32>, vector<128x128xf32>, vector<1536x128xf32> -> vector<1536x128xf32>
    %get3A_107 = arith.constant 0 : index
    %get3A_108 = arith.constant 0 : index
    %get3A_109 = vector.load %arg19[%get3A_107, %get3A_108] : memref<1x128xf32, #tpu.memory_space<vmem>>, vector<1x128xf32>
    %add3A_110 = vector.broadcast %get3A_109 : vector<1x128xf32> to vector<1536x128xf32>
    %add3A_111 = arith.addf %dot_general3A_106, %add3A_110 : vector<1536x128xf32>
    %reshape3A_112 = vector.shape_cast %add3A_111 : vector<1536x128xf32> to vector<16x96x128xf32>
    %broadcast_in_dim3A_113 = vector.shape_cast %dot_general3A_101 : vector<16x128xf32> to vector<16x1x128xf32>
    %add3A_114 = vector.broadcast %broadcast_in_dim3A_113 : vector<16x1x128xf32> to vector<16x96x128xf32>
    %add3A_115 = arith.addf %reshape3A_112, %add3A_114 : vector<16x96x128xf32>
    %logistic3A_116 = arith.negf %add3A_115 : vector<16x96x128xf32>
    %logistic3A_117 = math.exp %logistic3A_116 : vector<16x96x128xf32>
    %logistic3A_118 = arith.constant 1.000000e+00 : f32
    %logistic3A_119 = vector.broadcast %logistic3A_118 : f32 to vector<16x96x128xf32>
    %logistic3A_120 = arith.addf %logistic3A_119, %logistic3A_117 : vector<16x96x128xf32>
    %logistic3A_121 = arith.divf %logistic3A_119, %logistic3A_120 : vector<16x96x128xf32>
    %mul3A_122 = arith.mulf %add3A_115, %logistic3A_121 : vector<16x96x128xf32>
    %reshape3A_123 = vector.shape_cast %mul3A_122 : vector<16x96x128xf32> to vector<1536x128xf32>
    %get3A_124 = arith.constant 0 : index
    %get3A_125 = arith.constant 0 : index
    %get3A_126 = vector.load %arg21[%get3A_124, %get3A_125] : memref<128x2xf32, #tpu.memory_space<vmem>>, vector<128x2xf32>
    %dot_general3A_127 = arith.constant dense<0.000000e+00> : vector<1536x2xf32>
    %dot_general3A_128 = tpu.matmul %reshape3A_123, %get3A_126, %dot_general3A_127 {dimension_numbers = #tpu.dot_dimension_numbers<[1], [0], [0], [1], [0, 0, 1, 1], [], []>, transpose_lhs_hint = false} : vector<1536x128xf32>, vector<128x2xf32>, vector<1536x2xf32> -> vector<1536x2xf32>
    %reshape3A_129 = vector.shape_cast %add3A_95 : vector<1536x128xf32> to vector<16x96x128xf32>
    %broadcast_in_dim3A_130 = vector.shape_cast %slice3A_96 : vector<16x128xf32> to vector<16x1x128xf32>
    %mul3A_131 = vector.broadcast %broadcast_in_dim3A_130 : vector<16x1x128xf32> to vector<16x96x128xf32>
    %mul3A_132 = arith.mulf %reshape3A_129, %mul3A_131 : vector<16x96x128xf32>
    %slice3A_133 = vector.extract_strided_slice %transpose3A {offsets = [0, 0, 2], sizes = [16, 96, 2], strides = [1, 1, 1]} : vector<16x96x8xf32> to vector<16x96x2xf32>
    %mul3A_134 = arith.mulf %slice3A_133, %slice3A_133 : vector<16x96x2xf32>
    %mul3A_135 = arith.mulf %mul3A_134, %slice3A_133 : vector<16x96x2xf32>
    %concatenate3A_136 = tpu.concatenate %slice3A_133, %mul3A_134, %mul3A_135 in 2 : vector<16x96x2xf32>, vector<16x96x2xf32>, vector<16x96x2xf32> -> vector<16x96x6xf32>
    %slice3A_137 = vector.extract_strided_slice %get3A_34 {offsets = [0, 192], sizes = [16, 64], strides = [1, 1]} : vector<16x896xf32> to vector<16x64xf32>
    %get3A_138 = arith.constant 0 : index
    %get3A_139 = arith.constant 0 : index
    %get3A_140 = vector.load %arg13[%get3A_138, %get3A_139] : memref<64x128xf32, #tpu.memory_space<vmem>>, vector<64x128xf32>
    %dot_general3A_141 = arith.constant dense<0.000000e+00> : vector<16x128xf32>
    %dot_general3A_142 = tpu.matmul %slice3A_137, %get3A_140, %dot_general3A_141 {dimension_numbers = #tpu.dot_dimension_numbers<[1], [0], [0], [1], [0, 0, 1, 1], [], []>, transpose_lhs_hint = false} : vector<16x64xf32>, vector<64x128xf32>, vector<16x128xf32> -> vector<16x128xf32>
    %get3A_143 = arith.constant 0 : index
    %get3A_144 = arith.constant 128 : index
    %get3A_145 = vector.load %arg15[%get3A_143, %get3A_144] : memref<1x512xf32, #tpu.memory_space<vmem>>, vector<1x128xf32>
    %add3A_146 = vector.broadcast %get3A_145 : vector<1x128xf32> to vector<16x128xf32>
    %add3A_147 = arith.addf %dot_general3A_142, %add3A_146 : vector<16x128xf32>
    %reshape3A_148 = vector.shape_cast %concatenate3A_136 : vector<16x96x6xf32> to vector<1536x6xf32>
    %get3A_149 = arith.constant 0 : index
    %get3A_150 = arith.constant 0 : index
    %get3A_151 = vector.load %arg14[%get3A_149, %get3A_150] : memref<6x128xf32, #tpu.memory_space<vmem>>, vector<6x128xf32>
    %dot_general3A_152 = arith.constant dense<0.000000e+00> : vector<1536x128xf32>
    %dot_general3A_153 = tpu.matmul %reshape3A_148, %get3A_151, %dot_general3A_152 {dimension_numbers = #tpu.dot_dimension_numbers<[1], [0], [0], [1], [0, 0, 1, 1], [], []>, transpose_lhs_hint = false} : vector<1536x6xf32>, vector<6x128xf32>, vector<1536x128xf32> -> vector<1536x128xf32>
    %reshape3A_154 = vector.shape_cast %dot_general3A_153 : vector<1536x128xf32> to vector<16x96x128xf32>
    %broadcast_in_dim3A_155 = vector.shape_cast %add3A_147 : vector<16x128xf32> to vector<16x1x128xf32>
    %add3A_156 = vector.broadcast %broadcast_in_dim3A_155 : vector<16x1x128xf32> to vector<16x96x128xf32>
    %add3A_157 = arith.addf %reshape3A_154, %add3A_156 : vector<16x96x128xf32>
    %logistic3A_158 = arith.negf %add3A_157 : vector<16x96x128xf32>
    %logistic3A_159 = math.exp %logistic3A_158 : vector<16x96x128xf32>
    %logistic3A_160 = arith.constant 1.000000e+00 : f32
    %logistic3A_161 = vector.broadcast %logistic3A_160 : f32 to vector<16x96x128xf32>
    %logistic3A_162 = arith.addf %logistic3A_161, %logistic3A_159 : vector<16x96x128xf32>
    %logistic3A_163 = arith.divf %logistic3A_161, %logistic3A_162 : vector<16x96x128xf32>
    %mul3A_164 = arith.mulf %add3A_157, %logistic3A_163 : vector<16x96x128xf32>
    %reshape3A_165 = vector.shape_cast %mul3A_164 : vector<16x96x128xf32> to vector<1536x128xf32>
    %get3A_166 = arith.constant 0 : index
    %get3A_167 = arith.constant 0 : index
    %get3A_168 = vector.load %arg16[%get3A_166, %get3A_167] : memref<128x128xf32, #tpu.memory_space<vmem>>, vector<128x128xf32>
    %dot_general3A_169 = arith.constant dense<0.000000e+00> : vector<1536x128xf32>
    %dot_general3A_170 = tpu.matmul %reshape3A_165, %get3A_168, %dot_general3A_169 {dimension_numbers = #tpu.dot_dimension_numbers<[1], [0], [0], [1], [0, 0, 1, 1], [], []>, transpose_lhs_hint = false} : vector<1536x128xf32>, vector<128x128xf32>, vector<1536x128xf32> -> vector<1536x128xf32>
    %get3A_171 = arith.constant 0 : index
    %get3A_172 = arith.constant 0 : index
    %get3A_173 = vector.load %arg17[%get3A_171, %get3A_172] : memref<1x128xf32, #tpu.memory_space<vmem>>, vector<1x128xf32>
    %add3A_174 = vector.broadcast %get3A_173 : vector<1x128xf32> to vector<1536x128xf32>
    %add3A_175 = arith.addf %dot_general3A_170, %add3A_174 : vector<1536x128xf32>
    %slice3A_176 = vector.extract_strided_slice %get3A_34 {offsets = [0, 512], sizes = [16, 128], strides = [1, 1]} : vector<16x896xf32> to vector<16x128xf32>
    %get3A_177 = arith.constant 0 : index
    %get3A_178 = arith.constant 0 : index
    %get3A_179 = vector.load %arg20[%get3A_177, %get3A_178] : memref<128x128xf32, #tpu.memory_space<vmem>>, vector<128x128xf32>
    %dot_general3A_180 = arith.constant dense<0.000000e+00> : vector<16x128xf32>
    %dot_general3A_181 = tpu.matmul %slice3A_176, %get3A_179, %dot_general3A_180 {dimension_numbers = #tpu.dot_dimension_numbers<[1], [0], [0], [1], [0, 0, 1, 1], [], []>, transpose_lhs_hint = false} : vector<16x128xf32>, vector<128x128xf32>, vector<16x128xf32> -> vector<16x128xf32>
    %get3A_182 = arith.constant 0 : index
    %get3A_183 = arith.constant 0 : index
    %get3A_184 = vector.load %arg18[%get3A_182, %get3A_183] : memref<128x128xf32, #tpu.memory_space<vmem>>, vector<128x128xf32>
    %dot_general3A_185 = arith.constant dense<0.000000e+00> : vector<1536x128xf32>
    %dot_general3A_186 = tpu.matmul %add3A_175, %get3A_184, %dot_general3A_185 {dimension_numbers = #tpu.dot_dimension_numbers<[1], [0], [0], [1], [0, 0, 1, 1], [], []>, transpose_lhs_hint = false} : vector<1536x128xf32>, vector<128x128xf32>, vector<1536x128xf32> -> vector<1536x128xf32>
    %get3A_187 = arith.constant 0 : index
    %get3A_188 = arith.constant 0 : index
    %get3A_189 = vector.load %arg19[%get3A_187, %get3A_188] : memref<1x128xf32, #tpu.memory_space<vmem>>, vector<1x128xf32>
    %add3A_190 = vector.broadcast %get3A_189 : vector<1x128xf32> to vector<1536x128xf32>
    %add3A_191 = arith.addf %dot_general3A_186, %add3A_190 : vector<1536x128xf32>
    %reshape3A_192 = vector.shape_cast %add3A_191 : vector<1536x128xf32> to vector<16x96x128xf32>
    %broadcast_in_dim3A_193 = vector.shape_cast %dot_general3A_181 : vector<16x128xf32> to vector<16x1x128xf32>
    %add3A_194 = vector.broadcast %broadcast_in_dim3A_193 : vector<16x1x128xf32> to vector<16x96x128xf32>
    %add3A_195 = arith.addf %reshape3A_192, %add3A_194 : vector<16x96x128xf32>
    %logistic3A_196 = arith.negf %add3A_195 : vector<16x96x128xf32>
    %logistic3A_197 = math.exp %logistic3A_196 : vector<16x96x128xf32>
    %logistic3A_198 = arith.constant 1.000000e+00 : f32
    %logistic3A_199 = vector.broadcast %logistic3A_198 : f32 to vector<16x96x128xf32>
    %logistic3A_200 = arith.addf %logistic3A_199, %logistic3A_197 : vector<16x96x128xf32>
    %logistic3A_201 = arith.divf %logistic3A_199, %logistic3A_200 : vector<16x96x128xf32>
    %mul3A_202 = arith.mulf %add3A_195, %logistic3A_201 : vector<16x96x128xf32>
    %reshape3A_203 = vector.shape_cast %mul3A_202 : vector<16x96x128xf32> to vector<1536x128xf32>
    %get3A_204 = arith.constant 0 : index
    %get3A_205 = arith.constant 0 : index
    %get3A_206 = vector.load %arg21[%get3A_204, %get3A_205] : memref<128x2xf32, #tpu.memory_space<vmem>>, vector<128x2xf32>
    %dot_general3A_207 = arith.constant dense<0.000000e+00> : vector<1536x2xf32>
    %dot_general3A_208 = tpu.matmul %reshape3A_203, %get3A_206, %dot_general3A_207 {dimension_numbers = #tpu.dot_dimension_numbers<[1], [0], [0], [1], [0, 0, 1, 1], [], []>, transpose_lhs_hint = false} : vector<1536x128xf32>, vector<128x2xf32>, vector<1536x2xf32> -> vector<1536x2xf32>
    %reshape3A_209 = vector.shape_cast %add3A_175 : vector<1536x128xf32> to vector<16x96x128xf32>
    %broadcast_in_dim3A_210 = vector.shape_cast %slice3A_176 : vector<16x128xf32> to vector<16x1x128xf32>
    %mul3A_211 = vector.broadcast %broadcast_in_dim3A_210 : vector<16x1x128xf32> to vector<16x96x128xf32>
    %mul3A_212 = arith.mulf %reshape3A_209, %mul3A_211 : vector<16x96x128xf32>
    %slice3A_213 = vector.extract_strided_slice %transpose3A {offsets = [0, 0, 4], sizes = [16, 96, 2], strides = [1, 1, 1]} : vector<16x96x8xf32> to vector<16x96x2xf32>
    %mul3A_214 = arith.mulf %slice3A_213, %slice3A_213 : vector<16x96x2xf32>
    %mul3A_215 = arith.mulf %mul3A_214, %slice3A_213 : vector<16x96x2xf32>
    %concatenate3A_216 = tpu.concatenate %slice3A_213, %mul3A_214, %mul3A_215 in 2 : vector<16x96x2xf32>, vector<16x96x2xf32>, vector<16x96x2xf32> -> vector<16x96x6xf32>
    %slice3A_217 = vector.extract_strided_slice %get3A_34 {offsets = [0, 256], sizes = [16, 64], strides = [1, 1]} : vector<16x896xf32> to vector<16x64xf32>
    %get3A_218 = arith.constant 0 : index
    %get3A_219 = arith.constant 0 : index
    %get3A_220 = vector.load %arg13[%get3A_218, %get3A_219] : memref<64x128xf32, #tpu.memory_space<vmem>>, vector<64x128xf32>
    %dot_general3A_221 = arith.constant dense<0.000000e+00> : vector<16x128xf32>
    %dot_general3A_222 = tpu.matmul %slice3A_217, %get3A_220, %dot_general3A_221 {dimension_numbers = #tpu.dot_dimension_numbers<[1], [0], [0], [1], [0, 0, 1, 1], [], []>, transpose_lhs_hint = false} : vector<16x64xf32>, vector<64x128xf32>, vector<16x128xf32> -> vector<16x128xf32>
    %get3A_223 = arith.constant 0 : index
    %get3A_224 = arith.constant 256 : index
    %get3A_225 = vector.load %arg15[%get3A_223, %get3A_224] : memref<1x512xf32, #tpu.memory_space<vmem>>, vector<1x128xf32>
    %add3A_226 = vector.broadcast %get3A_225 : vector<1x128xf32> to vector<16x128xf32>
    %add3A_227 = arith.addf %dot_general3A_222, %add3A_226 : vector<16x128xf32>
    %reshape3A_228 = vector.shape_cast %concatenate3A_216 : vector<16x96x6xf32> to vector<1536x6xf32>
    %get3A_229 = arith.constant 0 : index
    %get3A_230 = arith.constant 0 : index
    %get3A_231 = vector.load %arg14[%get3A_229, %get3A_230] : memref<6x128xf32, #tpu.memory_space<vmem>>, vector<6x128xf32>
    %dot_general3A_232 = arith.constant dense<0.000000e+00> : vector<1536x128xf32>
    %dot_general3A_233 = tpu.matmul %reshape3A_228, %get3A_231, %dot_general3A_232 {dimension_numbers = #tpu.dot_dimension_numbers<[1], [0], [0], [1], [0, 0, 1, 1], [], []>, transpose_lhs_hint = false} : vector<1536x6xf32>, vector<6x128xf32>, vector<1536x128xf32> -> vector<1536x128xf32>
    %reshape3A_234 = vector.shape_cast %dot_general3A_233 : vector<1536x128xf32> to vector<16x96x128xf32>
    %broadcast_in_dim3A_235 = vector.shape_cast %add3A_227 : vector<16x128xf32> to vector<16x1x128xf32>
    %add3A_236 = vector.broadcast %broadcast_in_dim3A_235 : vector<16x1x128xf32> to vector<16x96x128xf32>
    %add3A_237 = arith.addf %reshape3A_234, %add3A_236 : vector<16x96x128xf32>
    %logistic3A_238 = arith.negf %add3A_237 : vector<16x96x128xf32>
    %logistic3A_239 = math.exp %logistic3A_238 : vector<16x96x128xf32>
    %logistic3A_240 = arith.constant 1.000000e+00 : f32
    %logistic3A_241 = vector.broadcast %logistic3A_240 : f32 to vector<16x96x128xf32>
    %logistic3A_242 = arith.addf %logistic3A_241, %logistic3A_239 : vector<16x96x128xf32>
    %logistic3A_243 = arith.divf %logistic3A_241, %logistic3A_242 : vector<16x96x128xf32>
    %mul3A_244 = arith.mulf %add3A_237, %logistic3A_243 : vector<16x96x128xf32>
    %reshape3A_245 = vector.shape_cast %mul3A_244 : vector<16x96x128xf32> to vector<1536x128xf32>
    %get3A_246 = arith.constant 0 : index
    %get3A_247 = arith.constant 0 : index
    %get3A_248 = vector.load %arg16[%get3A_246, %get3A_247] : memref<128x128xf32, #tpu.memory_space<vmem>>, vector<128x128xf32>
    %dot_general3A_249 = arith.constant dense<0.000000e+00> : vector<1536x128xf32>
    %dot_general3A_250 = tpu.matmul %reshape3A_245, %get3A_248, %dot_general3A_249 {dimension_numbers = #tpu.dot_dimension_numbers<[1], [0], [0], [1], [0, 0, 1, 1], [], []>, transpose_lhs_hint = false} : vector<1536x128xf32>, vector<128x128xf32>, vector<1536x128xf32> -> vector<1536x128xf32>
    %get3A_251 = arith.constant 0 : index
    %get3A_252 = arith.constant 0 : index
    %get3A_253 = vector.load %arg17[%get3A_251, %get3A_252] : memref<1x128xf32, #tpu.memory_space<vmem>>, vector<1x128xf32>
    %add3A_254 = vector.broadcast %get3A_253 : vector<1x128xf32> to vector<1536x128xf32>
    %add3A_255 = arith.addf %dot_general3A_250, %add3A_254 : vector<1536x128xf32>
    %slice3A_256 = vector.extract_strided_slice %get3A_34 {offsets = [0, 640], sizes = [16, 128], strides = [1, 1]} : vector<16x896xf32> to vector<16x128xf32>
    %get3A_257 = arith.constant 0 : index
    %get3A_258 = arith.constant 0 : index
    %get3A_259 = vector.load %arg20[%get3A_257, %get3A_258] : memref<128x128xf32, #tpu.memory_space<vmem>>, vector<128x128xf32>
    %dot_general3A_260 = arith.constant dense<0.000000e+00> : vector<16x128xf32>
    %dot_general3A_261 = tpu.matmul %slice3A_256, %get3A_259, %dot_general3A_260 {dimension_numbers = #tpu.dot_dimension_numbers<[1], [0], [0], [1], [0, 0, 1, 1], [], []>, transpose_lhs_hint = false} : vector<16x128xf32>, vector<128x128xf32>, vector<16x128xf32> -> vector<16x128xf32>
    %get3A_262 = arith.constant 0 : index
    %get3A_263 = arith.constant 0 : index
    %get3A_264 = vector.load %arg18[%get3A_262, %get3A_263] : memref<128x128xf32, #tpu.memory_space<vmem>>, vector<128x128xf32>
    %dot_general3A_265 = arith.constant dense<0.000000e+00> : vector<1536x128xf32>
    %dot_general3A_266 = tpu.matmul %add3A_255, %get3A_264, %dot_general3A_265 {dimension_numbers = #tpu.dot_dimension_numbers<[1], [0], [0], [1], [0, 0, 1, 1], [], []>, transpose_lhs_hint = false} : vector<1536x128xf32>, vector<128x128xf32>, vector<1536x128xf32> -> vector<1536x128xf32>
    %get3A_267 = arith.constant 0 : index
    %get3A_268 = arith.constant 0 : index
    %get3A_269 = vector.load %arg19[%get3A_267, %get3A_268] : memref<1x128xf32, #tpu.memory_space<vmem>>, vector<1x128xf32>
    %add3A_270 = vector.broadcast %get3A_269 : vector<1x128xf32> to vector<1536x128xf32>
    %add3A_271 = arith.addf %dot_general3A_266, %add3A_270 : vector<1536x128xf32>
    %reshape3A_272 = vector.shape_cast %add3A_271 : vector<1536x128xf32> to vector<16x96x128xf32>
    %broadcast_in_dim3A_273 = vector.shape_cast %dot_general3A_261 : vector<16x128xf32> to vector<16x1x128xf32>
    %add3A_274 = vector.broadcast %broadcast_in_dim3A_273 : vector<16x1x128xf32> to vector<16x96x128xf32>
    %add3A_275 = arith.addf %reshape3A_272, %add3A_274 : vector<16x96x128xf32>
    %logistic3A_276 = arith.negf %add3A_275 : vector<16x96x128xf32>
    %logistic3A_277 = math.exp %logistic3A_276 : vector<16x96x128xf32>
    %logistic3A_278 = arith.constant 1.000000e+00 : f32
    %logistic3A_279 = vector.broadcast %logistic3A_278 : f32 to vector<16x96x128xf32>
    %logistic3A_280 = arith.addf %logistic3A_279, %logistic3A_277 : vector<16x96x128xf32>
    %logistic3A_281 = arith.divf %logistic3A_279, %logistic3A_280 : vector<16x96x128xf32>
    %mul3A_282 = arith.mulf %add3A_275, %logistic3A_281 : vector<16x96x128xf32>
    %reshape3A_283 = vector.shape_cast %mul3A_282 : vector<16x96x128xf32> to vector<1536x128xf32>
    %get3A_284 = arith.constant 0 : index
    %get3A_285 = arith.constant 0 : index
    %get3A_286 = vector.load %arg21[%get3A_284, %get3A_285] : memref<128x2xf32, #tpu.memory_space<vmem>>, vector<128x2xf32>
    %dot_general3A_287 = arith.constant dense<0.000000e+00> : vector<1536x2xf32>
    %dot_general3A_288 = tpu.matmul %reshape3A_283, %get3A_286, %dot_general3A_287 {dimension_numbers = #tpu.dot_dimension_numbers<[1], [0], [0], [1], [0, 0, 1, 1], [], []>, transpose_lhs_hint = false} : vector<1536x128xf32>, vector<128x2xf32>, vector<1536x2xf32> -> vector<1536x2xf32>
    %reshape3A_289 = vector.shape_cast %add3A_255 : vector<1536x128xf32> to vector<16x96x128xf32>
    %broadcast_in_dim3A_290 = vector.shape_cast %slice3A_256 : vector<16x128xf32> to vector<16x1x128xf32>
    %mul3A_291 = vector.broadcast %broadcast_in_dim3A_290 : vector<16x1x128xf32> to vector<16x96x128xf32>
    %mul3A_292 = arith.mulf %reshape3A_289, %mul3A_291 : vector<16x96x128xf32>
    %slice3A_293 = vector.extract_strided_slice %transpose3A {offsets = [0, 0, 6], sizes = [16, 96, 2], strides = [1, 1, 1]} : vector<16x96x8xf32> to vector<16x96x2xf32>
    %mul3A_294 = arith.mulf %slice3A_293, %slice3A_293 : vector<16x96x2xf32>
    %mul3A_295 = arith.mulf %mul3A_294, %slice3A_293 : vector<16x96x2xf32>
    %concatenate3A_296 = tpu.concatenate %slice3A_293, %mul3A_294, %mul3A_295 in 2 : vector<16x96x2xf32>, vector<16x96x2xf32>, vector<16x96x2xf32> -> vector<16x96x6xf32>
    %slice3A_297 = vector.extract_strided_slice %get3A_34 {offsets = [0, 320], sizes = [16, 64], strides = [1, 1]} : vector<16x896xf32> to vector<16x64xf32>
    %get3A_298 = arith.constant 0 : index
    %get3A_299 = arith.constant 0 : index
    %get3A_300 = vector.load %arg13[%get3A_298, %get3A_299] : memref<64x128xf32, #tpu.memory_space<vmem>>, vector<64x128xf32>
    %dot_general3A_301 = arith.constant dense<0.000000e+00> : vector<16x128xf32>
    %dot_general3A_302 = tpu.matmul %slice3A_297, %get3A_300, %dot_general3A_301 {dimension_numbers = #tpu.dot_dimension_numbers<[1], [0], [0], [1], [0, 0, 1, 1], [], []>, transpose_lhs_hint = false} : vector<16x64xf32>, vector<64x128xf32>, vector<16x128xf32> -> vector<16x128xf32>
    %get3A_303 = arith.constant 0 : index
    %get3A_304 = arith.constant 384 : index
    %get3A_305 = vector.load %arg15[%get3A_303, %get3A_304] : memref<1x512xf32, #tpu.memory_space<vmem>>, vector<1x128xf32>
    %add3A_306 = vector.broadcast %get3A_305 : vector<1x128xf32> to vector<16x128xf32>
    %add3A_307 = arith.addf %dot_general3A_302, %add3A_306 : vector<16x128xf32>
    %reshape3A_308 = vector.shape_cast %concatenate3A_296 : vector<16x96x6xf32> to vector<1536x6xf32>
    %get3A_309 = arith.constant 0 : index
    %get3A_310 = arith.constant 0 : index
    %get3A_311 = vector.load %arg14[%get3A_309, %get3A_310] : memref<6x128xf32, #tpu.memory_space<vmem>>, vector<6x128xf32>
    %dot_general3A_312 = arith.constant dense<0.000000e+00> : vector<1536x128xf32>
    %dot_general3A_313 = tpu.matmul %reshape3A_308, %get3A_311, %dot_general3A_312 {dimension_numbers = #tpu.dot_dimension_numbers<[1], [0], [0], [1], [0, 0, 1, 1], [], []>, transpose_lhs_hint = false} : vector<1536x6xf32>, vector<6x128xf32>, vector<1536x128xf32> -> vector<1536x128xf32>
    %reshape3A_314 = vector.shape_cast %dot_general3A_313 : vector<1536x128xf32> to vector<16x96x128xf32>
    %broadcast_in_dim3A_315 = vector.shape_cast %add3A_307 : vector<16x128xf32> to vector<16x1x128xf32>
    %add3A_316 = vector.broadcast %broadcast_in_dim3A_315 : vector<16x1x128xf32> to vector<16x96x128xf32>
    %add3A_317 = arith.addf %reshape3A_314, %add3A_316 : vector<16x96x128xf32>
    %logistic3A_318 = arith.negf %add3A_317 : vector<16x96x128xf32>
    %logistic3A_319 = math.exp %logistic3A_318 : vector<16x96x128xf32>
    %logistic3A_320 = arith.constant 1.000000e+00 : f32
    %logistic3A_321 = vector.broadcast %logistic3A_320 : f32 to vector<16x96x128xf32>
    %logistic3A_322 = arith.addf %logistic3A_321, %logistic3A_319 : vector<16x96x128xf32>
    %logistic3A_323 = arith.divf %logistic3A_321, %logistic3A_322 : vector<16x96x128xf32>
    %mul3A_324 = arith.mulf %add3A_317, %logistic3A_323 : vector<16x96x128xf32>
    %reshape3A_325 = vector.shape_cast %mul3A_324 : vector<16x96x128xf32> to vector<1536x128xf32>
    %get3A_326 = arith.constant 0 : index
    %get3A_327 = arith.constant 0 : index
    %get3A_328 = vector.load %arg16[%get3A_326, %get3A_327] : memref<128x128xf32, #tpu.memory_space<vmem>>, vector<128x128xf32>
    %dot_general3A_329 = arith.constant dense<0.000000e+00> : vector<1536x128xf32>
    %dot_general3A_330 = tpu.matmul %reshape3A_325, %get3A_328, %dot_general3A_329 {dimension_numbers = #tpu.dot_dimension_numbers<[1], [0], [0], [1], [0, 0, 1, 1], [], []>, transpose_lhs_hint = false} : vector<1536x128xf32>, vector<128x128xf32>, vector<1536x128xf32> -> vector<1536x128xf32>
    %get3A_331 = arith.constant 0 : index
    %get3A_332 = arith.constant 0 : index
    %get3A_333 = vector.load %arg17[%get3A_331, %get3A_332] : memref<1x128xf32, #tpu.memory_space<vmem>>, vector<1x128xf32>
    %add3A_334 = vector.broadcast %get3A_333 : vector<1x128xf32> to vector<1536x128xf32>
    %add3A_335 = arith.addf %dot_general3A_330, %add3A_334 : vector<1536x128xf32>
    %slice3A_336 = vector.extract_strided_slice %get3A_34 {offsets = [0, 768], sizes = [16, 128], strides = [1, 1]} : vector<16x896xf32> to vector<16x128xf32>
    %get3A_337 = arith.constant 0 : index
    %get3A_338 = arith.constant 0 : index
    %get3A_339 = vector.load %arg20[%get3A_337, %get3A_338] : memref<128x128xf32, #tpu.memory_space<vmem>>, vector<128x128xf32>
    %dot_general3A_340 = arith.constant dense<0.000000e+00> : vector<16x128xf32>
    %dot_general3A_341 = tpu.matmul %slice3A_336, %get3A_339, %dot_general3A_340 {dimension_numbers = #tpu.dot_dimension_numbers<[1], [0], [0], [1], [0, 0, 1, 1], [], []>, transpose_lhs_hint = false} : vector<16x128xf32>, vector<128x128xf32>, vector<16x128xf32> -> vector<16x128xf32>
    %get3A_342 = arith.constant 0 : index
    %get3A_343 = arith.constant 0 : index
    %get3A_344 = vector.load %arg18[%get3A_342, %get3A_343] : memref<128x128xf32, #tpu.memory_space<vmem>>, vector<128x128xf32>
    %dot_general3A_345 = arith.constant dense<0.000000e+00> : vector<1536x128xf32>
    %dot_general3A_346 = tpu.matmul %add3A_335, %get3A_344, %dot_general3A_345 {dimension_numbers = #tpu.dot_dimension_numbers<[1], [0], [0], [1], [0, 0, 1, 1], [], []>, transpose_lhs_hint = false} : vector<1536x128xf32>, vector<128x128xf32>, vector<1536x128xf32> -> vector<1536x128xf32>
    %get3A_347 = arith.constant 0 : index
    %get3A_348 = arith.constant 0 : index
    %get3A_349 = vector.load %arg19[%get3A_347, %get3A_348] : memref<1x128xf32, #tpu.memory_space<vmem>>, vector<1x128xf32>
    %add3A_350 = vector.broadcast %get3A_349 : vector<1x128xf32> to vector<1536x128xf32>
    %add3A_351 = arith.addf %dot_general3A_346, %add3A_350 : vector<1536x128xf32>
    %reshape3A_352 = vector.shape_cast %add3A_351 : vector<1536x128xf32> to vector<16x96x128xf32>
    %broadcast_in_dim3A_353 = vector.shape_cast %dot_general3A_341 : vector<16x128xf32> to vector<16x1x128xf32>
    %add3A_354 = vector.broadcast %broadcast_in_dim3A_353 : vector<16x1x128xf32> to vector<16x96x128xf32>
    %add3A_355 = arith.addf %reshape3A_352, %add3A_354 : vector<16x96x128xf32>
    %logistic3A_356 = arith.negf %add3A_355 : vector<16x96x128xf32>
    %logistic3A_357 = math.exp %logistic3A_356 : vector<16x96x128xf32>
    %logistic3A_358 = arith.constant 1.000000e+00 : f32
    %logistic3A_359 = vector.broadcast %logistic3A_358 : f32 to vector<16x96x128xf32>
    %logistic3A_360 = arith.addf %logistic3A_359, %logistic3A_357 : vector<16x96x128xf32>
    %logistic3A_361 = arith.divf %logistic3A_359, %logistic3A_360 : vector<16x96x128xf32>
    %mul3A_362 = arith.mulf %add3A_355, %logistic3A_361 : vector<16x96x128xf32>
    %reshape3A_363 = vector.shape_cast %mul3A_362 : vector<16x96x128xf32> to vector<1536x128xf32>
    %get3A_364 = arith.constant 0 : index
    %get3A_365 = arith.constant 0 : index
    %get3A_366 = vector.load %arg21[%get3A_364, %get3A_365] : memref<128x2xf32, #tpu.memory_space<vmem>>, vector<128x2xf32>
    %dot_general3A_367 = arith.constant dense<0.000000e+00> : vector<1536x2xf32>
    %dot_general3A_368 = tpu.matmul %reshape3A_363, %get3A_366, %dot_general3A_367 {dimension_numbers = #tpu.dot_dimension_numbers<[1], [0], [0], [1], [0, 0, 1, 1], [], []>, transpose_lhs_hint = false} : vector<1536x128xf32>, vector<128x2xf32>, vector<1536x2xf32> -> vector<1536x2xf32>
    %reshape3A_369 = vector.shape_cast %add3A_335 : vector<1536x128xf32> to vector<16x96x128xf32>
    %broadcast_in_dim3A_370 = vector.shape_cast %slice3A_336 : vector<16x128xf32> to vector<16x1x128xf32>
    %mul3A_371 = vector.broadcast %broadcast_in_dim3A_370 : vector<16x1x128xf32> to vector<16x96x128xf32>
    %mul3A_372 = arith.mulf %reshape3A_369, %mul3A_371 : vector<16x96x128xf32>
    %concatenate3A_373 = tpu.concatenate %dot_general3A_128, %dot_general3A_208, %dot_general3A_288, %dot_general3A_368 in 1 : vector<1536x2xf32>, vector<1536x2xf32>, vector<1536x2xf32>, vector<1536x2xf32> -> vector<1536x8xf32>
    %reshape3A_374 = vector.shape_cast %concatenate3A_373 : vector<1536x8xf32> to vector<16x96x8xf32>
    %get3A_375 = arith.constant 0 : index
    %get3A_376 = arith.constant 0 : index
    %get3A_377 = vector.load %arg22[%get3A_375, %get3A_376] : memref<1x1xf32, #tpu.memory_space<vmem>>, vector<1x1xf32>
    %reshape3A_378 = vector.shape_cast %get3A_377 : vector<1x1xf32> to vector<1x1x1xf32>
    %add3A_379 = vector.broadcast %reshape3A_378 : vector<1x1x1xf32> to vector<16x96x8xf32>
    %add3A_380 = arith.addf %reshape3A_374, %add3A_379 : vector<16x96x8xf32>
    %iota3A = tpu.iota {dimensions = array<i32: 1>} : vector<16x96x8xi32>
    %broadcast_in_dim3A_381 = vector.shape_cast %slice3A_35 : vector<16x8xf32> to vector<16x1x8xf32>
    %mul3A_382 = vector.broadcast %broadcast_in_dim3A : vector<16x96x1xf32> to vector<16x96x8xf32>
    %mul3A_383 = vector.broadcast %broadcast_in_dim3A_381 : vector<16x1x8xf32> to vector<16x96x8xf32>
    %mul3A_384 = arith.mulf %mul3A_382, %mul3A_383 : vector<16x96x8xf32>
    %broadcast_in_dim3A_385 = vector.shape_cast %convert_element_type3A : vector<16x8xi32> to vector<16x1x8xi32>
    %eq3A = vector.broadcast %broadcast_in_dim3A_385 : vector<16x1x8xi32> to vector<16x96x8xi32>
    %eq3A_386 = arith.cmpi eq, %eq3A, %iota3A : vector<16x96x8xi32>
    %jit3A_387 = arith.constant 0.000000e+00 : f32
    %broadcast_in_dim3A_388 = vector.broadcast %jit3A_387 : f32 to vector<16x96x8xf32>
    %select_n3A = arith.select %eq3A_386, %broadcast_in_dim3A_388, %mul3A_384 : vector<16x96x8xi1>, vector<16x96x8xf32>
    %le3A = arith.constant 0.000000e+00 : f32
    %le3A_389 = vector.broadcast %le3A : f32 to vector<16x96x8xf32>
    %le3A_390 = arith.cmpf ole, %select_n3A, %le3A_389 : vector<16x96x8xf32>
    %jit3A_391 = arith.constant -1.000000e+30 : f32
    %broadcast_in_dim3A_392 = vector.broadcast %jit3A_391 : f32 to vector<16x96x8xf32>
    %select_n3A_393 = arith.select %le3A_390, %broadcast_in_dim3A_392, %add3A_380 : vector<16x96x8xi1>, vector<16x96x8xf32>
    %reduce_max3A = arith.constant dense<0xFF800000> : vector<16x96xf32>
    %reduce_max3A_394 = vector.multi_reduction <maximumf>, %select_n3A_393, %reduce_max3A [2] : vector<16x96x8xf32> to vector<16x96xf32>
    %broadcast_in_dim3A_395 = vector.shape_cast %reduce_max3A_394 : vector<16x96xf32> to vector<16x96x1xf32>
    %sub3A = vector.broadcast %broadcast_in_dim3A_395 : vector<16x96x1xf32> to vector<16x96x8xf32>
    %sub3A_396 = arith.subf %select_n3A_393, %sub3A : vector<16x96x8xf32>
    %exp3A = math.exp %sub3A_396 : vector<16x96x8xf32>
    %reduce_sum3A = arith.constant dense<0.000000e+00> : vector<16x96xf32>
    %reduce_sum3A_397 = vector.multi_reduction <add>, %exp3A, %reduce_sum3A [2] : vector<16x96x8xf32> to vector<16x96xf32>
    %broadcast_in_dim3A_398 = vector.shape_cast %reduce_sum3A_397 : vector<16x96xf32> to vector<16x96x1xf32>
    %div3A = vector.broadcast %broadcast_in_dim3A_398 : vector<16x96x1xf32> to vector<16x96x8xf32>
    %div3A_399 = arith.divf %exp3A, %div3A : vector<16x96x8xf32>
    %gt3A = arith.constant 0.000000e+00 : f32
    %gt3A_400 = vector.broadcast %gt3A : f32 to vector<16x96x8xf32>
    %gt3A_401 = arith.cmpf ogt, %select_n3A, %gt3A_400 : vector<16x96x8xf32>
    %jit3A_402 = arith.constant 0.000000e+00 : f32
    %broadcast_in_dim3A_403 = vector.broadcast %jit3A_402 : f32 to vector<16x96x8xf32>
    %select_n3A_404 = arith.select %gt3A_401, %div3A_399, %broadcast_in_dim3A_403 : vector<16x96x8xi1>, vector<16x96x8xf32>
    %reshape3A_405 = vector.shape_cast %select_n3A_404 : vector<16x96x8xf32> to vector<1536x8xf32>
    %get3A_406 = arith.constant 0 : index
    %get3A_407 = arith.constant 0 : index
    %get3A_408 = vector.load %arg23[%get3A_406, %get3A_407] : memref<8x512xf32, #tpu.memory_space<vmem>>, vector<8x512xf32>
    %dot_general3A_409 = arith.constant dense<0.000000e+00> : vector<1536x512xf32>
    %dot_general3A_410 = tpu.matmul %reshape3A_405, %get3A_408, %dot_general3A_409 {dimension_numbers = #tpu.dot_dimension_numbers<[1], [0], [0], [1], [0, 0, 1, 1], [], []>, transpose_lhs_hint = false} : vector<1536x8xf32>, vector<8x512xf32>, vector<1536x512xf32> -> vector<1536x512xf32>
    %reshape3A_411 = vector.shape_cast %select_n3A : vector<16x96x8xf32> to vector<1536x8xf32>
    %get3A_412 = arith.constant 0 : index
    %get3A_413 = arith.constant 0 : index
    %get3A_414 = vector.load %arg23[%get3A_412, %get3A_413] : memref<8x512xf32, #tpu.memory_space<vmem>>, vector<8x512xf32>
    %dot_general3A_415 = arith.constant dense<0.000000e+00> : vector<1536x512xf32>
    %dot_general3A_416 = tpu.matmul %reshape3A_411, %get3A_414, %dot_general3A_415 {dimension_numbers = #tpu.dot_dimension_numbers<[1], [0], [0], [1], [0, 0, 1, 1], [], []>, transpose_lhs_hint = false} : vector<1536x8xf32>, vector<8x512xf32>, vector<1536x512xf32> -> vector<1536x512xf32>
    %reshape3A_417 = vector.shape_cast %dot_general3A_410 : vector<1536x512xf32> to vector<16x96x512xf32>
    %reshape3A_418 = vector.shape_cast %dot_general3A_416 : vector<1536x512xf32> to vector<16x96x512xf32>
    %broadcast_in_dim3A_419 = arith.constant 0.000000e+00 : f32
    %broadcast_in_dim3A_420 = vector.broadcast %broadcast_in_dim3A_419 : f32 to vector<16x96x64xf32>
    %broadcast_in_dim3A_421 = arith.constant -1.000000e+30 : f32
    %broadcast_in_dim3A_422 = vector.broadcast %broadcast_in_dim3A_421 : f32 to vector<16x96x64xf32>
    %slice3A_423 = vector.extract_strided_slice %reshape3A_417 {offsets = [0, 0, 0], sizes = [16, 96, 128], strides = [1, 1, 1]} : vector<16x96x512xf32> to vector<16x96x128xf32>
    %mul3A_424 = arith.mulf %mul3A_132, %slice3A_423 : vector<16x96x128xf32>
    %slice3A_425 = vector.extract_strided_slice %mul3A_424 {offsets = [0, 0, 0], sizes = [16, 96, 64], strides = [1, 1, 1]} : vector<16x96x128xf32> to vector<16x96x64xf32>
    %add3A_426 = arith.addf %broadcast_in_dim3A_420, %slice3A_425 : vector<16x96x64xf32>
    %slice3A_427 = vector.extract_strided_slice %mul3A_424 {offsets = [0, 0, 64], sizes = [16, 96, 64], strides = [1, 1, 1]} : vector<16x96x128xf32> to vector<16x96x64xf32>
    %add3A_428 = arith.addf %add3A_426, %slice3A_427 : vector<16x96x64xf32>
    %slice3A_429 = vector.extract_strided_slice %reshape3A_418 {offsets = [0, 0, 0], sizes = [16, 96, 128], strides = [1, 1, 1]} : vector<16x96x512xf32> to vector<16x96x128xf32>
    %le3A_430 = arith.constant 0.000000e+00 : f32
    %le3A_431 = vector.broadcast %le3A_430 : f32 to vector<16x96x128xf32>
    %le3A_432 = arith.cmpf ole, %slice3A_429, %le3A_431 : vector<16x96x128xf32>
    %jit3A_433 = arith.constant -1.000000e+30 : f32
    %broadcast_in_dim3A_434 = vector.broadcast %jit3A_433 : f32 to vector<16x96x128xf32>
    %select_n3A_435 = arith.select %le3A_432, %broadcast_in_dim3A_434, %mul3A_132 : vector<16x96x128xi1>, vector<16x96x128xf32>
    %slice3A_436 = vector.extract_strided_slice %select_n3A_435 {offsets = [0, 0, 0], sizes = [16, 96, 64], strides = [1, 1, 1]} : vector<16x96x128xf32> to vector<16x96x64xf32>
    %slice3A_437 = vector.extract_strided_slice %select_n3A_435 {offsets = [0, 0, 64], sizes = [16, 96, 64], strides = [1, 1, 1]} : vector<16x96x128xf32> to vector<16x96x64xf32>
    %max3A_438 = arith.maximumf %slice3A_436, %slice3A_437 : vector<16x96x64xf32>
    %max3A_439 = arith.maximumf %broadcast_in_dim3A_422, %max3A_438 : vector<16x96x64xf32>
    %slice3A_440 = vector.extract_strided_slice %reshape3A_417 {offsets = [0, 0, 128], sizes = [16, 96, 128], strides = [1, 1, 1]} : vector<16x96x512xf32> to vector<16x96x128xf32>
    %mul3A_441 = arith.mulf %mul3A_212, %slice3A_440 : vector<16x96x128xf32>
    %slice3A_442 = vector.extract_strided_slice %mul3A_441 {offsets = [0, 0, 0], sizes = [16, 96, 64], strides = [1, 1, 1]} : vector<16x96x128xf32> to vector<16x96x64xf32>
    %add3A_443 = arith.addf %add3A_428, %slice3A_442 : vector<16x96x64xf32>
    %slice3A_444 = vector.extract_strided_slice %mul3A_441 {offsets = [0, 0, 64], sizes = [16, 96, 64], strides = [1, 1, 1]} : vector<16x96x128xf32> to vector<16x96x64xf32>
    %add3A_445 = arith.addf %add3A_443, %slice3A_444 : vector<16x96x64xf32>
    %slice3A_446 = vector.extract_strided_slice %reshape3A_418 {offsets = [0, 0, 128], sizes = [16, 96, 128], strides = [1, 1, 1]} : vector<16x96x512xf32> to vector<16x96x128xf32>
    %le3A_447 = arith.constant 0.000000e+00 : f32
    %le3A_448 = vector.broadcast %le3A_447 : f32 to vector<16x96x128xf32>
    %le3A_449 = arith.cmpf ole, %slice3A_446, %le3A_448 : vector<16x96x128xf32>
    %jit3A_450 = arith.constant -1.000000e+30 : f32
    %broadcast_in_dim3A_451 = vector.broadcast %jit3A_450 : f32 to vector<16x96x128xf32>
    %select_n3A_452 = arith.select %le3A_449, %broadcast_in_dim3A_451, %mul3A_212 : vector<16x96x128xi1>, vector<16x96x128xf32>
    %slice3A_453 = vector.extract_strided_slice %select_n3A_452 {offsets = [0, 0, 0], sizes = [16, 96, 64], strides = [1, 1, 1]} : vector<16x96x128xf32> to vector<16x96x64xf32>
    %slice3A_454 = vector.extract_strided_slice %select_n3A_452 {offsets = [0, 0, 64], sizes = [16, 96, 64], strides = [1, 1, 1]} : vector<16x96x128xf32> to vector<16x96x64xf32>
    %max3A_455 = arith.maximumf %slice3A_453, %slice3A_454 : vector<16x96x64xf32>
    %max3A_456 = arith.maximumf %max3A_439, %max3A_455 : vector<16x96x64xf32>
    %slice3A_457 = vector.extract_strided_slice %reshape3A_417 {offsets = [0, 0, 256], sizes = [16, 96, 128], strides = [1, 1, 1]} : vector<16x96x512xf32> to vector<16x96x128xf32>
    %mul3A_458 = arith.mulf %mul3A_292, %slice3A_457 : vector<16x96x128xf32>
    %slice3A_459 = vector.extract_strided_slice %mul3A_458 {offsets = [0, 0, 0], sizes = [16, 96, 64], strides = [1, 1, 1]} : vector<16x96x128xf32> to vector<16x96x64xf32>
    %add3A_460 = arith.addf %add3A_445, %slice3A_459 : vector<16x96x64xf32>
    %slice3A_461 = vector.extract_strided_slice %mul3A_458 {offsets = [0, 0, 64], sizes = [16, 96, 64], strides = [1, 1, 1]} : vector<16x96x128xf32> to vector<16x96x64xf32>
    %add3A_462 = arith.addf %add3A_460, %slice3A_461 : vector<16x96x64xf32>
    %slice3A_463 = vector.extract_strided_slice %reshape3A_418 {offsets = [0, 0, 256], sizes = [16, 96, 128], strides = [1, 1, 1]} : vector<16x96x512xf32> to vector<16x96x128xf32>
    %le3A_464 = arith.constant 0.000000e+00 : f32
    %le3A_465 = vector.broadcast %le3A_464 : f32 to vector<16x96x128xf32>
    %le3A_466 = arith.cmpf ole, %slice3A_463, %le3A_465 : vector<16x96x128xf32>
    %jit3A_467 = arith.constant -1.000000e+30 : f32
    %broadcast_in_dim3A_468 = vector.broadcast %jit3A_467 : f32 to vector<16x96x128xf32>
    %select_n3A_469 = arith.select %le3A_466, %broadcast_in_dim3A_468, %mul3A_292 : vector<16x96x128xi1>, vector<16x96x128xf32>
    %slice3A_470 = vector.extract_strided_slice %select_n3A_469 {offsets = [0, 0, 0], sizes = [16, 96, 64], strides = [1, 1, 1]} : vector<16x96x128xf32> to vector<16x96x64xf32>
    %slice3A_471 = vector.extract_strided_slice %select_n3A_469 {offsets = [0, 0, 64], sizes = [16, 96, 64], strides = [1, 1, 1]} : vector<16x96x128xf32> to vector<16x96x64xf32>
    %max3A_472 = arith.maximumf %slice3A_470, %slice3A_471 : vector<16x96x64xf32>
    %max3A_473 = arith.maximumf %max3A_456, %max3A_472 : vector<16x96x64xf32>
    %slice3A_474 = vector.extract_strided_slice %reshape3A_417 {offsets = [0, 0, 384], sizes = [16, 96, 128], strides = [1, 1, 1]} : vector<16x96x512xf32> to vector<16x96x128xf32>
    %mul3A_475 = arith.mulf %mul3A_372, %slice3A_474 : vector<16x96x128xf32>
    %slice3A_476 = vector.extract_strided_slice %mul3A_475 {offsets = [0, 0, 0], sizes = [16, 96, 64], strides = [1, 1, 1]} : vector<16x96x128xf32> to vector<16x96x64xf32>
    %add3A_477 = arith.addf %add3A_462, %slice3A_476 : vector<16x96x64xf32>
    %slice3A_478 = vector.extract_strided_slice %mul3A_475 {offsets = [0, 0, 64], sizes = [16, 96, 64], strides = [1, 1, 1]} : vector<16x96x128xf32> to vector<16x96x64xf32>
    %add3A_479 = arith.addf %add3A_477, %slice3A_478 : vector<16x96x64xf32>
    %slice3A_480 = vector.extract_strided_slice %reshape3A_418 {offsets = [0, 0, 384], sizes = [16, 96, 128], strides = [1, 1, 1]} : vector<16x96x512xf32> to vector<16x96x128xf32>
    %le3A_481 = arith.constant 0.000000e+00 : f32
    %le3A_482 = vector.broadcast %le3A_481 : f32 to vector<16x96x128xf32>
    %le3A_483 = arith.cmpf ole, %slice3A_480, %le3A_482 : vector<16x96x128xf32>
    %jit3A_484 = arith.constant -1.000000e+30 : f32
    %broadcast_in_dim3A_485 = vector.broadcast %jit3A_484 : f32 to vector<16x96x128xf32>
    %select_n3A_486 = arith.select %le3A_483, %broadcast_in_dim3A_485, %mul3A_372 : vector<16x96x128xi1>, vector<16x96x128xf32>
    %slice3A_487 = vector.extract_strided_slice %select_n3A_486 {offsets = [0, 0, 0], sizes = [16, 96, 64], strides = [1, 1, 1]} : vector<16x96x128xf32> to vector<16x96x64xf32>
    %slice3A_488 = vector.extract_strided_slice %select_n3A_486 {offsets = [0, 0, 64], sizes = [16, 96, 64], strides = [1, 1, 1]} : vector<16x96x128xf32> to vector<16x96x64xf32>
    %max3A_489 = arith.maximumf %slice3A_487, %slice3A_488 : vector<16x96x64xf32>
    %max3A_490 = arith.maximumf %max3A_473, %max3A_489 : vector<16x96x64xf32>
    %le3A_491 = arith.constant -5.000000e+29 : f32
    %le3A_492 = vector.broadcast %le3A_491 : f32 to vector<16x96x64xf32>
    %le3A_493 = arith.cmpf ole, %max3A_490, %le3A_492 : vector<16x96x64xf32>
    %jit3A_494 = arith.constant 0.000000e+00 : f32
    %broadcast_in_dim3A_495 = vector.broadcast %jit3A_494 : f32 to vector<16x96x64xf32>
    %select_n3A_496 = arith.select %le3A_493, %broadcast_in_dim3A_495, %max3A_490 : vector<16x96x64xi1>, vector<16x96x64xf32>
    %concatenate3A_497 = tpu.concatenate %add3A_479, %select_n3A_496 in 2 : vector<16x96x64xf32>, vector<16x96x64xf32> -> vector<16x96x128xf32>
    %reduce_sum3A_498 = arith.constant dense<0.000000e+00> : vector<16x96xf32>
    %reduce_sum3A_499 = vector.multi_reduction <add>, %concatenate3A_497, %reduce_sum3A_498 [2] : vector<16x96x128xf32> to vector<16x96xf32>
    %broadcast_in_dim3A_500 = vector.shape_cast %reduce_sum3A_499 : vector<16x96xf32> to vector<16x96x1xf32>
    %div3A_501 = arith.constant 1.280000e+02 : f32
    %div3A_502 = vector.broadcast %div3A_501 : f32 to vector<16x96x1xf32>
    %div3A_503 = arith.divf %broadcast_in_dim3A_500, %div3A_502 : vector<16x96x1xf32>
    %sub3A_504 = vector.broadcast %div3A_503 : vector<16x96x1xf32> to vector<16x96x128xf32>
    %sub3A_505 = arith.subf %concatenate3A_497, %sub3A_504 : vector<16x96x128xf32>
    %integer_pow3A = arith.mulf %sub3A_505, %sub3A_505 : vector<16x96x128xf32>
    %reduce_sum3A_506 = arith.constant dense<0.000000e+00> : vector<16x96xf32>
    %reduce_sum3A_507 = vector.multi_reduction <add>, %integer_pow3A, %reduce_sum3A_506 [2] : vector<16x96x128xf32> to vector<16x96xf32>
    %broadcast_in_dim3A_508 = vector.shape_cast %reduce_sum3A_507 : vector<16x96xf32> to vector<16x96x1xf32>
    %div3A_509 = arith.constant 1.280000e+02 : f32
    %div3A_510 = vector.broadcast %div3A_509 : f32 to vector<16x96x1xf32>
    %div3A_511 = arith.divf %broadcast_in_dim3A_508, %div3A_510 : vector<16x96x1xf32>
    %sub3A_512 = vector.broadcast %div3A_503 : vector<16x96x1xf32> to vector<16x96x128xf32>
    %sub3A_513 = arith.subf %concatenate3A_497, %sub3A_512 : vector<16x96x128xf32>
    %add3A_514 = arith.constant 9.99999974E-6 : f32
    %add3A_515 = vector.broadcast %add3A_514 : f32 to vector<16x96x1xf32>
    %add3A_516 = arith.addf %div3A_511, %add3A_515 : vector<16x96x1xf32>
    %sqrt3A = math.sqrt %add3A_516 : vector<16x96x1xf32>
    %div3A_517 = arith.constant 1.000000e+00 : f32
    %div3A_518 = vector.broadcast %div3A_517 : f32 to vector<16x96x1xf32>
    %div3A_519 = arith.divf %div3A_518, %sqrt3A : vector<16x96x1xf32>
    %mul3A_520 = vector.broadcast %div3A_519 : vector<16x96x1xf32> to vector<16x96x128xf32>
    %mul3A_521 = arith.mulf %sub3A_513, %mul3A_520 : vector<16x96x128xf32>
    %get3A_522 = arith.constant 0 : index
    %get3A_523 = arith.constant 0 : index
    %get3A_524 = vector.load %arg24[%get3A_522, %get3A_523] : memref<1x128xf32, #tpu.memory_space<vmem>>, vector<1x128xf32>
    %reshape3A_525 = vector.shape_cast %get3A_524 : vector<1x128xf32> to vector<1x1x128xf32>
    %mul3A_526 = vector.broadcast %reshape3A_525 : vector<1x1x128xf32> to vector<16x96x128xf32>
    %mul3A_527 = arith.mulf %mul3A_521, %mul3A_526 : vector<16x96x128xf32>
    %get3A_528 = arith.constant 0 : index
    %get3A_529 = arith.constant 0 : index
    %get3A_530 = vector.load %arg25[%get3A_528, %get3A_529] : memref<1x128xf32, #tpu.memory_space<vmem>>, vector<1x128xf32>
    %reshape3A_531 = vector.shape_cast %get3A_530 : vector<1x128xf32> to vector<1x1x128xf32>
    %add3A_532 = vector.broadcast %reshape3A_531 : vector<1x1x128xf32> to vector<16x96x128xf32>
    %add3A_533 = arith.addf %mul3A_527, %add3A_532 : vector<16x96x128xf32>
    %reshape3A_534 = vector.shape_cast %add3A_533 : vector<16x96x128xf32> to vector<1536x128xf32>
    %get3A_535 = arith.constant 0 : index
    %get3A_536 = arith.constant 0 : index
    %get3A_537 = vector.load %arg26[%get3A_535, %get3A_536] : memref<128x64xf32, #tpu.memory_space<vmem>>, vector<128x64xf32>
    %dot_general3A_538 = arith.constant dense<0.000000e+00> : vector<1536x64xf32>
    %dot_general3A_539 = tpu.matmul %reshape3A_534, %get3A_537, %dot_general3A_538 {dimension_numbers = #tpu.dot_dimension_numbers<[1], [0], [0], [1], [0, 0, 1, 1], [], []>, transpose_lhs_hint = false} : vector<1536x128xf32>, vector<128x64xf32>, vector<1536x64xf32> -> vector<1536x64xf32>
    %get3A_540 = arith.constant 0 : index
    %get3A_541 = arith.constant 0 : index
    %get3A_542 = vector.load %arg27[%get3A_540, %get3A_541] : memref<1x64xf32, #tpu.memory_space<vmem>>, vector<1x64xf32>
    %add3A_543 = vector.broadcast %get3A_542 : vector<1x64xf32> to vector<1536x64xf32>
    %add3A_544 = arith.addf %dot_general3A_539, %add3A_543 : vector<1536x64xf32>
    %logistic3A_545 = arith.negf %add3A_544 : vector<1536x64xf32>
    %logistic3A_546 = math.exp %logistic3A_545 : vector<1536x64xf32>
    %logistic3A_547 = arith.constant 1.000000e+00 : f32
    %logistic3A_548 = vector.broadcast %logistic3A_547 : f32 to vector<1536x64xf32>
    %logistic3A_549 = arith.addf %logistic3A_548, %logistic3A_546 : vector<1536x64xf32>
    %logistic3A_550 = arith.divf %logistic3A_548, %logistic3A_549 : vector<1536x64xf32>
    %mul3A_551 = arith.mulf %add3A_544, %logistic3A_550 : vector<1536x64xf32>
    %get3A_552 = arith.constant 0 : index
    %get3A_553 = arith.constant 0 : index
    %get3A_554 = vector.load %arg28[%get3A_552, %get3A_553] : memref<64x64xf32, #tpu.memory_space<vmem>>, vector<64x64xf32>
    %dot_general3A_555 = arith.constant dense<0.000000e+00> : vector<1536x64xf32>
    %dot_general3A_556 = tpu.matmul %mul3A_551, %get3A_554, %dot_general3A_555 {dimension_numbers = #tpu.dot_dimension_numbers<[1], [0], [0], [1], [0, 0, 1, 1], [], []>, transpose_lhs_hint = false} : vector<1536x64xf32>, vector<64x64xf32>, vector<1536x64xf32> -> vector<1536x64xf32>
    %get3A_557 = arith.constant 0 : index
    %get3A_558 = arith.constant 0 : index
    %get3A_559 = vector.load %arg29[%get3A_557, %get3A_558] : memref<1x64xf32, #tpu.memory_space<vmem>>, vector<1x64xf32>
    %add3A_560 = vector.broadcast %get3A_559 : vector<1x64xf32> to vector<1536x64xf32>
    %add3A_561 = arith.addf %dot_general3A_556, %add3A_560 : vector<1536x64xf32>
    %mul3A_562 = arith.constant 16 : i32
    %mul3A_563 = arith.muli %arg1, %mul3A_562 : i32
    %get3A_564 = arith.constant 0 : index
    %get3A_565 = arith.index_cast %mul3A_563 : i32 to index
    %get3A_566 = arith.constant 0 : index
    %get3A_567 = vector.load %arg2[%get3A_564, %get3A_565, %get3A_566] : memref<1x96x64xf32, #tpu.memory_space<vmem>>, vector<1x16x64xf32>
    %get3A_568 = vector.shape_cast %get3A_567 : vector<1x16x64xf32> to vector<16x64xf32>
    %get3A_569 = arith.constant 0 : index
    %get3A_570 = arith.constant 0 : index
    %get3A_571 = vector.load %arg9[%get3A_569, %get3A_570] : memref<160x64xf32, #tpu.memory_space<vmem>>, vector<64x64xf32>
    %dot_general3A_572 = arith.constant dense<0.000000e+00> : vector<16x64xf32>
    %dot_general3A_573 = tpu.matmul %get3A_568, %get3A_571, %dot_general3A_572 {dimension_numbers = #tpu.dot_dimension_numbers<[1], [0], [0], [1], [0, 0, 1, 1], [], []>, transpose_lhs_hint = false} : vector<16x64xf32>, vector<64x64xf32>, vector<16x64xf32> -> vector<16x64xf32>
    %get3A_574 = arith.constant 64 : index
    %get3A_575 = arith.constant 0 : index
    %get3A_576 = vector.load %arg9[%get3A_574, %get3A_575] : memref<160x64xf32, #tpu.memory_space<vmem>>, vector<64x64xf32>
    %dot_general3A_577 = arith.constant dense<0.000000e+00> : vector<96x64xf32>
    %dot_general3A_578 = tpu.matmul %get3A_3, %get3A_576, %dot_general3A_577 {dimension_numbers = #tpu.dot_dimension_numbers<[1], [0], [0], [1], [0, 0, 1, 1], [], []>, transpose_lhs_hint = false} : vector<96x64xf32>, vector<64x64xf32>, vector<96x64xf32> -> vector<96x64xf32>
    %reshape3A_579 = vector.shape_cast %get3A_14 : vector<16x96x32xf32> to vector<1536x32xf32>
    %get3A_580 = arith.constant 128 : index
    %get3A_581 = arith.constant 0 : index
    %get3A_582 = vector.load %arg9[%get3A_580, %get3A_581] : memref<160x64xf32, #tpu.memory_space<vmem>>, vector<32x64xf32>
    %dot_general3A_583 = arith.constant dense<0.000000e+00> : vector<1536x64xf32>
    %dot_general3A_584 = tpu.matmul %reshape3A_579, %get3A_582, %dot_general3A_583 {dimension_numbers = #tpu.dot_dimension_numbers<[1], [0], [0], [1], [0, 0, 1, 1], [], []>, transpose_lhs_hint = false} : vector<1536x32xf32>, vector<32x64xf32>, vector<1536x64xf32> -> vector<1536x64xf32>
    %reshape3A_585 = vector.shape_cast %dot_general3A_584 : vector<1536x64xf32> to vector<16x96x64xf32>
    %broadcast_in_dim3A_586 = vector.shape_cast %dot_general3A_573 : vector<16x64xf32> to vector<16x1x64xf32>
    %broadcast_in_dim3A_587 = vector.shape_cast %dot_general3A_578 : vector<96x64xf32> to vector<1x96x64xf32>
    %add3A_588 = vector.broadcast %broadcast_in_dim3A_586 : vector<16x1x64xf32> to vector<16x96x64xf32>
    %add3A_589 = vector.broadcast %broadcast_in_dim3A_587 : vector<1x96x64xf32> to vector<16x96x64xf32>
    %add3A_590 = arith.addf %add3A_588, %add3A_589 : vector<16x96x64xf32>
    %add3A_591 = arith.addf %add3A_590, %reshape3A_585 : vector<16x96x64xf32>
    %get3A_592 = arith.constant 0 : index
    %get3A_593 = arith.constant 0 : index
    %get3A_594 = vector.load %arg10[%get3A_592, %get3A_593] : memref<1x64xf32, #tpu.memory_space<vmem>>, vector<1x64xf32>
    %reshape3A_595 = vector.shape_cast %get3A_594 : vector<1x64xf32> to vector<1x1x64xf32>
    %add3A_596 = vector.broadcast %reshape3A_595 : vector<1x1x64xf32> to vector<16x96x64xf32>
    %add3A_597 = arith.addf %add3A_591, %add3A_596 : vector<16x96x64xf32>
    %logistic3A_598 = arith.negf %add3A_597 : vector<16x96x64xf32>
    %logistic3A_599 = math.exp %logistic3A_598 : vector<16x96x64xf32>
    %logistic3A_600 = arith.constant 1.000000e+00 : f32
    %logistic3A_601 = vector.broadcast %logistic3A_600 : f32 to vector<16x96x64xf32>
    %logistic3A_602 = arith.addf %logistic3A_601, %logistic3A_599 : vector<16x96x64xf32>
    %logistic3A_603 = arith.divf %logistic3A_601, %logistic3A_602 : vector<16x96x64xf32>
    %mul3A_604 = arith.mulf %add3A_597, %logistic3A_603 : vector<16x96x64xf32>
    %reshape3A_605 = vector.shape_cast %mul3A_604 : vector<16x96x64xf32> to vector<1536x64xf32>
    %get3A_606 = arith.constant 0 : index
    %get3A_607 = arith.constant 0 : index
    %get3A_608 = vector.load %arg11[%get3A_606, %get3A_607] : memref<64x64xf32, #tpu.memory_space<vmem>>, vector<64x64xf32>
    %dot_general3A_609 = arith.constant dense<0.000000e+00> : vector<1536x64xf32>
    %dot_general3A_610 = tpu.matmul %reshape3A_605, %get3A_608, %dot_general3A_609 {dimension_numbers = #tpu.dot_dimension_numbers<[1], [0], [0], [1], [0, 0, 1, 1], [], []>, transpose_lhs_hint = false} : vector<1536x64xf32>, vector<64x64xf32>, vector<1536x64xf32> -> vector<1536x64xf32>
    %get3A_611 = arith.constant 0 : index
    %get3A_612 = arith.constant 0 : index
    %get3A_613 = vector.load %arg12[%get3A_611, %get3A_612] : memref<1x64xf32, #tpu.memory_space<vmem>>, vector<1x64xf32>
    %add3A_614 = vector.broadcast %get3A_613 : vector<1x64xf32> to vector<1536x64xf32>
    %add3A_615 = arith.addf %dot_general3A_610, %add3A_614 : vector<1536x64xf32>
    %reshape3A_616 = vector.shape_cast %add3A_615 : vector<1536x64xf32> to vector<16x96x64xf32>
    %mul3A_617 = vector.broadcast %broadcast_in_dim3A : vector<16x96x1xf32> to vector<16x96x64xf32>
    %mul3A_618 = arith.mulf %reshape3A_616, %mul3A_617 : vector<16x96x64xf32>
    %reshape3A_619 = vector.shape_cast %add3A_561 : vector<1536x64xf32> to vector<16x96x64xf32>
    %add3A_620 = arith.addf %mul3A_618, %reshape3A_619 : vector<16x96x64xf32>
    %reduce_sum3A_621 = arith.constant dense<0.000000e+00> : vector<16x96xf32>
    %reduce_sum3A_622 = vector.multi_reduction <add>, %add3A_620, %reduce_sum3A_621 [2] : vector<16x96x64xf32> to vector<16x96xf32>
    %broadcast_in_dim3A_623 = vector.shape_cast %reduce_sum3A_622 : vector<16x96xf32> to vector<16x96x1xf32>
    %div3A_624 = arith.constant 6.400000e+01 : f32
    %div3A_625 = vector.broadcast %div3A_624 : f32 to vector<16x96x1xf32>
    %div3A_626 = arith.divf %broadcast_in_dim3A_623, %div3A_625 : vector<16x96x1xf32>
    %sub3A_627 = vector.broadcast %div3A_626 : vector<16x96x1xf32> to vector<16x96x64xf32>
    %sub3A_628 = arith.subf %add3A_620, %sub3A_627 : vector<16x96x64xf32>
    %integer_pow3A_629 = arith.mulf %sub3A_628, %sub3A_628 : vector<16x96x64xf32>
    %reduce_sum3A_630 = arith.constant dense<0.000000e+00> : vector<16x96xf32>
    %reduce_sum3A_631 = vector.multi_reduction <add>, %integer_pow3A_629, %reduce_sum3A_630 [2] : vector<16x96x64xf32> to vector<16x96xf32>
    %broadcast_in_dim3A_632 = vector.shape_cast %reduce_sum3A_631 : vector<16x96xf32> to vector<16x96x1xf32>
    %div3A_633 = arith.constant 6.400000e+01 : f32
    %div3A_634 = vector.broadcast %div3A_633 : f32 to vector<16x96x1xf32>
    %div3A_635 = arith.divf %broadcast_in_dim3A_632, %div3A_634 : vector<16x96x1xf32>
    %sub3A_636 = vector.broadcast %div3A_626 : vector<16x96x1xf32> to vector<16x96x64xf32>
    %sub3A_637 = arith.subf %add3A_620, %sub3A_636 : vector<16x96x64xf32>
    %add3A_638 = arith.constant 9.99999974E-6 : f32
    %add3A_639 = vector.broadcast %add3A_638 : f32 to vector<16x96x1xf32>
    %add3A_640 = arith.addf %div3A_635, %add3A_639 : vector<16x96x1xf32>
    %sqrt3A_641 = math.sqrt %add3A_640 : vector<16x96x1xf32>
    %div3A_642 = arith.constant 1.000000e+00 : f32
    %div3A_643 = vector.broadcast %div3A_642 : f32 to vector<16x96x1xf32>
    %div3A_644 = arith.divf %div3A_643, %sqrt3A_641 : vector<16x96x1xf32>
    %mul3A_645 = vector.broadcast %div3A_644 : vector<16x96x1xf32> to vector<16x96x64xf32>
    %mul3A_646 = arith.mulf %sub3A_637, %mul3A_645 : vector<16x96x64xf32>
    %get3A_647 = arith.constant 0 : index
    %get3A_648 = arith.constant 0 : index
    %get3A_649 = vector.load %arg36[%get3A_647, %get3A_648] : memref<1x64xf32, #tpu.memory_space<vmem>>, vector<1x64xf32>
    %reshape3A_650 = vector.shape_cast %get3A_649 : vector<1x64xf32> to vector<1x1x64xf32>
    %mul3A_651 = vector.broadcast %reshape3A_650 : vector<1x1x64xf32> to vector<16x96x64xf32>
    %mul3A_652 = arith.mulf %mul3A_646, %mul3A_651 : vector<16x96x64xf32>
    %get3A_653 = arith.constant 0 : index
    %get3A_654 = arith.constant 0 : index
    %get3A_655 = vector.load %arg37[%get3A_653, %get3A_654] : memref<1x64xf32, #tpu.memory_space<vmem>>, vector<1x64xf32>
    %reshape3A_656 = vector.shape_cast %get3A_655 : vector<1x64xf32> to vector<1x1x64xf32>
    %add3A_657 = vector.broadcast %reshape3A_656 : vector<1x1x64xf32> to vector<16x96x64xf32>
    %add3A_658 = arith.addf %mul3A_652, %add3A_657 : vector<16x96x64xf32>
    %reshape3A_659 = vector.shape_cast %add3A_658 : vector<16x96x64xf32> to vector<1536x64xf32>
    %get3A_660 = arith.constant 0 : index
    %get3A_661 = arith.constant 0 : index
    %get3A_662 = vector.load %arg30[%get3A_660, %get3A_661] : memref<64x64xf32, #tpu.memory_space<vmem>>, vector<64x64xf32>
    %dot_general3A_663 = arith.constant dense<0.000000e+00> : vector<1536x64xf32>
    %dot_general3A_664 = tpu.matmul %reshape3A_659, %get3A_662, %dot_general3A_663 {dimension_numbers = #tpu.dot_dimension_numbers<[1], [0], [0], [1], [0, 0, 1, 1], [], []>, transpose_lhs_hint = false} : vector<1536x64xf32>, vector<64x64xf32>, vector<1536x64xf32> -> vector<1536x64xf32>
    %get3A_665 = arith.constant 0 : index
    %get3A_666 = arith.constant 0 : index
    %get3A_667 = vector.load %arg31[%get3A_665, %get3A_666] : memref<1x64xf32, #tpu.memory_space<vmem>>, vector<1x64xf32>
    %add3A_668 = vector.broadcast %get3A_667 : vector<1x64xf32> to vector<1536x64xf32>
    %add3A_669 = arith.addf %dot_general3A_664, %add3A_668 : vector<1536x64xf32>
    %logistic3A_670 = arith.negf %add3A_669 : vector<1536x64xf32>
    %logistic3A_671 = math.exp %logistic3A_670 : vector<1536x64xf32>
    %logistic3A_672 = arith.constant 1.000000e+00 : f32
    %logistic3A_673 = vector.broadcast %logistic3A_672 : f32 to vector<1536x64xf32>
    %logistic3A_674 = arith.addf %logistic3A_673, %logistic3A_671 : vector<1536x64xf32>
    %logistic3A_675 = arith.divf %logistic3A_673, %logistic3A_674 : vector<1536x64xf32>
    %reshape3A_676 = vector.shape_cast %logistic3A_675 : vector<1536x64xf32> to vector<16x96x64xf32>
    %mul3A_677 = arith.mulf %reshape3A_676, %add3A_658 : vector<16x96x64xf32>
    %mul3A_678 = vector.broadcast %broadcast_in_dim3A : vector<16x96x1xf32> to vector<16x96x64xf32>
    %mul3A_679 = arith.mulf %mul3A_677, %mul3A_678 : vector<16x96x64xf32>
    %reduce_sum3A_680 = arith.constant dense<0.000000e+00> : vector<16x64xf32>
    %reduce_sum3A_681 = vector.multi_reduction <add>, %mul3A_679, %reduce_sum3A_680 [1] : vector<16x96x64xf32> to vector<16x64xf32>
    %reduce_sum3A_682 = arith.constant dense<0.000000e+00> : vector<16x64xf32>
    %reduce_sum3A_683 = vector.multi_reduction <add>, %mul3A_677, %reduce_sum3A_682 [1] : vector<16x96x64xf32> to vector<16x64xf32>
    %reduce_sum3A_684 = arith.constant dense<0.000000e+00> : vector<16xf32>
    %reduce_sum3A_685 = vector.multi_reduction <add>, %reduce_sum3A_681, %reduce_sum3A_684 [1] : vector<16x64xf32> to vector<16xf32>
    %broadcast_in_dim3A_686 = vector.shape_cast %reduce_sum3A_685 : vector<16xf32> to vector<16x1xf32>
    %div3A_687 = arith.constant 6.400000e+01 : f32
    %div3A_688 = vector.broadcast %div3A_687 : f32 to vector<16x1xf32>
    %div3A_689 = arith.divf %broadcast_in_dim3A_686, %div3A_688 : vector<16x1xf32>
    %sub3A_690 = vector.broadcast %div3A_689 : vector<16x1xf32> to vector<16x64xf32>
    %sub3A_691 = arith.subf %reduce_sum3A_681, %sub3A_690 : vector<16x64xf32>
    %integer_pow3A_692 = arith.mulf %sub3A_691, %sub3A_691 : vector<16x64xf32>
    %reduce_sum3A_693 = arith.constant dense<0.000000e+00> : vector<16xf32>
    %reduce_sum3A_694 = vector.multi_reduction <add>, %integer_pow3A_692, %reduce_sum3A_693 [1] : vector<16x64xf32> to vector<16xf32>
    %broadcast_in_dim3A_695 = vector.shape_cast %reduce_sum3A_694 : vector<16xf32> to vector<16x1xf32>
    %div3A_696 = arith.constant 6.400000e+01 : f32
    %div3A_697 = vector.broadcast %div3A_696 : f32 to vector<16x1xf32>
    %div3A_698 = arith.divf %broadcast_in_dim3A_695, %div3A_697 : vector<16x1xf32>
    %sub3A_699 = vector.broadcast %div3A_689 : vector<16x1xf32> to vector<16x64xf32>
    %sub3A_700 = arith.subf %reduce_sum3A_681, %sub3A_699 : vector<16x64xf32>
    %add3A_701 = arith.constant 9.99999974E-6 : f32
    %add3A_702 = vector.broadcast %add3A_701 : f32 to vector<16x1xf32>
    %add3A_703 = arith.addf %div3A_698, %add3A_702 : vector<16x1xf32>
    %sqrt3A_704 = math.sqrt %add3A_703 : vector<16x1xf32>
    %div3A_705 = arith.constant 1.000000e+00 : f32
    %div3A_706 = vector.broadcast %div3A_705 : f32 to vector<16x1xf32>
    %div3A_707 = arith.divf %div3A_706, %sqrt3A_704 : vector<16x1xf32>
    %mul3A_708 = vector.broadcast %div3A_707 : vector<16x1xf32> to vector<16x64xf32>
    %mul3A_709 = arith.mulf %sub3A_700, %mul3A_708 : vector<16x64xf32>
    %get3A_710 = arith.constant 0 : index
    %get3A_711 = arith.constant 0 : index
    %get3A_712 = vector.load %arg32[%get3A_710, %get3A_711] : memref<1x64xf32, #tpu.memory_space<vmem>>, vector<1x64xf32>
    %mul3A_713 = vector.broadcast %get3A_712 : vector<1x64xf32> to vector<16x64xf32>
    %mul3A_714 = arith.mulf %mul3A_709, %mul3A_713 : vector<16x64xf32>
    %get3A_715 = arith.constant 0 : index
    %get3A_716 = arith.constant 0 : index
    %get3A_717 = vector.load %arg33[%get3A_715, %get3A_716] : memref<1x64xf32, #tpu.memory_space<vmem>>, vector<1x64xf32>
    %add3A_718 = vector.broadcast %get3A_717 : vector<1x64xf32> to vector<16x64xf32>
    %add3A_719 = arith.addf %mul3A_714, %add3A_718 : vector<16x64xf32>
    %get3A_720 = arith.constant 0 : index
    %get3A_721 = arith.constant 0 : index
    %get3A_722 = vector.load %arg34[%get3A_720, %get3A_721] : memref<64x64xf32, #tpu.memory_space<vmem>>, vector<64x64xf32>
    %dot_general3A_723 = arith.constant dense<0.000000e+00> : vector<16x64xf32>
    %dot_general3A_724 = tpu.matmul %add3A_719, %get3A_722, %dot_general3A_723 {dimension_numbers = #tpu.dot_dimension_numbers<[1], [0], [0], [1], [0, 0, 1, 1], [], []>, transpose_lhs_hint = false} : vector<16x64xf32>, vector<64x64xf32>, vector<16x64xf32> -> vector<16x64xf32>
    %get3A_725 = arith.constant 0 : index
    %get3A_726 = arith.constant 0 : index
    %get3A_727 = vector.load %arg35[%get3A_725, %get3A_726] : memref<1x64xf32, #tpu.memory_space<vmem>>, vector<1x64xf32>
    %add3A_728 = vector.broadcast %get3A_727 : vector<1x64xf32> to vector<16x64xf32>
    %add3A_729 = arith.addf %dot_general3A_724, %add3A_728 : vector<16x64xf32>
    %swap3A = arith.constant 0 : index
    %swap3A_730 = arith.constant 0 : index
    %swap3A_731 = arith.constant 0 : index
    %swap3A_732 = vector.load %arg38[%swap3A, %swap3A_730, %swap3A_731] : memref<1x16x64xf32, #tpu.memory_space<vmem>>, vector<1x16x64xf32>
    %swap3A_733 = vector.shape_cast %swap3A_732 : vector<1x16x64xf32> to vector<16x64xf32>
    %swap3A_734 = vector.shape_cast %add3A_729 : vector<16x64xf32> to vector<1x16x64xf32>
    tpu.vector_store %arg38[%swap3A, %swap3A_730, %swap3A_731], %swap3A_734 {strides = array<i32>} : memref<1x16x64xf32, #tpu.memory_space<vmem>>, vector<1x16x64xf32>,
    %swap3A_735 = arith.constant 0 : index
    %swap3A_736 = arith.constant 0 : index
    %swap3A_737 = arith.constant 0 : index
    %swap3A_738 = vector.load %arg39[%swap3A_735, %swap3A_736, %swap3A_737] : memref<1x16x64xf32, #tpu.memory_space<vmem>>, vector<1x16x64xf32>
    %swap3A_739 = vector.shape_cast %swap3A_738 : vector<1x16x64xf32> to vector<16x64xf32>
    %swap3A_740 = vector.shape_cast %reduce_sum3A_683 : vector<16x64xf32> to vector<1x16x64xf32>
    tpu.vector_store %arg39[%swap3A_735, %swap3A_736, %swap3A_737], %swap3A_740 {strides = array<i32>} : memref<1x16x64xf32, #tpu.memory_space<vmem>>, vector<1x16x64xf32>,
    return
  }
  func.func @transform_0(%arg0: i32, %arg1: i32) -> (i32, i32, i32) {
    %c0_i32 = arith.constant 0 : i32
    %c0_i32_0 = arith.constant 0 : i32
    %c0_i32_1 = arith.constant 0 : i32
    return %arg0, %c0_i32, %c0_i32_0 : i32, i32, i32
  }
  func.func @transform_1(%arg0: i32, %arg1: i32) -> (i32, i32, i32) {
    %c0_i32 = arith.constant 0 : i32
    %c0_i32_0 = arith.constant 0 : i32
    return %arg0, %arg1, %c0_i32 : i32, i32, i32
  }
  func.func @transform_2(%arg0: i32, %arg1: i32) -> (i32, i32, i32, i32) {
    %c0_i32 = arith.constant 0 : i32
    %c0_i32_0 = arith.constant 0 : i32
    %c0_i32_1 = arith.constant 0 : i32
    return %arg0, %arg1, %c0_i32, %c0_i32_0 : i32, i32, i32, i32
  }
  func.func @transform_3(%arg0: i32, %arg1: i32) -> (i32, i32, i32) {
    %c0_i32 = arith.constant 0 : i32
    %c0_i32_0 = arith.constant 0 : i32
    return %arg0, %arg1, %c0_i32 : i32, i32, i32
  }
  func.func @transform_4(%arg0: i32, %arg1: i32) -> (i32, i32, i32) {
    %c0_i32 = arith.constant 0 : i32
    %c0_i32_0 = arith.constant 0 : i32
    return %arg0, %arg1, %c0_i32 : i32, i32, i32
  }
  func.func @transform_5(%arg0: i32, %arg1: i32) -> (i32, i32, i32) {
    %c0_i32 = arith.constant 0 : i32
    %c0_i32_0 = arith.constant 0 : i32
    return %arg0, %arg1, %c0_i32 : i32, i32, i32
  }
  func.func @transform_6(%arg0: i32, %arg1: i32) -> (i32, i32, i32) {
    %c0_i32 = arith.constant 0 : i32
    %c0_i32_0 = arith.constant 0 : i32
    return %arg0, %arg1, %c0_i32 : i32, i32, i32
  }
  func.func @transform_7(%arg0: i32, %arg1: i32) -> (i32, i32) {
    %c0_i32 = arith.constant 0 : i32
    %c0_i32_0 = arith.constant 0 : i32
    %c0_i32_1 = arith.constant 0 : i32
    return %c0_i32, %c0_i32_0 : i32, i32
  }
  func.func @transform_8(%arg0: i32, %arg1: i32) -> (i32, i32) {
    %c0_i32 = arith.constant 0 : i32
    %c0_i32_0 = arith.constant 0 : i32
    %c0_i32_1 = arith.constant 0 : i32
    return %c0_i32, %c0_i32_0 : i32, i32
  }
  func.func @transform_9(%arg0: i32, %arg1: i32) -> (i32, i32) {
    %c0_i32 = arith.constant 0 : i32
    %c0_i32_0 = arith.constant 0 : i32
    %c0_i32_1 = arith.constant 0 : i32
    return %c0_i32, %c0_i32_0 : i32, i32
  }
  func.func @transform_10(%arg0: i32, %arg1: i32) -> (i32, i32) {
    %c0_i32 = arith.constant 0 : i32
    %c0_i32_0 = arith.constant 0 : i32
    %c0_i32_1 = arith.constant 0 : i32
    return %c0_i32, %c0_i32_0 : i32, i32
  }
  func.func @transform_11(%arg0: i32, %arg1: i32) -> (i32, i32) {
    %c0_i32 = arith.constant 0 : i32
    %c0_i32_0 = arith.constant 0 : i32
    %c0_i32_1 = arith.constant 0 : i32
    return %c0_i32, %c0_i32_0 : i32, i32
  }
  func.func @transform_12(%arg0: i32, %arg1: i32) -> (i32, i32) {
    %c0_i32 = arith.constant 0 : i32
    %c0_i32_0 = arith.constant 0 : i32
    %c0_i32_1 = arith.constant 0 : i32
    return %c0_i32, %c0_i32_0 : i32, i32
  }
  func.func @transform_13(%arg0: i32, %arg1: i32) -> (i32, i32) {
    %c0_i32 = arith.constant 0 : i32
    %c0_i32_0 = arith.constant 0 : i32
    %c0_i32_1 = arith.constant 0 : i32
    return %c0_i32, %c0_i32_0 : i32, i32
  }
  func.func @transform_14(%arg0: i32, %arg1: i32) -> (i32, i32) {
    %c0_i32 = arith.constant 0 : i32
    %c0_i32_0 = arith.constant 0 : i32
    %c0_i32_1 = arith.constant 0 : i32
    return %c0_i32, %c0_i32_0 : i32, i32
  }
  func.func @transform_15(%arg0: i32, %arg1: i32) -> (i32, i32) {
    %c0_i32 = arith.constant 0 : i32
    %c0_i32_0 = arith.constant 0 : i32
    %c0_i32_1 = arith.constant 0 : i32
    return %c0_i32, %c0_i32_0 : i32, i32
  }
  func.func @transform_16(%arg0: i32, %arg1: i32) -> (i32, i32) {
    %c0_i32 = arith.constant 0 : i32
    %c0_i32_0 = arith.constant 0 : i32
    %c0_i32_1 = arith.constant 0 : i32
    return %c0_i32, %c0_i32_0 : i32, i32
  }
  func.func @transform_17(%arg0: i32, %arg1: i32) -> (i32, i32) {
    %c0_i32 = arith.constant 0 : i32
    %c0_i32_0 = arith.constant 0 : i32
    %c0_i32_1 = arith.constant 0 : i32
    return %c0_i32, %c0_i32_0 : i32, i32
  }
  func.func @transform_18(%arg0: i32, %arg1: i32) -> (i32, i32) {
    %c0_i32 = arith.constant 0 : i32
    %c0_i32_0 = arith.constant 0 : i32
    %c0_i32_1 = arith.constant 0 : i32
    return %c0_i32, %c0_i32_0 : i32, i32
  }
  func.func @transform_19(%arg0: i32, %arg1: i32) -> (i32, i32) {
    %c0_i32 = arith.constant 0 : i32
    %c0_i32_0 = arith.constant 0 : i32
    %c0_i32_1 = arith.constant 0 : i32
    return %c0_i32, %c0_i32_0 : i32, i32
  }
  func.func @transform_20(%arg0: i32, %arg1: i32) -> (i32, i32) {
    %c0_i32 = arith.constant 0 : i32
    %c0_i32_0 = arith.constant 0 : i32
    %c0_i32_1 = arith.constant 0 : i32
    return %c0_i32, %c0_i32_0 : i32, i32
  }
  func.func @transform_21(%arg0: i32, %arg1: i32) -> (i32, i32) {
    %c0_i32 = arith.constant 0 : i32
    %c0_i32_0 = arith.constant 0 : i32
    %c0_i32_1 = arith.constant 0 : i32
    return %c0_i32, %c0_i32_0 : i32, i32
  }
  func.func @transform_22(%arg0: i32, %arg1: i32) -> (i32, i32) {
    %c0_i32 = arith.constant 0 : i32
    %c0_i32_0 = arith.constant 0 : i32
    %c0_i32_1 = arith.constant 0 : i32
    return %c0_i32, %c0_i32_0 : i32, i32
  }
  func.func @transform_23(%arg0: i32, %arg1: i32) -> (i32, i32) {
    %c0_i32 = arith.constant 0 : i32
    %c0_i32_0 = arith.constant 0 : i32
    %c0_i32_1 = arith.constant 0 : i32
    return %c0_i32, %c0_i32_0 : i32, i32
  }
  func.func @transform_24(%arg0: i32, %arg1: i32) -> (i32, i32) {
    %c0_i32 = arith.constant 0 : i32
    %c0_i32_0 = arith.constant 0 : i32
    %c0_i32_1 = arith.constant 0 : i32
    return %c0_i32, %c0_i32_0 : i32, i32
  }
  func.func @transform_25(%arg0: i32, %arg1: i32) -> (i32, i32) {
    %c0_i32 = arith.constant 0 : i32
    %c0_i32_0 = arith.constant 0 : i32
    %c0_i32_1 = arith.constant 0 : i32
    return %c0_i32, %c0_i32_0 : i32, i32
  }
  func.func @transform_26(%arg0: i32, %arg1: i32) -> (i32, i32) {
    %c0_i32 = arith.constant 0 : i32
    %c0_i32_0 = arith.constant 0 : i32
    %c0_i32_1 = arith.constant 0 : i32
    return %c0_i32, %c0_i32_0 : i32, i32
  }
  func.func @transform_27(%arg0: i32, %arg1: i32) -> (i32, i32) {
    %c0_i32 = arith.constant 0 : i32
    %c0_i32_0 = arith.constant 0 : i32
    %c0_i32_1 = arith.constant 0 : i32
    return %c0_i32, %c0_i32_0 : i32, i32
  }
  func.func @transform_28(%arg0: i32, %arg1: i32) -> (i32, i32) {
    %c0_i32 = arith.constant 0 : i32
    %c0_i32_0 = arith.constant 0 : i32
    %c0_i32_1 = arith.constant 0 : i32
    return %c0_i32, %c0_i32_0 : i32, i32
  }
  func.func @transform_29(%arg0: i32, %arg1: i32) -> (i32, i32) {
    %c0_i32 = arith.constant 0 : i32
    %c0_i32_0 = arith.constant 0 : i32
    %c0_i32_1 = arith.constant 0 : i32
    return %c0_i32, %c0_i32_0 : i32, i32
  }
  func.func @transform_30(%arg0: i32, %arg1: i32) -> (i32, i32) {
    %c0_i32 = arith.constant 0 : i32
    %c0_i32_0 = arith.constant 0 : i32
    %c0_i32_1 = arith.constant 0 : i32
    return %c0_i32, %c0_i32_0 : i32, i32
  }
  func.func @transform_31(%arg0: i32, %arg1: i32) -> (i32, i32) {
    %c0_i32 = arith.constant 0 : i32
    %c0_i32_0 = arith.constant 0 : i32
    %c0_i32_1 = arith.constant 0 : i32
    return %c0_i32, %c0_i32_0 : i32, i32
  }
  func.func @transform_32(%arg0: i32, %arg1: i32) -> (i32, i32) {
    %c0_i32 = arith.constant 0 : i32
    %c0_i32_0 = arith.constant 0 : i32
    %c0_i32_1 = arith.constant 0 : i32
    return %c0_i32, %c0_i32_0 : i32, i32
  }
  func.func @transform_33(%arg0: i32, %arg1: i32) -> (i32, i32) {
    %c0_i32 = arith.constant 0 : i32
    %c0_i32_0 = arith.constant 0 : i32
    %c0_i32_1 = arith.constant 0 : i32
    return %c0_i32, %c0_i32_0 : i32, i32
  }
  func.func @transform_34(%arg0: i32, %arg1: i32) -> (i32, i32) {
    %c0_i32 = arith.constant 0 : i32
    %c0_i32_0 = arith.constant 0 : i32
    %c0_i32_1 = arith.constant 0 : i32
    return %c0_i32, %c0_i32_0 : i32, i32
  }
  func.func @transform_35(%arg0: i32, %arg1: i32) -> (i32, i32) {
    %c0_i32 = arith.constant 0 : i32
    %c0_i32_0 = arith.constant 0 : i32
    %c0_i32_1 = arith.constant 0 : i32
    return %c0_i32, %c0_i32_0 : i32, i32
  }
  func.func @transform_36(%arg0: i32, %arg1: i32) -> (i32, i32, i32) {
    %c0_i32 = arith.constant 0 : i32
    %c0_i32_0 = arith.constant 0 : i32
    return %arg0, %arg1, %c0_i32 : i32, i32, i32
  }
  func.func @transform_37(%arg0: i32, %arg1: i32) -> (i32, i32, i32) {
    %c0_i32 = arith.constant 0 : i32
    %c0_i32_0 = arith.constant 0 : i32
    return %arg0, %arg1, %c0_i32 : i32, i32, i32
  }
}

</mosaic_0001>

<sc_bundles>
// kernel: kernel.4.cloned.1.call-start
scs
__scs_entry_jumppad:
0x0: {  	(pc) =	sbr.rel $0x88, $3  }
0x1: {  	(tag) =	ssettag $0x0;
	lr =	simm.s32 $0x1  }
0x2: {  	[smem:$0x3F82] =	sst lr;
	_ =	strace $0xD0000000  }
0x3: {  	_ = 	snop  }
0x4: {  	_ = 	snop  }
0x5: {  	_ = 	snop  }
0x6: {  	_ = 	snop  }
0x7: {  	_ = 	snop  }
__scs_overlays_trampoline_lowered:
0x8: {  	[smem:$0x3F91] =	sst s0  }
0x9: {  	[smem:$0x3F92] =	sst s1  }
0xa: {  	[smem:$0x3F93] =	sst s2  }
0xb: {  	[smem:$0x3F94] =	sst s3  }
0xc: {  	[smem:$0x3F95] =	sst s4  }
0xd: {  	[smem:$0x3F96] =	sst s5  }
0xe: {  	[smem:$0x3F97] =	sst s6  }
0xf: {  	[smem:$0x3F98] =	sst s7  }
0x10: {  	[smem:$0x3F99] =	sst s8  }
0x11: {  	[smem:$0x3F9A] =	sst s9;
	s0 =	simm.s32 @!p0 $0x0  }
0x12: {  	s1 =	sld [smem:$0x3F80];
	s0 =	simm.s32 @p0 $0x1  }
0x13: {  	[smem:$0x3F9B] =	sst s0;
	s0 =	simm.s32 @!p1 $0x0  }
0x14: {  	s2 =	sld [smem:$0x3F7F];
	s0 =	simm.s32 @p1 $0x1  }
0x15: {  	[smem:$0x3F9C] =	sst s0;
	s0 =	simm.s32 @!p2 $0x0  }
0x16: {  	s3 =	sld [smem:$0x3FDB];
	s0 =	simm.s32 @p2 $0x1  }
0x17: {  	s4 =	simm.s32 $0x1BF5;
	[smem:$0x3F9E] =	sst s0  }
0x18: {  	s0 =	sld [smem:$0x3F81];
	_ =	swait.ge [sflag:s4], $0x0  }
0x19: {  	s7 =	sld [smem:$0x3F82]  }
0x1a: {  	s8 =	sadd.s32 $0xFFFFE003, lr  }
0x1b: {  	s9 =	sadd.s32 $0xFFFFFEF7, lr;
	s5 =	simm.s32 $0xFFFFFFFF;
	p2 =	slt.u32 s8, $0xFFFFF086  }
0x1c: {  	p1 =	slt.u32 s9, $0xF7A;
	s5 =	simm.s32 @!p2 $0x0  }
0x1d: {  	s5 =	simm.s32 @p1 $0x1;
	p0 =	seq.s32 s7, s2  }
0x1e: {  	s7 =	smul.u32 @!p0 $0xF7A, s2;
	p2 =	seq.s32 @!p0 s5, $0x0  }
0x1f: {  	s9 =	smul.u32 $0xF7A, s1;
	s8 =	simm.s32 @!p0 $0x1BF5;
	p2 =	por !p2, p0  }
0x20: {  	[sflag:s8] =	ssyncset.s32 @!p0 $0xFFFFF086;
	s6 =	sadd.s32 @!p0 s3, s7;
	s7 =	simm.s32 @!p0 $0x108  }
0x21: {  	s3 =	sadd.s32 s3, s9;
	s6 =	sadd.s32 @!p0 $0x88, s6;
	s7 =	simm.s32 @p2 $0x1082  }
0x22: {  	[simem:s7], [sflag:s8] =	dma.local @!p0 [hbm:s6], $0xF7A  }
0x23: {  	s9 =	sor.u32 $0xD0000000, s2;
	s6 =	simm.s32 $0x108;
	_ =	swait.ge @!p0 [sflag:s8], $0x0  }
0x24: {  	s3 =	sadd.s32 $0x88, s3;
	s6 =	simm.s32 @!p1 $0x1082;
	[sflag:s4] =	ssyncset.s32 $0xFFFFF086  }
0x25: {  	[simem:s6], [sflag:s4] =	dma.local [hbm:s3], $0xF7A  }
0x26: {  	[smem:$0x3F82] =	sst s1;
	(tag) =	ssettag s2;
	_ =	strace s9  }
0x27: {  	s1 =	sld [smem:$0x3F92]  }
0x28: {  	s2 =	sld [smem:$0x3F93]  }
0x29: {  	s4 =	sld [smem:$0x3F95]  }
0x2a: {  	p0 =	seq.s32 s5, $0x0;
	s5 =	sld [smem:$0x3F96]  }
0x2b: {  	s6 =	sld [smem:$0x3F97]  }
0x2c: {  	s7 =	sld [smem:$0x3F98]  }
0x2d: {  	s3 =	simm.s32 $0x108;
	s8 =	sld [smem:$0x3F99]  }
0x2e: {  	s3 =	simm.s32 @!p0 $0x1082;
	s9 =	sld [smem:$0x3F9A]  }
0x2f: {  	lr =	sadd.s32 s0, s3;
	s0 =	sld [smem:$0x3F91]  }
0x30: {  	s3 =	sld [smem:$0x3F94]  }
0x31: {  	[smem:$0x3F9D] =	sst s10  }
0x32: {  	s10 =	sld [smem:$0x3F9B];
	_ =	sdelay $0x3  }
0x33: {  	p0 =	seq.s32 s10, $0x1;
	s10 =	sld [smem:$0x3F9D];
	_ =	sdelay $0x3  }
0x34: {  	[smem:$0x3F9D] =	sst s10  }
0x35: {  	s10 =	sld [smem:$0x3F9C];
	_ =	sdelay $0x3  }
0x36: {  	p1 =	seq.s32 s10, $0x1;
	s10 =	sld [smem:$0x3F9D];
	_ =	sdelay $0x3  }
0x37: {  	[smem:$0x3F9D] =	sst s10  }
0x38: {  	s10 =	sld [smem:$0x3F9E]  }
0x39: {  	_ = 	snop;
	(pc) =	sbr.ind lr, $3  }
0x3a: {  	_ = 	snop  }
0x3b: {  	_ = 	snop  }
0x3c: {  	p2 =	seq.s32 s10, $0x1;
	s10 =	sld [smem:$0x3F9D]  }
0x3d: {  	_ =	shalt  }
0x3e: {  	_ =	shalt  }
0x3f: {  	_ =	shalt  }
0x40: {  	_ =	shalt  }
0x41: {  	_ =	shalt  }
0x42: {  	_ =	shalt  }
0x43: {  	_ =	shalt  }
0x44: {  	_ =	shalt  }
0x45: {  	_ =	shalt  }
0x46: {  	_ =	shalt  }
0x47: {  	_ =	shalt  }
0x48: {  	_ =	shalt  }
0x49: {  	_ =	shalt  }
0x4a: {  	_ =	shalt  }
0x4b: {  	_ =	shalt  }
0x4c: {  	_ =	shalt  }
0x4d: {  	_ =	shalt  }
0x4e: {  	_ =	shalt  }
0x4f: {  	_ =	shalt  }
0x50: {  	_ =	shalt  }
0x51: {  	_ =	shalt  }
0x52: {  	_ =	shalt  }
0x53: {  	_ =	shalt  }
0x54: {  	_ =	shalt  }
0x55: {  	_ =	shalt  }
0x56: {  	_ =	shalt  }
0x57: {  	_ =	shalt  }
0x58: {  	_ =	shalt  }
0x59: {  	_ =	shalt  }
0x5a: {  	_ =	shalt  }
0x5b: {  	_ =	shalt  }
0x5c: {  	_ =	shalt  }
0x5d: {  	_ =	shalt  }
0x5e: {  	_ =	shalt  }
0x5f: {  	_ =	shalt  }
0x60: {  	_ =	shalt  }
0x61: {  	_ =	shalt  }
0x62: {  	_ =	shalt  }
0x63: {  	_ =	shalt  }
0x64: {  	_ =	shalt  }
0x65: {  	_ =	shalt  }
0x66: {  	_ =	shalt  }
0x67: {  	_ =	shalt  }
0x68: {  	_ =	shalt  }
0x69: {  	_ =	shalt  }
0x6a: {  	_ =	shalt  }
0x6b: {  	_ =	shalt  }
0x6c: {  	_ =	shalt  }
0x6d: {  	_ =	shalt  }
0x6e: {  	_ =	shalt  }
0x6f: {  	_ =	shalt  }
0x70: {  	_ =	shalt  }
0x71: {  	_ =	shalt  }
0x72: {  	_ =	shalt  }
0x73: {  	_ =	shalt  }
0x74: {  	_ =	shalt  }
0x75: {  	_ =	shalt  }
0x76: {  	_ =	shalt  }
0x77: {  	_ =	shalt  }
0x78: {  	_ =	shalt  }
0x79: {  	_ =	shalt  }
0x7a: {  	_ =	shalt  }
0x7b: {  	_ =	shalt  }
0x7c: {  	_ =	shalt  }
0x7d: {  	_ =	shalt  }
0x7e: {  	_ =	shalt  }
0x7f: {  	_ =	shalt  }
0x80: {  	_ =	shalt  }
0x81: {  	_ =	shalt  }
0x82: {  	_ =	shalt  }
0x83: {  	_ =	shalt  }
0x84: {  	_ =	shalt  }
0x85: {  	_ =	shalt  }
0x86: {  	_ =	shalt  }
0x87: {  	_ =	shalt  }
.Lfunc_end0:
.L_simem_size_0:
called_computation_lowered:
.L_overlay_start_0:
0x88: {  	s2 =	sld [smem:$0x3FD9]  }
0x89: {  	s3 =	sld [smem:$0x3FFE];
	_ =	sdelay $0x1  }
0x8a: {  	s1 =	srdreg.scid  }
0x8b: {  	s0 =	sand.u32 $0x1, s1  }
0x8c: {  	s14 =	sshll.u32 s0, $0xA;
	s2 =	sadd.s32 s3, s2  }
0x8d: {  	s2 =	sadd.s32 s2, s14  }
0x8e: {  	[smem:$0x3FA9] =	sst s2  }
0x8f: {  	_ = 	snop  }
0x90: {  	s2 =	sld [smem:$0x3FD0];
	_ =	sdelay $0x2  }
0x91: {  	s15 =	simm.s32 $0xA;
	s4 =	simm.s32 $0x10  }
0x92: {  	[smem:s4], [sflag:s15] =	dma.local [hbm:s2], $0x1  }
0x93: {  	_ =	swait.eq [sflag:s15], $0x1  }
0x94: {  	[sflag:s15] =	ssyncset.done $0x0  }
0x95: {  	[sflag:s15] =	ssyncadd.s32 $0xFFFFFFFF  }
0x96: {  	s16 =	sld [smem:$0x10];
	(tm) =	ssettm $0x1  }
0x97: {  	s17 =	sld [smem:$0x3FFB];
	_ =	sdelay $0x3  }
0x98: {  	_ =	strace s17  }
0x99: {  	s3 =	sld [smem:$0x3FFC];
	_ =	sdelay $0x3  }
0x9a: {  	_ =	strace s3  }
0x9b: {  	s3 =	sld [smem:$0x3FFD];
	_ =	sdelay $0x3  }
0x9c: {  	_ =	strace s3  }
0x9d: {  	_ =	strace $0x8FFFFFFF  }
0x9e: {  	s18 =	sld [smem:$0x3FDB];
	_ =	sdelay $0x1  }
0x9f: {  	s19 =	simm.s32 $_scs_section_size  }
0xa0: {  	s5 =	simm.s32 $_size__tile_overlayer_lowered;
	s6 =	simm.s32 $_tile_overlayer_lowered  }
0xa1: {  	s22 =	simm.s32 $0x1BFF;
	s21 =	sshll.u32 s6, $0x1;
	s3 =	sadd.s32 s19, s18  }
0xa2: {  	s7 =	simm.s32 $0x0;
	s20 =	sshll.u32 s5, $0x1;
	s5 =	sadd.s32 s21, s3  }
0xa3: {  	[timem:s7], [sflag:s22] =	dma.local [hbm:s5], s20  }
0xa4: {  	_ =	swait.ge [sflag:s22], s20  }
0xa5: {  	s4 =	ssub.s32 $0x0, s20;
	[sflag:s22] =	ssyncset.done $0x0  }
0xa6: {  	[sflag:s22] =	ssyncadd.s32 s4;
	_ =	sdelay $0x1  }
0xa7: {  	s23 =	simm.s32 $0x1B8B  }
0xa8: {  	_ =	swait.ge [sflag:s23], $0x1  }
0xa9: {  	[sflag:s23] =	ssyncset.done $0x0  }
0xaa: {  	s25 =	simm.s32 $0x1B8E;
	s24 =	sld [smem:$0x3FFE];
	[sflag:s23] =	ssyncadd.s32 $0xFFFFFFFF  }
0xab: {  	s26 =	simm.s32 $execute0_lowered;
	[smem:$0x3FD2] =	sst s25  }
0xac: {  	s5 =	sshll.u32 s26, $0x1;
	_ =	strace $0x80000046;
	[dreg:$0x1] =	wrdreg $0xFFFFFFFF  }
0xad: {  	s28 =	simm.s32 $_size_execute0_lowered;
	s3 =	sadd.s32 s3, s5;
	[dreg:$0x0] =	wrdreg $0x0  }
0xae: {  	s5 =	sshll.u32 s28, $0x1;
	[dreg:$0x2] =	wrdreg s3  }
0xaf: {  	[dreg:$0x3] =	wrdreg s5  }
0xb0: {  	[dreg:$0x4] =	wrdreg $0xC0  }
0xb1: {  	_ =	task [dreg:s7], $0x5FFFF  }
0xb2: {  	[dreg:$0x1] =	wrdreg $0xFFFFFFFF  }
0xb3: {  	[dreg:$0x0] =	wrdreg $0x60  }
0xb4: {  	[dreg:$0x2] =	wrdreg s24  }
0xb5: {  	[dreg:$0x3] =	wrdreg s16  }
0xb6: {  	[dreg:$0x4] =	wrdreg $0x9  }
0xb7: {  	_ =	task.clear_ibuf [dreg:s7], $0x5FFFF;
	_ =	strace $0x90000046  }
0xb8: {  	s29 =	simm.s32 $0x9;
	_ =	strace $0x80000048  }
0xb9: {  	_ =	swait.ge [sflag:s29], $0x1  }
0xba: {  	[sflag:s29] =	ssyncadd.s32 $0xFFFFFFFF  }
0xbb: {  	_ =	strace $0x90000048  }
0xbc: {  	_ =	sfence  }
0xbd: {  	s30 =	sld [smem:$0x0];
	_ =	sdelay $0x2  }
0xbe: {  	s31 =	sshll.u32 s1, $0xD;
	s1 =	sshrl.u32 s1, $0x2  }
0xbf: {  	s3 =	sand.u32 $0x4000, s31;
	s1 =	sadd.s32 s1, s30  }
0xc0: {  	s0 =	sor.u32 s3, s0;
	s1 =	sshll.u32 s1, $0x11  }
0xc1: {  	s0 =	sor.u32 s1, s0  }
0xc2: {  	s0 =	sadd.s32 $0x8F2B, s0  }
0xc3: {  	[sflag:s0] =	ssyncadd.remote.s32 $0x1  }
0xc4: {  	_ =	sfence.sel $0xFFFF  }
0xc5: {  	[dreg:$0x0] =	wrdreg $0xFFFFFFFF;
	(pc) =	sbr.abs _section_cstart, $3  }
0xc6: {  	[dreg:$0x1] =	wrdreg $0xFFFFFFFF  }
0xc7: {  	_ =	task.clear_ibuf [dreg:s7], $0x2FFFF;
	_ =	strace $0x9FFFFFFF  }
0xc8: {  	(tm) =	ssettm $0x7FFFFFFF  }
0xc9: {  	_ =	shalt  }
tec
execute0_lowered:
.L_overlay_start_1:
0x0: {  	(tag) =	ssettag $0x1  }
0x1: {  	s3 =	rddreg [dreg:$0x0];
	s1 =	stileid.u32  }
0x2: {  	s4 =	rddreg [dreg:$0x1];
	s5 =	smul.u32 $0x2D0, s1  }
0x3: {  	s0 =	rddreg [dreg:$0x2];
	s6 =	smul.u32 $0x1200, s1  }
0x4: {  	s8 =	srdreg.scid;
	s7 =	smul.u32 $0x540, s1;
	s9 =	sshrl.u32 s1, $0x3  }
0x5: {  	s2 =	simm.s32 $0x0;
	s24 =	sand.u32 $0x1, s8;
	s25 =	smul.u32 $0x300, s9  }
0x6: {  	v0 =	vlaneseq.u32;
	[smem:$0x7FF] =	sst s2;
	s8 =	simm.s32 $0xE00;
	s11 =	smul.u32 $0x2A0, s24  }
0x7: {  	vm0 =	vmmov $0x1;
	v1 =	vimm.s32 $0x0;
	vm1 =	vcmask $0x320;
	_ =	strace $0x80000047;
	s26 =	ssub.s32 $0x2, s24;
	s12 =	smul.u32 $0x900, s24  }
0x8: {  	vm2 =	vcmask $0x720;
	vm3 =	vcmask $0xB20;
	vm4 =	vcmask $0xF20;
	s29 =	smul.u32 $0x168, s24;
	s10 =	sadd.s32 s5, s3;
	s28 =	sshrl.u32 s26, $0x1  }
0x9: {  	vm5 =	vcmask $0x1320;
	vm6 =	vcmask $0x1720;
	vm7 =	vcmask $0x1B20;
	s6 =	sadd.s32 s6, s3;
	s7 =	sadd.s32 s7, s3;
	s9 =	ssub.s32 s26, s28  }
0xa: {  	v7 =	vimm.s32 $0x5;
	v8 =	vimm.s32 $0x6;
	v9 =	vimm.s32 $0x1;
	s3 =	sadd.s32 s4, s25;
	s30 =	sadd.s32 s11, s7;
	s6 =	sadd.s32 s12, s6  }
0xb: {  	v10 =	vimm.s32 $0x2;
	v11 =	vimm.s32 $0x3;
	v12 =	vimm.s32 $0x4;
	s31 =	sadd.s32 s29, s10;
	s10 =	simm.s32 $0x200;
	s11 =	simm.s32 $0x2600  }
0xc: {  	v13 =	vimm.s32 $0x7;
	v2 =	vor.u32 $0x10, v0;
	v3 =	vor.u32 $0x20, v0;
	s12 =	simm.s32 $0x0;
	s4 =	smax.u32 s9, $0x1;
	s5 =	sadd.s32 $0x18400, s30  }
0xd: {  	v4 =	vor.u32 $0x30, v0;
	v5 =	vor.u32 $0x40, v0;
	v6 =	vor.u32 $0x50, v0;
	s6 =	sadd.s32 $0x6400, s6;
	s7 =	sadd.s32 $0x3600, s31;
	s9 =	simm.s32 $0x1  }
.LBB2_1:
0xe: {  	[tilespmem:s8], [sflag:$0x1] =	stream.linear.gather [hbm4b:s3+s2], $0x1800, $0x38;
	[tilespmem:$0x2980] =	vst v63  }
0xf: {  	_ =	swait.ge [sflag:s9], $0x1800  }
0x10: {  	s13 =	smov.u32 s6;
	[sflag:s9] =	ssyncset.done $0x0  }
0x11: {  	s14 =	smov.u32 s5;
	s15 =	simm.s32 $0x0;
	[sflag:s9] =	ssyncadd.s32 $0xFFFFE800  }
.LBB2_2:
0x12: {  	s16 =	sadd.s32 s15, s7  }
0x13: {  	[tilespmem:s2], [sflag:$0x1] =	stream.linear.gather [hbm4b:s16+s2], $0x1E0, $0x38;
	[tilespmem:$0x2980] =	vst v63  }
0x14: {  	_ =	swait.ge [sflag:s9], $0x1E0  }
0x15: {  	[sflag:s9] =	ssyncset.done $0x0  }
0x16: {  	[sflag:s9] =	ssyncadd.s32 $0xFFFFFE20  }
0x17: {  	[tilespmem:s10], [sflag:$0x1] =	stream.linear.gather [hbm4b:s13+s2], $0xC00, $0x38;
	[tilespmem:$0x2980] =	vst v63  }
0x18: {  	_ =	swait.ge [sflag:s9], $0xC00  }
0x19: {  	[sflag:s9] =	ssyncset.done $0x0  }
0x1a: {  	[sflag:s9] =	ssyncadd.s32 $0xFFFFF400  }
0x1b: {  	v15 =	vld [tilespmem:$0x0]  }
0x1c: {  	v16 =	vld [tilespmem:$0x10]  }
0x1d: {  	v17 =	vld [tilespmem:$0x20]  }
0x1e: {  	v18 =	vld [tilespmem:$0x30]  }
0x1f: {  	v19 =	vld [tilespmem:$0x40]  }
0x20: {  	v20 =	vld [tilespmem:$0x50]  }
0x21: {  	v14 =	vmin.f32 v15, v16  }
0x22: {  	v14 =	vmin.f32 v14, v17  }
0x23: {  	v14 =	vmin.f32 v14, v18  }
0x24: {  	v14 =	vmin.f32 v14, v19  }
0x25: {  	v14 =	vmin.f32 v14, v20  }
0x26: {  	(xrf0) =	vmin.scan.msk.f32 $0xffff, v14;
	_ =	sdelay $0x5  }
0x27: {  	v14, _, _ =	vpop (xrf0)  }
0x28: {  	v14 =	vbroadcast v14, $0xF;
	_ =	sdelay $0x1  }
0x29: {  	vm8 =	veq.f32 v15, v14;
	vm14 =	veq.f32 v17, v14  }
0x2a: {  	vm15 =	veq.f32 v18, v14;
	vm12 =	veq.f32 v19, v14;
	v21 =	vmctz.xlane vm8  }
0x2b: {  	v22 =	vmpcnt.ones.xlane vm8;
	vm8 =	veq.f32 v16, v14;
	v59 =	vmpcnt.ones.xlane vm14  }
0x2c: {  	v24 =	vmctz.xlane vm14;
	v23 =	vmctz.xlane vm8;
	vm9 =	vlt.s32 v21, $0x7FFF  }
0x2d: {  	v61 =	vmpcnt.ones.xlane vm15;
	vm10 =	vgt.s32 v22, $0x0;
	v21 =	vnsel vm9, $0x7FFF, v21  }
0x2e: {  	v57 =	vmpcnt.ones.xlane vm8;
	v23 =	vadd.s32 $0x10, v23;
	v21 =	vnsel vm10, $0x7FFF, v21  }
0x2f: {  	v62 =	vmctz.xlane vm15;
	v28 =	vmpcnt.ones.xlane vm12;
	vm13 =	vlt.s32 v21, v23  }
0x30: {  	vm15 =	veq.f32 v20, v14;
	vm8 =	vgt.s32 v57, $0x0;
	v58 =	vsel vm13, v21, v23  }
0x31: {  	v60 =	vadd.s32 $0x20, v24;
	v21 =	vsel vm8, v58, v21;
	vm8 =	vgt.s32 v59, $0x0  }
0x32: {  	v30 =	vmctz.xlane vm12;
	v31 =	vmpcnt.ones.xlane vm15;
	v22 =	vnsel vm8, $0x7FFF, v60  }
0x33: {  	v63 =	vadd.s32 $0x30, v62;
	vm13 =	vgt.s32 v61, $0x0;
	vm8 =	vlt.s32 v21, v22  }
0x34: {  	v32 =	vmctz.xlane vm15;
	v29 =	vnsel vm13, $0x7FFF, v63;
	v21 =	vsel vm8, v21, v22  }
0x35: {  	vm14 =	vgt.s32 v28, $0x0;
	v14 =	vadd.s32 $0x40, v30;
	vm8 =	vlt.s32 v21, v29  }
0x36: {  	v14 =	vnsel vm14, $0x7FFF, v14;
	v21 =	vsel vm8, v21, v29  }
0x37: {  	vm12 =	vgt.s32 v31, $0x0;
	v33 =	vadd.s32 $0x50, v32;
	vm8 =	vlt.s32 v21, v14  }
0x38: {  	v34 =	vnsel vm12, $0x7FFF, v33;
	v14 =	vsel vm8, v21, v14  }
0x39: {  	vm8 =	vlt.s32 v14, v34  }
0x3a: {  	v14 =	vsel vm8, v14, v34  }
0x3b: {  	vm8 =	veq.s32 v14, v0;
	vm13 =	veq.s32 v14, v2  }
0x3c: {  	v35 =	vsel vm8, $0x4E6E6B28, v15;
	v16 =	vsel vm13, $0x4E6E6B28, v16;
	vm8 =	veq.s32 v14, v3  }
0x3d: {  	v17 =	vsel vm8, $0x4E6E6B28, v17;
	vm8 =	veq.s32 v14, v4;
	v15 =	vmin.f32 v35, v16  }
0x3e: {  	v18 =	vsel vm8, $0x4E6E6B28, v18;
	vm8 =	veq.s32 v14, v5;
	v15 =	vmin.f32 v15, v17  }
0x3f: {  	v19 =	vsel vm8, $0x4E6E6B28, v19;
	vm8 =	veq.s32 v14, v6;
	v15 =	vmin.f32 v15, v18  }
0x40: {  	v20 =	vsel vm8, $0x4E6E6B28, v20;
	v15 =	vmin.f32 v15, v19  }
0x41: {  	v15 =	vmin.f32 v15, v20  }
0x42: {  	(xrf0) =	vmin.scan.msk.f32 $0xffff, v15;
	_ =	sdelay $0x5  }
0x43: {  	v15, _, _ =	vpop (xrf0)  }
0x44: {  	v15 =	vbroadcast v15, $0xF;
	_ =	sdelay $0x1  }
0x45: {  	vm8 =	veq.f32 v35, v15  }
0x46: {  	vm13 =	veq.f32 v17, v15;
	v36 =	vmctz.xlane vm8  }
0x47: {  	v37 =	vmpcnt.ones.xlane vm8;
	vm8 =	veq.f32 v16, v15;
	v41 =	vmpcnt.ones.xlane vm13  }
0x48: {  	v25 =	vmctz.xlane vm13;
	v38 =	vmctz.xlane vm8  }
0x49: {  	v39 =	vmpcnt.ones.xlane vm8;
	vm14 =	vlt.s32 v36, $0x7FFF;
	vm15 =	vgt.s32 v37, $0x0  }
0x4a: {  	v42 =	vadd.s32 $0x20, v25;
	v22 =	vnsel vm14, $0x7FFF, v36;
	v24 =	vadd.s32 $0x10, v38  }
0x4b: {  	vm8 =	vgt.s32 v39, $0x0;
	vm14 =	veq.f32 v18, v15;
	v22 =	vnsel vm15, $0x7FFF, v22  }
0x4c: {  	v43 =	vmpcnt.ones.xlane vm14;
	v44 =	vmctz.xlane vm14;
	vm12 =	vlt.s32 v22, v24  }
0x4d: {  	vm15 =	veq.f32 v19, v15;
	vm14 =	veq.f32 v20, v15;
	v40 =	vsel vm12, v22, v24  }
0x4e: {  	v46 =	vmpcnt.ones.xlane vm15;
	v22 =	vsel vm8, v40, v22;
	vm8 =	vgt.s32 v41, $0x0  }
0x4f: {  	v48 =	vmctz.xlane vm15;
	v49 =	vmpcnt.ones.xlane vm14;
	v23 =	vnsel vm8, $0x7FFF, v42  }
0x50: {  	vm12 =	vgt.s32 v43, $0x0;
	v45 =	vadd.s32 $0x30, v44;
	vm8 =	vlt.s32 v22, v23  }
0x51: {  	v50 =	vmctz.xlane vm14;
	v47 =	vnsel vm12, $0x7FFF, v45;
	v22 =	vsel vm8, v22, v23  }
0x52: {  	vm13 =	vgt.s32 v46, $0x0;
	v15 =	vadd.s32 $0x40, v48;
	vm8 =	vlt.s32 v22, v47  }
0x53: {  	v15 =	vnsel vm13, $0x7FFF, v15;
	v22 =	vsel vm8, v22, v47  }
0x54: {  	vm15 =	vgt.s32 v49, $0x0;
	v51 =	vadd.s32 $0x50, v50;
	vm8 =	vlt.s32 v22, v15  }
0x55: {  	v52 =	vnsel vm15, $0x7FFF, v51;
	v15 =	vsel vm8, v22, v15  }
0x56: {  	vm8 =	vlt.s32 v15, v52  }
0x57: {  	v15 =	vsel vm8, v15, v52  }
0x58: {  	vm8 =	veq.s32 v15, v0;
	vm12 =	veq.s32 v15, v2  }
0x59: {  	v21 =	vsel vm8, $0x4E6E6B28, v35;
	v53 =	vsel vm12, $0x4E6E6B28, v16;
	vm8 =	veq.s32 v15, v3  }
0x5a: {  	v17 =	vsel vm8, $0x4E6E6B28, v17;
	vm8 =	veq.s32 v15, v4;
	v16 =	vmin.f32 v21, v53  }
0x5b: {  	v18 =	vsel vm8, $0x4E6E6B28, v18;
	vm8 =	veq.s32 v15, v5;
	v16 =	vmin.f32 v16, v17  }
0x5c: {  	v19 =	vsel vm8, $0x4E6E6B28, v19;
	vm8 =	veq.s32 v15, v6;
	v16 =	vmin.f32 v16, v18  }
0x5d: {  	v20 =	vsel vm8, $0x4E6E6B28, v20;
	v16 =	vmin.f32 v16, v19  }
0x5e: {  	v16 =	vmin.f32 v16, v20  }
0x5f: {  	(xrf0) =	vmin.scan.msk.f32 $0xffff, v16;
	_ =	sdelay $0x5  }
0x60: {  	v16, _, _ =	vpop (xrf0)  }
0x61: {  	v16 =	vbroadcast v16, $0xF;
	_ =	sdelay $0x1  }
0x62: {  	vm8 =	veq.f32 v21, v16  }
0x63: {  	vm12 =	veq.f32 v17, v16;
	v54 =	vmctz.xlane vm8  }
0x64: {  	v55 =	vmpcnt.ones.xlane vm8;
	vm8 =	veq.f32 v53, v16;
	v59 =	vmpcnt.ones.xlane vm12  }
0x65: {  	v26 =	vmctz.xlane vm12;
	v56 =	vmctz.xlane vm8  }
0x66: {  	v57 =	vmpcnt.ones.xlane vm8;
	vm13 =	vlt.s32 v54, $0x7FFF;
	vm14 =	vgt.s32 v55, $0x0  }
0x67: {  	v60 =	vadd.s32 $0x20, v26;
	v23 =	vnsel vm13, $0x7FFF, v54;
	v25 =	vadd.s32 $0x10, v56  }
0x68: {  	vm8 =	vgt.s32 v57, $0x0;
	vm13 =	veq.f32 v18, v16;
	v23 =	vnsel vm14, $0x7FFF, v23  }
0x69: {  	v61 =	vmpcnt.ones.xlane vm13;
	v62 =	vmctz.xlane vm13;
	vm15 =	vlt.s32 v23, v25  }
0x6a: {  	vm14 =	veq.f32 v19, v16;
	vm13 =	veq.f32 v20, v16;
	v58 =	vsel vm15, v23, v25  }
0x6b: {  	v28 =	vmpcnt.ones.xlane vm14;
	v23 =	vsel vm8, v58, v23;
	vm8 =	vgt.s32 v59, $0x0  }
0x6c: {  	v30 =	vmctz.xlane vm14;
	v32 =	vmpcnt.ones.xlane vm13;
	v24 =	vnsel vm8, $0x7FFF, v60  }
0x6d: {  	vm15 =	vgt.s32 v61, $0x0;
	v63 =	vadd.s32 $0x30, v62;
	vm8 =	vlt.s32 v23, v24  }
0x6e: {  	v33 =	vmctz.xlane vm13;
	v29 =	vnsel vm15, $0x7FFF, v63;
	v23 =	vsel vm8, v23, v24  }
0x6f: {  	vm12 =	vgt.s32 v28, $0x0;
	v31 =	vadd.s32 $0x40, v30;
	vm8 =	vlt.s32 v23, v29  }
0x70: {  	v16 =	vnsel vm12, $0x7FFF, v31;
	v23 =	vsel vm8, v23, v29  }
0x71: {  	vm14 =	vgt.s32 v32, $0x0;
	v34 =	vadd.s32 $0x50, v33;
	vm8 =	vlt.s32 v23, v16  }
0x72: {  	v35 =	vnsel vm14, $0x7FFF, v34;
	v16 =	vsel vm8, v23, v16  }
0x73: {  	vm8 =	vlt.s32 v16, v35  }
0x74: {  	v16 =	vsel vm8, v16, v35  }
0x75: {  	vm8 =	veq.s32 v16, v0;
	vm15 =	veq.s32 v16, v2  }
0x76: {  	v21 =	vsel vm8, $0x4E6E6B28, v21;
	v22 =	vsel vm15, $0x4E6E6B28, v53;
	vm8 =	veq.s32 v16, v3  }
0x77: {  	v36 =	vsel vm8, $0x4E6E6B28, v17;
	vm8 =	veq.s32 v16, v4;
	v37 =	vmin.f32 v21, v22  }
0x78: {  	v18 =	vsel vm8, $0x4E6E6B28, v18;
	vm8 =	veq.s32 v16, v5;
	v17 =	vmin.f32 v37, v36  }
0x79: {  	v19 =	vsel vm8, $0x4E6E6B28, v19;
	vm8 =	veq.s32 v16, v6;
	v17 =	vmin.f32 v17, v18  }
0x7a: {  	v20 =	vsel vm8, $0x4E6E6B28, v20;
	v17 =	vmin.f32 v17, v19  }
0x7b: {  	v17 =	vmin.f32 v17, v20  }
0x7c: {  	(xrf0) =	vmin.scan.msk.f32 $0xffff, v17;
	_ =	sdelay $0x5  }
0x7d: {  	v17, _, _ =	vpop (xrf0)  }
0x7e: {  	v17 =	vbroadcast v17, $0xF;
	_ =	sdelay $0x1  }
0x7f: {  	vm8 =	veq.f32 v21, v17  }
0x80: {  	vm15 =	veq.f32 v36, v17;
	v38 =	vmctz.xlane vm8  }
0x81: {  	v39 =	vmpcnt.ones.xlane vm8;
	vm8 =	veq.f32 v22, v17;
	v43 =	vmpcnt.ones.xlane vm15  }
0x82: {  	v27 =	vmctz.xlane vm15;
	v40 =	vmctz.xlane vm8  }
0x83: {  	v41 =	vmpcnt.ones.xlane vm8;
	vm12 =	vlt.s32 v38, $0x7FFF;
	vm13 =	vgt.s32 v39, $0x0  }
0x84: {  	v44 =	vadd.s32 $0x20, v27;
	v24 =	vnsel vm12, $0x7FFF, v38;
	v26 =	vadd.s32 $0x10, v40  }
0x85: {  	vm8 =	vgt.s32 v41, $0x0;
	vm12 =	veq.f32 v18, v17;
	v24 =	vnsel vm13, $0x7FFF, v24  }
0x86: {  	v45 =	vmpcnt.ones.xlane vm12;
	v46 =	vmctz.xlane vm12;
	vm14 =	vlt.s32 v24, v26  }
0x87: {  	vm13 =	veq.f32 v19, v17;
	vm12 =	veq.f32 v20, v17;
	v42 =	vsel vm14, v24, v26  }
0x88: {  	v48 =	vmpcnt.ones.xlane vm13;
	v24 =	vsel vm8, v42, v24;
	vm8 =	vgt.s32 v43, $0x0  }
0x89: {  	v50 =	vmctz.xlane vm13;
	v52 =	vmpcnt.ones.xlane vm12;
	v25 =	vnsel vm8, $0x7FFF, v44  }
0x8a: {  	vm14 =	vgt.s32 v45, $0x0;
	v47 =	vadd.s32 $0x30, v46;
	vm8 =	vlt.s32 v24, v25  }
0x8b: {  	v53 =	vmctz.xlane vm12;
	v49 =	vnsel vm14, $0x7FFF, v47;
	v24 =	vsel vm8, v24, v25  }
0x8c: {  	vm15 =	vgt.s32 v48, $0x0;
	v51 =	vadd.s32 $0x40, v50;
	vm8 =	vlt.s32 v24, v49  }
0x8d: {  	v17 =	vnsel vm15, $0x7FFF, v51;
	v24 =	vsel vm8, v24, v49  }
0x8e: {  	vm13 =	vgt.s32 v52, $0x0;
	v54 =	vadd.s32 $0x50, v53;
	vm8 =	vlt.s32 v24, v17  }
0x8f: {  	v55 =	vnsel vm13, $0x7FFF, v54;
	v17 =	vsel vm8, v24, v17  }
0x90: {  	vm8 =	vlt.s32 v17, v55  }
0x91: {  	v17 =	vsel vm8, v17, v55  }
0x92: {  	vm8 =	veq.s32 v17, v0;
	vm14 =	veq.s32 v17, v2  }
0x93: {  	v21 =	vsel vm8, $0x4E6E6B28, v21;
	v22 =	vsel vm14, $0x4E6E6B28, v22;
	vm8 =	veq.s32 v17, v3  }
0x94: {  	v23 =	vsel vm8, $0x4E6E6B28, v36;
	vm8 =	veq.s32 v17, v4;
	v56 =	vmin.f32 v21, v22  }
0x95: {  	v57 =	vsel vm8, $0x4E6E6B28, v18;
	vm8 =	veq.s32 v17, v5;
	v58 =	vmin.f32 v56, v23  }
0x96: {  	v19 =	vsel vm8, $0x4E6E6B28, v19;
	vm8 =	veq.s32 v17, v6;
	v18 =	vmin.f32 v58, v57  }
0x97: {  	v20 =	vsel vm8, $0x4E6E6B28, v20;
	v18 =	vmin.f32 v18, v19  }
0x98: {  	v18 =	vmin.f32 v18, v20  }
0x99: {  	(xrf0) =	vmin.scan.msk.f32 $0xffff, v18;
	_ =	sdelay $0x5  }
0x9a: {  	v18, _, _ =	vpop (xrf0)  }
0x9b: {  	v18 =	vbroadcast v18, $0xF;
	_ =	sdelay $0x1  }
0x9c: {  	vm8 =	veq.f32 v21, v18  }
0x9d: {  	vm14 =	veq.f32 v23, v18;
	v59 =	vmctz.xlane vm8  }
0x9e: {  	v60 =	vmpcnt.ones.xlane vm8;
	vm8 =	veq.f32 v22, v18;
	v32 =	vmpcnt.ones.xlane vm14  }
0x9f: {  	v28 =	vmctz.xlane vm14;
	v61 =	vmctz.xlane vm8  }
0xa0: {  	v62 =	vmpcnt.ones.xlane vm8;
	vm15 =	vlt.s32 v59, $0x7FFF;
	vm12 =	vgt.s32 v60, $0x0  }
0xa1: {  	v33 =	vadd.s32 $0x20, v28;
	v24 =	vnsel vm15, $0x7FFF, v59;
	v27 =	vadd.s32 $0x10, v61  }
0xa2: {  	vm8 =	vgt.s32 v62, $0x0;
	vm15 =	veq.f32 v57, v18;
	v24 =	vnsel vm12, $0x7FFF, v24  }
0xa3: {  	v34 =	vmpcnt.ones.xlane vm15;
	v35 =	vmctz.xlane vm15;
	vm13 =	vlt.s32 v24, v27  }
0xa4: {  	vm12 =	veq.f32 v19, v18;
	vm15 =	veq.f32 v20, v18;
	v63 =	vsel vm13, v24, v27  }
0xa5: {  	v37 =	vmpcnt.ones.xlane vm12;
	v24 =	vsel vm8, v63, v24;
	vm8 =	vgt.s32 v32, $0x0  }
0xa6: {  	v39 =	vmctz.xlane vm12;
	v41 =	vmpcnt.ones.xlane vm15;
	v26 =	vnsel vm8, $0x7FFF, v33  }
0xa7: {  	vm13 =	vgt.s32 v34, $0x0;
	v36 =	vadd.s32 $0x30, v35;
	vm8 =	vlt.s32 v24, v26  }
0xa8: {  	v42 =	vmctz.xlane vm15;
	v38 =	vnsel vm13, $0x7FFF, v36;
	v24 =	vsel vm8, v24, v26  }
0xa9: {  	vm14 =	vgt.s32 v37, $0x0;
	v40 =	vadd.s32 $0x40, v39;
	vm8 =	vlt.s32 v24, v38  }
0xaa: {  	v18 =	vnsel vm14, $0x7FFF, v40;
	v24 =	vsel vm8, v24, v38  }
0xab: {  	vm12 =	vgt.s32 v41, $0x0;
	v43 =	vadd.s32 $0x50, v42;
	vm8 =	vlt.s32 v24, v18  }
0xac: {  	v44 =	vnsel vm12, $0x7FFF, v43;
	v18 =	vsel vm8, v24, v18  }
0xad: {  	vm8 =	vlt.s32 v18, v44  }
0xae: {  	v18 =	vsel vm8, v18, v44  }
0xaf: {  	vm8 =	veq.s32 v18, v0;
	vm13 =	veq.s32 v18, v2  }
0xb0: {  	v21 =	vsel vm8, $0x4E6E6B28, v21;
	v22 =	vsel vm13, $0x4E6E6B28, v22;
	vm8 =	veq.s32 v18, v3  }
0xb1: {  	v23 =	vsel vm8, $0x4E6E6B28, v23;
	vm8 =	veq.s32 v18, v4;
	v45 =	vmin.f32 v21, v22  }
0xb2: {  	v25 =	vsel vm8, $0x4E6E6B28, v57;
	vm8 =	veq.s32 v18, v5;
	v24 =	vmin.f32 v45, v23  }
0xb3: {  	v46 =	vsel vm8, $0x4E6E6B28, v19;
	vm8 =	veq.s32 v18, v6;
	v47 =	vmin.f32 v24, v25  }
0xb4: {  	v20 =	vsel vm8, $0x4E6E6B28, v20;
	v19 =	vmin.f32 v47, v46  }
0xb5: {  	v19 =	vmin.f32 v19, v20  }
0xb6: {  	(xrf0) =	vmin.scan.msk.f32 $0xffff, v19;
	_ =	sdelay $0x5  }
0xb7: {  	v19, _, _ =	vpop (xrf0)  }
0xb8: {  	v19 =	vbroadcast v19, $0xF;
	_ =	sdelay $0x1  }
0xb9: {  	vm8 =	veq.f32 v21, v19  }
0xba: {  	vm13 =	veq.f32 v23, v19;
	v48 =	vmctz.xlane vm8  }
0xbb: {  	v49 =	vmpcnt.ones.xlane vm8;
	vm8 =	veq.f32 v22, v19;
	v53 =	vmpcnt.ones.xlane vm13  }
0xbc: {  	v29 =	vmctz.xlane vm13;
	v50 =	vmctz.xlane vm8  }
0xbd: {  	v51 =	vmpcnt.ones.xlane vm8;
	vm14 =	vlt.s32 v48, $0x7FFF;
	vm15 =	vgt.s32 v49, $0x0  }
0xbe: {  	v54 =	vadd.s32 $0x20, v29;
	v24 =	vnsel vm14, $0x7FFF, v48;
	v28 =	vadd.s32 $0x10, v50  }
0xbf: {  	vm8 =	vgt.s32 v51, $0x0;
	vm14 =	veq.f32 v25, v19;
	v24 =	vnsel vm15, $0x7FFF, v24  }
0xc0: {  	v55 =	vmpcnt.ones.xlane vm14;
	v56 =	vmctz.xlane vm14;
	vm12 =	vlt.s32 v24, v28  }
0xc1: {  	vm15 =	veq.f32 v46, v19;
	vm14 =	veq.f32 v20, v19;
	v52 =	vsel vm12, v24, v28  }
0xc2: {  	v58 =	vmpcnt.ones.xlane vm15;
	v24 =	vsel vm8, v52, v24;
	vm8 =	vgt.s32 v53, $0x0  }
0xc3: {  	v60 =	vmctz.xlane vm15;
	v62 =	vmpcnt.ones.xlane vm14;
	v27 =	vnsel vm8, $0x7FFF, v54  }
0xc4: {  	vm12 =	vgt.s32 v55, $0x0;
	v57 =	vadd.s32 $0x30, v56;
	vm8 =	vlt.s32 v24, v27  }
0xc5: {  	v63 =	vmctz.xlane vm14;
	v59 =	vnsel vm12, $0x7FFF, v57;
	v24 =	vsel vm8, v24, v27  }
0xc6: {  	vm13 =	vgt.s32 v58, $0x0;
	v61 =	vadd.s32 $0x40, v60;
	vm8 =	vlt.s32 v24, v59  }
0xc7: {  	v19 =	vnsel vm13, $0x7FFF, v61;
	v24 =	vsel vm8, v24, v59  }
0xc8: {  	vm15 =	vgt.s32 v62, $0x0;
	v30 =	vadd.s32 $0x50, v63;
	vm8 =	vlt.s32 v24, v19  }
0xc9: {  	v31 =	vnsel vm15, $0x7FFF, v30;
	v19 =	vsel vm8, v24, v19  }
0xca: {  	vm8 =	vlt.s32 v19, v31  }
0xcb: {  	v19 =	vsel vm8, v19, v31  }
0xcc: {  	vm8 =	veq.s32 v19, v0;
	vm12 =	veq.s32 v19, v2  }
0xcd: {  	v21 =	vsel vm8, $0x4E6E6B28, v21;
	v22 =	vsel vm12, $0x4E6E6B28, v22;
	vm8 =	veq.s32 v19, v3  }
0xce: {  	v23 =	vsel vm8, $0x4E6E6B28, v23;
	vm8 =	veq.s32 v19, v4;
	v32 =	vmin.f32 v21, v22  }
0xcf: {  	v25 =	vsel vm8, $0x4E6E6B28, v25;
	vm8 =	veq.s32 v19, v5;
	v24 =	vmin.f32 v32, v23  }
0xd0: {  	v26 =	vsel vm8, $0x4E6E6B28, v46;
	vm8 =	veq.s32 v19, v6;
	v24 =	vmin.f32 v24, v25  }
0xd1: {  	v20 =	vsel vm8, $0x4E6E6B28, v20;
	v24 =	vmin.f32 v24, v26  }
0xd2: {  	v24 =	vmin.f32 v24, v20  }
0xd3: {  	(xrf0) =	vmin.scan.msk.f32 $0xffff, v24;
	_ =	sdelay $0x5  }
0xd4: {  	v24, _, _ =	vpop (xrf0)  }
0xd5: {  	v24 =	vbroadcast v24, $0xF;
	_ =	sdelay $0x1  }
0xd6: {  	vm8 =	veq.f32 v21, v24  }
0xd7: {  	vm9 =	veq.f32 v22, v24;
	v33 =	vmctz.xlane vm8  }
0xd8: {  	vm12 =	veq.f32 v25, v24;
	v34 =	vmpcnt.ones.xlane vm8;
	v35 =	vmctz.xlane vm9  }
0xd9: {  	v36 =	vmpcnt.ones.xlane vm9;
	v39 =	vmpcnt.ones.xlane vm12  }
0xda: {  	v40 =	vmctz.xlane vm12;
	vm8 =	vlt.s32 v33, $0x7FFF;
	vm13 =	vgt.s32 v34, $0x0  }
0xdb: {  	v28 =	vadd.s32 $0x10, v35;
	v27 =	vnsel vm8, $0x7FFF, v33;
	vm8 =	veq.f32 v23, v24  }
0xdc: {  	v27 =	vnsel vm13, $0x7FFF, v27;
	v30 =	vmpcnt.ones.xlane vm8;
	v31 =	vmctz.xlane vm8  }
0xdd: {  	v42 =	vadd.s32 $0x30, v40;
	vm8 =	vgt.s32 v36, $0x0;
	vm14 =	vlt.s32 v27, v28  }
0xde: {  	v28 =	vsel vm14, v27, v28;
	vm15 =	vgt.s32 v30, $0x0;
	v37 =	vadd.s32 $0x20, v31  }
0xdf: {  	vm13 =	veq.f32 v26, v24;
	v27 =	vsel vm8, v28, v27;
	v38 =	vnsel vm15, $0x7FFF, v37  }
0xe0: {  	v41 =	vmpcnt.ones.xlane vm13;
	v43 =	vmctz.xlane vm13;
	vm8 =	vlt.s32 v27, v38  }
0xe1: {  	vm14 =	veq.f32 v20, v24;
	v27 =	vsel vm8, v27, v38;
	vm8 =	vgt.s32 v39, $0x0  }
0xe2: {  	v45 =	vmpcnt.ones.xlane vm14;
	v46 =	vmctz.xlane vm14;
	v44 =	vnsel vm8, $0x7FFF, v42  }
0xe3: {  	v30 =	vadd.s32 $0x40, v43;
	vm8 =	vgt.s32 v41, $0x0;
	vm15 =	vlt.s32 v27, v44  }
0xe4: {  	v47 =	vnsel vm8, $0x7FFF, v30;
	v24 =	vsel vm15, v27, v44  }
0xe5: {  	vm12 =	vgt.s32 v45, $0x0;
	v48 =	vadd.s32 $0x50, v46;
	vm8 =	vlt.s32 v24, v47  }
0xe6: {  	v49 =	vnsel vm12, $0x7FFF, v48;
	v24 =	vsel vm8, v24, v47  }
0xe7: {  	vm8 =	vlt.s32 v24, v49  }
0xe8: {  	v24 =	vsel vm8, v24, v49  }
0xe9: {  	vm8 =	veq.s32 v24, v0;
	vm13 =	veq.s32 v24, v2  }
0xea: {  	v21 =	vsel vm8, $0x4E6E6B28, v21;
	v22 =	vsel vm13, $0x4E6E6B28, v22;
	vm8 =	veq.s32 v24, v3  }
0xeb: {  	v23 =	vsel vm8, $0x4E6E6B28, v23;
	vm8 =	veq.s32 v24, v4;
	v50 =	vmin.f32 v21, v22  }
0xec: {  	v25 =	vsel vm8, $0x4E6E6B28, v25;
	vm8 =	veq.s32 v24, v5;
	v27 =	vmin.f32 v50, v23  }
0xed: {  	v26 =	vsel vm8, $0x4E6E6B28, v26;
	vm8 =	veq.s32 v24, v6;
	v27 =	vmin.f32 v27, v25  }
0xee: {  	v20 =	vsel vm8, $0x4E6E6B28, v20;
	v27 =	vmin.f32 v27, v26  }
0xef: {  	v27 =	vmin.f32 v27, v20  }
0xf0: {  	(xrf0) =	vmin.scan.msk.f32 $0xffff, v27;
	_ =	sdelay $0x5  }
0xf1: {  	v27, _, _ =	vpop (xrf0)  }
0xf2: {  	v14 =	vnsel vm0, $0x0, v14;
	v27 =	vbroadcast v27, $0xF  }
0xf3: {  	v14 =	vsel vm1, v14, v15  }
0xf4: {  	v14 =	vsel vm2, v14, v16;
	vm8 =	veq.f32 v21, v27;
	vm13 =	veq.f32 v20, v27  }
0xf5: {  	v21 =	vmctz.xlane vm8;
	v51 =	vmpcnt.ones.xlane vm8;
	vm8 =	veq.f32 v22, v27  }
0xf6: {  	v22 =	vmctz.xlane vm8;
	v52 =	vmpcnt.ones.xlane vm8;
	vm8 =	veq.f32 v23, v27  }
0xf7: {  	vm14 =	vlt.s32 v21, $0x7FFF;
	vm15 =	vgt.s32 v51, $0x0;
	v23 =	vmpcnt.ones.xlane vm8  }
0xf8: {  	v53 =	vmctz.xlane vm8;
	vm8 =	veq.f32 v25, v27;
	v21 =	vnsel vm14, $0x7FFF, v21  }
0xf9: {  	v22 =	vadd.s32 $0x10, v22;
	v25 =	vmpcnt.ones.xlane vm8;
	v54 =	vmctz.xlane vm8  }
0xfa: {  	v21 =	vnsel vm15, $0x7FFF, v21;
	vm8 =	vgt.s32 v23, $0x0;
	v55 =	vadd.s32 $0x20, v53  }
0xfb: {  	vm12 =	vgt.s32 v52, $0x0;
	vm9 =	vlt.s32 v21, v22;
	v56 =	vnsel vm8, $0x7FFF, v55  }
0xfc: {  	vm8 =	vgt.s32 v25, $0x0;
	v57 =	vadd.s32 $0x30, v54;
	v22 =	vsel vm9, v21, v22  }
0xfd: {  	v58 =	vnsel vm8, $0x7FFF, v57;
	vm8 =	veq.f32 v26, v27;
	v15 =	vsel vm12, v22, v21  }
0xfe: {  	v59 =	vmpcnt.ones.xlane vm8;
	v60 =	vmctz.xlane vm8;
	vm9 =	vlt.s32 v15, v56  }
0xff: {  	v61 =	vmpcnt.ones.xlane vm13;
	v62 =	vmctz.xlane vm13;
	v15 =	vsel vm9, v15, v56  }
0x100: {  	vm14 =	vgt.s32 v59, $0x0;
	v20 =	vadd.s32 $0x40, v60;
	vm8 =	vlt.s32 v15, v58  }
0x101: {  	v14 =	vsel vm3, v14, v17;
	v63 =	vnsel vm14, $0x7FFF, v20;
	v15 =	vsel vm8, v15, v58  }
0x102: {  	vm15 =	vgt.s32 v61, $0x0;
	v20 =	vadd.s32 $0x50, v62;
	vm8 =	vlt.s32 v15, v63  }
0x103: {  	v14 =	vsel vm4, v14, v18;
	v16 =	vnsel vm15, $0x7FFF, v20;
	v15 =	vsel vm8, v15, v63  }
0x104: {  	v14 =	vsel vm5, v14, v19;
	vm8 =	vlt.s32 v15, v16  }
0x105: {  	v14 =	vsel vm6, v14, v24;
	v15 =	vsel vm8, v15, v16  }
0x106: {  	v14 =	vsel vm7, v14, v15  }
0x107: {  	v15 =	vadd.s32 $0x60, v14;
	_ =	sdelay $0x1  }
0x108: {  	v21 =	vcvt.s32.f32 v14;
	_ =	sdelay $0x1  }
0x109: {  	[tilespmem:$0x2600] =	vst v21  }
0x10a: {  	v15 =	vld.idx.msk [tilespmem:v15+s2+$0x0], $0xffff  }
0x10b: {  	v22 =	vadd.s32 $0xC0, v14;
	_ =	sdelay $0x3  }
0x10c: {  	[tilespmem:$0x2610] =	vst v15  }
0x10d: {  	v15 =	vld.idx.msk [tilespmem:v22+s2+$0x0], $0xffff  }
0x10e: {  	v23 =	vadd.s32 $0x120, v14;
	_ =	sdelay $0x3  }
0x10f: {  	[tilespmem:$0x2620] =	vst v15  }
0x110: {  	v15 =	vld.idx.msk [tilespmem:v23+s2+$0x0], $0xffff  }
0x111: {  	v24 =	vadd.s32 $0x180, v14;
	_ =	sdelay $0x2  }
0x112: {  	v25 =	vshll.u32 v14, $0x5  }
0x113: {  	[tilespmem:$0x2630] =	vst v15;
	v15 =	vperm.xlane v25, v1  }
0x114: {  	v16 =	vld.idx.msk [tilespmem:v24+s2+$0x0], $0xffff  }
0x115: {  	v26 =	vadd.s32 v0, v15;
	_ =	sdelay $0x3  }
0x116: {  	[tilespmem:$0x2640] =	vst v16  }
0x117: {  	v16 =	vld.idx.msk [tilespmem:v26+s10+$0x0], $0xffff  }
0x118: {  	v15 =	vadd.s32 v2, v15;
	_ =	sdelay $0x3  }
0x119: {  	v27 =	vperm.xlane v25, v9;
	[tilespmem:$0x2680] =	vst v16  }
0x11a: {  	v15 =	vld.idx.msk [tilespmem:v15+s10+$0x0], $0xffff  }
0x11b: {  	v28 =	vadd.s32 v0, v27;
	_ =	sdelay $0x3  }
0x11c: {  	[tilespmem:$0x2690] =	vst v15  }
0x11d: {  	v15 =	vld.idx.msk [tilespmem:v28+s10+$0x0], $0xffff  }
0x11e: {  	v16 =	vadd.s32 v2, v27;
	_ =	sdelay $0x3  }
0x11f: {  	[tilespmem:$0x26A0] =	vst v15;
	v15 =	vperm.xlane v25, v10  }
0x120: {  	v16 =	vld.idx.msk [tilespmem:v16+s10+$0x0], $0xffff  }
0x121: {  	v29 =	vadd.s32 v0, v15;
	_ =	sdelay $0x3  }
0x122: {  	[tilespmem:$0x26B0] =	vst v16  }
0x123: {  	v16 =	vld.idx.msk [tilespmem:v29+s10+$0x0], $0xffff  }
0x124: {  	v15 =	vadd.s32 v2, v15;
	_ =	sdelay $0x3  }
0x125: {  	v30 =	vperm.xlane v25, v11;
	[tilespmem:$0x26C0] =	vst v16  }
0x126: {  	v15 =	vld.idx.msk [tilespmem:v15+s10+$0x0], $0xffff  }
0x127: {  	v31 =	vadd.s32 v0, v30;
	_ =	sdelay $0x3  }
0x128: {  	[tilespmem:$0x26D0] =	vst v15  }
0x129: {  	v15 =	vld.idx.msk [tilespmem:v31+s10+$0x0], $0xffff  }
0x12a: {  	v16 =	vadd.s32 v2, v30;
	_ =	sdelay $0x3  }
0x12b: {  	[tilespmem:$0x26E0] =	vst v15;
	v15 =	vperm.xlane v25, v12  }
0x12c: {  	v16 =	vld.idx.msk [tilespmem:v16+s10+$0x0], $0xffff  }
0x12d: {  	v32 =	vadd.s32 v0, v15;
	_ =	sdelay $0x3  }
0x12e: {  	[tilespmem:$0x26F0] =	vst v16  }
0x12f: {  	v16 =	vld.idx.msk [tilespmem:v32+s10+$0x0], $0xffff  }
0x130: {  	v15 =	vadd.s32 v2, v15;
	_ =	sdelay $0x3  }
0x131: {  	v33 =	vperm.xlane v25, v7;
	[tilespmem:$0x2700] =	vst v16  }
0x132: {  	v15 =	vld.idx.msk [tilespmem:v15+s10+$0x0], $0xffff  }
0x133: {  	v34 =	vadd.s32 v0, v33;
	_ =	sdelay $0x3  }
0x134: {  	[tilespmem:$0x2710] =	vst v15  }
0x135: {  	v15 =	vld.idx.msk [tilespmem:v34+s10+$0x0], $0xffff  }
0x136: {  	v16 =	vadd.s32 v2, v33;
	_ =	sdelay $0x3  }
0x137: {  	[tilespmem:$0x2720] =	vst v15;
	v15 =	vperm.xlane v25, v8  }
0x138: {  	v16 =	vld.idx.msk [tilespmem:v16+s10+$0x0], $0xffff  }
0x139: {  	v35 =	vadd.s32 v0, v15;
	_ =	sdelay $0x3  }
0x13a: {  	[tilespmem:$0x2730] =	vst v16  }
0x13b: {  	v16 =	vld.idx.msk [tilespmem:v35+s10+$0x0], $0xffff  }
0x13c: {  	v15 =	vadd.s32 v2, v15;
	_ =	sdelay $0x3  }
0x13d: {  	v36 =	vperm.xlane v25, v13;
	[tilespmem:$0x2740] =	vst v16  }
0x13e: {  	v15 =	vld.idx.msk [tilespmem:v15+s10+$0x0], $0xffff  }
0x13f: {  	v17 =	vadd.s32 v0, v36;
	_ =	sdelay $0x3  }
0x140: {  	[tilespmem:$0x2750] =	vst v15  }
0x141: {  	v15 =	vld.idx.msk [tilespmem:v17+s10+$0x0], $0xffff  }
0x142: {  	v16 =	vadd.s32 v2, v36;
	_ =	sdelay $0x2  }
0x143: {  	v14 =	vshll.u32 v14, $0x6  }
0x144: {  	[tilespmem:$0x2760] =	vst v15;
	v15 =	vperm.xlane v14, v1  }
0x145: {  	v16 =	vld.idx.msk [tilespmem:v16+s10+$0x0], $0xffff  }
0x146: {  	v37 =	vadd.s32 v0, v15;
	_ =	sdelay $0x3  }
0x147: {  	[tilespmem:$0x2770] =	vst v16  }
0x148: {  	v16 =	vld.idx.msk [tilespmem:v37+s8+$0x0], $0xffff  }
0x149: {  	v38 =	vadd.s32 v2, v15;
	_ =	sdelay $0x3  }
0x14a: {  	[tilespmem:$0x2780] =	vst v16  }
0x14b: {  	v16 =	vld.idx.msk [tilespmem:v38+s8+$0x0], $0xffff  }
0x14c: {  	v39 =	vadd.s32 v3, v15;
	_ =	sdelay $0x3  }
0x14d: {  	[tilespmem:$0x2790] =	vst v16  }
0x14e: {  	v16 =	vld.idx.msk [tilespmem:v39+s8+$0x0], $0xffff  }
0x14f: {  	v15 =	vadd.s32 v4, v15;
	_ =	sdelay $0x3  }
0x150: {  	v40 =	vperm.xlane v14, v9;
	[tilespmem:$0x27A0] =	vst v16  }
0x151: {  	v15 =	vld.idx.msk [tilespmem:v15+s8+$0x0], $0xffff  }
0x152: {  	v41 =	vadd.s32 v0, v40;
	_ =	sdelay $0x3  }
0x153: {  	[tilespmem:$0x27B0] =	vst v15  }
0x154: {  	v15 =	vld.idx.msk [tilespmem:v41+s8+$0x0], $0xffff  }
0x155: {  	v42 =	vadd.s32 v2, v40;
	_ =	sdelay $0x3  }
0x156: {  	[tilespmem:$0x27C0] =	vst v15  }
0x157: {  	v15 =	vld.idx.msk [tilespmem:v42+s8+$0x0], $0xffff  }
0x158: {  	v43 =	vadd.s32 v3, v40;
	_ =	sdelay $0x3  }
0x159: {  	[tilespmem:$0x27D0] =	vst v15  }
0x15a: {  	v15 =	vld.idx.msk [tilespmem:v43+s8+$0x0], $0xffff  }
0x15b: {  	v16 =	vadd.s32 v4, v40;
	_ =	sdelay $0x3  }
0x15c: {  	[tilespmem:$0x27E0] =	vst v15;
	v15 =	vperm.xlane v14, v10  }
0x15d: {  	v16 =	vld.idx.msk [tilespmem:v16+s8+$0x0], $0xffff  }
0x15e: {  	v44 =	vadd.s32 v0, v15;
	_ =	sdelay $0x3  }
0x15f: {  	[tilespmem:$0x27F0] =	vst v16  }
0x160: {  	v16 =	vld.idx.msk [tilespmem:v44+s8+$0x0], $0xffff  }
0x161: {  	v45 =	vadd.s32 v2, v15;
	_ =	sdelay $0x3  }
0x162: {  	[tilespmem:$0x2800] =	vst v16  }
0x163: {  	v16 =	vld.idx.msk [tilespmem:v45+s8+$0x0], $0xffff  }
0x164: {  	v46 =	vadd.s32 v3, v15;
	_ =	sdelay $0x3  }
0x165: {  	[tilespmem:$0x2810] =	vst v16  }
0x166: {  	v16 =	vld.idx.msk [tilespmem:v46+s8+$0x0], $0xffff  }
0x167: {  	v15 =	vadd.s32 v4, v15;
	_ =	sdelay $0x3  }
0x168: {  	v47 =	vperm.xlane v14, v11;
	[tilespmem:$0x2820] =	vst v16  }
0x169: {  	v15 =	vld.idx.msk [tilespmem:v15+s8+$0x0], $0xffff  }
0x16a: {  	v48 =	vadd.s32 v0, v47;
	_ =	sdelay $0x3  }
0x16b: {  	[tilespmem:$0x2830] =	vst v15  }
0x16c: {  	v15 =	vld.idx.msk [tilespmem:v48+s8+$0x0], $0xffff  }
0x16d: {  	v49 =	vadd.s32 v2, v47;
	_ =	sdelay $0x3  }
0x16e: {  	[tilespmem:$0x2840] =	vst v15  }
0x16f: {  	v15 =	vld.idx.msk [tilespmem:v49+s8+$0x0], $0xffff  }
0x170: {  	v50 =	vadd.s32 v3, v47;
	_ =	sdelay $0x3  }
0x171: {  	[tilespmem:$0x2850] =	vst v15  }
0x172: {  	v15 =	vld.idx.msk [tilespmem:v50+s8+$0x0], $0xffff  }
0x173: {  	v16 =	vadd.s32 v4, v47;
	_ =	sdelay $0x3  }
0x174: {  	[tilespmem:$0x2860] =	vst v15;
	v15 =	vperm.xlane v14, v12  }
0x175: {  	v16 =	vld.idx.msk [tilespmem:v16+s8+$0x0], $0xffff  }
0x176: {  	v51 =	vadd.s32 v0, v15;
	_ =	sdelay $0x3  }
0x177: {  	[tilespmem:$0x2870] =	vst v16  }
0x178: {  	v16 =	vld.idx.msk [tilespmem:v51+s8+$0x0], $0xffff  }
0x179: {  	v52 =	vadd.s32 v2, v15;
	_ =	sdelay $0x3  }
0x17a: {  	[tilespmem:$0x2880] =	vst v16  }
0x17b: {  	v16 =	vld.idx.msk [tilespmem:v52+s8+$0x0], $0xffff  }
0x17c: {  	v53 =	vadd.s32 v3, v15;
	_ =	sdelay $0x3  }
0x17d: {  	[tilespmem:$0x2890] =	vst v16  }
0x17e: {  	v16 =	vld.idx.msk [tilespmem:v53+s8+$0x0], $0xffff  }
0x17f: {  	v15 =	vadd.s32 v4, v15;
	_ =	sdelay $0x3  }
0x180: {  	v54 =	vperm.xlane v14, v7;
	[tilespmem:$0x28A0] =	vst v16  }
0x181: {  	v15 =	vld.idx.msk [tilespmem:v15+s8+$0x0], $0xffff  }
0x182: {  	v55 =	vadd.s32 v0, v54;
	_ =	sdelay $0x3  }
0x183: {  	[tilespmem:$0x28B0] =	vst v15  }
0x184: {  	v15 =	vld.idx.msk [tilespmem:v55+s8+$0x0], $0xffff  }
0x185: {  	v56 =	vadd.s32 v2, v54;
	_ =	sdelay $0x3  }
0x186: {  	[tilespmem:$0x28C0] =	vst v15  }
0x187: {  	v15 =	vld.idx.msk [tilespmem:v56+s8+$0x0], $0xffff  }
0x188: {  	v57 =	vadd.s32 v3, v54;
	_ =	sdelay $0x3  }
0x189: {  	[tilespmem:$0x28D0] =	vst v15  }
0x18a: {  	v15 =	vld.idx.msk [tilespmem:v57+s8+$0x0], $0xffff  }
0x18b: {  	v16 =	vadd.s32 v4, v54;
	_ =	sdelay $0x3  }
0x18c: {  	[tilespmem:$0x28E0] =	vst v15;
	v15 =	vperm.xlane v14, v8  }
0x18d: {  	v16 =	vld.idx.msk [tilespmem:v16+s8+$0x0], $0xffff  }
0x18e: {  	v58 =	vadd.s32 v0, v15;
	_ =	sdelay $0x3  }
0x18f: {  	[tilespmem:$0x28F0] =	vst v16  }
0x190: {  	v16 =	vld.idx.msk [tilespmem:v58+s8+$0x0], $0xffff  }
0x191: {  	v59 =	vadd.s32 v2, v15;
	_ =	sdelay $0x3  }
0x192: {  	[tilespmem:$0x2900] =	vst v16  }
0x193: {  	v16 =	vld.idx.msk [tilespmem:v59+s8+$0x0], $0xffff  }
0x194: {  	v60 =	vadd.s32 v3, v15;
	_ =	sdelay $0x3  }
0x195: {  	[tilespmem:$0x2910] =	vst v16  }
0x196: {  	v16 =	vld.idx.msk [tilespmem:v60+s8+$0x0], $0xffff  }
0x197: {  	v15 =	vadd.s32 v4, v15;
	_ =	sdelay $0x3  }
0x198: {  	v14 =	vperm.xlane v14, v13;
	[tilespmem:$0x2920] =	vst v16  }
0x199: {  	v15 =	vld.idx.msk [tilespmem:v15+s8+$0x0], $0xffff  }
0x19a: {  	v61 =	vadd.s32 v0, v14;
	_ =	sdelay $0x3  }
0x19b: {  	[tilespmem:$0x2930] =	vst v15  }
0x19c: {  	v15 =	vld.idx.msk [tilespmem:v61+s8+$0x0], $0xffff  }
0x19d: {  	v62 =	vadd.s32 v2, v14;
	_ =	sdelay $0x3  }
0x19e: {  	[tilespmem:$0x2940] =	vst v15  }
0x19f: {  	v15 =	vld.idx.msk [tilespmem:v62+s8+$0x0], $0xffff  }
0x1a0: {  	v63 =	vadd.s32 v3, v14;
	_ =	sdelay $0x3  }
0x1a1: {  	[tilespmem:$0x2950] =	vst v15  }
0x1a2: {  	v15 =	vld.idx.msk [tilespmem:v63+s8+$0x0], $0xffff  }
0x1a3: {  	v14 =	vadd.s32 v4, v14;
	_ =	sdelay $0x3  }
0x1a4: {  	[tilespmem:$0x2960] =	vst v15  }
0x1a5: {  	v14 =	vld.idx.msk [tilespmem:v14+s8+$0x0], $0xffff;
	_ =	sdelay $0x3  }
0x1a6: {  	p0 =	sne.s32 s15, $0x12C  }
.Ltmp0:
0x1a7: {  	[tilespmem:$0x2970] =	vst v14;
	(pc) =	sbr.rel @p0 .LBB2_2-.Ltmp0, $4  }
0x1a8: {  	[hbm4b:s14+s2] =	stream.linear.scatter [tilespmem:s11], [sflag:$0x1], $0x380, $0x38;
	[tilespmem:$0x2980] =	vst v63  }
0x1a9: {  	_ =	swait.ge [sflag:s9], $0x380  }
0x1aa: {  	s15 =	sadd.s32 $0x3C, s15;
	[sflag:s9] =	ssyncset.done $0x0  }
0x1ab: {  	s13 =	sadd.s32 $0x180, s13;
	s14 =	sadd.s32 $0x70, s14;
	[sflag:s9] =	ssyncadd.s32 $0xFFFFFC80  }
0x1ac: {  	s12 =	sadd.s32 $0x1, s12  }
0x1ad: {  	p0 =	sne.s32 s12, s4  }
.Ltmp1:
0x1ae: {  	_ = 	snop;
	(pc) =	sbr.rel @p0 .LBB2_1-.Ltmp1, $1  }
0x1af: {  	_ =	sdelay $0x3  }
0x1b0: {  	_ =	sfence.sel $0x180000  }
0x1b1: {  	[bflag:$0x0] =	sbarrier.arrive $0xFFFF  }
0x1b2: {  	p0 =	sne.s32 s1, $0x0;
	_ =	strace $0x90000047  }
0x1b3: {  	s0 =	sadd.s32 @!p0 $0x100000, s0;
	[bflag:$0x2] =	sbarrier.arrive $0xFFFF  }
0x1b4: {  	[sflag:s0] =	ssyncadd.tile.s32 @!p0 $0x1;
	_ =	shalt  }
.Lfunc_end2:
_tile_overlayer_lowered:
.L_overlay_start_2:
0x1b5: {  	(tag) =	ssettag $0x2  }
0x1b6: {  	s0 =	rddreg [dreg:$0x0];
	s2 =	stileid.u32  }
0x1b7: {  	s1 =	rddreg [dreg:$0x1];
	p0 =	sne.s32 s2, $0x0  }
0x1b8: {  	s3 =	rddreg [dreg:$0x2];
	[bflag:$0x3] =	sbarrier.arrive $0xFFFF;
	s2 =	simm.s32 @!p0 $0x1C01  }
0x1b9: {  	[timem:s3], [sflag:s2] =	dma.local @!p0 [hbm:s0], s1  }
0x1ba: {  	s0 =	simm.s32 @!p0 $0x1  }
0x1bb: {  	_ =	swait.ge @!p0 [sflag:s0], s1  }
0x1bc: {  	s1 =	ssub.s32 @!p0 $0x0, s1;
	[sflag:s0] =	ssyncset.done @!p0 $0x0  }
0x1bd: {  	[sflag:s0] =	ssyncadd.s32 @!p0 s1  }
0x1be: {  	[bflag:$0x3] =	sbarrier.arrive $0xFFFF  }
0x1bf: {  	_ =	shalt  }

</sc_bundles>
